<compile_context>
chip_gen: v7x
topology: tpu7x:2x2x1
jax: 0.10.2.dev20260603
libtpu: 0.0.44.dev20260713+nightly
codegen_flags: <defaults>
</compile_context>

<pallas_src>
import functools

import jax
import jax.numpy as jnp
from jax import lax
from jax.experimental import pallas as pl
from jax.experimental.pallas import tpu as pltpu
from jax.experimental.pallas import tpu_sc as plsc

_VG_W, _VG_H, _VG_T = 32, 24, 5
_XY_SCALE = 0.05
_NBINS = 2 * _VG_T * _VG_H * _VG_W
_NLANE = 16
_NTILES = 32

_N = 4_000_000
_NROWS = _N // 128

_HROWS = 61
_HFULL = 976 // _HROWS

_MROWS = 504
_MCH = 2

_COPIES = 8
_SKEW = _NBINS + 1
_HALLOC = _COPIES * _SKEW

_SC_PARAMS = pltpu.CompilerParams(
    needs_layout_passes=False, use_tc_tiling_on_sc=False)
_sc_mesh = plsc.VectorSubcoreMesh(core_axis_name="c", subcore_axis_name="s")


def _dma_start(src, dst, sem):
    pltpu.make_async_copy(src, dst, sem).start()


def _dma_wait(src, dst, sem):
    pltpu.make_async_copy(src, dst, sem).wait()


@functools.partial(
    pl.kernel,
    mesh=_sc_mesh,
    compiler_params=_SC_PARAMS,
    out_type=(
        jax.ShapeDtypeStruct((_NTILES, 16), jnp.float32),
        jax.ShapeDtypeStruct((_NTILES, 16), jnp.float32),
    ),
    scratch_types=[
        pltpu.VMEM((_MROWS, 1, 128), jnp.float32),
        pltpu.VMEM((_MROWS, 1, 128), jnp.float32),
        pltpu.VMEM((16,), jnp.float32),
        pltpu.VMEM((16,), jnp.float32),
        pltpu.SemaphoreType.DMA,
        pltpu.SemaphoreType.DMA,
    ],
)
def _sc_minmax(ev_hbm, min_hbm, max_hbm, bufa, bufb, minv, maxv, sema, semb):
    wid = lax.axis_index("s") * 2 + lax.axis_index("c")
    s = 976 * wid

    def _st(c):
        return jnp.minimum(s + c * _MROWS, _NROWS - _MROWS)

    _dma_start(ev_hbm.at[pl.ds(_st(0), _MROWS), pl.ds(2, 1), :], bufa, sema)
    _dma_start(ev_hbm.at[pl.ds(_st(1), _MROWS), pl.ds(2, 1), :], bufb, semb)

    def _scan(buf, mn, mx):
        def rbody(j, c):
            mn, mx = c
            for a in range(8):
                t = buf[j, 0, pl.ds(a * 16, 16)]
                mn = jnp.minimum(mn, t)
                mx = jnp.maximum(mx, t)
            return mn, mx

        return lax.fori_loop(0, _MROWS, rbody, (mn, mx))

    def _main(i, c):
        mn, mx = c
        c0 = 2 * i
        _dma_wait(ev_hbm.at[pl.ds(0, _MROWS), pl.ds(2, 1), :], bufa, sema)
        mn, mx = _scan(bufa, mn, mx)

        @pl.when(c0 + 2 < _MCH)
        def _():
            _dma_start(ev_hbm.at[pl.ds(_st(c0 + 2), _MROWS), pl.ds(2, 1), :],
                       bufa, sema)

        _dma_wait(ev_hbm.at[pl.ds(0, _MROWS), pl.ds(2, 1), :], bufb, semb)
        mn, mx = _scan(bufb, mn, mx)

        @pl.when(c0 + 3 < _MCH)
        def _():
            _dma_start(ev_hbm.at[pl.ds(_st(c0 + 3), _MROWS), pl.ds(2, 1), :],
                       bufb, semb)

        return mn, mx

    inf = jnp.full((16,), jnp.inf, jnp.float32)
    mn, mx = lax.fori_loop(0, _MCH // 2, _main, (inf, -inf))
    minv[...] = mn
    maxv[...] = mx
    pltpu.sync_copy(minv, min_hbm.at[wid])
    pltpu.sync_copy(maxv, max_hbm.at[wid])


@functools.partial(
    pl.kernel,
    mesh=_sc_mesh,
    compiler_params=_SC_PARAMS,
    out_type=jax.ShapeDtypeStruct((_NTILES * _NBINS,), jnp.float32),
    scratch_types=[
        pltpu.VMEM((_HALLOC,), jnp.float32),
        pltpu.VMEM((_HROWS, 4, 128), jnp.float32),
        pltpu.VMEM((_HROWS, 4, 128), jnp.float32),
        pltpu.VMEM((_NTILES, 16), jnp.float32),
        pltpu.VMEM((_NTILES, 16), jnp.float32),
        pltpu.SemaphoreType.DMA,
        pltpu.SemaphoreType.DMA,
    ],
)
def _sc_hist(ev_hbm, min_hbm, max_hbm, out_hbm,
             hist, bufa, bufb, mnv, mxv, sema, semb):
    wid = lax.axis_index("s") * 2 + lax.axis_index("c")
    s = 976 * wid + jnp.minimum(wid, 18)
    n = jnp.where(wid < 18, 977, 976)

    ii = lax.iota(jnp.int32, 16)
    z16 = jnp.zeros((16,), jnp.float32)
    ones = jnp.ones((16,), jnp.float32)
    lane_offs = [((ii + a) & (_COPIES - 1)) * _SKEW for a in range(8)]

    _dma_start(ev_hbm.at[pl.ds(s, _HROWS), :, :], bufa, sema)
    _dma_start(ev_hbm.at[pl.ds(s + _HROWS, _HROWS), :, :], bufb, semb)

    pltpu.sync_copy(min_hbm, mnv)
    pltpu.sync_copy(max_hbm, mxv)
    mn = mnv[0, :]
    mx = mxv[0, :]
    for r in range(1, _NTILES):
        mn = jnp.minimum(mn, mnv[r, :])
        mx = jnp.maximum(mx, mxv[r, :])
    tmin = jnp.full((16,), jnp.min(mn), jnp.float32)
    tmax = jnp.full((16,), jnp.max(mx), jnp.float32)
    condv = tmax > tmin
    denom = jnp.where(condv, tmax - tmin, 1.0)
    tscl = jnp.where(condv, jnp.float32(_VG_T) / denom, jnp.float32(0.1))
    toff = jnp.where(condv, tmin, 0.0)

    def _zero(i, c):
        b = i * 256
        for k in range(16):
            hist[pl.ds(b + k * 16, 16)] = z16
        return c

    lax.fori_loop(0, _HALLOC // 256, _zero, 0)
    hist[pl.ds(_HALLOC - 16, 16)] = z16

    def _bins(buf, j, a):
        sl = pl.ds(a * 16, 16)
        x = buf[j, 0, sl]
        y = buf[j, 1, sl]
        t = buf[j, 2, sl]
        p = buf[j, 3, sl]
        xv = jnp.clip((x * _XY_SCALE).astype(jnp.int32), 0, _VG_W - 1)
        yv = jnp.clip((y * _XY_SCALE).astype(jnp.int32), 0, _VG_H - 1)
        tv = jnp.clip(((t - toff) * tscl).astype(jnp.int32), 0, _VG_T - 1)
        ch = jnp.where(p > 0.0, 0, _NBINS // 2)
        return ch + tv * (_VG_H * _VG_W) + yv * _VG_W + xv + lane_offs[a]

    def _proc(buf):
        @plsc.parallel_loop(0, _HROWS, unroll=2)
        def rbody(j):
            bs = [_bins(buf, j, a) for a in range(8)]
            for b in bs:
                plsc.addupdate_scatter(hist, [b], ones)

    _TAILW = 977 - _HFULL * _HROWS

    def _main(i, c):
        c0 = 2 * i
        _dma_wait(ev_hbm.at[pl.ds(0, _HROWS), :, :], bufa, sema)
        _proc(bufa)

        @pl.when(c0 + 2 < _HFULL)
        def _():
            _dma_start(ev_hbm.at[pl.ds(s + (c0 + 2) * _HROWS, _HROWS), :, :],
                       bufa, sema)

        _dma_wait(ev_hbm.at[pl.ds(0, _HROWS), :, :], bufb, semb)
        _proc(bufb)

        @pl.when(c0 + 3 < _HFULL)
        def _():
            _dma_start(ev_hbm.at[pl.ds(s + (c0 + 3) * _HROWS, _HROWS), :, :],
                       bufb, semb)

        return c

    lax.fori_loop(0, _HFULL // 2, _main, 0)

    pltpu.sync_copy(ev_hbm.at[pl.ds(s + n - _TAILW, _TAILW), :, :],
                    bufa.at[pl.ds(0, _TAILW), :, :])

    def tbody(r, c):
        keep = (jnp.full((16,), r, jnp.int32) + n) >= 977
        for a in range(8):
            plsc.addupdate_scatter(hist, [_bins(bufa, r, a)], ones, mask=keep)
        return c

    lax.fori_loop(0, _TAILW, tbody, 0)

    def _reduce(j, c):
        o = j * 16
        acc = hist[pl.ds(o, 16)]
        for l in range(1, _COPIES):
            acc = acc + hist[pl.ds(l * _SKEW + o, 16)]
        hist[pl.ds(o, 16)] = acc
        return c

    lax.fori_loop(0, _NBINS // 16, _reduce, 0)
    pltpu.sync_copy(hist.at[pl.ds(0, _NBINS)],
                    out_hbm.at[pl.ds(wid * _NBINS, _NBINS)])


def _fin_body(h_ref, o_ref):
    h = h_ref[...].reshape(_NTILES, _NBINS // 128, 128)
    t = jnp.sum(h, axis=0)
    tot = jnp.sum(t)
    o_ref[...] = jnp.where(tot > 0.0, t / tot, t)


def _tc_finalize(parts):
    return pl.pallas_call(
        _fin_body,
        out_shape=jax.ShapeDtypeStruct((_NBINS // 128, 128), jnp.float32),
    )(parts.reshape(_NTILES * _NBINS // 128, 128))


def kernel(events):
    ev3 = events.reshape(_NROWS, 128, 4).transpose(0, 2, 1)
    mins, maxs = _sc_minmax(ev3)
    parts = _sc_hist(ev3, mins, maxs)
    flat = _tc_finalize(parts)
    return flat.reshape(2, _VG_T, _VG_H, _VG_W)

# --- scband reference (transcript-rebuilt; emitter-appended) ---
"""Pipeline reference for scband-voxel-encoder-39444979646669 (READ-ONLY COPY).

The authoritative reference and input builder live on the scoring server;
editing this copy changes nothing except your own understanding.
"""

import jax, jax.numpy as jnp
import numpy as np

SENSOR_W, SENSOR_H = 640, 480
TIME_WINDOW = 50.0
VG_W, VG_H, VG_T = 32, 24, 5
X_SCALE = VG_W / SENSOR_W
Y_SCALE = VG_H / SENSOR_H
T_SCALE = VG_T / TIME_WINDOW


def setup_inputs(seed: int = 0) -> dict:
    key = jax.random.key(seed)
    events = jax.random.normal(key, (4000000, 4), dtype=jnp.float32)
    return {"events": events}


def reference(events):
    # events: [N, 4] = [x, y, t, polarity]
    x_coords = events[:, 0]
    y_coords = events[:, 1]
    timestamps = events[:, 2]
    polarities = events[:, 3]

    # normalize timestamps to [0, time_window] (guard t_max == t_min)
    t_min = jnp.min(timestamps)
    t_max = jnp.max(timestamps)
    denom = jnp.where(t_max > t_min, t_max - t_min, 1.0)
    timestamps = jnp.where(t_max > t_min,
                           (timestamps - t_min) / denom * TIME_WINDOW,
                           timestamps)

    # voxel indices (truncate toward zero like torch .long(), then clamp)
    x_vox = jnp.clip((x_coords * X_SCALE).astype(jnp.int32), 0, VG_W - 1)
    y_vox = jnp.clip((y_coords * Y_SCALE).astype(jnp.int32), 0, VG_H - 1)
    t_vox = jnp.clip((timestamps * T_SCALE).astype(jnp.int32), 0, VG_T - 1)

    pos_w = (polarities > 0).astype(jnp.float32)
    neg_w = (polarities <= 0).astype(jnp.float32)

    grid = jnp.zeros((2, VG_T, VG_H, VG_W), dtype=jnp.float32)
    grid = grid.at[0, t_vox, y_vox, x_vox].add(pos_w)
    grid = grid.at[1, t_vox, y_vox, x_vox].add(neg_w)

    total = jnp.sum(grid)
    grid = jnp.where(total > 0, grid / jnp.where(total > 0, total, 1.0), grid)
    return grid

if __name__ == "__main__":
    import jax
    _d = setup_inputs()
    print(jax.jit(kernel)(*tuple(_d.values())))

</pallas_src>

<mosaic_0001>
#map = affine_map<(d0, d1) -> (0, 0, 0)>
#map1 = affine_map<(d0, d1) -> (0, 0)>
#map2 = affine_map<(d0, d1) -> (0)>
module attributes {stable_mosaic.version = 14 : i64} {
  func.func @_sc_hist(%arg0: i32, %arg1: i32, %arg2: memref<31250x4x128xf32, #tpu.memory_space<hbm>>, %arg3: memref<32x16xf32, #tpu.memory_space<hbm>>, %arg4: memref<32x16xf32, #tpu.memory_space<hbm>>, %arg5: memref<245760xf32, #tpu.memory_space<hbm>>, %arg6: memref<61448xf32, #tpu.memory_space<vmem>>, %arg7: memref<61x4x128xf32, #tpu.memory_space<vmem>>, %arg8: memref<61x4x128xf32, #tpu.memory_space<vmem>>, %arg9: memref<32x16xf32, #tpu.memory_space<vmem>>, %arg10: memref<32x16xf32, #tpu.memory_space<vmem>>, %arg11: memref<!tpu.dma_semaphore, #tpu.memory_space<semaphore_mem>>, %arg12: memref<!tpu.dma_semaphore, #tpu.memory_space<semaphore_mem>>) attributes {dimension_semantics = [#tpu.dimension_semantics<core_parallel>, #tpu.dimension_semantics<subcore_parallel>], iteration_bounds = array<i64: 2, 16>, scalar_prefetch = 0 : i64, scratch_operands = 7 : i64, tpu.core_type = #tpu.core_type<sc_vector_subcore>, window_params = [{transform_indices = #map}, {transform_indices = #map1}, {transform_indices = #map1}, {transform_indices = #map2}]} {
    %mul3A = arith.constant 2 : i32
    %mul3A_0 = arith.muli %arg1, %mul3A : i32
    %add3A = arith.addi %mul3A_0, %arg0 : i32
    %mul3A_1 = arith.constant 976 : i32
    %mul3A_2 = arith.muli %mul3A_1, %add3A : i32
    %min3A = arith.constant 18 : i32
    %min3A_3 = arith.minsi %add3A, %min3A : i32
    %add3A_4 = arith.addi %mul3A_2, %min3A_3 : i32
    %lt3A = arith.constant 18 : i32
    %lt3A_5 = arith.cmpi slt, %add3A, %lt3A : i32
    %jit3A = arith.constant 977 : i32
    %jit3A_6 = arith.constant 976 : i32
    %select_n3A = arith.select %lt3A_5, %jit3A, %jit3A_6 : i32
    %iota3A = tpu.iota {dimensions = array<i32: 0>} : vector<16xi32>
    %broadcast_in_dim3A = arith.constant 0.000000e+00 : f32
    %broadcast_in_dim3A_7 = vector.broadcast %broadcast_in_dim3A : f32 to vector<16xf32>
    %broadcast_in_dim3A_8 = arith.constant 1.000000e+00 : f32
    %broadcast_in_dim3A_9 = vector.broadcast %broadcast_in_dim3A_8 : f32 to vector<16xf32>
    %add3A_10 = arith.constant 0 : i32
    %add3A_11 = vector.broadcast %add3A_10 : i32 to vector<16xi32>
    %add3A_12 = arith.addi %iota3A, %add3A_11 : vector<16xi32>
    %and3A = arith.constant 7 : i32
    %and3A_13 = vector.broadcast %and3A : i32 to vector<16xi32>
    %and3A_14 = arith.andi %add3A_12, %and3A_13 : vector<16xi32>
    %mul3A_15 = arith.constant 7681 : i32
    %mul3A_16 = vector.broadcast %mul3A_15 : i32 to vector<16xi32>
    %mul3A_17 = arith.muli %and3A_14, %mul3A_16 : vector<16xi32>
    %add3A_18 = arith.constant 1 : i32
    %add3A_19 = vector.broadcast %add3A_18 : i32 to vector<16xi32>
    %add3A_20 = arith.addi %iota3A, %add3A_19 : vector<16xi32>
    %and3A_21 = arith.constant 7 : i32
    %and3A_22 = vector.broadcast %and3A_21 : i32 to vector<16xi32>
    %and3A_23 = arith.andi %add3A_20, %and3A_22 : vector<16xi32>
    %mul3A_24 = arith.constant 7681 : i32
    %mul3A_25 = vector.broadcast %mul3A_24 : i32 to vector<16xi32>
    %mul3A_26 = arith.muli %and3A_23, %mul3A_25 : vector<16xi32>
    %add3A_27 = arith.constant 2 : i32
    %add3A_28 = vector.broadcast %add3A_27 : i32 to vector<16xi32>
    %add3A_29 = arith.addi %iota3A, %add3A_28 : vector<16xi32>
    %and3A_30 = arith.constant 7 : i32
    %and3A_31 = vector.broadcast %and3A_30 : i32 to vector<16xi32>
    %and3A_32 = arith.andi %add3A_29, %and3A_31 : vector<16xi32>
    %mul3A_33 = arith.constant 7681 : i32
    %mul3A_34 = vector.broadcast %mul3A_33 : i32 to vector<16xi32>
    %mul3A_35 = arith.muli %and3A_32, %mul3A_34 : vector<16xi32>
    %add3A_36 = arith.constant 3 : i32
    %add3A_37 = vector.broadcast %add3A_36 : i32 to vector<16xi32>
    %add3A_38 = arith.addi %iota3A, %add3A_37 : vector<16xi32>
    %and3A_39 = arith.constant 7 : i32
    %and3A_40 = vector.broadcast %and3A_39 : i32 to vector<16xi32>
    %and3A_41 = arith.andi %add3A_38, %and3A_40 : vector<16xi32>
    %mul3A_42 = arith.constant 7681 : i32
    %mul3A_43 = vector.broadcast %mul3A_42 : i32 to vector<16xi32>
    %mul3A_44 = arith.muli %and3A_41, %mul3A_43 : vector<16xi32>
    %add3A_45 = arith.constant 4 : i32
    %add3A_46 = vector.broadcast %add3A_45 : i32 to vector<16xi32>
    %add3A_47 = arith.addi %iota3A, %add3A_46 : vector<16xi32>
    %and3A_48 = arith.constant 7 : i32
    %and3A_49 = vector.broadcast %and3A_48 : i32 to vector<16xi32>
    %and3A_50 = arith.andi %add3A_47, %and3A_49 : vector<16xi32>
    %mul3A_51 = arith.constant 7681 : i32
    %mul3A_52 = vector.broadcast %mul3A_51 : i32 to vector<16xi32>
    %mul3A_53 = arith.muli %and3A_50, %mul3A_52 : vector<16xi32>
    %add3A_54 = arith.constant 5 : i32
    %add3A_55 = vector.broadcast %add3A_54 : i32 to vector<16xi32>
    %add3A_56 = arith.addi %iota3A, %add3A_55 : vector<16xi32>
    %and3A_57 = arith.constant 7 : i32
    %and3A_58 = vector.broadcast %and3A_57 : i32 to vector<16xi32>
    %and3A_59 = arith.andi %add3A_56, %and3A_58 : vector<16xi32>
    %mul3A_60 = arith.constant 7681 : i32
    %mul3A_61 = vector.broadcast %mul3A_60 : i32 to vector<16xi32>
    %mul3A_62 = arith.muli %and3A_59, %mul3A_61 : vector<16xi32>
    %add3A_63 = arith.constant 6 : i32
    %add3A_64 = vector.broadcast %add3A_63 : i32 to vector<16xi32>
    %add3A_65 = arith.addi %iota3A, %add3A_64 : vector<16xi32>
    %and3A_66 = arith.constant 7 : i32
    %and3A_67 = vector.broadcast %and3A_66 : i32 to vector<16xi32>
    %and3A_68 = arith.andi %add3A_65, %and3A_67 : vector<16xi32>
    %mul3A_69 = arith.constant 7681 : i32
    %mul3A_70 = vector.broadcast %mul3A_69 : i32 to vector<16xi32>
    %mul3A_71 = arith.muli %and3A_68, %mul3A_70 : vector<16xi32>
    %add3A_72 = arith.constant 7 : i32
    %add3A_73 = vector.broadcast %add3A_72 : i32 to vector<16xi32>
    %add3A_74 = arith.addi %iota3A, %add3A_73 : vector<16xi32>
    %and3A_75 = arith.constant 7 : i32
    %and3A_76 = vector.broadcast %and3A_75 : i32 to vector<16xi32>
    %and3A_77 = arith.andi %add3A_74, %and3A_76 : vector<16xi32>
    %mul3A_78 = arith.constant 7681 : i32
    %mul3A_79 = vector.broadcast %mul3A_78 : i32 to vector<16xi32>
    %mul3A_80 = arith.muli %and3A_77, %mul3A_79 : vector<16xi32>
    %dma_start3A = arith.constant 0 : i32
    %dma_start3A_81 = arith.constant 0 : i32
    %dma_start3A_82 = tpu.memref_slice %arg2[%add3A_4, %dma_start3A, %dma_start3A_81] : memref<31250x4x128xf32, #tpu.memory_space<hbm>> -> memref<61x4x128xf32, #tpu.memory_space<hbm>>
    %dma_start3A_83 = arith.constant 0 : i32
    %dma_start3A_84 = arith.constant 0 : i32
    %dma_start3A_85 = tpu.memref_slice %arg2[%add3A_4, %dma_start3A_83, %dma_start3A_84] : memref<31250x4x128xf32, #tpu.memory_space<hbm>> -> memref<61x4x128xf32, #tpu.memory_space<hbm>>
    tpu.enqueue_dma source(%dma_start3A_85 : memref<61x4x128xf32, #tpu.memory_space<hbm>>) target(%arg7 : memref<61x4x128xf32, #tpu.memory_space<vmem>>) target_semaphore(%arg11 : memref<!tpu.dma_semaphore, #tpu.memory_space<semaphore_mem>>)
    %add3A_86 = arith.constant 61 : i32
    %add3A_87 = arith.addi %add3A_4, %add3A_86 : i32
    %dma_start3A_88 = arith.constant 0 : i32
    %dma_start3A_89 = arith.constant 0 : i32
    %dma_start3A_90 = tpu.memref_slice %arg2[%add3A_87, %dma_start3A_88, %dma_start3A_89] : memref<31250x4x128xf32, #tpu.memory_space<hbm>> -> memref<61x4x128xf32, #tpu.memory_space<hbm>>
    %dma_start3A_91 = arith.constant 0 : i32
    %dma_start3A_92 = arith.constant 0 : i32
    %dma_start3A_93 = tpu.memref_slice %arg2[%add3A_87, %dma_start3A_91, %dma_start3A_92] : memref<31250x4x128xf32, #tpu.memory_space<hbm>> -> memref<61x4x128xf32, #tpu.memory_space<hbm>>
    tpu.enqueue_dma source(%dma_start3A_93 : memref<61x4x128xf32, #tpu.memory_space<hbm>>) target(%arg8 : memref<61x4x128xf32, #tpu.memory_space<vmem>>) target_semaphore(%arg12 : memref<!tpu.dma_semaphore, #tpu.memory_space<semaphore_mem>>)
    "tpu.region"() ({
      %run_scoped3A = tpu.sem_alloc : memref<!tpu.dma_semaphore, #tpu.memory_space<semaphore_mem>>
      tpu.enqueue_dma source(%arg3 : memref<32x16xf32, #tpu.memory_space<hbm>>) target(%arg9 : memref<32x16xf32, #tpu.memory_space<vmem>>) target_semaphore(%run_scoped3A : memref<!tpu.dma_semaphore, #tpu.memory_space<semaphore_mem>>)
      tpu.wait_dma2 semaphore(%run_scoped3A : memref<!tpu.dma_semaphore, #tpu.memory_space<semaphore_mem>>) src(%arg3 : memref<32x16xf32, #tpu.memory_space<hbm>>) dst(%arg9 : memref<32x16xf32, #tpu.memory_space<vmem>>)
      tpu.yield
    }) : () -> ()
    "tpu.region"() ({
      %run_scoped3A = tpu.sem_alloc : memref<!tpu.dma_semaphore, #tpu.memory_space<semaphore_mem>>
      tpu.enqueue_dma source(%arg4 : memref<32x16xf32, #tpu.memory_space<hbm>>) target(%arg10 : memref<32x16xf32, #tpu.memory_space<vmem>>) target_semaphore(%run_scoped3A : memref<!tpu.dma_semaphore, #tpu.memory_space<semaphore_mem>>)
      tpu.wait_dma2 semaphore(%run_scoped3A : memref<!tpu.dma_semaphore, #tpu.memory_space<semaphore_mem>>) src(%arg4 : memref<32x16xf32, #tpu.memory_space<hbm>>) dst(%arg10 : memref<32x16xf32, #tpu.memory_space<vmem>>)
      tpu.yield
    }) : () -> ()
    %get3A = arith.constant 0 : i32
    %get3A_94 = arith.index_cast %get3A : i32 to index
    %get3A_95 = arith.constant 0 : index
    %get3A_96 = tpu.vector_load %arg9[%get3A_94, %get3A_95] {strides = array<i32>} : memref<32x16xf32, #tpu.memory_space<vmem>>, vector<16xf32>,
    %get3A_97 = arith.constant 0 : i32
    %get3A_98 = arith.index_cast %get3A_97 : i32 to index
    %get3A_99 = arith.constant 0 : index
    %get3A_100 = tpu.vector_load %arg10[%get3A_98, %get3A_99] {strides = array<i32>} : memref<32x16xf32, #tpu.memory_space<vmem>>, vector<16xf32>,
    %get3A_101 = arith.constant 1 : i32
    %get3A_102 = arith.index_cast %get3A_101 : i32 to index
    %get3A_103 = arith.constant 0 : index
    %get3A_104 = tpu.vector_load %arg9[%get3A_102, %get3A_103] {strides = array<i32>} : memref<32x16xf32, #tpu.memory_space<vmem>>, vector<16xf32>,
    %min3A_105 = arith.minimumf %get3A_96, %get3A_104 : vector<16xf32>
    %get3A_106 = arith.constant 1 : i32
    %get3A_107 = arith.index_cast %get3A_106 : i32 to index
    %get3A_108 = arith.constant 0 : index
    %get3A_109 = tpu.vector_load %arg10[%get3A_107, %get3A_108] {strides = array<i32>} : memref<32x16xf32, #tpu.memory_space<vmem>>, vector<16xf32>,
    %max3A = arith.maximumf %get3A_100, %get3A_109 : vector<16xf32>
    %get3A_110 = arith.constant 2 : i32
    %get3A_111 = arith.index_cast %get3A_110 : i32 to index
    %get3A_112 = arith.constant 0 : index
    %get3A_113 = tpu.vector_load %arg9[%get3A_111, %get3A_112] {strides = array<i32>} : memref<32x16xf32, #tpu.memory_space<vmem>>, vector<16xf32>,
    %min3A_114 = arith.minimumf %min3A_105, %get3A_113 : vector<16xf32>
    %get3A_115 = arith.constant 2 : i32
    %get3A_116 = arith.index_cast %get3A_115 : i32 to index
    %get3A_117 = arith.constant 0 : index
    %get3A_118 = tpu.vector_load %arg10[%get3A_116, %get3A_117] {strides = array<i32>} : memref<32x16xf32, #tpu.memory_space<vmem>>, vector<16xf32>,
    %max3A_119 = arith.maximumf %max3A, %get3A_118 : vector<16xf32>
    %get3A_120 = arith.constant 3 : i32
    %get3A_121 = arith.index_cast %get3A_120 : i32 to index
    %get3A_122 = arith.constant 0 : index
    %get3A_123 = tpu.vector_load %arg9[%get3A_121, %get3A_122] {strides = array<i32>} : memref<32x16xf32, #tpu.memory_space<vmem>>, vector<16xf32>,
    %min3A_124 = arith.minimumf %min3A_114, %get3A_123 : vector<16xf32>
    %get3A_125 = arith.constant 3 : i32
    %get3A_126 = arith.index_cast %get3A_125 : i32 to index
    %get3A_127 = arith.constant 0 : index
    %get3A_128 = tpu.vector_load %arg10[%get3A_126, %get3A_127] {strides = array<i32>} : memref<32x16xf32, #tpu.memory_space<vmem>>, vector<16xf32>,
    %max3A_129 = arith.maximumf %max3A_119, %get3A_128 : vector<16xf32>
    %get3A_130 = arith.constant 4 : i32
    %get3A_131 = arith.index_cast %get3A_130 : i32 to index
    %get3A_132 = arith.constant 0 : index
    %get3A_133 = tpu.vector_load %arg9[%get3A_131, %get3A_132] {strides = array<i32>} : memref<32x16xf32, #tpu.memory_space<vmem>>, vector<16xf32>,
    %min3A_134 = arith.minimumf %min3A_124, %get3A_133 : vector<16xf32>
    %get3A_135 = arith.constant 4 : i32
    %get3A_136 = arith.index_cast %get3A_135 : i32 to index
    %get3A_137 = arith.constant 0 : index
    %get3A_138 = tpu.vector_load %arg10[%get3A_136, %get3A_137] {strides = array<i32>} : memref<32x16xf32, #tpu.memory_space<vmem>>, vector<16xf32>,
    %max3A_139 = arith.maximumf %max3A_129, %get3A_138 : vector<16xf32>
    %get3A_140 = arith.constant 5 : i32
    %get3A_141 = arith.index_cast %get3A_140 : i32 to index
    %get3A_142 = arith.constant 0 : index
    %get3A_143 = tpu.vector_load %arg9[%get3A_141, %get3A_142] {strides = array<i32>} : memref<32x16xf32, #tpu.memory_space<vmem>>, vector<16xf32>,
    %min3A_144 = arith.minimumf %min3A_134, %get3A_143 : vector<16xf32>
    %get3A_145 = arith.constant 5 : i32
    %get3A_146 = arith.index_cast %get3A_145 : i32 to index
    %get3A_147 = arith.constant 0 : index
    %get3A_148 = tpu.vector_load %arg10[%get3A_146, %get3A_147] {strides = array<i32>} : memref<32x16xf32, #tpu.memory_space<vmem>>, vector<16xf32>,
    %max3A_149 = arith.maximumf %max3A_139, %get3A_148 : vector<16xf32>
    %get3A_150 = arith.constant 6 : i32
    %get3A_151 = arith.index_cast %get3A_150 : i32 to index
    %get3A_152 = arith.constant 0 : index
    %get3A_153 = tpu.vector_load %arg9[%get3A_151, %get3A_152] {strides = array<i32>} : memref<32x16xf32, #tpu.memory_space<vmem>>, vector<16xf32>,
    %min3A_154 = arith.minimumf %min3A_144, %get3A_153 : vector<16xf32>
    %get3A_155 = arith.constant 6 : i32
    %get3A_156 = arith.index_cast %get3A_155 : i32 to index
    %get3A_157 = arith.constant 0 : index
    %get3A_158 = tpu.vector_load %arg10[%get3A_156, %get3A_157] {strides = array<i32>} : memref<32x16xf32, #tpu.memory_space<vmem>>, vector<16xf32>,
    %max3A_159 = arith.maximumf %max3A_149, %get3A_158 : vector<16xf32>
    %get3A_160 = arith.constant 7 : i32
    %get3A_161 = arith.index_cast %get3A_160 : i32 to index
    %get3A_162 = arith.constant 0 : index
    %get3A_163 = tpu.vector_load %arg9[%get3A_161, %get3A_162] {strides = array<i32>} : memref<32x16xf32, #tpu.memory_space<vmem>>, vector<16xf32>,
    %min3A_164 = arith.minimumf %min3A_154, %get3A_163 : vector<16xf32>
    %get3A_165 = arith.constant 7 : i32
    %get3A_166 = arith.index_cast %get3A_165 : i32 to index
    %get3A_167 = arith.constant 0 : index
    %get3A_168 = tpu.vector_load %arg10[%get3A_166, %get3A_167] {strides = array<i32>} : memref<32x16xf32, #tpu.memory_space<vmem>>, vector<16xf32>,
    %max3A_169 = arith.maximumf %max3A_159, %get3A_168 : vector<16xf32>
    %get3A_170 = arith.constant 8 : i32
    %get3A_171 = arith.index_cast %get3A_170 : i32 to index
    %get3A_172 = arith.constant 0 : index
    %get3A_173 = tpu.vector_load %arg9[%get3A_171, %get3A_172] {strides = array<i32>} : memref<32x16xf32, #tpu.memory_space<vmem>>, vector<16xf32>,
    %min3A_174 = arith.minimumf %min3A_164, %get3A_173 : vector<16xf32>
    %get3A_175 = arith.constant 8 : i32
    %get3A_176 = arith.index_cast %get3A_175 : i32 to index
    %get3A_177 = arith.constant 0 : index
    %get3A_178 = tpu.vector_load %arg10[%get3A_176, %get3A_177] {strides = array<i32>} : memref<32x16xf32, #tpu.memory_space<vmem>>, vector<16xf32>,
    %max3A_179 = arith.maximumf %max3A_169, %get3A_178 : vector<16xf32>
    %get3A_180 = arith.constant 9 : i32
    %get3A_181 = arith.index_cast %get3A_180 : i32 to index
    %get3A_182 = arith.constant 0 : index
    %get3A_183 = tpu.vector_load %arg9[%get3A_181, %get3A_182] {strides = array<i32>} : memref<32x16xf32, #tpu.memory_space<vmem>>, vector<16xf32>,
    %min3A_184 = arith.minimumf %min3A_174, %get3A_183 : vector<16xf32>
    %get3A_185 = arith.constant 9 : i32
    %get3A_186 = arith.index_cast %get3A_185 : i32 to index
    %get3A_187 = arith.constant 0 : index
    %get3A_188 = tpu.vector_load %arg10[%get3A_186, %get3A_187] {strides = array<i32>} : memref<32x16xf32, #tpu.memory_space<vmem>>, vector<16xf32>,
    %max3A_189 = arith.maximumf %max3A_179, %get3A_188 : vector<16xf32>
    %get3A_190 = arith.constant 10 : i32
    %get3A_191 = arith.index_cast %get3A_190 : i32 to index
    %get3A_192 = arith.constant 0 : index
    %get3A_193 = tpu.vector_load %arg9[%get3A_191, %get3A_192] {strides = array<i32>} : memref<32x16xf32, #tpu.memory_space<vmem>>, vector<16xf32>,
    %min3A_194 = arith.minimumf %min3A_184, %get3A_193 : vector<16xf32>
    %get3A_195 = arith.constant 10 : i32
    %get3A_196 = arith.index_cast %get3A_195 : i32 to index
    %get3A_197 = arith.constant 0 : index
    %get3A_198 = tpu.vector_load %arg10[%get3A_196, %get3A_197] {strides = array<i32>} : memref<32x16xf32, #tpu.memory_space<vmem>>, vector<16xf32>,
    %max3A_199 = arith.maximumf %max3A_189, %get3A_198 : vector<16xf32>
    %get3A_200 = arith.constant 11 : i32
    %get3A_201 = arith.index_cast %get3A_200 : i32 to index
    %get3A_202 = arith.constant 0 : index
    %get3A_203 = tpu.vector_load %arg9[%get3A_201, %get3A_202] {strides = array<i32>} : memref<32x16xf32, #tpu.memory_space<vmem>>, vector<16xf32>,
    %min3A_204 = arith.minimumf %min3A_194, %get3A_203 : vector<16xf32>
    %get3A_205 = arith.constant 11 : i32
    %get3A_206 = arith.index_cast %get3A_205 : i32 to index
    %get3A_207 = arith.constant 0 : index
    %get3A_208 = tpu.vector_load %arg10[%get3A_206, %get3A_207] {strides = array<i32>} : memref<32x16xf32, #tpu.memory_space<vmem>>, vector<16xf32>,
    %max3A_209 = arith.maximumf %max3A_199, %get3A_208 : vector<16xf32>
    %get3A_210 = arith.constant 12 : i32
    %get3A_211 = arith.index_cast %get3A_210 : i32 to index
    %get3A_212 = arith.constant 0 : index
    %get3A_213 = tpu.vector_load %arg9[%get3A_211, %get3A_212] {strides = array<i32>} : memref<32x16xf32, #tpu.memory_space<vmem>>, vector<16xf32>,
    %min3A_214 = arith.minimumf %min3A_204, %get3A_213 : vector<16xf32>
    %get3A_215 = arith.constant 12 : i32
    %get3A_216 = arith.index_cast %get3A_215 : i32 to index
    %get3A_217 = arith.constant 0 : index
    %get3A_218 = tpu.vector_load %arg10[%get3A_216, %get3A_217] {strides = array<i32>} : memref<32x16xf32, #tpu.memory_space<vmem>>, vector<16xf32>,
    %max3A_219 = arith.maximumf %max3A_209, %get3A_218 : vector<16xf32>
    %get3A_220 = arith.constant 13 : i32
    %get3A_221 = arith.index_cast %get3A_220 : i32 to index
    %get3A_222 = arith.constant 0 : index
    %get3A_223 = tpu.vector_load %arg9[%get3A_221, %get3A_222] {strides = array<i32>} : memref<32x16xf32, #tpu.memory_space<vmem>>, vector<16xf32>,
    %min3A_224 = arith.minimumf %min3A_214, %get3A_223 : vector<16xf32>
    %get3A_225 = arith.constant 13 : i32
    %get3A_226 = arith.index_cast %get3A_225 : i32 to index
    %get3A_227 = arith.constant 0 : index
    %get3A_228 = tpu.vector_load %arg10[%get3A_226, %get3A_227] {strides = array<i32>} : memref<32x16xf32, #tpu.memory_space<vmem>>, vector<16xf32>,
    %max3A_229 = arith.maximumf %max3A_219, %get3A_228 : vector<16xf32>
    %get3A_230 = arith.constant 14 : i32
    %get3A_231 = arith.index_cast %get3A_230 : i32 to index
    %get3A_232 = arith.constant 0 : index
    %get3A_233 = tpu.vector_load %arg9[%get3A_231, %get3A_232] {strides = array<i32>} : memref<32x16xf32, #tpu.memory_space<vmem>>, vector<16xf32>,
    %min3A_234 = arith.minimumf %min3A_224, %get3A_233 : vector<16xf32>
    %get3A_235 = arith.constant 14 : i32
    %get3A_236 = arith.index_cast %get3A_235 : i32 to index
    %get3A_237 = arith.constant 0 : index
    %get3A_238 = tpu.vector_load %arg10[%get3A_236, %get3A_237] {strides = array<i32>} : memref<32x16xf32, #tpu.memory_space<vmem>>, vector<16xf32>,
    %max3A_239 = arith.maximumf %max3A_229, %get3A_238 : vector<16xf32>
    %get3A_240 = arith.constant 15 : i32
    %get3A_241 = arith.index_cast %get3A_240 : i32 to index
    %get3A_242 = arith.constant 0 : index
    %get3A_243 = tpu.vector_load %arg9[%get3A_241, %get3A_242] {strides = array<i32>} : memref<32x16xf32, #tpu.memory_space<vmem>>, vector<16xf32>,
    %min3A_244 = arith.minimumf %min3A_234, %get3A_243 : vector<16xf32>
    %get3A_245 = arith.constant 15 : i32
    %get3A_246 = arith.index_cast %get3A_245 : i32 to index
    %get3A_247 = arith.constant 0 : index
    %get3A_248 = tpu.vector_load %arg10[%get3A_246, %get3A_247] {strides = array<i32>} : memref<32x16xf32, #tpu.memory_space<vmem>>, vector<16xf32>,
    %max3A_249 = arith.maximumf %max3A_239, %get3A_248 : vector<16xf32>
    %get3A_250 = arith.constant 16 : i32
    %get3A_251 = arith.index_cast %get3A_250 : i32 to index
    %get3A_252 = arith.constant 0 : index
    %get3A_253 = tpu.vector_load %arg9[%get3A_251, %get3A_252] {strides = array<i32>} : memref<32x16xf32, #tpu.memory_space<vmem>>, vector<16xf32>,
    %min3A_254 = arith.minimumf %min3A_244, %get3A_253 : vector<16xf32>
    %get3A_255 = arith.constant 16 : i32
    %get3A_256 = arith.index_cast %get3A_255 : i32 to index
    %get3A_257 = arith.constant 0 : index
    %get3A_258 = tpu.vector_load %arg10[%get3A_256, %get3A_257] {strides = array<i32>} : memref<32x16xf32, #tpu.memory_space<vmem>>, vector<16xf32>,
    %max3A_259 = arith.maximumf %max3A_249, %get3A_258 : vector<16xf32>
    %get3A_260 = arith.constant 17 : i32
    %get3A_261 = arith.index_cast %get3A_260 : i32 to index
    %get3A_262 = arith.constant 0 : index
    %get3A_263 = tpu.vector_load %arg9[%get3A_261, %get3A_262] {strides = array<i32>} : memref<32x16xf32, #tpu.memory_space<vmem>>, vector<16xf32>,
    %min3A_264 = arith.minimumf %min3A_254, %get3A_263 : vector<16xf32>
    %get3A_265 = arith.constant 17 : i32
    %get3A_266 = arith.index_cast %get3A_265 : i32 to index
    %get3A_267 = arith.constant 0 : index
    %get3A_268 = tpu.vector_load %arg10[%get3A_266, %get3A_267] {strides = array<i32>} : memref<32x16xf32, #tpu.memory_space<vmem>>, vector<16xf32>,
    %max3A_269 = arith.maximumf %max3A_259, %get3A_268 : vector<16xf32>
    %get3A_270 = arith.constant 18 : i32
    %get3A_271 = arith.index_cast %get3A_270 : i32 to index
    %get3A_272 = arith.constant 0 : index
    %get3A_273 = tpu.vector_load %arg9[%get3A_271, %get3A_272] {strides = array<i32>} : memref<32x16xf32, #tpu.memory_space<vmem>>, vector<16xf32>,
    %min3A_274 = arith.minimumf %min3A_264, %get3A_273 : vector<16xf32>
    %get3A_275 = arith.constant 18 : i32
    %get3A_276 = arith.index_cast %get3A_275 : i32 to index
    %get3A_277 = arith.constant 0 : index
    %get3A_278 = tpu.vector_load %arg10[%get3A_276, %get3A_277] {strides = array<i32>} : memref<32x16xf32, #tpu.memory_space<vmem>>, vector<16xf32>,
    %max3A_279 = arith.maximumf %max3A_269, %get3A_278 : vector<16xf32>
    %get3A_280 = arith.constant 19 : i32
    %get3A_281 = arith.index_cast %get3A_280 : i32 to index
    %get3A_282 = arith.constant 0 : index
    %get3A_283 = tpu.vector_load %arg9[%get3A_281, %get3A_282] {strides = array<i32>} : memref<32x16xf32, #tpu.memory_space<vmem>>, vector<16xf32>,
    %min3A_284 = arith.minimumf %min3A_274, %get3A_283 : vector<16xf32>
    %get3A_285 = arith.constant 19 : i32
    %get3A_286 = arith.index_cast %get3A_285 : i32 to index
    %get3A_287 = arith.constant 0 : index
    %get3A_288 = tpu.vector_load %arg10[%get3A_286, %get3A_287] {strides = array<i32>} : memref<32x16xf32, #tpu.memory_space<vmem>>, vector<16xf32>,
    %max3A_289 = arith.maximumf %max3A_279, %get3A_288 : vector<16xf32>
    %get3A_290 = arith.constant 20 : i32
    %get3A_291 = arith.index_cast %get3A_290 : i32 to index
    %get3A_292 = arith.constant 0 : index
    %get3A_293 = tpu.vector_load %arg9[%get3A_291, %get3A_292] {strides = array<i32>} : memref<32x16xf32, #tpu.memory_space<vmem>>, vector<16xf32>,
    %min3A_294 = arith.minimumf %min3A_284, %get3A_293 : vector<16xf32>
    %get3A_295 = arith.constant 20 : i32
    %get3A_296 = arith.index_cast %get3A_295 : i32 to index
    %get3A_297 = arith.constant 0 : index
    %get3A_298 = tpu.vector_load %arg10[%get3A_296, %get3A_297] {strides = array<i32>} : memref<32x16xf32, #tpu.memory_space<vmem>>, vector<16xf32>,
    %max3A_299 = arith.maximumf %max3A_289, %get3A_298 : vector<16xf32>
    %get3A_300 = arith.constant 21 : i32
    %get3A_301 = arith.index_cast %get3A_300 : i32 to index
    %get3A_302 = arith.constant 0 : index
    %get3A_303 = tpu.vector_load %arg9[%get3A_301, %get3A_302] {strides = array<i32>} : memref<32x16xf32, #tpu.memory_space<vmem>>, vector<16xf32>,
    %min3A_304 = arith.minimumf %min3A_294, %get3A_303 : vector<16xf32>
    %get3A_305 = arith.constant 21 : i32
    %get3A_306 = arith.index_cast %get3A_305 : i32 to index
    %get3A_307 = arith.constant 0 : index
    %get3A_308 = tpu.vector_load %arg10[%get3A_306, %get3A_307] {strides = array<i32>} : memref<32x16xf32, #tpu.memory_space<vmem>>, vector<16xf32>,
    %max3A_309 = arith.maximumf %max3A_299, %get3A_308 : vector<16xf32>
    %get3A_310 = arith.constant 22 : i32
    %get3A_311 = arith.index_cast %get3A_310 : i32 to index
    %get3A_312 = arith.constant 0 : index
    %get3A_313 = tpu.vector_load %arg9[%get3A_311, %get3A_312] {strides = array<i32>} : memref<32x16xf32, #tpu.memory_space<vmem>>, vector<16xf32>,
    %min3A_314 = arith.minimumf %min3A_304, %get3A_313 : vector<16xf32>
    %get3A_315 = arith.constant 22 : i32
    %get3A_316 = arith.index_cast %get3A_315 : i32 to index
    %get3A_317 = arith.constant 0 : index
    %get3A_318 = tpu.vector_load %arg10[%get3A_316, %get3A_317] {strides = array<i32>} : memref<32x16xf32, #tpu.memory_space<vmem>>, vector<16xf32>,
    %max3A_319 = arith.maximumf %max3A_309, %get3A_318 : vector<16xf32>
    %get3A_320 = arith.constant 23 : i32
    %get3A_321 = arith.index_cast %get3A_320 : i32 to index
    %get3A_322 = arith.constant 0 : index
    %get3A_323 = tpu.vector_load %arg9[%get3A_321, %get3A_322] {strides = array<i32>} : memref<32x16xf32, #tpu.memory_space<vmem>>, vector<16xf32>,
    %min3A_324 = arith.minimumf %min3A_314, %get3A_323 : vector<16xf32>
    %get3A_325 = arith.constant 23 : i32
    %get3A_326 = arith.index_cast %get3A_325 : i32 to index
    %get3A_327 = arith.constant 0 : index
    %get3A_328 = tpu.vector_load %arg10[%get3A_326, %get3A_327] {strides = array<i32>} : memref<32x16xf32, #tpu.memory_space<vmem>>, vector<16xf32>,
    %max3A_329 = arith.maximumf %max3A_319, %get3A_328 : vector<16xf32>
    %get3A_330 = arith.constant 24 : i32
    %get3A_331 = arith.index_cast %get3A_330 : i32 to index
    %get3A_332 = arith.constant 0 : index
    %get3A_333 = tpu.vector_load %arg9[%get3A_331, %get3A_332] {strides = array<i32>} : memref<32x16xf32, #tpu.memory_space<vmem>>, vector<16xf32>,
    %min3A_334 = arith.minimumf %min3A_324, %get3A_333 : vector<16xf32>
    %get3A_335 = arith.constant 24 : i32
    %get3A_336 = arith.index_cast %get3A_335 : i32 to index
    %get3A_337 = arith.constant 0 : index
    %get3A_338 = tpu.vector_load %arg10[%get3A_336, %get3A_337] {strides = array<i32>} : memref<32x16xf32, #tpu.memory_space<vmem>>, vector<16xf32>,
    %max3A_339 = arith.maximumf %max3A_329, %get3A_338 : vector<16xf32>
    %get3A_340 = arith.constant 25 : i32
    %get3A_341 = arith.index_cast %get3A_340 : i32 to index
    %get3A_342 = arith.constant 0 : index
    %get3A_343 = tpu.vector_load %arg9[%get3A_341, %get3A_342] {strides = array<i32>} : memref<32x16xf32, #tpu.memory_space<vmem>>, vector<16xf32>,
    %min3A_344 = arith.minimumf %min3A_334, %get3A_343 : vector<16xf32>
    %get3A_345 = arith.constant 25 : i32
    %get3A_346 = arith.index_cast %get3A_345 : i32 to index
    %get3A_347 = arith.constant 0 : index
    %get3A_348 = tpu.vector_load %arg10[%get3A_346, %get3A_347] {strides = array<i32>} : memref<32x16xf32, #tpu.memory_space<vmem>>, vector<16xf32>,
    %max3A_349 = arith.maximumf %max3A_339, %get3A_348 : vector<16xf32>
    %get3A_350 = arith.constant 26 : i32
    %get3A_351 = arith.index_cast %get3A_350 : i32 to index
    %get3A_352 = arith.constant 0 : index
    %get3A_353 = tpu.vector_load %arg9[%get3A_351, %get3A_352] {strides = array<i32>} : memref<32x16xf32, #tpu.memory_space<vmem>>, vector<16xf32>,
    %min3A_354 = arith.minimumf %min3A_344, %get3A_353 : vector<16xf32>
    %get3A_355 = arith.constant 26 : i32
    %get3A_356 = arith.index_cast %get3A_355 : i32 to index
    %get3A_357 = arith.constant 0 : index
    %get3A_358 = tpu.vector_load %arg10[%get3A_356, %get3A_357] {strides = array<i32>} : memref<32x16xf32, #tpu.memory_space<vmem>>, vector<16xf32>,
    %max3A_359 = arith.maximumf %max3A_349, %get3A_358 : vector<16xf32>
    %get3A_360 = arith.constant 27 : i32
    %get3A_361 = arith.index_cast %get3A_360 : i32 to index
    %get3A_362 = arith.constant 0 : index
    %get3A_363 = tpu.vector_load %arg9[%get3A_361, %get3A_362] {strides = array<i32>} : memref<32x16xf32, #tpu.memory_space<vmem>>, vector<16xf32>,
    %min3A_364 = arith.minimumf %min3A_354, %get3A_363 : vector<16xf32>
    %get3A_365 = arith.constant 27 : i32
    %get3A_366 = arith.index_cast %get3A_365 : i32 to index
    %get3A_367 = arith.constant 0 : index
    %get3A_368 = tpu.vector_load %arg10[%get3A_366, %get3A_367] {strides = array<i32>} : memref<32x16xf32, #tpu.memory_space<vmem>>, vector<16xf32>,
    %max3A_369 = arith.maximumf %max3A_359, %get3A_368 : vector<16xf32>
    %get3A_370 = arith.constant 28 : i32
    %get3A_371 = arith.index_cast %get3A_370 : i32 to index
    %get3A_372 = arith.constant 0 : index
    %get3A_373 = tpu.vector_load %arg9[%get3A_371, %get3A_372] {strides = array<i32>} : memref<32x16xf32, #tpu.memory_space<vmem>>, vector<16xf32>,
    %min3A_374 = arith.minimumf %min3A_364, %get3A_373 : vector<16xf32>
    %get3A_375 = arith.constant 28 : i32
    %get3A_376 = arith.index_cast %get3A_375 : i32 to index
    %get3A_377 = arith.constant 0 : index
    %get3A_378 = tpu.vector_load %arg10[%get3A_376, %get3A_377] {strides = array<i32>} : memref<32x16xf32, #tpu.memory_space<vmem>>, vector<16xf32>,
    %max3A_379 = arith.maximumf %max3A_369, %get3A_378 : vector<16xf32>
    %get3A_380 = arith.constant 29 : i32
    %get3A_381 = arith.index_cast %get3A_380 : i32 to index
    %get3A_382 = arith.constant 0 : index
    %get3A_383 = tpu.vector_load %arg9[%get3A_381, %get3A_382] {strides = array<i32>} : memref<32x16xf32, #tpu.memory_space<vmem>>, vector<16xf32>,
    %min3A_384 = arith.minimumf %min3A_374, %get3A_383 : vector<16xf32>
    %get3A_385 = arith.constant 29 : i32
    %get3A_386 = arith.index_cast %get3A_385 : i32 to index
    %get3A_387 = arith.constant 0 : index
    %get3A_388 = tpu.vector_load %arg10[%get3A_386, %get3A_387] {strides = array<i32>} : memref<32x16xf32, #tpu.memory_space<vmem>>, vector<16xf32>,
    %max3A_389 = arith.maximumf %max3A_379, %get3A_388 : vector<16xf32>
    %get3A_390 = arith.constant 30 : i32
    %get3A_391 = arith.index_cast %get3A_390 : i32 to index
    %get3A_392 = arith.constant 0 : index
    %get3A_393 = tpu.vector_load %arg9[%get3A_391, %get3A_392] {strides = array<i32>} : memref<32x16xf32, #tpu.memory_space<vmem>>, vector<16xf32>,
    %min3A_394 = arith.minimumf %min3A_384, %get3A_393 : vector<16xf32>
    %get3A_395 = arith.constant 30 : i32
    %get3A_396 = arith.index_cast %get3A_395 : i32 to index
    %get3A_397 = arith.constant 0 : index
    %get3A_398 = tpu.vector_load %arg10[%get3A_396, %get3A_397] {strides = array<i32>} : memref<32x16xf32, #tpu.memory_space<vmem>>, vector<16xf32>,
    %max3A_399 = arith.maximumf %max3A_389, %get3A_398 : vector<16xf32>
    %get3A_400 = arith.constant 31 : i32
    %get3A_401 = arith.index_cast %get3A_400 : i32 to index
    %get3A_402 = arith.constant 0 : index
    %get3A_403 = tpu.vector_load %arg9[%get3A_401, %get3A_402] {strides = array<i32>} : memref<32x16xf32, #tpu.memory_space<vmem>>, vector<16xf32>,
    %min3A_404 = arith.minimumf %min3A_394, %get3A_403 : vector<16xf32>
    %get3A_405 = arith.constant 31 : i32
    %get3A_406 = arith.index_cast %get3A_405 : i32 to index
    %get3A_407 = arith.constant 0 : index
    %get3A_408 = tpu.vector_load %arg10[%get3A_406, %get3A_407] {strides = array<i32>} : memref<32x16xf32, #tpu.memory_space<vmem>>, vector<16xf32>,
    %max3A_409 = arith.maximumf %max3A_399, %get3A_408 : vector<16xf32>
    %reduce_min3A = arith.constant true
    %reduce_min3A_410 = vector.broadcast %reduce_min3A : i1 to vector<16xi1>
    %reduce_min3A_411 = tpu.scan <min>, %min3A_404 masked %reduce_min3A_410 : vector<16xf32>, vector<16xi1> -> vector<16xf32>
    %reduce_min3A_412 = vector.extract %reduce_min3A_411[15] : f32 from vector<16xf32>
    %broadcast_in_dim3A_413 = vector.broadcast %reduce_min3A_412 : f32 to vector<16xf32>
    %reduce_max3A = arith.constant true
    %reduce_max3A_414 = vector.broadcast %reduce_max3A : i1 to vector<16xi1>
    %reduce_max3A_415 = tpu.scan <max>, %max3A_409 masked %reduce_max3A_414 : vector<16xf32>, vector<16xi1> -> vector<16xf32>
    %reduce_max3A_416 = vector.extract %reduce_max3A_415[15] : f32 from vector<16xf32>
    %broadcast_in_dim3A_417 = vector.broadcast %reduce_max3A_416 : f32 to vector<16xf32>
    %gt3A = arith.cmpf ogt, %broadcast_in_dim3A_417, %broadcast_in_dim3A_413 : vector<16xf32>
    %sub3A = arith.subf %broadcast_in_dim3A_417, %broadcast_in_dim3A_413 : vector<16xf32>
    %jit3A_418 = arith.constant 1.000000e+00 : f32
    %broadcast_in_dim3A_419 = vector.broadcast %jit3A_418 : f32 to vector<16xf32>
    %select_n3A_420 = arith.select %gt3A, %sub3A, %broadcast_in_dim3A_419 : vector<16xi1>, vector<16xf32>
    %div3A = arith.constant 5.000000e+00 : f32
    %div3A_421 = vector.broadcast %div3A : f32 to vector<16xf32>
    %div3A_422 = arith.divf %div3A_421, %select_n3A_420 : vector<16xf32>
    %jit3A_423 = arith.constant 1.000000e-01 : f32
    %broadcast_in_dim3A_424 = vector.broadcast %jit3A_423 : f32 to vector<16xf32>
    %select_n3A_425 = arith.select %gt3A, %div3A_422, %broadcast_in_dim3A_424 : vector<16xi1>, vector<16xf32>
    %jit3A_426 = arith.constant 0.000000e+00 : f32
    %broadcast_in_dim3A_427 = vector.broadcast %jit3A_426 : f32 to vector<16xf32>
    %select_n3A_428 = arith.select %gt3A, %broadcast_in_dim3A_413, %broadcast_in_dim3A_427 : vector<16xi1>, vector<16xf32>
    %scan3A = arith.constant 0 : i32
    %scan3A_429 = arith.constant 0 : i32
    %scan3A_430 = arith.constant 240 : i32
    %scan3A_431 = arith.addi %scan3A_429, %scan3A_430 : i32
    %scan3A_432 = arith.constant 1 : i32
    scf.for %scan3A_995 = %scan3A_429 to %scan3A_431 step %scan3A_432  : i32 {
      %mul3A_996 = arith.constant 256 : i32
      %mul3A_997 = arith.muli %scan3A_995, %mul3A_996 : i32
      %add3A_998 = arith.constant 0 : i32
      %add3A_999 = arith.addi %mul3A_997, %add3A_998 : i32
      %swap3A_1000 = arith.index_cast %add3A_999 : i32 to index
      %swap3A_1001 = tpu.vector_load %arg6[%swap3A_1000] {strides = array<i32>} : memref<61448xf32, #tpu.memory_space<vmem>>, vector<16xf32>,
      tpu.vector_store %arg6[%swap3A_1000], %broadcast_in_dim3A_7 {strides = array<i32>} : memref<61448xf32, #tpu.memory_space<vmem>>, vector<16xf32>,
      %add3A_1002 = arith.constant 16 : i32
      %add3A_1003 = arith.addi %mul3A_997, %add3A_1002 : i32
      %swap3A_1004 = arith.index_cast %add3A_1003 : i32 to index
      %swap3A_1005 = tpu.vector_load %arg6[%swap3A_1004] {strides = array<i32>} : memref<61448xf32, #tpu.memory_space<vmem>>, vector<16xf32>,
      tpu.vector_store %arg6[%swap3A_1004], %broadcast_in_dim3A_7 {strides = array<i32>} : memref<61448xf32, #tpu.memory_space<vmem>>, vector<16xf32>,
      %add3A_1006 = arith.constant 32 : i32
      %add3A_1007 = arith.addi %mul3A_997, %add3A_1006 : i32
      %swap3A_1008 = arith.index_cast %add3A_1007 : i32 to index
      %swap3A_1009 = tpu.vector_load %arg6[%swap3A_1008] {strides = array<i32>} : memref<61448xf32, #tpu.memory_space<vmem>>, vector<16xf32>,
      tpu.vector_store %arg6[%swap3A_1008], %broadcast_in_dim3A_7 {strides = array<i32>} : memref<61448xf32, #tpu.memory_space<vmem>>, vector<16xf32>,
      %add3A_1010 = arith.constant 48 : i32
      %add3A_1011 = arith.addi %mul3A_997, %add3A_1010 : i32
      %swap3A_1012 = arith.index_cast %add3A_1011 : i32 to index
      %swap3A_1013 = tpu.vector_load %arg6[%swap3A_1012] {strides = array<i32>} : memref<61448xf32, #tpu.memory_space<vmem>>, vector<16xf32>,
      tpu.vector_store %arg6[%swap3A_1012], %broadcast_in_dim3A_7 {strides = array<i32>} : memref<61448xf32, #tpu.memory_space<vmem>>, vector<16xf32>,
      %add3A_1014 = arith.constant 64 : i32
      %add3A_1015 = arith.addi %mul3A_997, %add3A_1014 : i32
      %swap3A_1016 = arith.index_cast %add3A_1015 : i32 to index
      %swap3A_1017 = tpu.vector_load %arg6[%swap3A_1016] {strides = array<i32>} : memref<61448xf32, #tpu.memory_space<vmem>>, vector<16xf32>,
      tpu.vector_store %arg6[%swap3A_1016], %broadcast_in_dim3A_7 {strides = array<i32>} : memref<61448xf32, #tpu.memory_space<vmem>>, vector<16xf32>,
      %add3A_1018 = arith.constant 80 : i32
      %add3A_1019 = arith.addi %mul3A_997, %add3A_1018 : i32
      %swap3A_1020 = arith.index_cast %add3A_1019 : i32 to index
      %swap3A_1021 = tpu.vector_load %arg6[%swap3A_1020] {strides = array<i32>} : memref<61448xf32, #tpu.memory_space<vmem>>, vector<16xf32>,
      tpu.vector_store %arg6[%swap3A_1020], %broadcast_in_dim3A_7 {strides = array<i32>} : memref<61448xf32, #tpu.memory_space<vmem>>, vector<16xf32>,
      %add3A_1022 = arith.constant 96 : i32
      %add3A_1023 = arith.addi %mul3A_997, %add3A_1022 : i32
      %swap3A_1024 = arith.index_cast %add3A_1023 : i32 to index
      %swap3A_1025 = tpu.vector_load %arg6[%swap3A_1024] {strides = array<i32>} : memref<61448xf32, #tpu.memory_space<vmem>>, vector<16xf32>,
      tpu.vector_store %arg6[%swap3A_1024], %broadcast_in_dim3A_7 {strides = array<i32>} : memref<61448xf32, #tpu.memory_space<vmem>>, vector<16xf32>,
      %add3A_1026 = arith.constant 112 : i32
      %add3A_1027 = arith.addi %mul3A_997, %add3A_1026 : i32
      %swap3A_1028 = arith.index_cast %add3A_1027 : i32 to index
      %swap3A_1029 = tpu.vector_load %arg6[%swap3A_1028] {strides = array<i32>} : memref<61448xf32, #tpu.memory_space<vmem>>, vector<16xf32>,
      tpu.vector_store %arg6[%swap3A_1028], %broadcast_in_dim3A_7 {strides = array<i32>} : memref<61448xf32, #tpu.memory_space<vmem>>, vector<16xf32>,
      %add3A_1030 = arith.constant 128 : i32
      %add3A_1031 = arith.addi %mul3A_997, %add3A_1030 : i32
      %swap3A_1032 = arith.index_cast %add3A_1031 : i32 to index
      %swap3A_1033 = tpu.vector_load %arg6[%swap3A_1032] {strides = array<i32>} : memref<61448xf32, #tpu.memory_space<vmem>>, vector<16xf32>,
      tpu.vector_store %arg6[%swap3A_1032], %broadcast_in_dim3A_7 {strides = array<i32>} : memref<61448xf32, #tpu.memory_space<vmem>>, vector<16xf32>,
      %add3A_1034 = arith.constant 144 : i32
      %add3A_1035 = arith.addi %mul3A_997, %add3A_1034 : i32
      %swap3A_1036 = arith.index_cast %add3A_1035 : i32 to index
      %swap3A_1037 = tpu.vector_load %arg6[%swap3A_1036] {strides = array<i32>} : memref<61448xf32, #tpu.memory_space<vmem>>, vector<16xf32>,
      tpu.vector_store %arg6[%swap3A_1036], %broadcast_in_dim3A_7 {strides = array<i32>} : memref<61448xf32, #tpu.memory_space<vmem>>, vector<16xf32>,
      %add3A_1038 = arith.constant 160 : i32
      %add3A_1039 = arith.addi %mul3A_997, %add3A_1038 : i32
      %swap3A_1040 = arith.index_cast %add3A_1039 : i32 to index
      %swap3A_1041 = tpu.vector_load %arg6[%swap3A_1040] {strides = array<i32>} : memref<61448xf32, #tpu.memory_space<vmem>>, vector<16xf32>,
      tpu.vector_store %arg6[%swap3A_1040], %broadcast_in_dim3A_7 {strides = array<i32>} : memref<61448xf32, #tpu.memory_space<vmem>>, vector<16xf32>,
      %add3A_1042 = arith.constant 176 : i32
      %add3A_1043 = arith.addi %mul3A_997, %add3A_1042 : i32
      %swap3A_1044 = arith.index_cast %add3A_1043 : i32 to index
      %swap3A_1045 = tpu.vector_load %arg6[%swap3A_1044] {strides = array<i32>} : memref<61448xf32, #tpu.memory_space<vmem>>, vector<16xf32>,
      tpu.vector_store %arg6[%swap3A_1044], %broadcast_in_dim3A_7 {strides = array<i32>} : memref<61448xf32, #tpu.memory_space<vmem>>, vector<16xf32>,
      %add3A_1046 = arith.constant 192 : i32
      %add3A_1047 = arith.addi %mul3A_997, %add3A_1046 : i32
      %swap3A_1048 = arith.index_cast %add3A_1047 : i32 to index
      %swap3A_1049 = tpu.vector_load %arg6[%swap3A_1048] {strides = array<i32>} : memref<61448xf32, #tpu.memory_space<vmem>>, vector<16xf32>,
      tpu.vector_store %arg6[%swap3A_1048], %broadcast_in_dim3A_7 {strides = array<i32>} : memref<61448xf32, #tpu.memory_space<vmem>>, vector<16xf32>,
      %add3A_1050 = arith.constant 208 : i32
      %add3A_1051 = arith.addi %mul3A_997, %add3A_1050 : i32
      %swap3A_1052 = arith.index_cast %add3A_1051 : i32 to index
      %swap3A_1053 = tpu.vector_load %arg6[%swap3A_1052] {strides = array<i32>} : memref<61448xf32, #tpu.memory_space<vmem>>, vector<16xf32>,
      tpu.vector_store %arg6[%swap3A_1052], %broadcast_in_dim3A_7 {strides = array<i32>} : memref<61448xf32, #tpu.memory_space<vmem>>, vector<16xf32>,
      %add3A_1054 = arith.constant 224 : i32
      %add3A_1055 = arith.addi %mul3A_997, %add3A_1054 : i32
      %swap3A_1056 = arith.index_cast %add3A_1055 : i32 to index
      %swap3A_1057 = tpu.vector_load %arg6[%swap3A_1056] {strides = array<i32>} : memref<61448xf32, #tpu.memory_space<vmem>>, vector<16xf32>,
      tpu.vector_store %arg6[%swap3A_1056], %broadcast_in_dim3A_7 {strides = array<i32>} : memref<61448xf32, #tpu.memory_space<vmem>>, vector<16xf32>,
      %add3A_1058 = arith.constant 240 : i32
      %add3A_1059 = arith.addi %mul3A_997, %add3A_1058 : i32
      %swap3A_1060 = arith.index_cast %add3A_1059 : i32 to index
      %swap3A_1061 = tpu.vector_load %arg6[%swap3A_1060] {strides = array<i32>} : memref<61448xf32, #tpu.memory_space<vmem>>, vector<16xf32>,
      tpu.vector_store %arg6[%swap3A_1060], %broadcast_in_dim3A_7 {strides = array<i32>} : memref<61448xf32, #tpu.memory_space<vmem>>, vector<16xf32>,
    }
    %scan3A_433 = arith.constant 240 : i32
    %swap3A = arith.constant 61432 : index
    %swap3A_434 = tpu.vector_load %arg6[%swap3A] {strides = array<i32>} : memref<61448xf32, #tpu.memory_space<vmem>>, vector<16xf32>,
    tpu.vector_store %arg6[%swap3A], %broadcast_in_dim3A_7 {strides = array<i32>} : memref<61448xf32, #tpu.memory_space<vmem>>, vector<16xf32>,
    %scan3A_435 = arith.constant 0 : i32
    %scan3A_436 = arith.constant 0 : i32
    %scan3A_437 = arith.constant 8 : i32
    %scan3A_438 = arith.addi %scan3A_436, %scan3A_437 : i32
    %scan3A_439 = arith.constant 1 : i32
    scf.for %scan3A_995 = %scan3A_436 to %scan3A_438 step %scan3A_439  : i32 {
      %mul3A_996 = arith.constant 2 : i32
      %mul3A_997 = arith.muli %mul3A_996, %scan3A_995 : i32
      %dma_wait3A = arith.constant 0 : i32
      %dma_wait3A_998 = arith.constant 0 : i32
      %dma_wait3A_999 = arith.constant 0 : i32
      %dma_wait3A_1000 = tpu.memref_slice %arg2[%dma_wait3A, %dma_wait3A_998, %dma_wait3A_999] : memref<31250x4x128xf32, #tpu.memory_space<hbm>> -> memref<61x4x128xf32, #tpu.memory_space<hbm>>
      %dma_wait3A_1001 = arith.constant 0 : i32
      %dma_wait3A_1002 = arith.constant 0 : i32
      %dma_wait3A_1003 = arith.constant 0 : i32
      %dma_wait3A_1004 = tpu.memref_slice %arg2[%dma_wait3A_1001, %dma_wait3A_1002, %dma_wait3A_1003] : memref<31250x4x128xf32, #tpu.memory_space<hbm>> -> memref<61x4x128xf32, #tpu.memory_space<hbm>>
      tpu.wait_dma2 semaphore(%arg11 : memref<!tpu.dma_semaphore, #tpu.memory_space<semaphore_mem>>) src(%dma_wait3A_1004 : memref<61x4x128xf32, #tpu.memory_space<hbm>>) dst(%arg7 : memref<61x4x128xf32, #tpu.memory_space<vmem>>)
      %parallel_loop3A = arith.constant 0 : i32
      %parallel_loop3A_1005 = arith.constant 61 : i32
      %parallel_loop3A_1006 = arith.constant 1 : i32
      scf.for %parallel_loop3A_1031 = %parallel_loop3A to %parallel_loop3A_1005 step %parallel_loop3A_1006  : i32 {
        %parallel_loop3A_1032 = arith.constant 0 : i32
        %parallel_loop3A_1033 = arith.index_cast %parallel_loop3A_1031 : i32 to index
        %parallel_loop3A_1034 = arith.index_cast %parallel_loop3A_1032 : i32 to index
        %parallel_loop3A_1035 = arith.constant 0 : index
        %parallel_loop3A_1036 = tpu.vector_load %arg7[%parallel_loop3A_1033, %parallel_loop3A_1034, %parallel_loop3A_1035] {strides = array<i32>} : memref<61x4x128xf32, #tpu.memory_space<vmem>>, vector<16xf32>,
        %parallel_loop3A_1037 = arith.constant 1 : i32
        %parallel_loop3A_1038 = arith.index_cast %parallel_loop3A_1031 : i32 to index
        %parallel_loop3A_1039 = arith.index_cast %parallel_loop3A_1037 : i32 to index
        %parallel_loop3A_1040 = arith.constant 0 : index
        %parallel_loop3A_1041 = tpu.vector_load %arg7[%parallel_loop3A_1038, %parallel_loop3A_1039, %parallel_loop3A_1040] {strides = array<i32>} : memref<61x4x128xf32, #tpu.memory_space<vmem>>, vector<16xf32>,
        %parallel_loop3A_1042 = arith.constant 2 : i32
        %parallel_loop3A_1043 = arith.index_cast %parallel_loop3A_1031 : i32 to index
        %parallel_loop3A_1044 = arith.index_cast %parallel_loop3A_1042 : i32 to index
        %parallel_loop3A_1045 = arith.constant 0 : index
        %parallel_loop3A_1046 = tpu.vector_load %arg7[%parallel_loop3A_1043, %parallel_loop3A_1044, %parallel_loop3A_1045] {strides = array<i32>} : memref<61x4x128xf32, #tpu.memory_space<vmem>>, vector<16xf32>,
        %parallel_loop3A_1047 = arith.constant 3 : i32
        %parallel_loop3A_1048 = arith.index_cast %parallel_loop3A_1031 : i32 to index
        %parallel_loop3A_1049 = arith.index_cast %parallel_loop3A_1047 : i32 to index
        %parallel_loop3A_1050 = arith.constant 0 : index
        %parallel_loop3A_1051 = tpu.vector_load %arg7[%parallel_loop3A_1048, %parallel_loop3A_1049, %parallel_loop3A_1050] {strides = array<i32>} : memref<61x4x128xf32, #tpu.memory_space<vmem>>, vector<16xf32>,
        %parallel_loop3A_1052 = arith.constant 5.000000e-02 : f32
        %parallel_loop3A_1053 = vector.broadcast %parallel_loop3A_1052 : f32 to vector<16xf32>
        %parallel_loop3A_1054 = arith.mulf %parallel_loop3A_1036, %parallel_loop3A_1053 : vector<16xf32>
        %parallel_loop3A_1055 = arith.fptosi %parallel_loop3A_1054 : vector<16xf32> to vector<16xi32>
        %parallel_loop3A_1056 = arith.constant 0 : i32
        %parallel_loop3A_1057 = arith.constant 31 : i32
        %parallel_loop3A_1058 = vector.broadcast %parallel_loop3A_1056 : i32 to vector<16xi32>
        %parallel_loop3A_1059 = arith.maxsi %parallel_loop3A_1058, %parallel_loop3A_1055 : vector<16xi32>
        %parallel_loop3A_1060 = vector.broadcast %parallel_loop3A_1057 : i32 to vector<16xi32>
        %parallel_loop3A_1061 = arith.minsi %parallel_loop3A_1060, %parallel_loop3A_1059 : vector<16xi32>
        %parallel_loop3A_1062 = arith.constant 5.000000e-02 : f32
        %parallel_loop3A_1063 = vector.broadcast %parallel_loop3A_1062 : f32 to vector<16xf32>
        %parallel_loop3A_1064 = arith.mulf %parallel_loop3A_1041, %parallel_loop3A_1063 : vector<16xf32>
        %parallel_loop3A_1065 = arith.fptosi %parallel_loop3A_1064 : vector<16xf32> to vector<16xi32>
        %parallel_loop3A_1066 = arith.constant 0 : i32
        %parallel_loop3A_1067 = arith.constant 23 : i32
        %parallel_loop3A_1068 = vector.broadcast %parallel_loop3A_1066 : i32 to vector<16xi32>
        %parallel_loop3A_1069 = arith.maxsi %parallel_loop3A_1068, %parallel_loop3A_1065 : vector<16xi32>
        %parallel_loop3A_1070 = vector.broadcast %parallel_loop3A_1067 : i32 to vector<16xi32>
        %parallel_loop3A_1071 = arith.minsi %parallel_loop3A_1070, %parallel_loop3A_1069 : vector<16xi32>
        %parallel_loop3A_1072 = arith.subf %parallel_loop3A_1046, %select_n3A_428 : vector<16xf32>
        %parallel_loop3A_1073 = arith.mulf %parallel_loop3A_1072, %select_n3A_425 : vector<16xf32>
        %parallel_loop3A_1074 = arith.fptosi %parallel_loop3A_1073 : vector<16xf32> to vector<16xi32>
        %parallel_loop3A_1075 = arith.constant 0 : i32
        %parallel_loop3A_1076 = arith.constant 4 : i32
        %parallel_loop3A_1077 = vector.broadcast %parallel_loop3A_1075 : i32 to vector<16xi32>
        %parallel_loop3A_1078 = arith.maxsi %parallel_loop3A_1077, %parallel_loop3A_1074 : vector<16xi32>
        %parallel_loop3A_1079 = vector.broadcast %parallel_loop3A_1076 : i32 to vector<16xi32>
        %parallel_loop3A_1080 = arith.minsi %parallel_loop3A_1079, %parallel_loop3A_1078 : vector<16xi32>
        %parallel_loop3A_1081 = arith.constant 0.000000e+00 : f32
        %parallel_loop3A_1082 = vector.broadcast %parallel_loop3A_1081 : f32 to vector<16xf32>
        %parallel_loop3A_1083 = arith.cmpf ogt, %parallel_loop3A_1051, %parallel_loop3A_1082 : vector<16xf32>
        %parallel_loop3A_1084 = arith.constant 0 : i32
        %parallel_loop3A_1085 = arith.constant 3840 : i32
        %parallel_loop3A_1086 = vector.broadcast %parallel_loop3A_1084 : i32 to vector<16xi32>
        %parallel_loop3A_1087 = vector.broadcast %parallel_loop3A_1085 : i32 to vector<16xi32>
        %parallel_loop3A_1088 = arith.select %parallel_loop3A_1083, %parallel_loop3A_1086, %parallel_loop3A_1087 : vector<16xi1>, vector<16xi32>
        %parallel_loop3A_1089 = arith.constant 768 : i32
        %parallel_loop3A_1090 = vector.broadcast %parallel_loop3A_1089 : i32 to vector<16xi32>
        %parallel_loop3A_1091 = arith.muli %parallel_loop3A_1080, %parallel_loop3A_1090 : vector<16xi32>
        %parallel_loop3A_1092 = arith.addi %parallel_loop3A_1088, %parallel_loop3A_1091 : vector<16xi32>
        %parallel_loop3A_1093 = arith.constant 32 : i32
        %parallel_loop3A_1094 = vector.broadcast %parallel_loop3A_1093 : i32 to vector<16xi32>
        %parallel_loop3A_1095 = arith.muli %parallel_loop3A_1071, %parallel_loop3A_1094 : vector<16xi32>
        %parallel_loop3A_1096 = arith.addi %parallel_loop3A_1092, %parallel_loop3A_1095 : vector<16xi32>
        %parallel_loop3A_1097 = arith.addi %parallel_loop3A_1096, %parallel_loop3A_1061 : vector<16xi32>
        %parallel_loop3A_1098 = arith.addi %parallel_loop3A_1097, %mul3A_17 : vector<16xi32>
        %parallel_loop3A_1099 = arith.constant 0 : i32
        %parallel_loop3A_1100 = arith.index_cast %parallel_loop3A_1031 : i32 to index
        %parallel_loop3A_1101 = arith.index_cast %parallel_loop3A_1099 : i32 to index
        %parallel_loop3A_1102 = arith.constant 16 : index
        %parallel_loop3A_1103 = tpu.vector_load %arg7[%parallel_loop3A_1100, %parallel_loop3A_1101, %parallel_loop3A_1102] {strides = array<i32>} : memref<61x4x128xf32, #tpu.memory_space<vmem>>, vector<16xf32>,
        %parallel_loop3A_1104 = arith.constant 1 : i32
        %parallel_loop3A_1105 = arith.index_cast %parallel_loop3A_1031 : i32 to index
        %parallel_loop3A_1106 = arith.index_cast %parallel_loop3A_1104 : i32 to index
        %parallel_loop3A_1107 = arith.constant 16 : index
        %parallel_loop3A_1108 = tpu.vector_load %arg7[%parallel_loop3A_1105, %parallel_loop3A_1106, %parallel_loop3A_1107] {strides = array<i32>} : memref<61x4x128xf32, #tpu.memory_space<vmem>>, vector<16xf32>,
        %parallel_loop3A_1109 = arith.constant 2 : i32
        %parallel_loop3A_1110 = arith.index_cast %parallel_loop3A_1031 : i32 to index
        %parallel_loop3A_1111 = arith.index_cast %parallel_loop3A_1109 : i32 to index
        %parallel_loop3A_1112 = arith.constant 16 : index
        %parallel_loop3A_1113 = tpu.vector_load %arg7[%parallel_loop3A_1110, %parallel_loop3A_1111, %parallel_loop3A_1112] {strides = array<i32>} : memref<61x4x128xf32, #tpu.memory_space<vmem>>, vector<16xf32>,
        %parallel_loop3A_1114 = arith.constant 3 : i32
        %parallel_loop3A_1115 = arith.index_cast %parallel_loop3A_1031 : i32 to index
        %parallel_loop3A_1116 = arith.index_cast %parallel_loop3A_1114 : i32 to index
        %parallel_loop3A_1117 = arith.constant 16 : index
        %parallel_loop3A_1118 = tpu.vector_load %arg7[%parallel_loop3A_1115, %parallel_loop3A_1116, %parallel_loop3A_1117] {strides = array<i32>} : memref<61x4x128xf32, #tpu.memory_space<vmem>>, vector<16xf32>,
        %parallel_loop3A_1119 = arith.constant 5.000000e-02 : f32
        %parallel_loop3A_1120 = vector.broadcast %parallel_loop3A_1119 : f32 to vector<16xf32>
        %parallel_loop3A_1121 = arith.mulf %parallel_loop3A_1103, %parallel_loop3A_1120 : vector<16xf32>
        %parallel_loop3A_1122 = arith.fptosi %parallel_loop3A_1121 : vector<16xf32> to vector<16xi32>
        %parallel_loop3A_1123 = arith.constant 0 : i32
        %parallel_loop3A_1124 = arith.constant 31 : i32
        %parallel_loop3A_1125 = vector.broadcast %parallel_loop3A_1123 : i32 to vector<16xi32>
        %parallel_loop3A_1126 = arith.maxsi %parallel_loop3A_1125, %parallel_loop3A_1122 : vector<16xi32>
        %parallel_loop3A_1127 = vector.broadcast %parallel_loop3A_1124 : i32 to vector<16xi32>
        %parallel_loop3A_1128 = arith.minsi %parallel_loop3A_1127, %parallel_loop3A_1126 : vector<16xi32>
        %parallel_loop3A_1129 = arith.constant 5.000000e-02 : f32
        %parallel_loop3A_1130 = vector.broadcast %parallel_loop3A_1129 : f32 to vector<16xf32>
        %parallel_loop3A_1131 = arith.mulf %parallel_loop3A_1108, %parallel_loop3A_1130 : vector<16xf32>
        %parallel_loop3A_1132 = arith.fptosi %parallel_loop3A_1131 : vector<16xf32> to vector<16xi32>
        %parallel_loop3A_1133 = arith.constant 0 : i32
        %parallel_loop3A_1134 = arith.constant 23 : i32
        %parallel_loop3A_1135 = vector.broadcast %parallel_loop3A_1133 : i32 to vector<16xi32>
        %parallel_loop3A_1136 = arith.maxsi %parallel_loop3A_1135, %parallel_loop3A_1132 : vector<16xi32>
        %parallel_loop3A_1137 = vector.broadcast %parallel_loop3A_1134 : i32 to vector<16xi32>
        %parallel_loop3A_1138 = arith.minsi %parallel_loop3A_1137, %parallel_loop3A_1136 : vector<16xi32>
        %parallel_loop3A_1139 = arith.subf %parallel_loop3A_1113, %select_n3A_428 : vector<16xf32>
        %parallel_loop3A_1140 = arith.mulf %parallel_loop3A_1139, %select_n3A_425 : vector<16xf32>
        %parallel_loop3A_1141 = arith.fptosi %parallel_loop3A_1140 : vector<16xf32> to vector<16xi32>
        %parallel_loop3A_1142 = arith.constant 0 : i32
        %parallel_loop3A_1143 = arith.constant 4 : i32
        %parallel_loop3A_1144 = vector.broadcast %parallel_loop3A_1142 : i32 to vector<16xi32>
        %parallel_loop3A_1145 = arith.maxsi %parallel_loop3A_1144, %parallel_loop3A_1141 : vector<16xi32>
        %parallel_loop3A_1146 = vector.broadcast %parallel_loop3A_1143 : i32 to vector<16xi32>
        %parallel_loop3A_1147 = arith.minsi %parallel_loop3A_1146, %parallel_loop3A_1145 : vector<16xi32>
        %parallel_loop3A_1148 = arith.constant 0.000000e+00 : f32
        %parallel_loop3A_1149 = vector.broadcast %parallel_loop3A_1148 : f32 to vector<16xf32>
        %parallel_loop3A_1150 = arith.cmpf ogt, %parallel_loop3A_1118, %parallel_loop3A_1149 : vector<16xf32>
        %parallel_loop3A_1151 = arith.constant 0 : i32
        %parallel_loop3A_1152 = arith.constant 3840 : i32
        %parallel_loop3A_1153 = vector.broadcast %parallel_loop3A_1151 : i32 to vector<16xi32>
        %parallel_loop3A_1154 = vector.broadcast %parallel_loop3A_1152 : i32 to vector<16xi32>
        %parallel_loop3A_1155 = arith.select %parallel_loop3A_1150, %parallel_loop3A_1153, %parallel_loop3A_1154 : vector<16xi1>, vector<16xi32>
        %parallel_loop3A_1156 = arith.constant 768 : i32
        %parallel_loop3A_1157 = vector.broadcast %parallel_loop3A_1156 : i32 to vector<16xi32>
        %parallel_loop3A_1158 = arith.muli %parallel_loop3A_1147, %parallel_loop3A_1157 : vector<16xi32>
        %parallel_loop3A_1159 = arith.addi %parallel_loop3A_1155, %parallel_loop3A_1158 : vector<16xi32>
        %parallel_loop3A_1160 = arith.constant 32 : i32
        %parallel_loop3A_1161 = vector.broadcast %parallel_loop3A_1160 : i32 to vector<16xi32>
        %parallel_loop3A_1162 = arith.muli %parallel_loop3A_1138, %parallel_loop3A_1161 : vector<16xi32>
        %parallel_loop3A_1163 = arith.addi %parallel_loop3A_1159, %parallel_loop3A_1162 : vector<16xi32>
        %parallel_loop3A_1164 = arith.addi %parallel_loop3A_1163, %parallel_loop3A_1128 : vector<16xi32>
        %parallel_loop3A_1165 = arith.addi %parallel_loop3A_1164, %mul3A_26 : vector<16xi32>
        %parallel_loop3A_1166 = arith.constant 0 : i32
        %parallel_loop3A_1167 = arith.index_cast %parallel_loop3A_1031 : i32 to index
        %parallel_loop3A_1168 = arith.index_cast %parallel_loop3A_1166 : i32 to index
        %parallel_loop3A_1169 = arith.constant 32 : index
        %parallel_loop3A_1170 = tpu.vector_load %arg7[%parallel_loop3A_1167, %parallel_loop3A_1168, %parallel_loop3A_1169] {strides = array<i32>} : memref<61x4x128xf32, #tpu.memory_space<vmem>>, vector<16xf32>,
        %parallel_loop3A_1171 = arith.constant 1 : i32
        %parallel_loop3A_1172 = arith.index_cast %parallel_loop3A_1031 : i32 to index
        %parallel_loop3A_1173 = arith.index_cast %parallel_loop3A_1171 : i32 to index
        %parallel_loop3A_1174 = arith.constant 32 : index
        %parallel_loop3A_1175 = tpu.vector_load %arg7[%parallel_loop3A_1172, %parallel_loop3A_1173, %parallel_loop3A_1174] {strides = array<i32>} : memref<61x4x128xf32, #tpu.memory_space<vmem>>, vector<16xf32>,
        %parallel_loop3A_1176 = arith.constant 2 : i32
        %parallel_loop3A_1177 = arith.index_cast %parallel_loop3A_1031 : i32 to index
        %parallel_loop3A_1178 = arith.index_cast %parallel_loop3A_1176 : i32 to index
        %parallel_loop3A_1179 = arith.constant 32 : index
        %parallel_loop3A_1180 = tpu.vector_load %arg7[%parallel_loop3A_1177, %parallel_loop3A_1178, %parallel_loop3A_1179] {strides = array<i32>} : memref<61x4x128xf32, #tpu.memory_space<vmem>>, vector<16xf32>,
        %parallel_loop3A_1181 = arith.constant 3 : i32
        %parallel_loop3A_1182 = arith.index_cast %parallel_loop3A_1031 : i32 to index
        %parallel_loop3A_1183 = arith.index_cast %parallel_loop3A_1181 : i32 to index
        %parallel_loop3A_1184 = arith.constant 32 : index
        %parallel_loop3A_1185 = tpu.vector_load %arg7[%parallel_loop3A_1182, %parallel_loop3A_1183, %parallel_loop3A_1184] {strides = array<i32>} : memref<61x4x128xf32, #tpu.memory_space<vmem>>, vector<16xf32>,
        %parallel_loop3A_1186 = arith.constant 5.000000e-02 : f32
        %parallel_loop3A_1187 = vector.broadcast %parallel_loop3A_1186 : f32 to vector<16xf32>
        %parallel_loop3A_1188 = arith.mulf %parallel_loop3A_1170, %parallel_loop3A_1187 : vector<16xf32>
        %parallel_loop3A_1189 = arith.fptosi %parallel_loop3A_1188 : vector<16xf32> to vector<16xi32>
        %parallel_loop3A_1190 = arith.constant 0 : i32
        %parallel_loop3A_1191 = arith.constant 31 : i32
        %parallel_loop3A_1192 = vector.broadcast %parallel_loop3A_1190 : i32 to vector<16xi32>
        %parallel_loop3A_1193 = arith.maxsi %parallel_loop3A_1192, %parallel_loop3A_1189 : vector<16xi32>
        %parallel_loop3A_1194 = vector.broadcast %parallel_loop3A_1191 : i32 to vector<16xi32>
        %parallel_loop3A_1195 = arith.minsi %parallel_loop3A_1194, %parallel_loop3A_1193 : vector<16xi32>
        %parallel_loop3A_1196 = arith.constant 5.000000e-02 : f32
        %parallel_loop3A_1197 = vector.broadcast %parallel_loop3A_1196 : f32 to vector<16xf32>
        %parallel_loop3A_1198 = arith.mulf %parallel_loop3A_1175, %parallel_loop3A_1197 : vector<16xf32>
        %parallel_loop3A_1199 = arith.fptosi %parallel_loop3A_1198 : vector<16xf32> to vector<16xi32>
        %parallel_loop3A_1200 = arith.constant 0 : i32
        %parallel_loop3A_1201 = arith.constant 23 : i32
        %parallel_loop3A_1202 = vector.broadcast %parallel_loop3A_1200 : i32 to vector<16xi32>
        %parallel_loop3A_1203 = arith.maxsi %parallel_loop3A_1202, %parallel_loop3A_1199 : vector<16xi32>
        %parallel_loop3A_1204 = vector.broadcast %parallel_loop3A_1201 : i32 to vector<16xi32>
        %parallel_loop3A_1205 = arith.minsi %parallel_loop3A_1204, %parallel_loop3A_1203 : vector<16xi32>
        %parallel_loop3A_1206 = arith.subf %parallel_loop3A_1180, %select_n3A_428 : vector<16xf32>
        %parallel_loop3A_1207 = arith.mulf %parallel_loop3A_1206, %select_n3A_425 : vector<16xf32>
        %parallel_loop3A_1208 = arith.fptosi %parallel_loop3A_1207 : vector<16xf32> to vector<16xi32>
        %parallel_loop3A_1209 = arith.constant 0 : i32
        %parallel_loop3A_1210 = arith.constant 4 : i32
        %parallel_loop3A_1211 = vector.broadcast %parallel_loop3A_1209 : i32 to vector<16xi32>
        %parallel_loop3A_1212 = arith.maxsi %parallel_loop3A_1211, %parallel_loop3A_1208 : vector<16xi32>
        %parallel_loop3A_1213 = vector.broadcast %parallel_loop3A_1210 : i32 to vector<16xi32>
        %parallel_loop3A_1214 = arith.minsi %parallel_loop3A_1213, %parallel_loop3A_1212 : vector<16xi32>
        %parallel_loop3A_1215 = arith.constant 0.000000e+00 : f32
        %parallel_loop3A_1216 = vector.broadcast %parallel_loop3A_1215 : f32 to vector<16xf32>
        %parallel_loop3A_1217 = arith.cmpf ogt, %parallel_loop3A_1185, %parallel_loop3A_1216 : vector<16xf32>
        %parallel_loop3A_1218 = arith.constant 0 : i32
        %parallel_loop3A_1219 = arith.constant 3840 : i32
        %parallel_loop3A_1220 = vector.broadcast %parallel_loop3A_1218 : i32 to vector<16xi32>
        %parallel_loop3A_1221 = vector.broadcast %parallel_loop3A_1219 : i32 to vector<16xi32>
        %parallel_loop3A_1222 = arith.select %parallel_loop3A_1217, %parallel_loop3A_1220, %parallel_loop3A_1221 : vector<16xi1>, vector<16xi32>
        %parallel_loop3A_1223 = arith.constant 768 : i32
        %parallel_loop3A_1224 = vector.broadcast %parallel_loop3A_1223 : i32 to vector<16xi32>
        %parallel_loop3A_1225 = arith.muli %parallel_loop3A_1214, %parallel_loop3A_1224 : vector<16xi32>
        %parallel_loop3A_1226 = arith.addi %parallel_loop3A_1222, %parallel_loop3A_1225 : vector<16xi32>
        %parallel_loop3A_1227 = arith.constant 32 : i32
        %parallel_loop3A_1228 = vector.broadcast %parallel_loop3A_1227 : i32 to vector<16xi32>
        %parallel_loop3A_1229 = arith.muli %parallel_loop3A_1205, %parallel_loop3A_1228 : vector<16xi32>
        %parallel_loop3A_1230 = arith.addi %parallel_loop3A_1226, %parallel_loop3A_1229 : vector<16xi32>
        %parallel_loop3A_1231 = arith.addi %parallel_loop3A_1230, %parallel_loop3A_1195 : vector<16xi32>
        %parallel_loop3A_1232 = arith.addi %parallel_loop3A_1231, %mul3A_35 : vector<16xi32>
        %parallel_loop3A_1233 = arith.constant 0 : i32
        %parallel_loop3A_1234 = arith.index_cast %parallel_loop3A_1031 : i32 to index
        %parallel_loop3A_1235 = arith.index_cast %parallel_loop3A_1233 : i32 to index
        %parallel_loop3A_1236 = arith.constant 48 : index
        %parallel_loop3A_1237 = tpu.vector_load %arg7[%parallel_loop3A_1234, %parallel_loop3A_1235, %parallel_loop3A_1236] {strides = array<i32>} : memref<61x4x128xf32, #tpu.memory_space<vmem>>, vector<16xf32>,
        %parallel_loop3A_1238 = arith.constant 1 : i32
        %parallel_loop3A_1239 = arith.index_cast %parallel_loop3A_1031 : i32 to index
        %parallel_loop3A_1240 = arith.index_cast %parallel_loop3A_1238 : i32 to index
        %parallel_loop3A_1241 = arith.constant 48 : index
        %parallel_loop3A_1242 = tpu.vector_load %arg7[%parallel_loop3A_1239, %parallel_loop3A_1240, %parallel_loop3A_1241] {strides = array<i32>} : memref<61x4x128xf32, #tpu.memory_space<vmem>>, vector<16xf32>,
        %parallel_loop3A_1243 = arith.constant 2 : i32
        %parallel_loop3A_1244 = arith.index_cast %parallel_loop3A_1031 : i32 to index
        %parallel_loop3A_1245 = arith.index_cast %parallel_loop3A_1243 : i32 to index
        %parallel_loop3A_1246 = arith.constant 48 : index
        %parallel_loop3A_1247 = tpu.vector_load %arg7[%parallel_loop3A_1244, %parallel_loop3A_1245, %parallel_loop3A_1246] {strides = array<i32>} : memref<61x4x128xf32, #tpu.memory_space<vmem>>, vector<16xf32>,
        %parallel_loop3A_1248 = arith.constant 3 : i32
        %parallel_loop3A_1249 = arith.index_cast %parallel_loop3A_1031 : i32 to index
        %parallel_loop3A_1250 = arith.index_cast %parallel_loop3A_1248 : i32 to index
        %parallel_loop3A_1251 = arith.constant 48 : index
        %parallel_loop3A_1252 = tpu.vector_load %arg7[%parallel_loop3A_1249, %parallel_loop3A_1250, %parallel_loop3A_1251] {strides = array<i32>} : memref<61x4x128xf32, #tpu.memory_space<vmem>>, vector<16xf32>,
        %parallel_loop3A_1253 = arith.constant 5.000000e-02 : f32
        %parallel_loop3A_1254 = vector.broadcast %parallel_loop3A_1253 : f32 to vector<16xf32>
        %parallel_loop3A_1255 = arith.mulf %parallel_loop3A_1237, %parallel_loop3A_1254 : vector<16xf32>
        %parallel_loop3A_1256 = arith.fptosi %parallel_loop3A_1255 : vector<16xf32> to vector<16xi32>
        %parallel_loop3A_1257 = arith.constant 0 : i32
        %parallel_loop3A_1258 = arith.constant 31 : i32
        %parallel_loop3A_1259 = vector.broadcast %parallel_loop3A_1257 : i32 to vector<16xi32>
        %parallel_loop3A_1260 = arith.maxsi %parallel_loop3A_1259, %parallel_loop3A_1256 : vector<16xi32>
        %parallel_loop3A_1261 = vector.broadcast %parallel_loop3A_1258 : i32 to vector<16xi32>
        %parallel_loop3A_1262 = arith.minsi %parallel_loop3A_1261, %parallel_loop3A_1260 : vector<16xi32>
        %parallel_loop3A_1263 = arith.constant 5.000000e-02 : f32
        %parallel_loop3A_1264 = vector.broadcast %parallel_loop3A_1263 : f32 to vector<16xf32>
        %parallel_loop3A_1265 = arith.mulf %parallel_loop3A_1242, %parallel_loop3A_1264 : vector<16xf32>
        %parallel_loop3A_1266 = arith.fptosi %parallel_loop3A_1265 : vector<16xf32> to vector<16xi32>
        %parallel_loop3A_1267 = arith.constant 0 : i32
        %parallel_loop3A_1268 = arith.constant 23 : i32
        %parallel_loop3A_1269 = vector.broadcast %parallel_loop3A_1267 : i32 to vector<16xi32>
        %parallel_loop3A_1270 = arith.maxsi %parallel_loop3A_1269, %parallel_loop3A_1266 : vector<16xi32>
        %parallel_loop3A_1271 = vector.broadcast %parallel_loop3A_1268 : i32 to vector<16xi32>
        %parallel_loop3A_1272 = arith.minsi %parallel_loop3A_1271, %parallel_loop3A_1270 : vector<16xi32>
        %parallel_loop3A_1273 = arith.subf %parallel_loop3A_1247, %select_n3A_428 : vector<16xf32>
        %parallel_loop3A_1274 = arith.mulf %parallel_loop3A_1273, %select_n3A_425 : vector<16xf32>
        %parallel_loop3A_1275 = arith.fptosi %parallel_loop3A_1274 : vector<16xf32> to vector<16xi32>
        %parallel_loop3A_1276 = arith.constant 0 : i32
        %parallel_loop3A_1277 = arith.constant 4 : i32
        %parallel_loop3A_1278 = vector.broadcast %parallel_loop3A_1276 : i32 to vector<16xi32>
        %parallel_loop3A_1279 = arith.maxsi %parallel_loop3A_1278, %parallel_loop3A_1275 : vector<16xi32>
        %parallel_loop3A_1280 = vector.broadcast %parallel_loop3A_1277 : i32 to vector<16xi32>
        %parallel_loop3A_1281 = arith.minsi %parallel_loop3A_1280, %parallel_loop3A_1279 : vector<16xi32>
        %parallel_loop3A_1282 = arith.constant 0.000000e+00 : f32
        %parallel_loop3A_1283 = vector.broadcast %parallel_loop3A_1282 : f32 to vector<16xf32>
        %parallel_loop3A_1284 = arith.cmpf ogt, %parallel_loop3A_1252, %parallel_loop3A_1283 : vector<16xf32>
        %parallel_loop3A_1285 = arith.constant 0 : i32
        %parallel_loop3A_1286 = arith.constant 3840 : i32
        %parallel_loop3A_1287 = vector.broadcast %parallel_loop3A_1285 : i32 to vector<16xi32>
        %parallel_loop3A_1288 = vector.broadcast %parallel_loop3A_1286 : i32 to vector<16xi32>
        %parallel_loop3A_1289 = arith.select %parallel_loop3A_1284, %parallel_loop3A_1287, %parallel_loop3A_1288 : vector<16xi1>, vector<16xi32>
        %parallel_loop3A_1290 = arith.constant 768 : i32
        %parallel_loop3A_1291 = vector.broadcast %parallel_loop3A_1290 : i32 to vector<16xi32>
        %parallel_loop3A_1292 = arith.muli %parallel_loop3A_1281, %parallel_loop3A_1291 : vector<16xi32>
        %parallel_loop3A_1293 = arith.addi %parallel_loop3A_1289, %parallel_loop3A_1292 : vector<16xi32>
        %parallel_loop3A_1294 = arith.constant 32 : i32
        %parallel_loop3A_1295 = vector.broadcast %parallel_loop3A_1294 : i32 to vector<16xi32>
        %parallel_loop3A_1296 = arith.muli %parallel_loop3A_1272, %parallel_loop3A_1295 : vector<16xi32>
        %parallel_loop3A_1297 = arith.addi %parallel_loop3A_1293, %parallel_loop3A_1296 : vector<16xi32>
        %parallel_loop3A_1298 = arith.addi %parallel_loop3A_1297, %parallel_loop3A_1262 : vector<16xi32>
        %parallel_loop3A_1299 = arith.addi %parallel_loop3A_1298, %mul3A_44 : vector<16xi32>
        %parallel_loop3A_1300 = arith.constant 0 : i32
        %parallel_loop3A_1301 = arith.index_cast %parallel_loop3A_1031 : i32 to index
        %parallel_loop3A_1302 = arith.index_cast %parallel_loop3A_1300 : i32 to index
        %parallel_loop3A_1303 = arith.constant 64 : index
        %parallel_loop3A_1304 = tpu.vector_load %arg7[%parallel_loop3A_1301, %parallel_loop3A_1302, %parallel_loop3A_1303] {strides = array<i32>} : memref<61x4x128xf32, #tpu.memory_space<vmem>>, vector<16xf32>,
        %parallel_loop3A_1305 = arith.constant 1 : i32
        %parallel_loop3A_1306 = arith.index_cast %parallel_loop3A_1031 : i32 to index
        %parallel_loop3A_1307 = arith.index_cast %parallel_loop3A_1305 : i32 to index
        %parallel_loop3A_1308 = arith.constant 64 : index
        %parallel_loop3A_1309 = tpu.vector_load %arg7[%parallel_loop3A_1306, %parallel_loop3A_1307, %parallel_loop3A_1308] {strides = array<i32>} : memref<61x4x128xf32, #tpu.memory_space<vmem>>, vector<16xf32>,
        %parallel_loop3A_1310 = arith.constant 2 : i32
        %parallel_loop3A_1311 = arith.index_cast %parallel_loop3A_1031 : i32 to index
        %parallel_loop3A_1312 = arith.index_cast %parallel_loop3A_1310 : i32 to index
        %parallel_loop3A_1313 = arith.constant 64 : index
        %parallel_loop3A_1314 = tpu.vector_load %arg7[%parallel_loop3A_1311, %parallel_loop3A_1312, %parallel_loop3A_1313] {strides = array<i32>} : memref<61x4x128xf32, #tpu.memory_space<vmem>>, vector<16xf32>,
        %parallel_loop3A_1315 = arith.constant 3 : i32
        %parallel_loop3A_1316 = arith.index_cast %parallel_loop3A_1031 : i32 to index
        %parallel_loop3A_1317 = arith.index_cast %parallel_loop3A_1315 : i32 to index
        %parallel_loop3A_1318 = arith.constant 64 : index
        %parallel_loop3A_1319 = tpu.vector_load %arg7[%parallel_loop3A_1316, %parallel_loop3A_1317, %parallel_loop3A_1318] {strides = array<i32>} : memref<61x4x128xf32, #tpu.memory_space<vmem>>, vector<16xf32>,
        %parallel_loop3A_1320 = arith.constant 5.000000e-02 : f32
        %parallel_loop3A_1321 = vector.broadcast %parallel_loop3A_1320 : f32 to vector<16xf32>
        %parallel_loop3A_1322 = arith.mulf %parallel_loop3A_1304, %parallel_loop3A_1321 : vector<16xf32>
        %parallel_loop3A_1323 = arith.fptosi %parallel_loop3A_1322 : vector<16xf32> to vector<16xi32>
        %parallel_loop3A_1324 = arith.constant 0 : i32
        %parallel_loop3A_1325 = arith.constant 31 : i32
        %parallel_loop3A_1326 = vector.broadcast %parallel_loop3A_1324 : i32 to vector<16xi32>
        %parallel_loop3A_1327 = arith.maxsi %parallel_loop3A_1326, %parallel_loop3A_1323 : vector<16xi32>
        %parallel_loop3A_1328 = vector.broadcast %parallel_loop3A_1325 : i32 to vector<16xi32>
        %parallel_loop3A_1329 = arith.minsi %parallel_loop3A_1328, %parallel_loop3A_1327 : vector<16xi32>
        %parallel_loop3A_1330 = arith.constant 5.000000e-02 : f32
        %parallel_loop3A_1331 = vector.broadcast %parallel_loop3A_1330 : f32 to vector<16xf32>
        %parallel_loop3A_1332 = arith.mulf %parallel_loop3A_1309, %parallel_loop3A_1331 : vector<16xf32>
        %parallel_loop3A_1333 = arith.fptosi %parallel_loop3A_1332 : vector<16xf32> to vector<16xi32>
        %parallel_loop3A_1334 = arith.constant 0 : i32
        %parallel_loop3A_1335 = arith.constant 23 : i32
        %parallel_loop3A_1336 = vector.broadcast %parallel_loop3A_1334 : i32 to vector<16xi32>
        %parallel_loop3A_1337 = arith.maxsi %parallel_loop3A_1336, %parallel_loop3A_1333 : vector<16xi32>
        %parallel_loop3A_1338 = vector.broadcast %parallel_loop3A_1335 : i32 to vector<16xi32>
        %parallel_loop3A_1339 = arith.minsi %parallel_loop3A_1338, %parallel_loop3A_1337 : vector<16xi32>
        %parallel_loop3A_1340 = arith.subf %parallel_loop3A_1314, %select_n3A_428 : vector<16xf32>
        %parallel_loop3A_1341 = arith.mulf %parallel_loop3A_1340, %select_n3A_425 : vector<16xf32>
        %parallel_loop3A_1342 = arith.fptosi %parallel_loop3A_1341 : vector<16xf32> to vector<16xi32>
        %parallel_loop3A_1343 = arith.constant 0 : i32
        %parallel_loop3A_1344 = arith.constant 4 : i32
        %parallel_loop3A_1345 = vector.broadcast %parallel_loop3A_1343 : i32 to vector<16xi32>
        %parallel_loop3A_1346 = arith.maxsi %parallel_loop3A_1345, %parallel_loop3A_1342 : vector<16xi32>
        %parallel_loop3A_1347 = vector.broadcast %parallel_loop3A_1344 : i32 to vector<16xi32>
        %parallel_loop3A_1348 = arith.minsi %parallel_loop3A_1347, %parallel_loop3A_1346 : vector<16xi32>
        %parallel_loop3A_1349 = arith.constant 0.000000e+00 : f32
        %parallel_loop3A_1350 = vector.broadcast %parallel_loop3A_1349 : f32 to vector<16xf32>
        %parallel_loop3A_1351 = arith.cmpf ogt, %parallel_loop3A_1319, %parallel_loop3A_1350 : vector<16xf32>
        %parallel_loop3A_1352 = arith.constant 0 : i32
        %parallel_loop3A_1353 = arith.constant 3840 : i32
        %parallel_loop3A_1354 = vector.broadcast %parallel_loop3A_1352 : i32 to vector<16xi32>
        %parallel_loop3A_1355 = vector.broadcast %parallel_loop3A_1353 : i32 to vector<16xi32>
        %parallel_loop3A_1356 = arith.select %parallel_loop3A_1351, %parallel_loop3A_1354, %parallel_loop3A_1355 : vector<16xi1>, vector<16xi32>
        %parallel_loop3A_1357 = arith.constant 768 : i32
        %parallel_loop3A_1358 = vector.broadcast %parallel_loop3A_1357 : i32 to vector<16xi32>
        %parallel_loop3A_1359 = arith.muli %parallel_loop3A_1348, %parallel_loop3A_1358 : vector<16xi32>
        %parallel_loop3A_1360 = arith.addi %parallel_loop3A_1356, %parallel_loop3A_1359 : vector<16xi32>
        %parallel_loop3A_1361 = arith.constant 32 : i32
        %parallel_loop3A_1362 = vector.broadcast %parallel_loop3A_1361 : i32 to vector<16xi32>
        %parallel_loop3A_1363 = arith.muli %parallel_loop3A_1339, %parallel_loop3A_1362 : vector<16xi32>
        %parallel_loop3A_1364 = arith.addi %parallel_loop3A_1360, %parallel_loop3A_1363 : vector<16xi32>
        %parallel_loop3A_1365 = arith.addi %parallel_loop3A_1364, %parallel_loop3A_1329 : vector<16xi32>
        %parallel_loop3A_1366 = arith.addi %parallel_loop3A_1365, %mul3A_53 : vector<16xi32>
        %parallel_loop3A_1367 = arith.constant 0 : i32
        %parallel_loop3A_1368 = arith.index_cast %parallel_loop3A_1031 : i32 to index
        %parallel_loop3A_1369 = arith.index_cast %parallel_loop3A_1367 : i32 to index
        %parallel_loop3A_1370 = arith.constant 80 : index
        %parallel_loop3A_1371 = tpu.vector_load %arg7[%parallel_loop3A_1368, %parallel_loop3A_1369, %parallel_loop3A_1370] {strides = array<i32>} : memref<61x4x128xf32, #tpu.memory_space<vmem>>, vector<16xf32>,
        %parallel_loop3A_1372 = arith.constant 1 : i32
        %parallel_loop3A_1373 = arith.index_cast %parallel_loop3A_1031 : i32 to index
        %parallel_loop3A_1374 = arith.index_cast %parallel_loop3A_1372 : i32 to index
        %parallel_loop3A_1375 = arith.constant 80 : index
        %parallel_loop3A_1376 = tpu.vector_load %arg7[%parallel_loop3A_1373, %parallel_loop3A_1374, %parallel_loop3A_1375] {strides = array<i32>} : memref<61x4x128xf32, #tpu.memory_space<vmem>>, vector<16xf32>,
        %parallel_loop3A_1377 = arith.constant 2 : i32
        %parallel_loop3A_1378 = arith.index_cast %parallel_loop3A_1031 : i32 to index
        %parallel_loop3A_1379 = arith.index_cast %parallel_loop3A_1377 : i32 to index
        %parallel_loop3A_1380 = arith.constant 80 : index
        %parallel_loop3A_1381 = tpu.vector_load %arg7[%parallel_loop3A_1378, %parallel_loop3A_1379, %parallel_loop3A_1380] {strides = array<i32>} : memref<61x4x128xf32, #tpu.memory_space<vmem>>, vector<16xf32>,
        %parallel_loop3A_1382 = arith.constant 3 : i32
        %parallel_loop3A_1383 = arith.index_cast %parallel_loop3A_1031 : i32 to index
        %parallel_loop3A_1384 = arith.index_cast %parallel_loop3A_1382 : i32 to index
        %parallel_loop3A_1385 = arith.constant 80 : index
        %parallel_loop3A_1386 = tpu.vector_load %arg7[%parallel_loop3A_1383, %parallel_loop3A_1384, %parallel_loop3A_1385] {strides = array<i32>} : memref<61x4x128xf32, #tpu.memory_space<vmem>>, vector<16xf32>,
        %parallel_loop3A_1387 = arith.constant 5.000000e-02 : f32
        %parallel_loop3A_1388 = vector.broadcast %parallel_loop3A_1387 : f32 to vector<16xf32>
        %parallel_loop3A_1389 = arith.mulf %parallel_loop3A_1371, %parallel_loop3A_1388 : vector<16xf32>
        %parallel_loop3A_1390 = arith.fptosi %parallel_loop3A_1389 : vector<16xf32> to vector<16xi32>
        %parallel_loop3A_1391 = arith.constant 0 : i32
        %parallel_loop3A_1392 = arith.constant 31 : i32
        %parallel_loop3A_1393 = vector.broadcast %parallel_loop3A_1391 : i32 to vector<16xi32>
        %parallel_loop3A_1394 = arith.maxsi %parallel_loop3A_1393, %parallel_loop3A_1390 : vector<16xi32>
        %parallel_loop3A_1395 = vector.broadcast %parallel_loop3A_1392 : i32 to vector<16xi32>
        %parallel_loop3A_1396 = arith.minsi %parallel_loop3A_1395, %parallel_loop3A_1394 : vector<16xi32>
        %parallel_loop3A_1397 = arith.constant 5.000000e-02 : f32
        %parallel_loop3A_1398 = vector.broadcast %parallel_loop3A_1397 : f32 to vector<16xf32>
        %parallel_loop3A_1399 = arith.mulf %parallel_loop3A_1376, %parallel_loop3A_1398 : vector<16xf32>
        %parallel_loop3A_1400 = arith.fptosi %parallel_loop3A_1399 : vector<16xf32> to vector<16xi32>
        %parallel_loop3A_1401 = arith.constant 0 : i32
        %parallel_loop3A_1402 = arith.constant 23 : i32
        %parallel_loop3A_1403 = vector.broadcast %parallel_loop3A_1401 : i32 to vector<16xi32>
        %parallel_loop3A_1404 = arith.maxsi %parallel_loop3A_1403, %parallel_loop3A_1400 : vector<16xi32>
        %parallel_loop3A_1405 = vector.broadcast %parallel_loop3A_1402 : i32 to vector<16xi32>
        %parallel_loop3A_1406 = arith.minsi %parallel_loop3A_1405, %parallel_loop3A_1404 : vector<16xi32>
        %parallel_loop3A_1407 = arith.subf %parallel_loop3A_1381, %select_n3A_428 : vector<16xf32>
        %parallel_loop3A_1408 = arith.mulf %parallel_loop3A_1407, %select_n3A_425 : vector<16xf32>
        %parallel_loop3A_1409 = arith.fptosi %parallel_loop3A_1408 : vector<16xf32> to vector<16xi32>
        %parallel_loop3A_1410 = arith.constant 0 : i32
        %parallel_loop3A_1411 = arith.constant 4 : i32
        %parallel_loop3A_1412 = vector.broadcast %parallel_loop3A_1410 : i32 to vector<16xi32>
        %parallel_loop3A_1413 = arith.maxsi %parallel_loop3A_1412, %parallel_loop3A_1409 : vector<16xi32>
        %parallel_loop3A_1414 = vector.broadcast %parallel_loop3A_1411 : i32 to vector<16xi32>
        %parallel_loop3A_1415 = arith.minsi %parallel_loop3A_1414, %parallel_loop3A_1413 : vector<16xi32>
        %parallel_loop3A_1416 = arith.constant 0.000000e+00 : f32
        %parallel_loop3A_1417 = vector.broadcast %parallel_loop3A_1416 : f32 to vector<16xf32>
        %parallel_loop3A_1418 = arith.cmpf ogt, %parallel_loop3A_1386, %parallel_loop3A_1417 : vector<16xf32>
        %parallel_loop3A_1419 = arith.constant 0 : i32
        %parallel_loop3A_1420 = arith.constant 3840 : i32
        %parallel_loop3A_1421 = vector.broadcast %parallel_loop3A_1419 : i32 to vector<16xi32>
        %parallel_loop3A_1422 = vector.broadcast %parallel_loop3A_1420 : i32 to vector<16xi32>
        %parallel_loop3A_1423 = arith.select %parallel_loop3A_1418, %parallel_loop3A_1421, %parallel_loop3A_1422 : vector<16xi1>, vector<16xi32>
        %parallel_loop3A_1424 = arith.constant 768 : i32
        %parallel_loop3A_1425 = vector.broadcast %parallel_loop3A_1424 : i32 to vector<16xi32>
        %parallel_loop3A_1426 = arith.muli %parallel_loop3A_1415, %parallel_loop3A_1425 : vector<16xi32>
        %parallel_loop3A_1427 = arith.addi %parallel_loop3A_1423, %parallel_loop3A_1426 : vector<16xi32>
        %parallel_loop3A_1428 = arith.constant 32 : i32
        %parallel_loop3A_1429 = vector.broadcast %parallel_loop3A_1428 : i32 to vector<16xi32>
        %parallel_loop3A_1430 = arith.muli %parallel_loop3A_1406, %parallel_loop3A_1429 : vector<16xi32>
        %parallel_loop3A_1431 = arith.addi %parallel_loop3A_1427, %parallel_loop3A_1430 : vector<16xi32>
        %parallel_loop3A_1432 = arith.addi %parallel_loop3A_1431, %parallel_loop3A_1396 : vector<16xi32>
        %parallel_loop3A_1433 = arith.addi %parallel_loop3A_1432, %mul3A_62 : vector<16xi32>
        %parallel_loop3A_1434 = arith.constant 0 : i32
        %parallel_loop3A_1435 = arith.index_cast %parallel_loop3A_1031 : i32 to index
        %parallel_loop3A_1436 = arith.index_cast %parallel_loop3A_1434 : i32 to index
        %parallel_loop3A_1437 = arith.constant 96 : index
        %parallel_loop3A_1438 = tpu.vector_load %arg7[%parallel_loop3A_1435, %parallel_loop3A_1436, %parallel_loop3A_1437] {strides = array<i32>} : memref<61x4x128xf32, #tpu.memory_space<vmem>>, vector<16xf32>,
        %parallel_loop3A_1439 = arith.constant 1 : i32
        %parallel_loop3A_1440 = arith.index_cast %parallel_loop3A_1031 : i32 to index
        %parallel_loop3A_1441 = arith.index_cast %parallel_loop3A_1439 : i32 to index
        %parallel_loop3A_1442 = arith.constant 96 : index
        %parallel_loop3A_1443 = tpu.vector_load %arg7[%parallel_loop3A_1440, %parallel_loop3A_1441, %parallel_loop3A_1442] {strides = array<i32>} : memref<61x4x128xf32, #tpu.memory_space<vmem>>, vector<16xf32>,
        %parallel_loop3A_1444 = arith.constant 2 : i32
        %parallel_loop3A_1445 = arith.index_cast %parallel_loop3A_1031 : i32 to index
        %parallel_loop3A_1446 = arith.index_cast %parallel_loop3A_1444 : i32 to index
        %parallel_loop3A_1447 = arith.constant 96 : index
        %parallel_loop3A_1448 = tpu.vector_load %arg7[%parallel_loop3A_1445, %parallel_loop3A_1446, %parallel_loop3A_1447] {strides = array<i32>} : memref<61x4x128xf32, #tpu.memory_space<vmem>>, vector<16xf32>,
        %parallel_loop3A_1449 = arith.constant 3 : i32
        %parallel_loop3A_1450 = arith.index_cast %parallel_loop3A_1031 : i32 to index
        %parallel_loop3A_1451 = arith.index_cast %parallel_loop3A_1449 : i32 to index
        %parallel_loop3A_1452 = arith.constant 96 : index
        %parallel_loop3A_1453 = tpu.vector_load %arg7[%parallel_loop3A_1450, %parallel_loop3A_1451, %parallel_loop3A_1452] {strides = array<i32>} : memref<61x4x128xf32, #tpu.memory_space<vmem>>, vector<16xf32>,
        %parallel_loop3A_1454 = arith.constant 5.000000e-02 : f32
        %parallel_loop3A_1455 = vector.broadcast %parallel_loop3A_1454 : f32 to vector<16xf32>
        %parallel_loop3A_1456 = arith.mulf %parallel_loop3A_1438, %parallel_loop3A_1455 : vector<16xf32>
        %parallel_loop3A_1457 = arith.fptosi %parallel_loop3A_1456 : vector<16xf32> to vector<16xi32>
        %parallel_loop3A_1458 = arith.constant 0 : i32
        %parallel_loop3A_1459 = arith.constant 31 : i32
        %parallel_loop3A_1460 = vector.broadcast %parallel_loop3A_1458 : i32 to vector<16xi32>
        %parallel_loop3A_1461 = arith.maxsi %parallel_loop3A_1460, %parallel_loop3A_1457 : vector<16xi32>
        %parallel_loop3A_1462 = vector.broadcast %parallel_loop3A_1459 : i32 to vector<16xi32>
        %parallel_loop3A_1463 = arith.minsi %parallel_loop3A_1462, %parallel_loop3A_1461 : vector<16xi32>
        %parallel_loop3A_1464 = arith.constant 5.000000e-02 : f32
        %parallel_loop3A_1465 = vector.broadcast %parallel_loop3A_1464 : f32 to vector<16xf32>
        %parallel_loop3A_1466 = arith.mulf %parallel_loop3A_1443, %parallel_loop3A_1465 : vector<16xf32>
        %parallel_loop3A_1467 = arith.fptosi %parallel_loop3A_1466 : vector<16xf32> to vector<16xi32>
        %parallel_loop3A_1468 = arith.constant 0 : i32
        %parallel_loop3A_1469 = arith.constant 23 : i32
        %parallel_loop3A_1470 = vector.broadcast %parallel_loop3A_1468 : i32 to vector<16xi32>
        %parallel_loop3A_1471 = arith.maxsi %parallel_loop3A_1470, %parallel_loop3A_1467 : vector<16xi32>
        %parallel_loop3A_1472 = vector.broadcast %parallel_loop3A_1469 : i32 to vector<16xi32>
        %parallel_loop3A_1473 = arith.minsi %parallel_loop3A_1472, %parallel_loop3A_1471 : vector<16xi32>
        %parallel_loop3A_1474 = arith.subf %parallel_loop3A_1448, %select_n3A_428 : vector<16xf32>
        %parallel_loop3A_1475 = arith.mulf %parallel_loop3A_1474, %select_n3A_425 : vector<16xf32>
        %parallel_loop3A_1476 = arith.fptosi %parallel_loop3A_1475 : vector<16xf32> to vector<16xi32>
        %parallel_loop3A_1477 = arith.constant 0 : i32
        %parallel_loop3A_1478 = arith.constant 4 : i32
        %parallel_loop3A_1479 = vector.broadcast %parallel_loop3A_1477 : i32 to vector<16xi32>
        %parallel_loop3A_1480 = arith.maxsi %parallel_loop3A_1479, %parallel_loop3A_1476 : vector<16xi32>
        %parallel_loop3A_1481 = vector.broadcast %parallel_loop3A_1478 : i32 to vector<16xi32>
        %parallel_loop3A_1482 = arith.minsi %parallel_loop3A_1481, %parallel_loop3A_1480 : vector<16xi32>
        %parallel_loop3A_1483 = arith.constant 0.000000e+00 : f32
        %parallel_loop3A_1484 = vector.broadcast %parallel_loop3A_1483 : f32 to vector<16xf32>
        %parallel_loop3A_1485 = arith.cmpf ogt, %parallel_loop3A_1453, %parallel_loop3A_1484 : vector<16xf32>
        %parallel_loop3A_1486 = arith.constant 0 : i32
        %parallel_loop3A_1487 = arith.constant 3840 : i32
        %parallel_loop3A_1488 = vector.broadcast %parallel_loop3A_1486 : i32 to vector<16xi32>
        %parallel_loop3A_1489 = vector.broadcast %parallel_loop3A_1487 : i32 to vector<16xi32>
        %parallel_loop3A_1490 = arith.select %parallel_loop3A_1485, %parallel_loop3A_1488, %parallel_loop3A_1489 : vector<16xi1>, vector<16xi32>
        %parallel_loop3A_1491 = arith.constant 768 : i32
        %parallel_loop3A_1492 = vector.broadcast %parallel_loop3A_1491 : i32 to vector<16xi32>
        %parallel_loop3A_1493 = arith.muli %parallel_loop3A_1482, %parallel_loop3A_1492 : vector<16xi32>
        %parallel_loop3A_1494 = arith.addi %parallel_loop3A_1490, %parallel_loop3A_1493 : vector<16xi32>
        %parallel_loop3A_1495 = arith.constant 32 : i32
        %parallel_loop3A_1496 = vector.broadcast %parallel_loop3A_1495 : i32 to vector<16xi32>
        %parallel_loop3A_1497 = arith.muli %parallel_loop3A_1473, %parallel_loop3A_1496 : vector<16xi32>
        %parallel_loop3A_1498 = arith.addi %parallel_loop3A_1494, %parallel_loop3A_1497 : vector<16xi32>
        %parallel_loop3A_1499 = arith.addi %parallel_loop3A_1498, %parallel_loop3A_1463 : vector<16xi32>
        %parallel_loop3A_1500 = arith.addi %parallel_loop3A_1499, %mul3A_71 : vector<16xi32>
        %parallel_loop3A_1501 = arith.constant 0 : i32
        %parallel_loop3A_1502 = arith.index_cast %parallel_loop3A_1031 : i32 to index
        %parallel_loop3A_1503 = arith.index_cast %parallel_loop3A_1501 : i32 to index
        %parallel_loop3A_1504 = arith.constant 112 : index
        %parallel_loop3A_1505 = tpu.vector_load %arg7[%parallel_loop3A_1502, %parallel_loop3A_1503, %parallel_loop3A_1504] {strides = array<i32>} : memref<61x4x128xf32, #tpu.memory_space<vmem>>, vector<16xf32>,
        %parallel_loop3A_1506 = arith.constant 1 : i32
        %parallel_loop3A_1507 = arith.index_cast %parallel_loop3A_1031 : i32 to index
        %parallel_loop3A_1508 = arith.index_cast %parallel_loop3A_1506 : i32 to index
        %parallel_loop3A_1509 = arith.constant 112 : index
        %parallel_loop3A_1510 = tpu.vector_load %arg7[%parallel_loop3A_1507, %parallel_loop3A_1508, %parallel_loop3A_1509] {strides = array<i32>} : memref<61x4x128xf32, #tpu.memory_space<vmem>>, vector<16xf32>,
        %parallel_loop3A_1511 = arith.constant 2 : i32
        %parallel_loop3A_1512 = arith.index_cast %parallel_loop3A_1031 : i32 to index
        %parallel_loop3A_1513 = arith.index_cast %parallel_loop3A_1511 : i32 to index
        %parallel_loop3A_1514 = arith.constant 112 : index
        %parallel_loop3A_1515 = tpu.vector_load %arg7[%parallel_loop3A_1512, %parallel_loop3A_1513, %parallel_loop3A_1514] {strides = array<i32>} : memref<61x4x128xf32, #tpu.memory_space<vmem>>, vector<16xf32>,
        %parallel_loop3A_1516 = arith.constant 3 : i32
        %parallel_loop3A_1517 = arith.index_cast %parallel_loop3A_1031 : i32 to index
        %parallel_loop3A_1518 = arith.index_cast %parallel_loop3A_1516 : i32 to index
        %parallel_loop3A_1519 = arith.constant 112 : index
        %parallel_loop3A_1520 = tpu.vector_load %arg7[%parallel_loop3A_1517, %parallel_loop3A_1518, %parallel_loop3A_1519] {strides = array<i32>} : memref<61x4x128xf32, #tpu.memory_space<vmem>>, vector<16xf32>,
        %parallel_loop3A_1521 = arith.constant 5.000000e-02 : f32
        %parallel_loop3A_1522 = vector.broadcast %parallel_loop3A_1521 : f32 to vector<16xf32>
        %parallel_loop3A_1523 = arith.mulf %parallel_loop3A_1505, %parallel_loop3A_1522 : vector<16xf32>
        %parallel_loop3A_1524 = arith.fptosi %parallel_loop3A_1523 : vector<16xf32> to vector<16xi32>
        %parallel_loop3A_1525 = arith.constant 0 : i32
        %parallel_loop3A_1526 = arith.constant 31 : i32
        %parallel_loop3A_1527 = vector.broadcast %parallel_loop3A_1525 : i32 to vector<16xi32>
        %parallel_loop3A_1528 = arith.maxsi %parallel_loop3A_1527, %parallel_loop3A_1524 : vector<16xi32>
        %parallel_loop3A_1529 = vector.broadcast %parallel_loop3A_1526 : i32 to vector<16xi32>
        %parallel_loop3A_1530 = arith.minsi %parallel_loop3A_1529, %parallel_loop3A_1528 : vector<16xi32>
        %parallel_loop3A_1531 = arith.constant 5.000000e-02 : f32
        %parallel_loop3A_1532 = vector.broadcast %parallel_loop3A_1531 : f32 to vector<16xf32>
        %parallel_loop3A_1533 = arith.mulf %parallel_loop3A_1510, %parallel_loop3A_1532 : vector<16xf32>
        %parallel_loop3A_1534 = arith.fptosi %parallel_loop3A_1533 : vector<16xf32> to vector<16xi32>
        %parallel_loop3A_1535 = arith.constant 0 : i32
        %parallel_loop3A_1536 = arith.constant 23 : i32
        %parallel_loop3A_1537 = vector.broadcast %parallel_loop3A_1535 : i32 to vector<16xi32>
        %parallel_loop3A_1538 = arith.maxsi %parallel_loop3A_1537, %parallel_loop3A_1534 : vector<16xi32>
        %parallel_loop3A_1539 = vector.broadcast %parallel_loop3A_1536 : i32 to vector<16xi32>
        %parallel_loop3A_1540 = arith.minsi %parallel_loop3A_1539, %parallel_loop3A_1538 : vector<16xi32>
        %parallel_loop3A_1541 = arith.subf %parallel_loop3A_1515, %select_n3A_428 : vector<16xf32>
        %parallel_loop3A_1542 = arith.mulf %parallel_loop3A_1541, %select_n3A_425 : vector<16xf32>
        %parallel_loop3A_1543 = arith.fptosi %parallel_loop3A_1542 : vector<16xf32> to vector<16xi32>
        %parallel_loop3A_1544 = arith.constant 0 : i32
        %parallel_loop3A_1545 = arith.constant 4 : i32
        %parallel_loop3A_1546 = vector.broadcast %parallel_loop3A_1544 : i32 to vector<16xi32>
        %parallel_loop3A_1547 = arith.maxsi %parallel_loop3A_1546, %parallel_loop3A_1543 : vector<16xi32>
        %parallel_loop3A_1548 = vector.broadcast %parallel_loop3A_1545 : i32 to vector<16xi32>
        %parallel_loop3A_1549 = arith.minsi %parallel_loop3A_1548, %parallel_loop3A_1547 : vector<16xi32>
        %parallel_loop3A_1550 = arith.constant 0.000000e+00 : f32
        %parallel_loop3A_1551 = vector.broadcast %parallel_loop3A_1550 : f32 to vector<16xf32>
        %parallel_loop3A_1552 = arith.cmpf ogt, %parallel_loop3A_1520, %parallel_loop3A_1551 : vector<16xf32>
        %parallel_loop3A_1553 = arith.constant 0 : i32
        %parallel_loop3A_1554 = arith.constant 3840 : i32
        %parallel_loop3A_1555 = vector.broadcast %parallel_loop3A_1553 : i32 to vector<16xi32>
        %parallel_loop3A_1556 = vector.broadcast %parallel_loop3A_1554 : i32 to vector<16xi32>
        %parallel_loop3A_1557 = arith.select %parallel_loop3A_1552, %parallel_loop3A_1555, %parallel_loop3A_1556 : vector<16xi1>, vector<16xi32>
        %parallel_loop3A_1558 = arith.constant 768 : i32
        %parallel_loop3A_1559 = vector.broadcast %parallel_loop3A_1558 : i32 to vector<16xi32>
        %parallel_loop3A_1560 = arith.muli %parallel_loop3A_1549, %parallel_loop3A_1559 : vector<16xi32>
        %parallel_loop3A_1561 = arith.addi %parallel_loop3A_1557, %parallel_loop3A_1560 : vector<16xi32>
        %parallel_loop3A_1562 = arith.constant 32 : i32
        %parallel_loop3A_1563 = vector.broadcast %parallel_loop3A_1562 : i32 to vector<16xi32>
        %parallel_loop3A_1564 = arith.muli %parallel_loop3A_1540, %parallel_loop3A_1563 : vector<16xi32>
        %parallel_loop3A_1565 = arith.addi %parallel_loop3A_1561, %parallel_loop3A_1564 : vector<16xi32>
        %parallel_loop3A_1566 = arith.addi %parallel_loop3A_1565, %parallel_loop3A_1530 : vector<16xi32>
        %parallel_loop3A_1567 = arith.addi %parallel_loop3A_1566, %mul3A_80 : vector<16xi32>
        tpu.vector_store_idx %arg6[%parallel_loop3A_1098], %broadcast_in_dim3A_9 {add = true} : memref<61448xf32, #tpu.memory_space<vmem>>[vector<16xi32>], vector<16xf32>,
        tpu.vector_store_idx %arg6[%parallel_loop3A_1165], %broadcast_in_dim3A_9 {add = true} : memref<61448xf32, #tpu.memory_space<vmem>>[vector<16xi32>], vector<16xf32>,
        tpu.vector_store_idx %arg6[%parallel_loop3A_1232], %broadcast_in_dim3A_9 {add = true} : memref<61448xf32, #tpu.memory_space<vmem>>[vector<16xi32>], vector<16xf32>,
        tpu.vector_store_idx %arg6[%parallel_loop3A_1299], %broadcast_in_dim3A_9 {add = true} : memref<61448xf32, #tpu.memory_space<vmem>>[vector<16xi32>], vector<16xf32>,
        tpu.vector_store_idx %arg6[%parallel_loop3A_1366], %broadcast_in_dim3A_9 {add = true} : memref<61448xf32, #tpu.memory_space<vmem>>[vector<16xi32>], vector<16xf32>,
        tpu.vector_store_idx %arg6[%parallel_loop3A_1433], %broadcast_in_dim3A_9 {add = true} : memref<61448xf32, #tpu.memory_space<vmem>>[vector<16xi32>], vector<16xf32>,
        tpu.vector_store_idx %arg6[%parallel_loop3A_1500], %broadcast_in_dim3A_9 {add = true} : memref<61448xf32, #tpu.memory_space<vmem>>[vector<16xi32>], vector<16xf32>,
        tpu.vector_store_idx %arg6[%parallel_loop3A_1567], %broadcast_in_dim3A_9 {add = true} : memref<61448xf32, #tpu.memory_space<vmem>>[vector<16xi32>], vector<16xf32>,
      } {sc.loop_unroll_factor = 2 : i64, sc.parallel_access}
      %add3A_1007 = arith.constant 2 : i32
      %add3A_1008 = arith.addi %mul3A_997, %add3A_1007 : i32
      %lt3A_1009 = arith.constant 16 : i32
      %lt3A_1010 = arith.cmpi slt, %add3A_1008, %lt3A_1009 : i32
      %convert_element_type3A_1011 = arith.extui %lt3A_1010 : i1 to i32
      %cond3A = arith.constant 0 : i32
      %cond3A_1012 = arith.cmpi ne, %convert_element_type3A_1011, %cond3A : i32
      scf.if %cond3A_1012 {
        %add3A_1031 = arith.constant 2 : i32
        %add3A_1032 = arith.addi %mul3A_997, %add3A_1031 : i32
        %mul3A_1033 = arith.constant 61 : i32
        %mul3A_1034 = arith.muli %add3A_1032, %mul3A_1033 : i32
        %add3A_1035 = arith.addi %add3A_4, %mul3A_1034 : i32
        %dma_start3A_1036 = arith.constant 0 : i32
        %dma_start3A_1037 = arith.constant 0 : i32
        %dma_start3A_1038 = tpu.memref_slice %arg2[%add3A_1035, %dma_start3A_1036, %dma_start3A_1037] : memref<31250x4x128xf32, #tpu.memory_space<hbm>> -> memref<61x4x128xf32, #tpu.memory_space<hbm>>
        %dma_start3A_1039 = arith.constant 0 : i32
        %dma_start3A_1040 = arith.constant 0 : i32
        %dma_start3A_1041 = tpu.memref_slice %arg2[%add3A_1035, %dma_start3A_1039, %dma_start3A_1040] : memref<31250x4x128xf32, #tpu.memory_space<hbm>> -> memref<61x4x128xf32, #tpu.memory_space<hbm>>
        tpu.enqueue_dma source(%dma_start3A_1041 : memref<61x4x128xf32, #tpu.memory_space<hbm>>) target(%arg7 : memref<61x4x128xf32, #tpu.memory_space<vmem>>) target_semaphore(%arg11 : memref<!tpu.dma_semaphore, #tpu.memory_space<semaphore_mem>>)
      } else {
      }
      %dma_wait3A_1013 = arith.constant 0 : i32
      %dma_wait3A_1014 = arith.constant 0 : i32
      %dma_wait3A_1015 = arith.constant 0 : i32
      %dma_wait3A_1016 = tpu.memref_slice %arg2[%dma_wait3A_1013, %dma_wait3A_1014, %dma_wait3A_1015] : memref<31250x4x128xf32, #tpu.memory_space<hbm>> -> memref<61x4x128xf32, #tpu.memory_space<hbm>>
      %dma_wait3A_1017 = arith.constant 0 : i32
      %dma_wait3A_1018 = arith.constant 0 : i32
      %dma_wait3A_1019 = arith.constant 0 : i32
      %dma_wait3A_1020 = tpu.memref_slice %arg2[%dma_wait3A_1017, %dma_wait3A_1018, %dma_wait3A_1019] : memref<31250x4x128xf32, #tpu.memory_space<hbm>> -> memref<61x4x128xf32, #tpu.memory_space<hbm>>
      tpu.wait_dma2 semaphore(%arg12 : memref<!tpu.dma_semaphore, #tpu.memory_space<semaphore_mem>>) src(%dma_wait3A_1020 : memref<61x4x128xf32, #tpu.memory_space<hbm>>) dst(%arg8 : memref<61x4x128xf32, #tpu.memory_space<vmem>>)
      %parallel_loop3A_1021 = arith.constant 0 : i32
      %parallel_loop3A_1022 = arith.constant 61 : i32
      %parallel_loop3A_1023 = arith.constant 1 : i32
      scf.for %parallel_loop3A_1031 = %parallel_loop3A_1021 to %parallel_loop3A_1022 step %parallel_loop3A_1023  : i32 {
        %parallel_loop3A_1032 = arith.constant 0 : i32
        %parallel_loop3A_1033 = arith.index_cast %parallel_loop3A_1031 : i32 to index
        %parallel_loop3A_1034 = arith.index_cast %parallel_loop3A_1032 : i32 to index
        %parallel_loop3A_1035 = arith.constant 0 : index
        %parallel_loop3A_1036 = tpu.vector_load %arg8[%parallel_loop3A_1033, %parallel_loop3A_1034, %parallel_loop3A_1035] {strides = array<i32>} : memref<61x4x128xf32, #tpu.memory_space<vmem>>, vector<16xf32>,
        %parallel_loop3A_1037 = arith.constant 1 : i32
        %parallel_loop3A_1038 = arith.index_cast %parallel_loop3A_1031 : i32 to index
        %parallel_loop3A_1039 = arith.index_cast %parallel_loop3A_1037 : i32 to index
        %parallel_loop3A_1040 = arith.constant 0 : index
        %parallel_loop3A_1041 = tpu.vector_load %arg8[%parallel_loop3A_1038, %parallel_loop3A_1039, %parallel_loop3A_1040] {strides = array<i32>} : memref<61x4x128xf32, #tpu.memory_space<vmem>>, vector<16xf32>,
        %parallel_loop3A_1042 = arith.constant 2 : i32
        %parallel_loop3A_1043 = arith.index_cast %parallel_loop3A_1031 : i32 to index
        %parallel_loop3A_1044 = arith.index_cast %parallel_loop3A_1042 : i32 to index
        %parallel_loop3A_1045 = arith.constant 0 : index
        %parallel_loop3A_1046 = tpu.vector_load %arg8[%parallel_loop3A_1043, %parallel_loop3A_1044, %parallel_loop3A_1045] {strides = array<i32>} : memref<61x4x128xf32, #tpu.memory_space<vmem>>, vector<16xf32>,
        %parallel_loop3A_1047 = arith.constant 3 : i32
        %parallel_loop3A_1048 = arith.index_cast %parallel_loop3A_1031 : i32 to index
        %parallel_loop3A_1049 = arith.index_cast %parallel_loop3A_1047 : i32 to index
        %parallel_loop3A_1050 = arith.constant 0 : index
        %parallel_loop3A_1051 = tpu.vector_load %arg8[%parallel_loop3A_1048, %parallel_loop3A_1049, %parallel_loop3A_1050] {strides = array<i32>} : memref<61x4x128xf32, #tpu.memory_space<vmem>>, vector<16xf32>,
        %parallel_loop3A_1052 = arith.constant 5.000000e-02 : f32
        %parallel_loop3A_1053 = vector.broadcast %parallel_loop3A_1052 : f32 to vector<16xf32>
        %parallel_loop3A_1054 = arith.mulf %parallel_loop3A_1036, %parallel_loop3A_1053 : vector<16xf32>
        %parallel_loop3A_1055 = arith.fptosi %parallel_loop3A_1054 : vector<16xf32> to vector<16xi32>
        %parallel_loop3A_1056 = arith.constant 0 : i32
        %parallel_loop3A_1057 = arith.constant 31 : i32
        %parallel_loop3A_1058 = vector.broadcast %parallel_loop3A_1056 : i32 to vector<16xi32>
        %parallel_loop3A_1059 = arith.maxsi %parallel_loop3A_1058, %parallel_loop3A_1055 : vector<16xi32>
        %parallel_loop3A_1060 = vector.broadcast %parallel_loop3A_1057 : i32 to vector<16xi32>
        %parallel_loop3A_1061 = arith.minsi %parallel_loop3A_1060, %parallel_loop3A_1059 : vector<16xi32>
        %parallel_loop3A_1062 = arith.constant 5.000000e-02 : f32
        %parallel_loop3A_1063 = vector.broadcast %parallel_loop3A_1062 : f32 to vector<16xf32>
        %parallel_loop3A_1064 = arith.mulf %parallel_loop3A_1041, %parallel_loop3A_1063 : vector<16xf32>
        %parallel_loop3A_1065 = arith.fptosi %parallel_loop3A_1064 : vector<16xf32> to vector<16xi32>
        %parallel_loop3A_1066 = arith.constant 0 : i32
        %parallel_loop3A_1067 = arith.constant 23 : i32
        %parallel_loop3A_1068 = vector.broadcast %parallel_loop3A_1066 : i32 to vector<16xi32>
        %parallel_loop3A_1069 = arith.maxsi %parallel_loop3A_1068, %parallel_loop3A_1065 : vector<16xi32>
        %parallel_loop3A_1070 = vector.broadcast %parallel_loop3A_1067 : i32 to vector<16xi32>
        %parallel_loop3A_1071 = arith.minsi %parallel_loop3A_1070, %parallel_loop3A_1069 : vector<16xi32>
        %parallel_loop3A_1072 = arith.subf %parallel_loop3A_1046, %select_n3A_428 : vector<16xf32>
        %parallel_loop3A_1073 = arith.mulf %parallel_loop3A_1072, %select_n3A_425 : vector<16xf32>
        %parallel_loop3A_1074 = arith.fptosi %parallel_loop3A_1073 : vector<16xf32> to vector<16xi32>
        %parallel_loop3A_1075 = arith.constant 0 : i32
        %parallel_loop3A_1076 = arith.constant 4 : i32
        %parallel_loop3A_1077 = vector.broadcast %parallel_loop3A_1075 : i32 to vector<16xi32>
        %parallel_loop3A_1078 = arith.maxsi %parallel_loop3A_1077, %parallel_loop3A_1074 : vector<16xi32>
        %parallel_loop3A_1079 = vector.broadcast %parallel_loop3A_1076 : i32 to vector<16xi32>
        %parallel_loop3A_1080 = arith.minsi %parallel_loop3A_1079, %parallel_loop3A_1078 : vector<16xi32>
        %parallel_loop3A_1081 = arith.constant 0.000000e+00 : f32
        %parallel_loop3A_1082 = vector.broadcast %parallel_loop3A_1081 : f32 to vector<16xf32>
        %parallel_loop3A_1083 = arith.cmpf ogt, %parallel_loop3A_1051, %parallel_loop3A_1082 : vector<16xf32>
        %parallel_loop3A_1084 = arith.constant 0 : i32
        %parallel_loop3A_1085 = arith.constant 3840 : i32
        %parallel_loop3A_1086 = vector.broadcast %parallel_loop3A_1084 : i32 to vector<16xi32>
        %parallel_loop3A_1087 = vector.broadcast %parallel_loop3A_1085 : i32 to vector<16xi32>
        %parallel_loop3A_1088 = arith.select %parallel_loop3A_1083, %parallel_loop3A_1086, %parallel_loop3A_1087 : vector<16xi1>, vector<16xi32>
        %parallel_loop3A_1089 = arith.constant 768 : i32
        %parallel_loop3A_1090 = vector.broadcast %parallel_loop3A_1089 : i32 to vector<16xi32>
        %parallel_loop3A_1091 = arith.muli %parallel_loop3A_1080, %parallel_loop3A_1090 : vector<16xi32>
        %parallel_loop3A_1092 = arith.addi %parallel_loop3A_1088, %parallel_loop3A_1091 : vector<16xi32>
        %parallel_loop3A_1093 = arith.constant 32 : i32
        %parallel_loop3A_1094 = vector.broadcast %parallel_loop3A_1093 : i32 to vector<16xi32>
        %parallel_loop3A_1095 = arith.muli %parallel_loop3A_1071, %parallel_loop3A_1094 : vector<16xi32>
        %parallel_loop3A_1096 = arith.addi %parallel_loop3A_1092, %parallel_loop3A_1095 : vector<16xi32>
        %parallel_loop3A_1097 = arith.addi %parallel_loop3A_1096, %parallel_loop3A_1061 : vector<16xi32>
        %parallel_loop3A_1098 = arith.addi %parallel_loop3A_1097, %mul3A_17 : vector<16xi32>
        %parallel_loop3A_1099 = arith.constant 0 : i32
        %parallel_loop3A_1100 = arith.index_cast %parallel_loop3A_1031 : i32 to index
        %parallel_loop3A_1101 = arith.index_cast %parallel_loop3A_1099 : i32 to index
        %parallel_loop3A_1102 = arith.constant 16 : index
        %parallel_loop3A_1103 = tpu.vector_load %arg8[%parallel_loop3A_1100, %parallel_loop3A_1101, %parallel_loop3A_1102] {strides = array<i32>} : memref<61x4x128xf32, #tpu.memory_space<vmem>>, vector<16xf32>,
        %parallel_loop3A_1104 = arith.constant 1 : i32
        %parallel_loop3A_1105 = arith.index_cast %parallel_loop3A_1031 : i32 to index
        %parallel_loop3A_1106 = arith.index_cast %parallel_loop3A_1104 : i32 to index
        %parallel_loop3A_1107 = arith.constant 16 : index
        %parallel_loop3A_1108 = tpu.vector_load %arg8[%parallel_loop3A_1105, %parallel_loop3A_1106, %parallel_loop3A_1107] {strides = array<i32>} : memref<61x4x128xf32, #tpu.memory_space<vmem>>, vector<16xf32>,
        %parallel_loop3A_1109 = arith.constant 2 : i32
        %parallel_loop3A_1110 = arith.index_cast %parallel_loop3A_1031 : i32 to index
        %parallel_loop3A_1111 = arith.index_cast %parallel_loop3A_1109 : i32 to index
        %parallel_loop3A_1112 = arith.constant 16 : index
        %parallel_loop3A_1113 = tpu.vector_load %arg8[%parallel_loop3A_1110, %parallel_loop3A_1111, %parallel_loop3A_1112] {strides = array<i32>} : memref<61x4x128xf32, #tpu.memory_space<vmem>>, vector<16xf32>,
        %parallel_loop3A_1114 = arith.constant 3 : i32
        %parallel_loop3A_1115 = arith.index_cast %parallel_loop3A_1031 : i32 to index
        %parallel_loop3A_1116 = arith.index_cast %parallel_loop3A_1114 : i32 to index
        %parallel_loop3A_1117 = arith.constant 16 : index
        %parallel_loop3A_1118 = tpu.vector_load %arg8[%parallel_loop3A_1115, %parallel_loop3A_1116, %parallel_loop3A_1117] {strides = array<i32>} : memref<61x4x128xf32, #tpu.memory_space<vmem>>, vector<16xf32>,
        %parallel_loop3A_1119 = arith.constant 5.000000e-02 : f32
        %parallel_loop3A_1120 = vector.broadcast %parallel_loop3A_1119 : f32 to vector<16xf32>
        %parallel_loop3A_1121 = arith.mulf %parallel_loop3A_1103, %parallel_loop3A_1120 : vector<16xf32>
        %parallel_loop3A_1122 = arith.fptosi %parallel_loop3A_1121 : vector<16xf32> to vector<16xi32>
        %parallel_loop3A_1123 = arith.constant 0 : i32
        %parallel_loop3A_1124 = arith.constant 31 : i32
        %parallel_loop3A_1125 = vector.broadcast %parallel_loop3A_1123 : i32 to vector<16xi32>
        %parallel_loop3A_1126 = arith.maxsi %parallel_loop3A_1125, %parallel_loop3A_1122 : vector<16xi32>
        %parallel_loop3A_1127 = vector.broadcast %parallel_loop3A_1124 : i32 to vector<16xi32>
        %parallel_loop3A_1128 = arith.minsi %parallel_loop3A_1127, %parallel_loop3A_1126 : vector<16xi32>
        %parallel_loop3A_1129 = arith.constant 5.000000e-02 : f32
        %parallel_loop3A_1130 = vector.broadcast %parallel_loop3A_1129 : f32 to vector<16xf32>
        %parallel_loop3A_1131 = arith.mulf %parallel_loop3A_1108, %parallel_loop3A_1130 : vector<16xf32>
        %parallel_loop3A_1132 = arith.fptosi %parallel_loop3A_1131 : vector<16xf32> to vector<16xi32>
        %parallel_loop3A_1133 = arith.constant 0 : i32
        %parallel_loop3A_1134 = arith.constant 23 : i32
        %parallel_loop3A_1135 = vector.broadcast %parallel_loop3A_1133 : i32 to vector<16xi32>
        %parallel_loop3A_1136 = arith.maxsi %parallel_loop3A_1135, %parallel_loop3A_1132 : vector<16xi32>
        %parallel_loop3A_1137 = vector.broadcast %parallel_loop3A_1134 : i32 to vector<16xi32>
        %parallel_loop3A_1138 = arith.minsi %parallel_loop3A_1137, %parallel_loop3A_1136 : vector<16xi32>
        %parallel_loop3A_1139 = arith.subf %parallel_loop3A_1113, %select_n3A_428 : vector<16xf32>
        %parallel_loop3A_1140 = arith.mulf %parallel_loop3A_1139, %select_n3A_425 : vector<16xf32>
        %parallel_loop3A_1141 = arith.fptosi %parallel_loop3A_1140 : vector<16xf32> to vector<16xi32>
        %parallel_loop3A_1142 = arith.constant 0 : i32
        %parallel_loop3A_1143 = arith.constant 4 : i32
        %parallel_loop3A_1144 = vector.broadcast %parallel_loop3A_1142 : i32 to vector<16xi32>
        %parallel_loop3A_1145 = arith.maxsi %parallel_loop3A_1144, %parallel_loop3A_1141 : vector<16xi32>
        %parallel_loop3A_1146 = vector.broadcast %parallel_loop3A_1143 : i32 to vector<16xi32>
        %parallel_loop3A_1147 = arith.minsi %parallel_loop3A_1146, %parallel_loop3A_1145 : vector<16xi32>
        %parallel_loop3A_1148 = arith.constant 0.000000e+00 : f32
        %parallel_loop3A_1149 = vector.broadcast %parallel_loop3A_1148 : f32 to vector<16xf32>
        %parallel_loop3A_1150 = arith.cmpf ogt, %parallel_loop3A_1118, %parallel_loop3A_1149 : vector<16xf32>
        %parallel_loop3A_1151 = arith.constant 0 : i32
        %parallel_loop3A_1152 = arith.constant 3840 : i32
        %parallel_loop3A_1153 = vector.broadcast %parallel_loop3A_1151 : i32 to vector<16xi32>
        %parallel_loop3A_1154 = vector.broadcast %parallel_loop3A_1152 : i32 to vector<16xi32>
        %parallel_loop3A_1155 = arith.select %parallel_loop3A_1150, %parallel_loop3A_1153, %parallel_loop3A_1154 : vector<16xi1>, vector<16xi32>
        %parallel_loop3A_1156 = arith.constant 768 : i32
        %parallel_loop3A_1157 = vector.broadcast %parallel_loop3A_1156 : i32 to vector<16xi32>
        %parallel_loop3A_1158 = arith.muli %parallel_loop3A_1147, %parallel_loop3A_1157 : vector<16xi32>
        %parallel_loop3A_1159 = arith.addi %parallel_loop3A_1155, %parallel_loop3A_1158 : vector<16xi32>
        %parallel_loop3A_1160 = arith.constant 32 : i32
        %parallel_loop3A_1161 = vector.broadcast %parallel_loop3A_1160 : i32 to vector<16xi32>
        %parallel_loop3A_1162 = arith.muli %parallel_loop3A_1138, %parallel_loop3A_1161 : vector<16xi32>
        %parallel_loop3A_1163 = arith.addi %parallel_loop3A_1159, %parallel_loop3A_1162 : vector<16xi32>
        %parallel_loop3A_1164 = arith.addi %parallel_loop3A_1163, %parallel_loop3A_1128 : vector<16xi32>
        %parallel_loop3A_1165 = arith.addi %parallel_loop3A_1164, %mul3A_26 : vector<16xi32>
        %parallel_loop3A_1166 = arith.constant 0 : i32
        %parallel_loop3A_1167 = arith.index_cast %parallel_loop3A_1031 : i32 to index
        %parallel_loop3A_1168 = arith.index_cast %parallel_loop3A_1166 : i32 to index
        %parallel_loop3A_1169 = arith.constant 32 : index
        %parallel_loop3A_1170 = tpu.vector_load %arg8[%parallel_loop3A_1167, %parallel_loop3A_1168, %parallel_loop3A_1169] {strides = array<i32>} : memref<61x4x128xf32, #tpu.memory_space<vmem>>, vector<16xf32>,
        %parallel_loop3A_1171 = arith.constant 1 : i32
        %parallel_loop3A_1172 = arith.index_cast %parallel_loop3A_1031 : i32 to index
        %parallel_loop3A_1173 = arith.index_cast %parallel_loop3A_1171 : i32 to index
        %parallel_loop3A_1174 = arith.constant 32 : index
        %parallel_loop3A_1175 = tpu.vector_load %arg8[%parallel_loop3A_1172, %parallel_loop3A_1173, %parallel_loop3A_1174] {strides = array<i32>} : memref<61x4x128xf32, #tpu.memory_space<vmem>>, vector<16xf32>,
        %parallel_loop3A_1176 = arith.constant 2 : i32
        %parallel_loop3A_1177 = arith.index_cast %parallel_loop3A_1031 : i32 to index
        %parallel_loop3A_1178 = arith.index_cast %parallel_loop3A_1176 : i32 to index
        %parallel_loop3A_1179 = arith.constant 32 : index
        %parallel_loop3A_1180 = tpu.vector_load %arg8[%parallel_loop3A_1177, %parallel_loop3A_1178, %parallel_loop3A_1179] {strides = array<i32>} : memref<61x4x128xf32, #tpu.memory_space<vmem>>, vector<16xf32>,
        %parallel_loop3A_1181 = arith.constant 3 : i32
        %parallel_loop3A_1182 = arith.index_cast %parallel_loop3A_1031 : i32 to index
        %parallel_loop3A_1183 = arith.index_cast %parallel_loop3A_1181 : i32 to index
        %parallel_loop3A_1184 = arith.constant 32 : index
        %parallel_loop3A_1185 = tpu.vector_load %arg8[%parallel_loop3A_1182, %parallel_loop3A_1183, %parallel_loop3A_1184] {strides = array<i32>} : memref<61x4x128xf32, #tpu.memory_space<vmem>>, vector<16xf32>,
        %parallel_loop3A_1186 = arith.constant 5.000000e-02 : f32
        %parallel_loop3A_1187 = vector.broadcast %parallel_loop3A_1186 : f32 to vector<16xf32>
        %parallel_loop3A_1188 = arith.mulf %parallel_loop3A_1170, %parallel_loop3A_1187 : vector<16xf32>
        %parallel_loop3A_1189 = arith.fptosi %parallel_loop3A_1188 : vector<16xf32> to vector<16xi32>
        %parallel_loop3A_1190 = arith.constant 0 : i32
        %parallel_loop3A_1191 = arith.constant 31 : i32
        %parallel_loop3A_1192 = vector.broadcast %parallel_loop3A_1190 : i32 to vector<16xi32>
        %parallel_loop3A_1193 = arith.maxsi %parallel_loop3A_1192, %parallel_loop3A_1189 : vector<16xi32>
        %parallel_loop3A_1194 = vector.broadcast %parallel_loop3A_1191 : i32 to vector<16xi32>
        %parallel_loop3A_1195 = arith.minsi %parallel_loop3A_1194, %parallel_loop3A_1193 : vector<16xi32>
        %parallel_loop3A_1196 = arith.constant 5.000000e-02 : f32
        %parallel_loop3A_1197 = vector.broadcast %parallel_loop3A_1196 : f32 to vector<16xf32>
        %parallel_loop3A_1198 = arith.mulf %parallel_loop3A_1175, %parallel_loop3A_1197 : vector<16xf32>
        %parallel_loop3A_1199 = arith.fptosi %parallel_loop3A_1198 : vector<16xf32> to vector<16xi32>
        %parallel_loop3A_1200 = arith.constant 0 : i32
        %parallel_loop3A_1201 = arith.constant 23 : i32
        %parallel_loop3A_1202 = vector.broadcast %parallel_loop3A_1200 : i32 to vector<16xi32>
        %parallel_loop3A_1203 = arith.maxsi %parallel_loop3A_1202, %parallel_loop3A_1199 : vector<16xi32>
        %parallel_loop3A_1204 = vector.broadcast %parallel_loop3A_1201 : i32 to vector<16xi32>
        %parallel_loop3A_1205 = arith.minsi %parallel_loop3A_1204, %parallel_loop3A_1203 : vector<16xi32>
        %parallel_loop3A_1206 = arith.subf %parallel_loop3A_1180, %select_n3A_428 : vector<16xf32>
        %parallel_loop3A_1207 = arith.mulf %parallel_loop3A_1206, %select_n3A_425 : vector<16xf32>
        %parallel_loop3A_1208 = arith.fptosi %parallel_loop3A_1207 : vector<16xf32> to vector<16xi32>
        %parallel_loop3A_1209 = arith.constant 0 : i32
        %parallel_loop3A_1210 = arith.constant 4 : i32
        %parallel_loop3A_1211 = vector.broadcast %parallel_loop3A_1209 : i32 to vector<16xi32>
        %parallel_loop3A_1212 = arith.maxsi %parallel_loop3A_1211, %parallel_loop3A_1208 : vector<16xi32>
        %parallel_loop3A_1213 = vector.broadcast %parallel_loop3A_1210 : i32 to vector<16xi32>
        %parallel_loop3A_1214 = arith.minsi %parallel_loop3A_1213, %parallel_loop3A_1212 : vector<16xi32>
        %parallel_loop3A_1215 = arith.constant 0.000000e+00 : f32
        %parallel_loop3A_1216 = vector.broadcast %parallel_loop3A_1215 : f32 to vector<16xf32>
        %parallel_loop3A_1217 = arith.cmpf ogt, %parallel_loop3A_1185, %parallel_loop3A_1216 : vector<16xf32>
        %parallel_loop3A_1218 = arith.constant 0 : i32
        %parallel_loop3A_1219 = arith.constant 3840 : i32
        %parallel_loop3A_1220 = vector.broadcast %parallel_loop3A_1218 : i32 to vector<16xi32>
        %parallel_loop3A_1221 = vector.broadcast %parallel_loop3A_1219 : i32 to vector<16xi32>
        %parallel_loop3A_1222 = arith.select %parallel_loop3A_1217, %parallel_loop3A_1220, %parallel_loop3A_1221 : vector<16xi1>, vector<16xi32>
        %parallel_loop3A_1223 = arith.constant 768 : i32
        %parallel_loop3A_1224 = vector.broadcast %parallel_loop3A_1223 : i32 to vector<16xi32>
        %parallel_loop3A_1225 = arith.muli %parallel_loop3A_1214, %parallel_loop3A_1224 : vector<16xi32>
        %parallel_loop3A_1226 = arith.addi %parallel_loop3A_1222, %parallel_loop3A_1225 : vector<16xi32>
        %parallel_loop3A_1227 = arith.constant 32 : i32
        %parallel_loop3A_1228 = vector.broadcast %parallel_loop3A_1227 : i32 to vector<16xi32>
        %parallel_loop3A_1229 = arith.muli %parallel_loop3A_1205, %parallel_loop3A_1228 : vector<16xi32>
        %parallel_loop3A_1230 = arith.addi %parallel_loop3A_1226, %parallel_loop3A_1229 : vector<16xi32>
        %parallel_loop3A_1231 = arith.addi %parallel_loop3A_1230, %parallel_loop3A_1195 : vector<16xi32>
        %parallel_loop3A_1232 = arith.addi %parallel_loop3A_1231, %mul3A_35 : vector<16xi32>
        %parallel_loop3A_1233 = arith.constant 0 : i32
        %parallel_loop3A_1234 = arith.index_cast %parallel_loop3A_1031 : i32 to index
        %parallel_loop3A_1235 = arith.index_cast %parallel_loop3A_1233 : i32 to index
        %parallel_loop3A_1236 = arith.constant 48 : index
        %parallel_loop3A_1237 = tpu.vector_load %arg8[%parallel_loop3A_1234, %parallel_loop3A_1235, %parallel_loop3A_1236] {strides = array<i32>} : memref<61x4x128xf32, #tpu.memory_space<vmem>>, vector<16xf32>,
        %parallel_loop3A_1238 = arith.constant 1 : i32
        %parallel_loop3A_1239 = arith.index_cast %parallel_loop3A_1031 : i32 to index
        %parallel_loop3A_1240 = arith.index_cast %parallel_loop3A_1238 : i32 to index
        %parallel_loop3A_1241 = arith.constant 48 : index
        %parallel_loop3A_1242 = tpu.vector_load %arg8[%parallel_loop3A_1239, %parallel_loop3A_1240, %parallel_loop3A_1241] {strides = array<i32>} : memref<61x4x128xf32, #tpu.memory_space<vmem>>, vector<16xf32>,
        %parallel_loop3A_1243 = arith.constant 2 : i32
        %parallel_loop3A_1244 = arith.index_cast %parallel_loop3A_1031 : i32 to index
        %parallel_loop3A_1245 = arith.index_cast %parallel_loop3A_1243 : i32 to index
        %parallel_loop3A_1246 = arith.constant 48 : index
        %parallel_loop3A_1247 = tpu.vector_load %arg8[%parallel_loop3A_1244, %parallel_loop3A_1245, %parallel_loop3A_1246] {strides = array<i32>} : memref<61x4x128xf32, #tpu.memory_space<vmem>>, vector<16xf32>,
        %parallel_loop3A_1248 = arith.constant 3 : i32
        %parallel_loop3A_1249 = arith.index_cast %parallel_loop3A_1031 : i32 to index
        %parallel_loop3A_1250 = arith.index_cast %parallel_loop3A_1248 : i32 to index
        %parallel_loop3A_1251 = arith.constant 48 : index
        %parallel_loop3A_1252 = tpu.vector_load %arg8[%parallel_loop3A_1249, %parallel_loop3A_1250, %parallel_loop3A_1251] {strides = array<i32>} : memref<61x4x128xf32, #tpu.memory_space<vmem>>, vector<16xf32>,
        %parallel_loop3A_1253 = arith.constant 5.000000e-02 : f32
        %parallel_loop3A_1254 = vector.broadcast %parallel_loop3A_1253 : f32 to vector<16xf32>
        %parallel_loop3A_1255 = arith.mulf %parallel_loop3A_1237, %parallel_loop3A_1254 : vector<16xf32>
        %parallel_loop3A_1256 = arith.fptosi %parallel_loop3A_1255 : vector<16xf32> to vector<16xi32>
        %parallel_loop3A_1257 = arith.constant 0 : i32
        %parallel_loop3A_1258 = arith.constant 31 : i32
        %parallel_loop3A_1259 = vector.broadcast %parallel_loop3A_1257 : i32 to vector<16xi32>
        %parallel_loop3A_1260 = arith.maxsi %parallel_loop3A_1259, %parallel_loop3A_1256 : vector<16xi32>
        %parallel_loop3A_1261 = vector.broadcast %parallel_loop3A_1258 : i32 to vector<16xi32>
        %parallel_loop3A_1262 = arith.minsi %parallel_loop3A_1261, %parallel_loop3A_1260 : vector<16xi32>
        %parallel_loop3A_1263 = arith.constant 5.000000e-02 : f32
        %parallel_loop3A_1264 = vector.broadcast %parallel_loop3A_1263 : f32 to vector<16xf32>
        %parallel_loop3A_1265 = arith.mulf %parallel_loop3A_1242, %parallel_loop3A_1264 : vector<16xf32>
        %parallel_loop3A_1266 = arith.fptosi %parallel_loop3A_1265 : vector<16xf32> to vector<16xi32>
        %parallel_loop3A_1267 = arith.constant 0 : i32
        %parallel_loop3A_1268 = arith.constant 23 : i32
        %parallel_loop3A_1269 = vector.broadcast %parallel_loop3A_1267 : i32 to vector<16xi32>
        %parallel_loop3A_1270 = arith.maxsi %parallel_loop3A_1269, %parallel_loop3A_1266 : vector<16xi32>
        %parallel_loop3A_1271 = vector.broadcast %parallel_loop3A_1268 : i32 to vector<16xi32>
        %parallel_loop3A_1272 = arith.minsi %parallel_loop3A_1271, %parallel_loop3A_1270 : vector<16xi32>
        %parallel_loop3A_1273 = arith.subf %parallel_loop3A_1247, %select_n3A_428 : vector<16xf32>
        %parallel_loop3A_1274 = arith.mulf %parallel_loop3A_1273, %select_n3A_425 : vector<16xf32>
        %parallel_loop3A_1275 = arith.fptosi %parallel_loop3A_1274 : vector<16xf32> to vector<16xi32>
        %parallel_loop3A_1276 = arith.constant 0 : i32
        %parallel_loop3A_1277 = arith.constant 4 : i32
        %parallel_loop3A_1278 = vector.broadcast %parallel_loop3A_1276 : i32 to vector<16xi32>
        %parallel_loop3A_1279 = arith.maxsi %parallel_loop3A_1278, %parallel_loop3A_1275 : vector<16xi32>
        %parallel_loop3A_1280 = vector.broadcast %parallel_loop3A_1277 : i32 to vector<16xi32>
        %parallel_loop3A_1281 = arith.minsi %parallel_loop3A_1280, %parallel_loop3A_1279 : vector<16xi32>
        %parallel_loop3A_1282 = arith.constant 0.000000e+00 : f32
        %parallel_loop3A_1283 = vector.broadcast %parallel_loop3A_1282 : f32 to vector<16xf32>
        %parallel_loop3A_1284 = arith.cmpf ogt, %parallel_loop3A_1252, %parallel_loop3A_1283 : vector<16xf32>
        %parallel_loop3A_1285 = arith.constant 0 : i32
        %parallel_loop3A_1286 = arith.constant 3840 : i32
        %parallel_loop3A_1287 = vector.broadcast %parallel_loop3A_1285 : i32 to vector<16xi32>
        %parallel_loop3A_1288 = vector.broadcast %parallel_loop3A_1286 : i32 to vector<16xi32>
        %parallel_loop3A_1289 = arith.select %parallel_loop3A_1284, %parallel_loop3A_1287, %parallel_loop3A_1288 : vector<16xi1>, vector<16xi32>
        %parallel_loop3A_1290 = arith.constant 768 : i32
        %parallel_loop3A_1291 = vector.broadcast %parallel_loop3A_1290 : i32 to vector<16xi32>
        %parallel_loop3A_1292 = arith.muli %parallel_loop3A_1281, %parallel_loop3A_1291 : vector<16xi32>
        %parallel_loop3A_1293 = arith.addi %parallel_loop3A_1289, %parallel_loop3A_1292 : vector<16xi32>
        %parallel_loop3A_1294 = arith.constant 32 : i32
        %parallel_loop3A_1295 = vector.broadcast %parallel_loop3A_1294 : i32 to vector<16xi32>
        %parallel_loop3A_1296 = arith.muli %parallel_loop3A_1272, %parallel_loop3A_1295 : vector<16xi32>
        %parallel_loop3A_1297 = arith.addi %parallel_loop3A_1293, %parallel_loop3A_1296 : vector<16xi32>
        %parallel_loop3A_1298 = arith.addi %parallel_loop3A_1297, %parallel_loop3A_1262 : vector<16xi32>
        %parallel_loop3A_1299 = arith.addi %parallel_loop3A_1298, %mul3A_44 : vector<16xi32>
        %parallel_loop3A_1300 = arith.constant 0 : i32
        %parallel_loop3A_1301 = arith.index_cast %parallel_loop3A_1031 : i32 to index
        %parallel_loop3A_1302 = arith.index_cast %parallel_loop3A_1300 : i32 to index
        %parallel_loop3A_1303 = arith.constant 64 : index
        %parallel_loop3A_1304 = tpu.vector_load %arg8[%parallel_loop3A_1301, %parallel_loop3A_1302, %parallel_loop3A_1303] {strides = array<i32>} : memref<61x4x128xf32, #tpu.memory_space<vmem>>, vector<16xf32>,
        %parallel_loop3A_1305 = arith.constant 1 : i32
        %parallel_loop3A_1306 = arith.index_cast %parallel_loop3A_1031 : i32 to index
        %parallel_loop3A_1307 = arith.index_cast %parallel_loop3A_1305 : i32 to index
        %parallel_loop3A_1308 = arith.constant 64 : index
        %parallel_loop3A_1309 = tpu.vector_load %arg8[%parallel_loop3A_1306, %parallel_loop3A_1307, %parallel_loop3A_1308] {strides = array<i32>} : memref<61x4x128xf32, #tpu.memory_space<vmem>>, vector<16xf32>,
        %parallel_loop3A_1310 = arith.constant 2 : i32
        %parallel_loop3A_1311 = arith.index_cast %parallel_loop3A_1031 : i32 to index
        %parallel_loop3A_1312 = arith.index_cast %parallel_loop3A_1310 : i32 to index
        %parallel_loop3A_1313 = arith.constant 64 : index
        %parallel_loop3A_1314 = tpu.vector_load %arg8[%parallel_loop3A_1311, %parallel_loop3A_1312, %parallel_loop3A_1313] {strides = array<i32>} : memref<61x4x128xf32, #tpu.memory_space<vmem>>, vector<16xf32>,
        %parallel_loop3A_1315 = arith.constant 3 : i32
        %parallel_loop3A_1316 = arith.index_cast %parallel_loop3A_1031 : i32 to index
        %parallel_loop3A_1317 = arith.index_cast %parallel_loop3A_1315 : i32 to index
        %parallel_loop3A_1318 = arith.constant 64 : index
        %parallel_loop3A_1319 = tpu.vector_load %arg8[%parallel_loop3A_1316, %parallel_loop3A_1317, %parallel_loop3A_1318] {strides = array<i32>} : memref<61x4x128xf32, #tpu.memory_space<vmem>>, vector<16xf32>,
        %parallel_loop3A_1320 = arith.constant 5.000000e-02 : f32
        %parallel_loop3A_1321 = vector.broadcast %parallel_loop3A_1320 : f32 to vector<16xf32>
        %parallel_loop3A_1322 = arith.mulf %parallel_loop3A_1304, %parallel_loop3A_1321 : vector<16xf32>
        %parallel_loop3A_1323 = arith.fptosi %parallel_loop3A_1322 : vector<16xf32> to vector<16xi32>
        %parallel_loop3A_1324 = arith.constant 0 : i32
        %parallel_loop3A_1325 = arith.constant 31 : i32
        %parallel_loop3A_1326 = vector.broadcast %parallel_loop3A_1324 : i32 to vector<16xi32>
        %parallel_loop3A_1327 = arith.maxsi %parallel_loop3A_1326, %parallel_loop3A_1323 : vector<16xi32>
        %parallel_loop3A_1328 = vector.broadcast %parallel_loop3A_1325 : i32 to vector<16xi32>
        %parallel_loop3A_1329 = arith.minsi %parallel_loop3A_1328, %parallel_loop3A_1327 : vector<16xi32>
        %parallel_loop3A_1330 = arith.constant 5.000000e-02 : f32
        %parallel_loop3A_1331 = vector.broadcast %parallel_loop3A_1330 : f32 to vector<16xf32>
        %parallel_loop3A_1332 = arith.mulf %parallel_loop3A_1309, %parallel_loop3A_1331 : vector<16xf32>
        %parallel_loop3A_1333 = arith.fptosi %parallel_loop3A_1332 : vector<16xf32> to vector<16xi32>
        %parallel_loop3A_1334 = arith.constant 0 : i32
        %parallel_loop3A_1335 = arith.constant 23 : i32
        %parallel_loop3A_1336 = vector.broadcast %parallel_loop3A_1334 : i32 to vector<16xi32>
        %parallel_loop3A_1337 = arith.maxsi %parallel_loop3A_1336, %parallel_loop3A_1333 : vector<16xi32>
        %parallel_loop3A_1338 = vector.broadcast %parallel_loop3A_1335 : i32 to vector<16xi32>
        %parallel_loop3A_1339 = arith.minsi %parallel_loop3A_1338, %parallel_loop3A_1337 : vector<16xi32>
        %parallel_loop3A_1340 = arith.subf %parallel_loop3A_1314, %select_n3A_428 : vector<16xf32>
        %parallel_loop3A_1341 = arith.mulf %parallel_loop3A_1340, %select_n3A_425 : vector<16xf32>
        %parallel_loop3A_1342 = arith.fptosi %parallel_loop3A_1341 : vector<16xf32> to vector<16xi32>
        %parallel_loop3A_1343 = arith.constant 0 : i32
        %parallel_loop3A_1344 = arith.constant 4 : i32
        %parallel_loop3A_1345 = vector.broadcast %parallel_loop3A_1343 : i32 to vector<16xi32>
        %parallel_loop3A_1346 = arith.maxsi %parallel_loop3A_1345, %parallel_loop3A_1342 : vector<16xi32>
        %parallel_loop3A_1347 = vector.broadcast %parallel_loop3A_1344 : i32 to vector<16xi32>
        %parallel_loop3A_1348 = arith.minsi %parallel_loop3A_1347, %parallel_loop3A_1346 : vector<16xi32>
        %parallel_loop3A_1349 = arith.constant 0.000000e+00 : f32
        %parallel_loop3A_1350 = vector.broadcast %parallel_loop3A_1349 : f32 to vector<16xf32>
        %parallel_loop3A_1351 = arith.cmpf ogt, %parallel_loop3A_1319, %parallel_loop3A_1350 : vector<16xf32>
        %parallel_loop3A_1352 = arith.constant 0 : i32
        %parallel_loop3A_1353 = arith.constant 3840 : i32
        %parallel_loop3A_1354 = vector.broadcast %parallel_loop3A_1352 : i32 to vector<16xi32>
        %parallel_loop3A_1355 = vector.broadcast %parallel_loop3A_1353 : i32 to vector<16xi32>
        %parallel_loop3A_1356 = arith.select %parallel_loop3A_1351, %parallel_loop3A_1354, %parallel_loop3A_1355 : vector<16xi1>, vector<16xi32>
        %parallel_loop3A_1357 = arith.constant 768 : i32
        %parallel_loop3A_1358 = vector.broadcast %parallel_loop3A_1357 : i32 to vector<16xi32>
        %parallel_loop3A_1359 = arith.muli %parallel_loop3A_1348, %parallel_loop3A_1358 : vector<16xi32>
        %parallel_loop3A_1360 = arith.addi %parallel_loop3A_1356, %parallel_loop3A_1359 : vector<16xi32>
        %parallel_loop3A_1361 = arith.constant 32 : i32
        %parallel_loop3A_1362 = vector.broadcast %parallel_loop3A_1361 : i32 to vector<16xi32>
        %parallel_loop3A_1363 = arith.muli %parallel_loop3A_1339, %parallel_loop3A_1362 : vector<16xi32>
        %parallel_loop3A_1364 = arith.addi %parallel_loop3A_1360, %parallel_loop3A_1363 : vector<16xi32>
        %parallel_loop3A_1365 = arith.addi %parallel_loop3A_1364, %parallel_loop3A_1329 : vector<16xi32>
        %parallel_loop3A_1366 = arith.addi %parallel_loop3A_1365, %mul3A_53 : vector<16xi32>
        %parallel_loop3A_1367 = arith.constant 0 : i32
        %parallel_loop3A_1368 = arith.index_cast %parallel_loop3A_1031 : i32 to index
        %parallel_loop3A_1369 = arith.index_cast %parallel_loop3A_1367 : i32 to index
        %parallel_loop3A_1370 = arith.constant 80 : index
        %parallel_loop3A_1371 = tpu.vector_load %arg8[%parallel_loop3A_1368, %parallel_loop3A_1369, %parallel_loop3A_1370] {strides = array<i32>} : memref<61x4x128xf32, #tpu.memory_space<vmem>>, vector<16xf32>,
        %parallel_loop3A_1372 = arith.constant 1 : i32
        %parallel_loop3A_1373 = arith.index_cast %parallel_loop3A_1031 : i32 to index
        %parallel_loop3A_1374 = arith.index_cast %parallel_loop3A_1372 : i32 to index
        %parallel_loop3A_1375 = arith.constant 80 : index
        %parallel_loop3A_1376 = tpu.vector_load %arg8[%parallel_loop3A_1373, %parallel_loop3A_1374, %parallel_loop3A_1375] {strides = array<i32>} : memref<61x4x128xf32, #tpu.memory_space<vmem>>, vector<16xf32>,
        %parallel_loop3A_1377 = arith.constant 2 : i32
        %parallel_loop3A_1378 = arith.index_cast %parallel_loop3A_1031 : i32 to index
        %parallel_loop3A_1379 = arith.index_cast %parallel_loop3A_1377 : i32 to index
        %parallel_loop3A_1380 = arith.constant 80 : index
        %parallel_loop3A_1381 = tpu.vector_load %arg8[%parallel_loop3A_1378, %parallel_loop3A_1379, %parallel_loop3A_1380] {strides = array<i32>} : memref<61x4x128xf32, #tpu.memory_space<vmem>>, vector<16xf32>,
        %parallel_loop3A_1382 = arith.constant 3 : i32
        %parallel_loop3A_1383 = arith.index_cast %parallel_loop3A_1031 : i32 to index
        %parallel_loop3A_1384 = arith.index_cast %parallel_loop3A_1382 : i32 to index
        %parallel_loop3A_1385 = arith.constant 80 : index
        %parallel_loop3A_1386 = tpu.vector_load %arg8[%parallel_loop3A_1383, %parallel_loop3A_1384, %parallel_loop3A_1385] {strides = array<i32>} : memref<61x4x128xf32, #tpu.memory_space<vmem>>, vector<16xf32>,
        %parallel_loop3A_1387 = arith.constant 5.000000e-02 : f32
        %parallel_loop3A_1388 = vector.broadcast %parallel_loop3A_1387 : f32 to vector<16xf32>
        %parallel_loop3A_1389 = arith.mulf %parallel_loop3A_1371, %parallel_loop3A_1388 : vector<16xf32>
        %parallel_loop3A_1390 = arith.fptosi %parallel_loop3A_1389 : vector<16xf32> to vector<16xi32>
        %parallel_loop3A_1391 = arith.constant 0 : i32
        %parallel_loop3A_1392 = arith.constant 31 : i32
        %parallel_loop3A_1393 = vector.broadcast %parallel_loop3A_1391 : i32 to vector<16xi32>
        %parallel_loop3A_1394 = arith.maxsi %parallel_loop3A_1393, %parallel_loop3A_1390 : vector<16xi32>
        %parallel_loop3A_1395 = vector.broadcast %parallel_loop3A_1392 : i32 to vector<16xi32>
        %parallel_loop3A_1396 = arith.minsi %parallel_loop3A_1395, %parallel_loop3A_1394 : vector<16xi32>
        %parallel_loop3A_1397 = arith.constant 5.000000e-02 : f32
        %parallel_loop3A_1398 = vector.broadcast %parallel_loop3A_1397 : f32 to vector<16xf32>
        %parallel_loop3A_1399 = arith.mulf %parallel_loop3A_1376, %parallel_loop3A_1398 : vector<16xf32>
        %parallel_loop3A_1400 = arith.fptosi %parallel_loop3A_1399 : vector<16xf32> to vector<16xi32>
        %parallel_loop3A_1401 = arith.constant 0 : i32
        %parallel_loop3A_1402 = arith.constant 23 : i32
        %parallel_loop3A_1403 = vector.broadcast %parallel_loop3A_1401 : i32 to vector<16xi32>
        %parallel_loop3A_1404 = arith.maxsi %parallel_loop3A_1403, %parallel_loop3A_1400 : vector<16xi32>
        %parallel_loop3A_1405 = vector.broadcast %parallel_loop3A_1402 : i32 to vector<16xi32>
        %parallel_loop3A_1406 = arith.minsi %parallel_loop3A_1405, %parallel_loop3A_1404 : vector<16xi32>
        %parallel_loop3A_1407 = arith.subf %parallel_loop3A_1381, %select_n3A_428 : vector<16xf32>
        %parallel_loop3A_1408 = arith.mulf %parallel_loop3A_1407, %select_n3A_425 : vector<16xf32>
        %parallel_loop3A_1409 = arith.fptosi %parallel_loop3A_1408 : vector<16xf32> to vector<16xi32>
        %parallel_loop3A_1410 = arith.constant 0 : i32
        %parallel_loop3A_1411 = arith.constant 4 : i32
        %parallel_loop3A_1412 = vector.broadcast %parallel_loop3A_1410 : i32 to vector<16xi32>
        %parallel_loop3A_1413 = arith.maxsi %parallel_loop3A_1412, %parallel_loop3A_1409 : vector<16xi32>
        %parallel_loop3A_1414 = vector.broadcast %parallel_loop3A_1411 : i32 to vector<16xi32>
        %parallel_loop3A_1415 = arith.minsi %parallel_loop3A_1414, %parallel_loop3A_1413 : vector<16xi32>
        %parallel_loop3A_1416 = arith.constant 0.000000e+00 : f32
        %parallel_loop3A_1417 = vector.broadcast %parallel_loop3A_1416 : f32 to vector<16xf32>
        %parallel_loop3A_1418 = arith.cmpf ogt, %parallel_loop3A_1386, %parallel_loop3A_1417 : vector<16xf32>
        %parallel_loop3A_1419 = arith.constant 0 : i32
        %parallel_loop3A_1420 = arith.constant 3840 : i32
        %parallel_loop3A_1421 = vector.broadcast %parallel_loop3A_1419 : i32 to vector<16xi32>
        %parallel_loop3A_1422 = vector.broadcast %parallel_loop3A_1420 : i32 to vector<16xi32>
        %parallel_loop3A_1423 = arith.select %parallel_loop3A_1418, %parallel_loop3A_1421, %parallel_loop3A_1422 : vector<16xi1>, vector<16xi32>
        %parallel_loop3A_1424 = arith.constant 768 : i32
        %parallel_loop3A_1425 = vector.broadcast %parallel_loop3A_1424 : i32 to vector<16xi32>
        %parallel_loop3A_1426 = arith.muli %parallel_loop3A_1415, %parallel_loop3A_1425 : vector<16xi32>
        %parallel_loop3A_1427 = arith.addi %parallel_loop3A_1423, %parallel_loop3A_1426 : vector<16xi32>
        %parallel_loop3A_1428 = arith.constant 32 : i32
        %parallel_loop3A_1429 = vector.broadcast %parallel_loop3A_1428 : i32 to vector<16xi32>
        %parallel_loop3A_1430 = arith.muli %parallel_loop3A_1406, %parallel_loop3A_1429 : vector<16xi32>
        %parallel_loop3A_1431 = arith.addi %parallel_loop3A_1427, %parallel_loop3A_1430 : vector<16xi32>
        %parallel_loop3A_1432 = arith.addi %parallel_loop3A_1431, %parallel_loop3A_1396 : vector<16xi32>
        %parallel_loop3A_1433 = arith.addi %parallel_loop3A_1432, %mul3A_62 : vector<16xi32>
        %parallel_loop3A_1434 = arith.constant 0 : i32
        %parallel_loop3A_1435 = arith.index_cast %parallel_loop3A_1031 : i32 to index
        %parallel_loop3A_1436 = arith.index_cast %parallel_loop3A_1434 : i32 to index
        %parallel_loop3A_1437 = arith.constant 96 : index
        %parallel_loop3A_1438 = tpu.vector_load %arg8[%parallel_loop3A_1435, %parallel_loop3A_1436, %parallel_loop3A_1437] {strides = array<i32>} : memref<61x4x128xf32, #tpu.memory_space<vmem>>, vector<16xf32>,
        %parallel_loop3A_1439 = arith.constant 1 : i32
        %parallel_loop3A_1440 = arith.index_cast %parallel_loop3A_1031 : i32 to index
        %parallel_loop3A_1441 = arith.index_cast %parallel_loop3A_1439 : i32 to index
        %parallel_loop3A_1442 = arith.constant 96 : index
        %parallel_loop3A_1443 = tpu.vector_load %arg8[%parallel_loop3A_1440, %parallel_loop3A_1441, %parallel_loop3A_1442] {strides = array<i32>} : memref<61x4x128xf32, #tpu.memory_space<vmem>>, vector<16xf32>,
        %parallel_loop3A_1444 = arith.constant 2 : i32
        %parallel_loop3A_1445 = arith.index_cast %parallel_loop3A_1031 : i32 to index
        %parallel_loop3A_1446 = arith.index_cast %parallel_loop3A_1444 : i32 to index
        %parallel_loop3A_1447 = arith.constant 96 : index
        %parallel_loop3A_1448 = tpu.vector_load %arg8[%parallel_loop3A_1445, %parallel_loop3A_1446, %parallel_loop3A_1447] {strides = array<i32>} : memref<61x4x128xf32, #tpu.memory_space<vmem>>, vector<16xf32>,
        %parallel_loop3A_1449 = arith.constant 3 : i32
        %parallel_loop3A_1450 = arith.index_cast %parallel_loop3A_1031 : i32 to index
        %parallel_loop3A_1451 = arith.index_cast %parallel_loop3A_1449 : i32 to index
        %parallel_loop3A_1452 = arith.constant 96 : index
        %parallel_loop3A_1453 = tpu.vector_load %arg8[%parallel_loop3A_1450, %parallel_loop3A_1451, %parallel_loop3A_1452] {strides = array<i32>} : memref<61x4x128xf32, #tpu.memory_space<vmem>>, vector<16xf32>,
        %parallel_loop3A_1454 = arith.constant 5.000000e-02 : f32
        %parallel_loop3A_1455 = vector.broadcast %parallel_loop3A_1454 : f32 to vector<16xf32>
        %parallel_loop3A_1456 = arith.mulf %parallel_loop3A_1438, %parallel_loop3A_1455 : vector<16xf32>
        %parallel_loop3A_1457 = arith.fptosi %parallel_loop3A_1456 : vector<16xf32> to vector<16xi32>
        %parallel_loop3A_1458 = arith.constant 0 : i32
        %parallel_loop3A_1459 = arith.constant 31 : i32
        %parallel_loop3A_1460 = vector.broadcast %parallel_loop3A_1458 : i32 to vector<16xi32>
        %parallel_loop3A_1461 = arith.maxsi %parallel_loop3A_1460, %parallel_loop3A_1457 : vector<16xi32>
        %parallel_loop3A_1462 = vector.broadcast %parallel_loop3A_1459 : i32 to vector<16xi32>
        %parallel_loop3A_1463 = arith.minsi %parallel_loop3A_1462, %parallel_loop3A_1461 : vector<16xi32>
        %parallel_loop3A_1464 = arith.constant 5.000000e-02 : f32
        %parallel_loop3A_1465 = vector.broadcast %parallel_loop3A_1464 : f32 to vector<16xf32>
        %parallel_loop3A_1466 = arith.mulf %parallel_loop3A_1443, %parallel_loop3A_1465 : vector<16xf32>
        %parallel_loop3A_1467 = arith.fptosi %parallel_loop3A_1466 : vector<16xf32> to vector<16xi32>
        %parallel_loop3A_1468 = arith.constant 0 : i32
        %parallel_loop3A_1469 = arith.constant 23 : i32
        %parallel_loop3A_1470 = vector.broadcast %parallel_loop3A_1468 : i32 to vector<16xi32>
        %parallel_loop3A_1471 = arith.maxsi %parallel_loop3A_1470, %parallel_loop3A_1467 : vector<16xi32>
        %parallel_loop3A_1472 = vector.broadcast %parallel_loop3A_1469 : i32 to vector<16xi32>
        %parallel_loop3A_1473 = arith.minsi %parallel_loop3A_1472, %parallel_loop3A_1471 : vector<16xi32>
        %parallel_loop3A_1474 = arith.subf %parallel_loop3A_1448, %select_n3A_428 : vector<16xf32>
        %parallel_loop3A_1475 = arith.mulf %parallel_loop3A_1474, %select_n3A_425 : vector<16xf32>
        %parallel_loop3A_1476 = arith.fptosi %parallel_loop3A_1475 : vector<16xf32> to vector<16xi32>
        %parallel_loop3A_1477 = arith.constant 0 : i32
        %parallel_loop3A_1478 = arith.constant 4 : i32
        %parallel_loop3A_1479 = vector.broadcast %parallel_loop3A_1477 : i32 to vector<16xi32>
        %parallel_loop3A_1480 = arith.maxsi %parallel_loop3A_1479, %parallel_loop3A_1476 : vector<16xi32>
        %parallel_loop3A_1481 = vector.broadcast %parallel_loop3A_1478 : i32 to vector<16xi32>
        %parallel_loop3A_1482 = arith.minsi %parallel_loop3A_1481, %parallel_loop3A_1480 : vector<16xi32>
        %parallel_loop3A_1483 = arith.constant 0.000000e+00 : f32
        %parallel_loop3A_1484 = vector.broadcast %parallel_loop3A_1483 : f32 to vector<16xf32>
        %parallel_loop3A_1485 = arith.cmpf ogt, %parallel_loop3A_1453, %parallel_loop3A_1484 : vector<16xf32>
        %parallel_loop3A_1486 = arith.constant 0 : i32
        %parallel_loop3A_1487 = arith.constant 3840 : i32
        %parallel_loop3A_1488 = vector.broadcast %parallel_loop3A_1486 : i32 to vector<16xi32>
        %parallel_loop3A_1489 = vector.broadcast %parallel_loop3A_1487 : i32 to vector<16xi32>
        %parallel_loop3A_1490 = arith.select %parallel_loop3A_1485, %parallel_loop3A_1488, %parallel_loop3A_1489 : vector<16xi1>, vector<16xi32>
        %parallel_loop3A_1491 = arith.constant 768 : i32
        %parallel_loop3A_1492 = vector.broadcast %parallel_loop3A_1491 : i32 to vector<16xi32>
        %parallel_loop3A_1493 = arith.muli %parallel_loop3A_1482, %parallel_loop3A_1492 : vector<16xi32>
        %parallel_loop3A_1494 = arith.addi %parallel_loop3A_1490, %parallel_loop3A_1493 : vector<16xi32>
        %parallel_loop3A_1495 = arith.constant 32 : i32
        %parallel_loop3A_1496 = vector.broadcast %parallel_loop3A_1495 : i32 to vector<16xi32>
        %parallel_loop3A_1497 = arith.muli %parallel_loop3A_1473, %parallel_loop3A_1496 : vector<16xi32>
        %parallel_loop3A_1498 = arith.addi %parallel_loop3A_1494, %parallel_loop3A_1497 : vector<16xi32>
        %parallel_loop3A_1499 = arith.addi %parallel_loop3A_1498, %parallel_loop3A_1463 : vector<16xi32>
        %parallel_loop3A_1500 = arith.addi %parallel_loop3A_1499, %mul3A_71 : vector<16xi32>
        %parallel_loop3A_1501 = arith.constant 0 : i32
        %parallel_loop3A_1502 = arith.index_cast %parallel_loop3A_1031 : i32 to index
        %parallel_loop3A_1503 = arith.index_cast %parallel_loop3A_1501 : i32 to index
        %parallel_loop3A_1504 = arith.constant 112 : index
        %parallel_loop3A_1505 = tpu.vector_load %arg8[%parallel_loop3A_1502, %parallel_loop3A_1503, %parallel_loop3A_1504] {strides = array<i32>} : memref<61x4x128xf32, #tpu.memory_space<vmem>>, vector<16xf32>,
        %parallel_loop3A_1506 = arith.constant 1 : i32
        %parallel_loop3A_1507 = arith.index_cast %parallel_loop3A_1031 : i32 to index
        %parallel_loop3A_1508 = arith.index_cast %parallel_loop3A_1506 : i32 to index
        %parallel_loop3A_1509 = arith.constant 112 : index
        %parallel_loop3A_1510 = tpu.vector_load %arg8[%parallel_loop3A_1507, %parallel_loop3A_1508, %parallel_loop3A_1509] {strides = array<i32>} : memref<61x4x128xf32, #tpu.memory_space<vmem>>, vector<16xf32>,
        %parallel_loop3A_1511 = arith.constant 2 : i32
        %parallel_loop3A_1512 = arith.index_cast %parallel_loop3A_1031 : i32 to index
        %parallel_loop3A_1513 = arith.index_cast %parallel_loop3A_1511 : i32 to index
        %parallel_loop3A_1514 = arith.constant 112 : index
        %parallel_loop3A_1515 = tpu.vector_load %arg8[%parallel_loop3A_1512, %parallel_loop3A_1513, %parallel_loop3A_1514] {strides = array<i32>} : memref<61x4x128xf32, #tpu.memory_space<vmem>>, vector<16xf32>,
        %parallel_loop3A_1516 = arith.constant 3 : i32
        %parallel_loop3A_1517 = arith.index_cast %parallel_loop3A_1031 : i32 to index
        %parallel_loop3A_1518 = arith.index_cast %parallel_loop3A_1516 : i32 to index
        %parallel_loop3A_1519 = arith.constant 112 : index
        %parallel_loop3A_1520 = tpu.vector_load %arg8[%parallel_loop3A_1517, %parallel_loop3A_1518, %parallel_loop3A_1519] {strides = array<i32>} : memref<61x4x128xf32, #tpu.memory_space<vmem>>, vector<16xf32>,
        %parallel_loop3A_1521 = arith.constant 5.000000e-02 : f32
        %parallel_loop3A_1522 = vector.broadcast %parallel_loop3A_1521 : f32 to vector<16xf32>
        %parallel_loop3A_1523 = arith.mulf %parallel_loop3A_1505, %parallel_loop3A_1522 : vector<16xf32>
        %parallel_loop3A_1524 = arith.fptosi %parallel_loop3A_1523 : vector<16xf32> to vector<16xi32>
        %parallel_loop3A_1525 = arith.constant 0 : i32
        %parallel_loop3A_1526 = arith.constant 31 : i32
        %parallel_loop3A_1527 = vector.broadcast %parallel_loop3A_1525 : i32 to vector<16xi32>
        %parallel_loop3A_1528 = arith.maxsi %parallel_loop3A_1527, %parallel_loop3A_1524 : vector<16xi32>
        %parallel_loop3A_1529 = vector.broadcast %parallel_loop3A_1526 : i32 to vector<16xi32>
        %parallel_loop3A_1530 = arith.minsi %parallel_loop3A_1529, %parallel_loop3A_1528 : vector<16xi32>
        %parallel_loop3A_1531 = arith.constant 5.000000e-02 : f32
        %parallel_loop3A_1532 = vector.broadcast %parallel_loop3A_1531 : f32 to vector<16xf32>
        %parallel_loop3A_1533 = arith.mulf %parallel_loop3A_1510, %parallel_loop3A_1532 : vector<16xf32>
        %parallel_loop3A_1534 = arith.fptosi %parallel_loop3A_1533 : vector<16xf32> to vector<16xi32>
        %parallel_loop3A_1535 = arith.constant 0 : i32
        %parallel_loop3A_1536 = arith.constant 23 : i32
        %parallel_loop3A_1537 = vector.broadcast %parallel_loop3A_1535 : i32 to vector<16xi32>
        %parallel_loop3A_1538 = arith.maxsi %parallel_loop3A_1537, %parallel_loop3A_1534 : vector<16xi32>
        %parallel_loop3A_1539 = vector.broadcast %parallel_loop3A_1536 : i32 to vector<16xi32>
        %parallel_loop3A_1540 = arith.minsi %parallel_loop3A_1539, %parallel_loop3A_1538 : vector<16xi32>
        %parallel_loop3A_1541 = arith.subf %parallel_loop3A_1515, %select_n3A_428 : vector<16xf32>
        %parallel_loop3A_1542 = arith.mulf %parallel_loop3A_1541, %select_n3A_425 : vector<16xf32>
        %parallel_loop3A_1543 = arith.fptosi %parallel_loop3A_1542 : vector<16xf32> to vector<16xi32>
        %parallel_loop3A_1544 = arith.constant 0 : i32
        %parallel_loop3A_1545 = arith.constant 4 : i32
        %parallel_loop3A_1546 = vector.broadcast %parallel_loop3A_1544 : i32 to vector<16xi32>
        %parallel_loop3A_1547 = arith.maxsi %parallel_loop3A_1546, %parallel_loop3A_1543 : vector<16xi32>
        %parallel_loop3A_1548 = vector.broadcast %parallel_loop3A_1545 : i32 to vector<16xi32>
        %parallel_loop3A_1549 = arith.minsi %parallel_loop3A_1548, %parallel_loop3A_1547 : vector<16xi32>
        %parallel_loop3A_1550 = arith.constant 0.000000e+00 : f32
        %parallel_loop3A_1551 = vector.broadcast %parallel_loop3A_1550 : f32 to vector<16xf32>
        %parallel_loop3A_1552 = arith.cmpf ogt, %parallel_loop3A_1520, %parallel_loop3A_1551 : vector<16xf32>
        %parallel_loop3A_1553 = arith.constant 0 : i32
        %parallel_loop3A_1554 = arith.constant 3840 : i32
        %parallel_loop3A_1555 = vector.broadcast %parallel_loop3A_1553 : i32 to vector<16xi32>
        %parallel_loop3A_1556 = vector.broadcast %parallel_loop3A_1554 : i32 to vector<16xi32>
        %parallel_loop3A_1557 = arith.select %parallel_loop3A_1552, %parallel_loop3A_1555, %parallel_loop3A_1556 : vector<16xi1>, vector<16xi32>
        %parallel_loop3A_1558 = arith.constant 768 : i32
        %parallel_loop3A_1559 = vector.broadcast %parallel_loop3A_1558 : i32 to vector<16xi32>
        %parallel_loop3A_1560 = arith.muli %parallel_loop3A_1549, %parallel_loop3A_1559 : vector<16xi32>
        %parallel_loop3A_1561 = arith.addi %parallel_loop3A_1557, %parallel_loop3A_1560 : vector<16xi32>
        %parallel_loop3A_1562 = arith.constant 32 : i32
        %parallel_loop3A_1563 = vector.broadcast %parallel_loop3A_1562 : i32 to vector<16xi32>
        %parallel_loop3A_1564 = arith.muli %parallel_loop3A_1540, %parallel_loop3A_1563 : vector<16xi32>
        %parallel_loop3A_1565 = arith.addi %parallel_loop3A_1561, %parallel_loop3A_1564 : vector<16xi32>
        %parallel_loop3A_1566 = arith.addi %parallel_loop3A_1565, %parallel_loop3A_1530 : vector<16xi32>
        %parallel_loop3A_1567 = arith.addi %parallel_loop3A_1566, %mul3A_80 : vector<16xi32>
        tpu.vector_store_idx %arg6[%parallel_loop3A_1098], %broadcast_in_dim3A_9 {add = true} : memref<61448xf32, #tpu.memory_space<vmem>>[vector<16xi32>], vector<16xf32>,
        tpu.vector_store_idx %arg6[%parallel_loop3A_1165], %broadcast_in_dim3A_9 {add = true} : memref<61448xf32, #tpu.memory_space<vmem>>[vector<16xi32>], vector<16xf32>,
        tpu.vector_store_idx %arg6[%parallel_loop3A_1232], %broadcast_in_dim3A_9 {add = true} : memref<61448xf32, #tpu.memory_space<vmem>>[vector<16xi32>], vector<16xf32>,
        tpu.vector_store_idx %arg6[%parallel_loop3A_1299], %broadcast_in_dim3A_9 {add = true} : memref<61448xf32, #tpu.memory_space<vmem>>[vector<16xi32>], vector<16xf32>,
        tpu.vector_store_idx %arg6[%parallel_loop3A_1366], %broadcast_in_dim3A_9 {add = true} : memref<61448xf32, #tpu.memory_space<vmem>>[vector<16xi32>], vector<16xf32>,
        tpu.vector_store_idx %arg6[%parallel_loop3A_1433], %broadcast_in_dim3A_9 {add = true} : memref<61448xf32, #tpu.memory_space<vmem>>[vector<16xi32>], vector<16xf32>,
        tpu.vector_store_idx %arg6[%parallel_loop3A_1500], %broadcast_in_dim3A_9 {add = true} : memref<61448xf32, #tpu.memory_space<vmem>>[vector<16xi32>], vector<16xf32>,
        tpu.vector_store_idx %arg6[%parallel_loop3A_1567], %broadcast_in_dim3A_9 {add = true} : memref<61448xf32, #tpu.memory_space<vmem>>[vector<16xi32>], vector<16xf32>,
      } {sc.loop_unroll_factor = 2 : i64, sc.parallel_access}
      %add3A_1024 = arith.constant 3 : i32
      %add3A_1025 = arith.addi %mul3A_997, %add3A_1024 : i32
      %lt3A_1026 = arith.constant 16 : i32
      %lt3A_1027 = arith.cmpi slt, %add3A_1025, %lt3A_1026 : i32
      %convert_element_type3A_1028 = arith.extui %lt3A_1027 : i1 to i32
      %cond3A_1029 = arith.constant 0 : i32
      %cond3A_1030 = arith.cmpi ne, %convert_element_type3A_1028, %cond3A_1029 : i32
      scf.if %cond3A_1030 {
        %add3A_1031 = arith.constant 3 : i32
        %add3A_1032 = arith.addi %mul3A_997, %add3A_1031 : i32
        %mul3A_1033 = arith.constant 61 : i32
        %mul3A_1034 = arith.muli %add3A_1032, %mul3A_1033 : i32
        %add3A_1035 = arith.addi %add3A_4, %mul3A_1034 : i32
        %dma_start3A_1036 = arith.constant 0 : i32
        %dma_start3A_1037 = arith.constant 0 : i32
        %dma_start3A_1038 = tpu.memref_slice %arg2[%add3A_1035, %dma_start3A_1036, %dma_start3A_1037] : memref<31250x4x128xf32, #tpu.memory_space<hbm>> -> memref<61x4x128xf32, #tpu.memory_space<hbm>>
        %dma_start3A_1039 = arith.constant 0 : i32
        %dma_start3A_1040 = arith.constant 0 : i32
        %dma_start3A_1041 = tpu.memref_slice %arg2[%add3A_1035, %dma_start3A_1039, %dma_start3A_1040] : memref<31250x4x128xf32, #tpu.memory_space<hbm>> -> memref<61x4x128xf32, #tpu.memory_space<hbm>>
        tpu.enqueue_dma source(%dma_start3A_1041 : memref<61x4x128xf32, #tpu.memory_space<hbm>>) target(%arg8 : memref<61x4x128xf32, #tpu.memory_space<vmem>>) target_semaphore(%arg12 : memref<!tpu.dma_semaphore, #tpu.memory_space<semaphore_mem>>)
      } else {
      }
    }
    %scan3A_440 = arith.constant 8 : i32
    %add3A_441 = arith.addi %add3A_4, %select_n3A : i32
    %sub3A_442 = arith.constant 1 : i32
    %sub3A_443 = arith.subi %add3A_441, %sub3A_442 : i32
    "tpu.region"() ({
      %run_scoped3A = tpu.sem_alloc : memref<!tpu.dma_semaphore, #tpu.memory_space<semaphore_mem>>
      %dma_start3A_995 = arith.constant 0 : i32
      %dma_start3A_996 = arith.constant 0 : i32
      %dma_start3A_997 = arith.constant 0 : i32
      %dma_start3A_998 = tpu.memref_slice %arg7[%dma_start3A_995, %dma_start3A_996, %dma_start3A_997] : memref<61x4x128xf32, #tpu.memory_space<vmem>> -> memref<1x4x128xf32, #tpu.memory_space<vmem>>
      %dma_start3A_999 = arith.constant 0 : i32
      %dma_start3A_1000 = arith.constant 0 : i32
      %dma_start3A_1001 = tpu.memref_slice %arg2[%sub3A_443, %dma_start3A_999, %dma_start3A_1000] : memref<31250x4x128xf32, #tpu.memory_space<hbm>> -> memref<1x4x128xf32, #tpu.memory_space<hbm>>
      %dma_start3A_1002 = arith.constant 0 : i32
      %dma_start3A_1003 = arith.constant 0 : i32
      %dma_start3A_1004 = arith.constant 0 : i32
      %dma_start3A_1005 = tpu.memref_slice %arg7[%dma_start3A_1002, %dma_start3A_1003, %dma_start3A_1004] : memref<61x4x128xf32, #tpu.memory_space<vmem>> -> memref<1x4x128xf32, #tpu.memory_space<vmem>>
      %dma_start3A_1006 = arith.constant 0 : i32
      %dma_start3A_1007 = arith.constant 0 : i32
      %dma_start3A_1008 = tpu.memref_slice %arg2[%sub3A_443, %dma_start3A_1006, %dma_start3A_1007] : memref<31250x4x128xf32, #tpu.memory_space<hbm>> -> memref<1x4x128xf32, #tpu.memory_space<hbm>>
      tpu.enqueue_dma source(%dma_start3A_1008 : memref<1x4x128xf32, #tpu.memory_space<hbm>>) target(%dma_start3A_1005 : memref<1x4x128xf32, #tpu.memory_space<vmem>>) target_semaphore(%run_scoped3A : memref<!tpu.dma_semaphore, #tpu.memory_space<semaphore_mem>>)
      %dma_wait3A = arith.constant 0 : i32
      %dma_wait3A_1009 = arith.constant 0 : i32
      %dma_wait3A_1010 = arith.constant 0 : i32
      %dma_wait3A_1011 = tpu.memref_slice %arg7[%dma_wait3A, %dma_wait3A_1009, %dma_wait3A_1010] : memref<61x4x128xf32, #tpu.memory_space<vmem>> -> memref<1x4x128xf32, #tpu.memory_space<vmem>>
      %dma_wait3A_1012 = arith.constant 0 : i32
      %dma_wait3A_1013 = arith.constant 0 : i32
      %dma_wait3A_1014 = tpu.memref_slice %arg2[%sub3A_443, %dma_wait3A_1012, %dma_wait3A_1013] : memref<31250x4x128xf32, #tpu.memory_space<hbm>> -> memref<1x4x128xf32, #tpu.memory_space<hbm>>
      %dma_wait3A_1015 = arith.constant 0 : i32
      %dma_wait3A_1016 = arith.constant 0 : i32
      %dma_wait3A_1017 = arith.constant 0 : i32
      %dma_wait3A_1018 = tpu.memref_slice %arg7[%dma_wait3A_1015, %dma_wait3A_1016, %dma_wait3A_1017] : memref<61x4x128xf32, #tpu.memory_space<vmem>> -> memref<1x4x128xf32, #tpu.memory_space<vmem>>
      %dma_wait3A_1019 = arith.constant 0 : i32
      %dma_wait3A_1020 = arith.constant 0 : i32
      %dma_wait3A_1021 = tpu.memref_slice %arg2[%sub3A_443, %dma_wait3A_1019, %dma_wait3A_1020] : memref<31250x4x128xf32, #tpu.memory_space<hbm>> -> memref<1x4x128xf32, #tpu.memory_space<hbm>>
      tpu.wait_dma2 semaphore(%run_scoped3A : memref<!tpu.dma_semaphore, #tpu.memory_space<semaphore_mem>>) src(%dma_wait3A_1021 : memref<1x4x128xf32, #tpu.memory_space<hbm>>) dst(%dma_wait3A_1018 : memref<1x4x128xf32, #tpu.memory_space<vmem>>)
      tpu.yield
    }) : () -> ()
    %scan3A_444 = arith.constant 0 : i32
    %scan3A_445 = arith.constant 0 : i32
    %broadcast_in_dim3A_446 = vector.broadcast %scan3A_445 : i32 to vector<16xi32>
    %add3A_447 = vector.broadcast %select_n3A : i32 to vector<16xi32>
    %add3A_448 = arith.addi %broadcast_in_dim3A_446, %add3A_447 : vector<16xi32>
    %ge3A = arith.constant 977 : i32
    %ge3A_449 = vector.broadcast %ge3A : i32 to vector<16xi32>
    %ge3A_450 = arith.cmpi sge, %add3A_448, %ge3A_449 : vector<16xi32>
    %get3A_451 = arith.constant 0 : i32
    %get3A_452 = arith.index_cast %scan3A_445 : i32 to index
    %get3A_453 = arith.index_cast %get3A_451 : i32 to index
    %get3A_454 = arith.constant 0 : index
    %get3A_455 = tpu.vector_load %arg7[%get3A_452, %get3A_453, %get3A_454] {strides = array<i32>} : memref<61x4x128xf32, #tpu.memory_space<vmem>>, vector<16xf32>,
    %get3A_456 = arith.constant 1 : i32
    %get3A_457 = arith.index_cast %scan3A_445 : i32 to index
    %get3A_458 = arith.index_cast %get3A_456 : i32 to index
    %get3A_459 = arith.constant 0 : index
    %get3A_460 = tpu.vector_load %arg7[%get3A_457, %get3A_458, %get3A_459] {strides = array<i32>} : memref<61x4x128xf32, #tpu.memory_space<vmem>>, vector<16xf32>,
    %get3A_461 = arith.constant 2 : i32
    %get3A_462 = arith.index_cast %scan3A_445 : i32 to index
    %get3A_463 = arith.index_cast %get3A_461 : i32 to index
    %get3A_464 = arith.constant 0 : index
    %get3A_465 = tpu.vector_load %arg7[%get3A_462, %get3A_463, %get3A_464] {strides = array<i32>} : memref<61x4x128xf32, #tpu.memory_space<vmem>>, vector<16xf32>,
    %get3A_466 = arith.constant 3 : i32
    %get3A_467 = arith.index_cast %scan3A_445 : i32 to index
    %get3A_468 = arith.index_cast %get3A_466 : i32 to index
    %get3A_469 = arith.constant 0 : index
    %get3A_470 = tpu.vector_load %arg7[%get3A_467, %get3A_468, %get3A_469] {strides = array<i32>} : memref<61x4x128xf32, #tpu.memory_space<vmem>>, vector<16xf32>,
    %mul3A_471 = arith.constant 5.000000e-02 : f32
    %mul3A_472 = vector.broadcast %mul3A_471 : f32 to vector<16xf32>
    %mul3A_473 = arith.mulf %get3A_455, %mul3A_472 : vector<16xf32>
    %convert_element_type3A = arith.fptosi %mul3A_473 : vector<16xf32> to vector<16xi32>
    %jit3A_474 = arith.constant 0 : i32
    %jit3A_475 = arith.constant 31 : i32
    %max3A_476 = vector.broadcast %jit3A_474 : i32 to vector<16xi32>
    %max3A_477 = arith.maxsi %max3A_476, %convert_element_type3A : vector<16xi32>
    %min3A_478 = vector.broadcast %jit3A_475 : i32 to vector<16xi32>
    %min3A_479 = arith.minsi %min3A_478, %max3A_477 : vector<16xi32>
    %mul3A_480 = arith.constant 5.000000e-02 : f32
    %mul3A_481 = vector.broadcast %mul3A_480 : f32 to vector<16xf32>
    %mul3A_482 = arith.mulf %get3A_460, %mul3A_481 : vector<16xf32>
    %convert_element_type3A_483 = arith.fptosi %mul3A_482 : vector<16xf32> to vector<16xi32>
    %jit3A_484 = arith.constant 0 : i32
    %jit3A_485 = arith.constant 23 : i32
    %max3A_486 = vector.broadcast %jit3A_484 : i32 to vector<16xi32>
    %max3A_487 = arith.maxsi %max3A_486, %convert_element_type3A_483 : vector<16xi32>
    %min3A_488 = vector.broadcast %jit3A_485 : i32 to vector<16xi32>
    %min3A_489 = arith.minsi %min3A_488, %max3A_487 : vector<16xi32>
    %sub3A_490 = arith.subf %get3A_465, %select_n3A_428 : vector<16xf32>
    %mul3A_491 = arith.mulf %sub3A_490, %select_n3A_425 : vector<16xf32>
    %convert_element_type3A_492 = arith.fptosi %mul3A_491 : vector<16xf32> to vector<16xi32>
    %jit3A_493 = arith.constant 0 : i32
    %jit3A_494 = arith.constant 4 : i32
    %max3A_495 = vector.broadcast %jit3A_493 : i32 to vector<16xi32>
    %max3A_496 = arith.maxsi %max3A_495, %convert_element_type3A_492 : vector<16xi32>
    %min3A_497 = vector.broadcast %jit3A_494 : i32 to vector<16xi32>
    %min3A_498 = arith.minsi %min3A_497, %max3A_496 : vector<16xi32>
    %gt3A_499 = arith.constant 0.000000e+00 : f32
    %gt3A_500 = vector.broadcast %gt3A_499 : f32 to vector<16xf32>
    %gt3A_501 = arith.cmpf ogt, %get3A_470, %gt3A_500 : vector<16xf32>
    %jit3A_502 = arith.constant 0 : i32
    %jit3A_503 = arith.constant 3840 : i32
    %broadcast_in_dim3A_504 = vector.broadcast %jit3A_502 : i32 to vector<16xi32>
    %broadcast_in_dim3A_505 = vector.broadcast %jit3A_503 : i32 to vector<16xi32>
    %select_n3A_506 = arith.select %gt3A_501, %broadcast_in_dim3A_504, %broadcast_in_dim3A_505 : vector<16xi1>, vector<16xi32>
    %mul3A_507 = arith.constant 768 : i32
    %mul3A_508 = vector.broadcast %mul3A_507 : i32 to vector<16xi32>
    %mul3A_509 = arith.muli %min3A_498, %mul3A_508 : vector<16xi32>
    %add3A_510 = arith.addi %select_n3A_506, %mul3A_509 : vector<16xi32>
    %mul3A_511 = arith.constant 32 : i32
    %mul3A_512 = vector.broadcast %mul3A_511 : i32 to vector<16xi32>
    %mul3A_513 = arith.muli %min3A_489, %mul3A_512 : vector<16xi32>
    %add3A_514 = arith.addi %add3A_510, %mul3A_513 : vector<16xi32>
    %add3A_515 = arith.addi %add3A_514, %min3A_479 : vector<16xi32>
    %add3A_516 = arith.addi %add3A_515, %mul3A_17 : vector<16xi32>
    tpu.vector_store_idx %arg6[%add3A_516], %broadcast_in_dim3A_9 masked %ge3A_450 {add = true} : memref<61448xf32, #tpu.memory_space<vmem>>[vector<16xi32>], vector<16xf32>, vector<16xi1>
    %get3A_517 = arith.constant 0 : i32
    %get3A_518 = arith.index_cast %scan3A_445 : i32 to index
    %get3A_519 = arith.index_cast %get3A_517 : i32 to index
    %get3A_520 = arith.constant 16 : index
    %get3A_521 = tpu.vector_load %arg7[%get3A_518, %get3A_519, %get3A_520] {strides = array<i32>} : memref<61x4x128xf32, #tpu.memory_space<vmem>>, vector<16xf32>,
    %get3A_522 = arith.constant 1 : i32
    %get3A_523 = arith.index_cast %scan3A_445 : i32 to index
    %get3A_524 = arith.index_cast %get3A_522 : i32 to index
    %get3A_525 = arith.constant 16 : index
    %get3A_526 = tpu.vector_load %arg7[%get3A_523, %get3A_524, %get3A_525] {strides = array<i32>} : memref<61x4x128xf32, #tpu.memory_space<vmem>>, vector<16xf32>,
    %get3A_527 = arith.constant 2 : i32
    %get3A_528 = arith.index_cast %scan3A_445 : i32 to index
    %get3A_529 = arith.index_cast %get3A_527 : i32 to index
    %get3A_530 = arith.constant 16 : index
    %get3A_531 = tpu.vector_load %arg7[%get3A_528, %get3A_529, %get3A_530] {strides = array<i32>} : memref<61x4x128xf32, #tpu.memory_space<vmem>>, vector<16xf32>,
    %get3A_532 = arith.constant 3 : i32
    %get3A_533 = arith.index_cast %scan3A_445 : i32 to index
    %get3A_534 = arith.index_cast %get3A_532 : i32 to index
    %get3A_535 = arith.constant 16 : index
    %get3A_536 = tpu.vector_load %arg7[%get3A_533, %get3A_534, %get3A_535] {strides = array<i32>} : memref<61x4x128xf32, #tpu.memory_space<vmem>>, vector<16xf32>,
    %mul3A_537 = arith.constant 5.000000e-02 : f32
    %mul3A_538 = vector.broadcast %mul3A_537 : f32 to vector<16xf32>
    %mul3A_539 = arith.mulf %get3A_521, %mul3A_538 : vector<16xf32>
    %convert_element_type3A_540 = arith.fptosi %mul3A_539 : vector<16xf32> to vector<16xi32>
    %jit3A_541 = arith.constant 0 : i32
    %jit3A_542 = arith.constant 31 : i32
    %max3A_543 = vector.broadcast %jit3A_541 : i32 to vector<16xi32>
    %max3A_544 = arith.maxsi %max3A_543, %convert_element_type3A_540 : vector<16xi32>
    %min3A_545 = vector.broadcast %jit3A_542 : i32 to vector<16xi32>
    %min3A_546 = arith.minsi %min3A_545, %max3A_544 : vector<16xi32>
    %mul3A_547 = arith.constant 5.000000e-02 : f32
    %mul3A_548 = vector.broadcast %mul3A_547 : f32 to vector<16xf32>
    %mul3A_549 = arith.mulf %get3A_526, %mul3A_548 : vector<16xf32>
    %convert_element_type3A_550 = arith.fptosi %mul3A_549 : vector<16xf32> to vector<16xi32>
    %jit3A_551 = arith.constant 0 : i32
    %jit3A_552 = arith.constant 23 : i32
    %max3A_553 = vector.broadcast %jit3A_551 : i32 to vector<16xi32>
    %max3A_554 = arith.maxsi %max3A_553, %convert_element_type3A_550 : vector<16xi32>
    %min3A_555 = vector.broadcast %jit3A_552 : i32 to vector<16xi32>
    %min3A_556 = arith.minsi %min3A_555, %max3A_554 : vector<16xi32>
    %sub3A_557 = arith.subf %get3A_531, %select_n3A_428 : vector<16xf32>
    %mul3A_558 = arith.mulf %sub3A_557, %select_n3A_425 : vector<16xf32>
    %convert_element_type3A_559 = arith.fptosi %mul3A_558 : vector<16xf32> to vector<16xi32>
    %jit3A_560 = arith.constant 0 : i32
    %jit3A_561 = arith.constant 4 : i32
    %max3A_562 = vector.broadcast %jit3A_560 : i32 to vector<16xi32>
    %max3A_563 = arith.maxsi %max3A_562, %convert_element_type3A_559 : vector<16xi32>
    %min3A_564 = vector.broadcast %jit3A_561 : i32 to vector<16xi32>
    %min3A_565 = arith.minsi %min3A_564, %max3A_563 : vector<16xi32>
    %gt3A_566 = arith.constant 0.000000e+00 : f32
    %gt3A_567 = vector.broadcast %gt3A_566 : f32 to vector<16xf32>
    %gt3A_568 = arith.cmpf ogt, %get3A_536, %gt3A_567 : vector<16xf32>
    %jit3A_569 = arith.constant 0 : i32
    %jit3A_570 = arith.constant 3840 : i32
    %broadcast_in_dim3A_571 = vector.broadcast %jit3A_569 : i32 to vector<16xi32>
    %broadcast_in_dim3A_572 = vector.broadcast %jit3A_570 : i32 to vector<16xi32>
    %select_n3A_573 = arith.select %gt3A_568, %broadcast_in_dim3A_571, %broadcast_in_dim3A_572 : vector<16xi1>, vector<16xi32>
    %mul3A_574 = arith.constant 768 : i32
    %mul3A_575 = vector.broadcast %mul3A_574 : i32 to vector<16xi32>
    %mul3A_576 = arith.muli %min3A_565, %mul3A_575 : vector<16xi32>
    %add3A_577 = arith.addi %select_n3A_573, %mul3A_576 : vector<16xi32>
    %mul3A_578 = arith.constant 32 : i32
    %mul3A_579 = vector.broadcast %mul3A_578 : i32 to vector<16xi32>
    %mul3A_580 = arith.muli %min3A_556, %mul3A_579 : vector<16xi32>
    %add3A_581 = arith.addi %add3A_577, %mul3A_580 : vector<16xi32>
    %add3A_582 = arith.addi %add3A_581, %min3A_546 : vector<16xi32>
    %add3A_583 = arith.addi %add3A_582, %mul3A_26 : vector<16xi32>
    tpu.vector_store_idx %arg6[%add3A_583], %broadcast_in_dim3A_9 masked %ge3A_450 {add = true} : memref<61448xf32, #tpu.memory_space<vmem>>[vector<16xi32>], vector<16xf32>, vector<16xi1>
    %get3A_584 = arith.constant 0 : i32
    %get3A_585 = arith.index_cast %scan3A_445 : i32 to index
    %get3A_586 = arith.index_cast %get3A_584 : i32 to index
    %get3A_587 = arith.constant 32 : index
    %get3A_588 = tpu.vector_load %arg7[%get3A_585, %get3A_586, %get3A_587] {strides = array<i32>} : memref<61x4x128xf32, #tpu.memory_space<vmem>>, vector<16xf32>,
    %get3A_589 = arith.constant 1 : i32
    %get3A_590 = arith.index_cast %scan3A_445 : i32 to index
    %get3A_591 = arith.index_cast %get3A_589 : i32 to index
    %get3A_592 = arith.constant 32 : index
    %get3A_593 = tpu.vector_load %arg7[%get3A_590, %get3A_591, %get3A_592] {strides = array<i32>} : memref<61x4x128xf32, #tpu.memory_space<vmem>>, vector<16xf32>,
    %get3A_594 = arith.constant 2 : i32
    %get3A_595 = arith.index_cast %scan3A_445 : i32 to index
    %get3A_596 = arith.index_cast %get3A_594 : i32 to index
    %get3A_597 = arith.constant 32 : index
    %get3A_598 = tpu.vector_load %arg7[%get3A_595, %get3A_596, %get3A_597] {strides = array<i32>} : memref<61x4x128xf32, #tpu.memory_space<vmem>>, vector<16xf32>,
    %get3A_599 = arith.constant 3 : i32
    %get3A_600 = arith.index_cast %scan3A_445 : i32 to index
    %get3A_601 = arith.index_cast %get3A_599 : i32 to index
    %get3A_602 = arith.constant 32 : index
    %get3A_603 = tpu.vector_load %arg7[%get3A_600, %get3A_601, %get3A_602] {strides = array<i32>} : memref<61x4x128xf32, #tpu.memory_space<vmem>>, vector<16xf32>,
    %mul3A_604 = arith.constant 5.000000e-02 : f32
    %mul3A_605 = vector.broadcast %mul3A_604 : f32 to vector<16xf32>
    %mul3A_606 = arith.mulf %get3A_588, %mul3A_605 : vector<16xf32>
    %convert_element_type3A_607 = arith.fptosi %mul3A_606 : vector<16xf32> to vector<16xi32>
    %jit3A_608 = arith.constant 0 : i32
    %jit3A_609 = arith.constant 31 : i32
    %max3A_610 = vector.broadcast %jit3A_608 : i32 to vector<16xi32>
    %max3A_611 = arith.maxsi %max3A_610, %convert_element_type3A_607 : vector<16xi32>
    %min3A_612 = vector.broadcast %jit3A_609 : i32 to vector<16xi32>
    %min3A_613 = arith.minsi %min3A_612, %max3A_611 : vector<16xi32>
    %mul3A_614 = arith.constant 5.000000e-02 : f32
    %mul3A_615 = vector.broadcast %mul3A_614 : f32 to vector<16xf32>
    %mul3A_616 = arith.mulf %get3A_593, %mul3A_615 : vector<16xf32>
    %convert_element_type3A_617 = arith.fptosi %mul3A_616 : vector<16xf32> to vector<16xi32>
    %jit3A_618 = arith.constant 0 : i32
    %jit3A_619 = arith.constant 23 : i32
    %max3A_620 = vector.broadcast %jit3A_618 : i32 to vector<16xi32>
    %max3A_621 = arith.maxsi %max3A_620, %convert_element_type3A_617 : vector<16xi32>
    %min3A_622 = vector.broadcast %jit3A_619 : i32 to vector<16xi32>
    %min3A_623 = arith.minsi %min3A_622, %max3A_621 : vector<16xi32>
    %sub3A_624 = arith.subf %get3A_598, %select_n3A_428 : vector<16xf32>
    %mul3A_625 = arith.mulf %sub3A_624, %select_n3A_425 : vector<16xf32>
    %convert_element_type3A_626 = arith.fptosi %mul3A_625 : vector<16xf32> to vector<16xi32>
    %jit3A_627 = arith.constant 0 : i32
    %jit3A_628 = arith.constant 4 : i32
    %max3A_629 = vector.broadcast %jit3A_627 : i32 to vector<16xi32>
    %max3A_630 = arith.maxsi %max3A_629, %convert_element_type3A_626 : vector<16xi32>
    %min3A_631 = vector.broadcast %jit3A_628 : i32 to vector<16xi32>
    %min3A_632 = arith.minsi %min3A_631, %max3A_630 : vector<16xi32>
    %gt3A_633 = arith.constant 0.000000e+00 : f32
    %gt3A_634 = vector.broadcast %gt3A_633 : f32 to vector<16xf32>
    %gt3A_635 = arith.cmpf ogt, %get3A_603, %gt3A_634 : vector<16xf32>
    %jit3A_636 = arith.constant 0 : i32
    %jit3A_637 = arith.constant 3840 : i32
    %broadcast_in_dim3A_638 = vector.broadcast %jit3A_636 : i32 to vector<16xi32>
    %broadcast_in_dim3A_639 = vector.broadcast %jit3A_637 : i32 to vector<16xi32>
    %select_n3A_640 = arith.select %gt3A_635, %broadcast_in_dim3A_638, %broadcast_in_dim3A_639 : vector<16xi1>, vector<16xi32>
    %mul3A_641 = arith.constant 768 : i32
    %mul3A_642 = vector.broadcast %mul3A_641 : i32 to vector<16xi32>
    %mul3A_643 = arith.muli %min3A_632, %mul3A_642 : vector<16xi32>
    %add3A_644 = arith.addi %select_n3A_640, %mul3A_643 : vector<16xi32>
    %mul3A_645 = arith.constant 32 : i32
    %mul3A_646 = vector.broadcast %mul3A_645 : i32 to vector<16xi32>
    %mul3A_647 = arith.muli %min3A_623, %mul3A_646 : vector<16xi32>
    %add3A_648 = arith.addi %add3A_644, %mul3A_647 : vector<16xi32>
    %add3A_649 = arith.addi %add3A_648, %min3A_613 : vector<16xi32>
    %add3A_650 = arith.addi %add3A_649, %mul3A_35 : vector<16xi32>
    tpu.vector_store_idx %arg6[%add3A_650], %broadcast_in_dim3A_9 masked %ge3A_450 {add = true} : memref<61448xf32, #tpu.memory_space<vmem>>[vector<16xi32>], vector<16xf32>, vector<16xi1>
    %get3A_651 = arith.constant 0 : i32
    %get3A_652 = arith.index_cast %scan3A_445 : i32 to index
    %get3A_653 = arith.index_cast %get3A_651 : i32 to index
    %get3A_654 = arith.constant 48 : index
    %get3A_655 = tpu.vector_load %arg7[%get3A_652, %get3A_653, %get3A_654] {strides = array<i32>} : memref<61x4x128xf32, #tpu.memory_space<vmem>>, vector<16xf32>,
    %get3A_656 = arith.constant 1 : i32
    %get3A_657 = arith.index_cast %scan3A_445 : i32 to index
    %get3A_658 = arith.index_cast %get3A_656 : i32 to index
    %get3A_659 = arith.constant 48 : index
    %get3A_660 = tpu.vector_load %arg7[%get3A_657, %get3A_658, %get3A_659] {strides = array<i32>} : memref<61x4x128xf32, #tpu.memory_space<vmem>>, vector<16xf32>,
    %get3A_661 = arith.constant 2 : i32
    %get3A_662 = arith.index_cast %scan3A_445 : i32 to index
    %get3A_663 = arith.index_cast %get3A_661 : i32 to index
    %get3A_664 = arith.constant 48 : index
    %get3A_665 = tpu.vector_load %arg7[%get3A_662, %get3A_663, %get3A_664] {strides = array<i32>} : memref<61x4x128xf32, #tpu.memory_space<vmem>>, vector<16xf32>,
    %get3A_666 = arith.constant 3 : i32
    %get3A_667 = arith.index_cast %scan3A_445 : i32 to index
    %get3A_668 = arith.index_cast %get3A_666 : i32 to index
    %get3A_669 = arith.constant 48 : index
    %get3A_670 = tpu.vector_load %arg7[%get3A_667, %get3A_668, %get3A_669] {strides = array<i32>} : memref<61x4x128xf32, #tpu.memory_space<vmem>>, vector<16xf32>,
    %mul3A_671 = arith.constant 5.000000e-02 : f32
    %mul3A_672 = vector.broadcast %mul3A_671 : f32 to vector<16xf32>
    %mul3A_673 = arith.mulf %get3A_655, %mul3A_672 : vector<16xf32>
    %convert_element_type3A_674 = arith.fptosi %mul3A_673 : vector<16xf32> to vector<16xi32>
    %jit3A_675 = arith.constant 0 : i32
    %jit3A_676 = arith.constant 31 : i32
    %max3A_677 = vector.broadcast %jit3A_675 : i32 to vector<16xi32>
    %max3A_678 = arith.maxsi %max3A_677, %convert_element_type3A_674 : vector<16xi32>
    %min3A_679 = vector.broadcast %jit3A_676 : i32 to vector<16xi32>
    %min3A_680 = arith.minsi %min3A_679, %max3A_678 : vector<16xi32>
    %mul3A_681 = arith.constant 5.000000e-02 : f32
    %mul3A_682 = vector.broadcast %mul3A_681 : f32 to vector<16xf32>
    %mul3A_683 = arith.mulf %get3A_660, %mul3A_682 : vector<16xf32>
    %convert_element_type3A_684 = arith.fptosi %mul3A_683 : vector<16xf32> to vector<16xi32>
    %jit3A_685 = arith.constant 0 : i32
    %jit3A_686 = arith.constant 23 : i32
    %max3A_687 = vector.broadcast %jit3A_685 : i32 to vector<16xi32>
    %max3A_688 = arith.maxsi %max3A_687, %convert_element_type3A_684 : vector<16xi32>
    %min3A_689 = vector.broadcast %jit3A_686 : i32 to vector<16xi32>
    %min3A_690 = arith.minsi %min3A_689, %max3A_688 : vector<16xi32>
    %sub3A_691 = arith.subf %get3A_665, %select_n3A_428 : vector<16xf32>
    %mul3A_692 = arith.mulf %sub3A_691, %select_n3A_425 : vector<16xf32>
    %convert_element_type3A_693 = arith.fptosi %mul3A_692 : vector<16xf32> to vector<16xi32>
    %jit3A_694 = arith.constant 0 : i32
    %jit3A_695 = arith.constant 4 : i32
    %max3A_696 = vector.broadcast %jit3A_694 : i32 to vector<16xi32>
    %max3A_697 = arith.maxsi %max3A_696, %convert_element_type3A_693 : vector<16xi32>
    %min3A_698 = vector.broadcast %jit3A_695 : i32 to vector<16xi32>
    %min3A_699 = arith.minsi %min3A_698, %max3A_697 : vector<16xi32>
    %gt3A_700 = arith.constant 0.000000e+00 : f32
    %gt3A_701 = vector.broadcast %gt3A_700 : f32 to vector<16xf32>
    %gt3A_702 = arith.cmpf ogt, %get3A_670, %gt3A_701 : vector<16xf32>
    %jit3A_703 = arith.constant 0 : i32
    %jit3A_704 = arith.constant 3840 : i32
    %broadcast_in_dim3A_705 = vector.broadcast %jit3A_703 : i32 to vector<16xi32>
    %broadcast_in_dim3A_706 = vector.broadcast %jit3A_704 : i32 to vector<16xi32>
    %select_n3A_707 = arith.select %gt3A_702, %broadcast_in_dim3A_705, %broadcast_in_dim3A_706 : vector<16xi1>, vector<16xi32>
    %mul3A_708 = arith.constant 768 : i32
    %mul3A_709 = vector.broadcast %mul3A_708 : i32 to vector<16xi32>
    %mul3A_710 = arith.muli %min3A_699, %mul3A_709 : vector<16xi32>
    %add3A_711 = arith.addi %select_n3A_707, %mul3A_710 : vector<16xi32>
    %mul3A_712 = arith.constant 32 : i32
    %mul3A_713 = vector.broadcast %mul3A_712 : i32 to vector<16xi32>
    %mul3A_714 = arith.muli %min3A_690, %mul3A_713 : vector<16xi32>
    %add3A_715 = arith.addi %add3A_711, %mul3A_714 : vector<16xi32>
    %add3A_716 = arith.addi %add3A_715, %min3A_680 : vector<16xi32>
    %add3A_717 = arith.addi %add3A_716, %mul3A_44 : vector<16xi32>
    tpu.vector_store_idx %arg6[%add3A_717], %broadcast_in_dim3A_9 masked %ge3A_450 {add = true} : memref<61448xf32, #tpu.memory_space<vmem>>[vector<16xi32>], vector<16xf32>, vector<16xi1>
    %get3A_718 = arith.constant 0 : i32
    %get3A_719 = arith.index_cast %scan3A_445 : i32 to index
    %get3A_720 = arith.index_cast %get3A_718 : i32 to index
    %get3A_721 = arith.constant 64 : index
    %get3A_722 = tpu.vector_load %arg7[%get3A_719, %get3A_720, %get3A_721] {strides = array<i32>} : memref<61x4x128xf32, #tpu.memory_space<vmem>>, vector<16xf32>,
    %get3A_723 = arith.constant 1 : i32
    %get3A_724 = arith.index_cast %scan3A_445 : i32 to index
    %get3A_725 = arith.index_cast %get3A_723 : i32 to index
    %get3A_726 = arith.constant 64 : index
    %get3A_727 = tpu.vector_load %arg7[%get3A_724, %get3A_725, %get3A_726] {strides = array<i32>} : memref<61x4x128xf32, #tpu.memory_space<vmem>>, vector<16xf32>,
    %get3A_728 = arith.constant 2 : i32
    %get3A_729 = arith.index_cast %scan3A_445 : i32 to index
    %get3A_730 = arith.index_cast %get3A_728 : i32 to index
    %get3A_731 = arith.constant 64 : index
    %get3A_732 = tpu.vector_load %arg7[%get3A_729, %get3A_730, %get3A_731] {strides = array<i32>} : memref<61x4x128xf32, #tpu.memory_space<vmem>>, vector<16xf32>,
    %get3A_733 = arith.constant 3 : i32
    %get3A_734 = arith.index_cast %scan3A_445 : i32 to index
    %get3A_735 = arith.index_cast %get3A_733 : i32 to index
    %get3A_736 = arith.constant 64 : index
    %get3A_737 = tpu.vector_load %arg7[%get3A_734, %get3A_735, %get3A_736] {strides = array<i32>} : memref<61x4x128xf32, #tpu.memory_space<vmem>>, vector<16xf32>,
    %mul3A_738 = arith.constant 5.000000e-02 : f32
    %mul3A_739 = vector.broadcast %mul3A_738 : f32 to vector<16xf32>
    %mul3A_740 = arith.mulf %get3A_722, %mul3A_739 : vector<16xf32>
    %convert_element_type3A_741 = arith.fptosi %mul3A_740 : vector<16xf32> to vector<16xi32>
    %jit3A_742 = arith.constant 0 : i32
    %jit3A_743 = arith.constant 31 : i32
    %max3A_744 = vector.broadcast %jit3A_742 : i32 to vector<16xi32>
    %max3A_745 = arith.maxsi %max3A_744, %convert_element_type3A_741 : vector<16xi32>
    %min3A_746 = vector.broadcast %jit3A_743 : i32 to vector<16xi32>
    %min3A_747 = arith.minsi %min3A_746, %max3A_745 : vector<16xi32>
    %mul3A_748 = arith.constant 5.000000e-02 : f32
    %mul3A_749 = vector.broadcast %mul3A_748 : f32 to vector<16xf32>
    %mul3A_750 = arith.mulf %get3A_727, %mul3A_749 : vector<16xf32>
    %convert_element_type3A_751 = arith.fptosi %mul3A_750 : vector<16xf32> to vector<16xi32>
    %jit3A_752 = arith.constant 0 : i32
    %jit3A_753 = arith.constant 23 : i32
    %max3A_754 = vector.broadcast %jit3A_752 : i32 to vector<16xi32>
    %max3A_755 = arith.maxsi %max3A_754, %convert_element_type3A_751 : vector<16xi32>
    %min3A_756 = vector.broadcast %jit3A_753 : i32 to vector<16xi32>
    %min3A_757 = arith.minsi %min3A_756, %max3A_755 : vector<16xi32>
    %sub3A_758 = arith.subf %get3A_732, %select_n3A_428 : vector<16xf32>
    %mul3A_759 = arith.mulf %sub3A_758, %select_n3A_425 : vector<16xf32>
    %convert_element_type3A_760 = arith.fptosi %mul3A_759 : vector<16xf32> to vector<16xi32>
    %jit3A_761 = arith.constant 0 : i32
    %jit3A_762 = arith.constant 4 : i32
    %max3A_763 = vector.broadcast %jit3A_761 : i32 to vector<16xi32>
    %max3A_764 = arith.maxsi %max3A_763, %convert_element_type3A_760 : vector<16xi32>
    %min3A_765 = vector.broadcast %jit3A_762 : i32 to vector<16xi32>
    %min3A_766 = arith.minsi %min3A_765, %max3A_764 : vector<16xi32>
    %gt3A_767 = arith.constant 0.000000e+00 : f32
    %gt3A_768 = vector.broadcast %gt3A_767 : f32 to vector<16xf32>
    %gt3A_769 = arith.cmpf ogt, %get3A_737, %gt3A_768 : vector<16xf32>
    %jit3A_770 = arith.constant 0 : i32
    %jit3A_771 = arith.constant 3840 : i32
    %broadcast_in_dim3A_772 = vector.broadcast %jit3A_770 : i32 to vector<16xi32>
    %broadcast_in_dim3A_773 = vector.broadcast %jit3A_771 : i32 to vector<16xi32>
    %select_n3A_774 = arith.select %gt3A_769, %broadcast_in_dim3A_772, %broadcast_in_dim3A_773 : vector<16xi1>, vector<16xi32>
    %mul3A_775 = arith.constant 768 : i32
    %mul3A_776 = vector.broadcast %mul3A_775 : i32 to vector<16xi32>
    %mul3A_777 = arith.muli %min3A_766, %mul3A_776 : vector<16xi32>
    %add3A_778 = arith.addi %select_n3A_774, %mul3A_777 : vector<16xi32>
    %mul3A_779 = arith.constant 32 : i32
    %mul3A_780 = vector.broadcast %mul3A_779 : i32 to vector<16xi32>
    %mul3A_781 = arith.muli %min3A_757, %mul3A_780 : vector<16xi32>
    %add3A_782 = arith.addi %add3A_778, %mul3A_781 : vector<16xi32>
    %add3A_783 = arith.addi %add3A_782, %min3A_747 : vector<16xi32>
    %add3A_784 = arith.addi %add3A_783, %mul3A_53 : vector<16xi32>
    tpu.vector_store_idx %arg6[%add3A_784], %broadcast_in_dim3A_9 masked %ge3A_450 {add = true} : memref<61448xf32, #tpu.memory_space<vmem>>[vector<16xi32>], vector<16xf32>, vector<16xi1>
    %get3A_785 = arith.constant 0 : i32
    %get3A_786 = arith.index_cast %scan3A_445 : i32 to index
    %get3A_787 = arith.index_cast %get3A_785 : i32 to index
    %get3A_788 = arith.constant 80 : index
    %get3A_789 = tpu.vector_load %arg7[%get3A_786, %get3A_787, %get3A_788] {strides = array<i32>} : memref<61x4x128xf32, #tpu.memory_space<vmem>>, vector<16xf32>,
    %get3A_790 = arith.constant 1 : i32
    %get3A_791 = arith.index_cast %scan3A_445 : i32 to index
    %get3A_792 = arith.index_cast %get3A_790 : i32 to index
    %get3A_793 = arith.constant 80 : index
    %get3A_794 = tpu.vector_load %arg7[%get3A_791, %get3A_792, %get3A_793] {strides = array<i32>} : memref<61x4x128xf32, #tpu.memory_space<vmem>>, vector<16xf32>,
    %get3A_795 = arith.constant 2 : i32
    %get3A_796 = arith.index_cast %scan3A_445 : i32 to index
    %get3A_797 = arith.index_cast %get3A_795 : i32 to index
    %get3A_798 = arith.constant 80 : index
    %get3A_799 = tpu.vector_load %arg7[%get3A_796, %get3A_797, %get3A_798] {strides = array<i32>} : memref<61x4x128xf32, #tpu.memory_space<vmem>>, vector<16xf32>,
    %get3A_800 = arith.constant 3 : i32
    %get3A_801 = arith.index_cast %scan3A_445 : i32 to index
    %get3A_802 = arith.index_cast %get3A_800 : i32 to index
    %get3A_803 = arith.constant 80 : index
    %get3A_804 = tpu.vector_load %arg7[%get3A_801, %get3A_802, %get3A_803] {strides = array<i32>} : memref<61x4x128xf32, #tpu.memory_space<vmem>>, vector<16xf32>,
    %mul3A_805 = arith.constant 5.000000e-02 : f32
    %mul3A_806 = vector.broadcast %mul3A_805 : f32 to vector<16xf32>
    %mul3A_807 = arith.mulf %get3A_789, %mul3A_806 : vector<16xf32>
    %convert_element_type3A_808 = arith.fptosi %mul3A_807 : vector<16xf32> to vector<16xi32>
    %jit3A_809 = arith.constant 0 : i32
    %jit3A_810 = arith.constant 31 : i32
    %max3A_811 = vector.broadcast %jit3A_809 : i32 to vector<16xi32>
    %max3A_812 = arith.maxsi %max3A_811, %convert_element_type3A_808 : vector<16xi32>
    %min3A_813 = vector.broadcast %jit3A_810 : i32 to vector<16xi32>
    %min3A_814 = arith.minsi %min3A_813, %max3A_812 : vector<16xi32>
    %mul3A_815 = arith.constant 5.000000e-02 : f32
    %mul3A_816 = vector.broadcast %mul3A_815 : f32 to vector<16xf32>
    %mul3A_817 = arith.mulf %get3A_794, %mul3A_816 : vector<16xf32>
    %convert_element_type3A_818 = arith.fptosi %mul3A_817 : vector<16xf32> to vector<16xi32>
    %jit3A_819 = arith.constant 0 : i32
    %jit3A_820 = arith.constant 23 : i32
    %max3A_821 = vector.broadcast %jit3A_819 : i32 to vector<16xi32>
    %max3A_822 = arith.maxsi %max3A_821, %convert_element_type3A_818 : vector<16xi32>
    %min3A_823 = vector.broadcast %jit3A_820 : i32 to vector<16xi32>
    %min3A_824 = arith.minsi %min3A_823, %max3A_822 : vector<16xi32>
    %sub3A_825 = arith.subf %get3A_799, %select_n3A_428 : vector<16xf32>
    %mul3A_826 = arith.mulf %sub3A_825, %select_n3A_425 : vector<16xf32>
    %convert_element_type3A_827 = arith.fptosi %mul3A_826 : vector<16xf32> to vector<16xi32>
    %jit3A_828 = arith.constant 0 : i32
    %jit3A_829 = arith.constant 4 : i32
    %max3A_830 = vector.broadcast %jit3A_828 : i32 to vector<16xi32>
    %max3A_831 = arith.maxsi %max3A_830, %convert_element_type3A_827 : vector<16xi32>
    %min3A_832 = vector.broadcast %jit3A_829 : i32 to vector<16xi32>
    %min3A_833 = arith.minsi %min3A_832, %max3A_831 : vector<16xi32>
    %gt3A_834 = arith.constant 0.000000e+00 : f32
    %gt3A_835 = vector.broadcast %gt3A_834 : f32 to vector<16xf32>
    %gt3A_836 = arith.cmpf ogt, %get3A_804, %gt3A_835 : vector<16xf32>
    %jit3A_837 = arith.constant 0 : i32
    %jit3A_838 = arith.constant 3840 : i32
    %broadcast_in_dim3A_839 = vector.broadcast %jit3A_837 : i32 to vector<16xi32>
    %broadcast_in_dim3A_840 = vector.broadcast %jit3A_838 : i32 to vector<16xi32>
    %select_n3A_841 = arith.select %gt3A_836, %broadcast_in_dim3A_839, %broadcast_in_dim3A_840 : vector<16xi1>, vector<16xi32>
    %mul3A_842 = arith.constant 768 : i32
    %mul3A_843 = vector.broadcast %mul3A_842 : i32 to vector<16xi32>
    %mul3A_844 = arith.muli %min3A_833, %mul3A_843 : vector<16xi32>
    %add3A_845 = arith.addi %select_n3A_841, %mul3A_844 : vector<16xi32>
    %mul3A_846 = arith.constant 32 : i32
    %mul3A_847 = vector.broadcast %mul3A_846 : i32 to vector<16xi32>
    %mul3A_848 = arith.muli %min3A_824, %mul3A_847 : vector<16xi32>
    %add3A_849 = arith.addi %add3A_845, %mul3A_848 : vector<16xi32>
    %add3A_850 = arith.addi %add3A_849, %min3A_814 : vector<16xi32>
    %add3A_851 = arith.addi %add3A_850, %mul3A_62 : vector<16xi32>
    tpu.vector_store_idx %arg6[%add3A_851], %broadcast_in_dim3A_9 masked %ge3A_450 {add = true} : memref<61448xf32, #tpu.memory_space<vmem>>[vector<16xi32>], vector<16xf32>, vector<16xi1>
    %get3A_852 = arith.constant 0 : i32
    %get3A_853 = arith.index_cast %scan3A_445 : i32 to index
    %get3A_854 = arith.index_cast %get3A_852 : i32 to index
    %get3A_855 = arith.constant 96 : index
    %get3A_856 = tpu.vector_load %arg7[%get3A_853, %get3A_854, %get3A_855] {strides = array<i32>} : memref<61x4x128xf32, #tpu.memory_space<vmem>>, vector<16xf32>,
    %get3A_857 = arith.constant 1 : i32
    %get3A_858 = arith.index_cast %scan3A_445 : i32 to index
    %get3A_859 = arith.index_cast %get3A_857 : i32 to index
    %get3A_860 = arith.constant 96 : index
    %get3A_861 = tpu.vector_load %arg7[%get3A_858, %get3A_859, %get3A_860] {strides = array<i32>} : memref<61x4x128xf32, #tpu.memory_space<vmem>>, vector<16xf32>,
    %get3A_862 = arith.constant 2 : i32
    %get3A_863 = arith.index_cast %scan3A_445 : i32 to index
    %get3A_864 = arith.index_cast %get3A_862 : i32 to index
    %get3A_865 = arith.constant 96 : index
    %get3A_866 = tpu.vector_load %arg7[%get3A_863, %get3A_864, %get3A_865] {strides = array<i32>} : memref<61x4x128xf32, #tpu.memory_space<vmem>>, vector<16xf32>,
    %get3A_867 = arith.constant 3 : i32
    %get3A_868 = arith.index_cast %scan3A_445 : i32 to index
    %get3A_869 = arith.index_cast %get3A_867 : i32 to index
    %get3A_870 = arith.constant 96 : index
    %get3A_871 = tpu.vector_load %arg7[%get3A_868, %get3A_869, %get3A_870] {strides = array<i32>} : memref<61x4x128xf32, #tpu.memory_space<vmem>>, vector<16xf32>,
    %mul3A_872 = arith.constant 5.000000e-02 : f32
    %mul3A_873 = vector.broadcast %mul3A_872 : f32 to vector<16xf32>
    %mul3A_874 = arith.mulf %get3A_856, %mul3A_873 : vector<16xf32>
    %convert_element_type3A_875 = arith.fptosi %mul3A_874 : vector<16xf32> to vector<16xi32>
    %jit3A_876 = arith.constant 0 : i32
    %jit3A_877 = arith.constant 31 : i32
    %max3A_878 = vector.broadcast %jit3A_876 : i32 to vector<16xi32>
    %max3A_879 = arith.maxsi %max3A_878, %convert_element_type3A_875 : vector<16xi32>
    %min3A_880 = vector.broadcast %jit3A_877 : i32 to vector<16xi32>
    %min3A_881 = arith.minsi %min3A_880, %max3A_879 : vector<16xi32>
    %mul3A_882 = arith.constant 5.000000e-02 : f32
    %mul3A_883 = vector.broadcast %mul3A_882 : f32 to vector<16xf32>
    %mul3A_884 = arith.mulf %get3A_861, %mul3A_883 : vector<16xf32>
    %convert_element_type3A_885 = arith.fptosi %mul3A_884 : vector<16xf32> to vector<16xi32>
    %jit3A_886 = arith.constant 0 : i32
    %jit3A_887 = arith.constant 23 : i32
    %max3A_888 = vector.broadcast %jit3A_886 : i32 to vector<16xi32>
    %max3A_889 = arith.maxsi %max3A_888, %convert_element_type3A_885 : vector<16xi32>
    %min3A_890 = vector.broadcast %jit3A_887 : i32 to vector<16xi32>
    %min3A_891 = arith.minsi %min3A_890, %max3A_889 : vector<16xi32>
    %sub3A_892 = arith.subf %get3A_866, %select_n3A_428 : vector<16xf32>
    %mul3A_893 = arith.mulf %sub3A_892, %select_n3A_425 : vector<16xf32>
    %convert_element_type3A_894 = arith.fptosi %mul3A_893 : vector<16xf32> to vector<16xi32>
    %jit3A_895 = arith.constant 0 : i32
    %jit3A_896 = arith.constant 4 : i32
    %max3A_897 = vector.broadcast %jit3A_895 : i32 to vector<16xi32>
    %max3A_898 = arith.maxsi %max3A_897, %convert_element_type3A_894 : vector<16xi32>
    %min3A_899 = vector.broadcast %jit3A_896 : i32 to vector<16xi32>
    %min3A_900 = arith.minsi %min3A_899, %max3A_898 : vector<16xi32>
    %gt3A_901 = arith.constant 0.000000e+00 : f32
    %gt3A_902 = vector.broadcast %gt3A_901 : f32 to vector<16xf32>
    %gt3A_903 = arith.cmpf ogt, %get3A_871, %gt3A_902 : vector<16xf32>
    %jit3A_904 = arith.constant 0 : i32
    %jit3A_905 = arith.constant 3840 : i32
    %broadcast_in_dim3A_906 = vector.broadcast %jit3A_904 : i32 to vector<16xi32>
    %broadcast_in_dim3A_907 = vector.broadcast %jit3A_905 : i32 to vector<16xi32>
    %select_n3A_908 = arith.select %gt3A_903, %broadcast_in_dim3A_906, %broadcast_in_dim3A_907 : vector<16xi1>, vector<16xi32>
    %mul3A_909 = arith.constant 768 : i32
    %mul3A_910 = vector.broadcast %mul3A_909 : i32 to vector<16xi32>
    %mul3A_911 = arith.muli %min3A_900, %mul3A_910 : vector<16xi32>
    %add3A_912 = arith.addi %select_n3A_908, %mul3A_911 : vector<16xi32>
    %mul3A_913 = arith.constant 32 : i32
    %mul3A_914 = vector.broadcast %mul3A_913 : i32 to vector<16xi32>
    %mul3A_915 = arith.muli %min3A_891, %mul3A_914 : vector<16xi32>
    %add3A_916 = arith.addi %add3A_912, %mul3A_915 : vector<16xi32>
    %add3A_917 = arith.addi %add3A_916, %min3A_881 : vector<16xi32>
    %add3A_918 = arith.addi %add3A_917, %mul3A_71 : vector<16xi32>
    tpu.vector_store_idx %arg6[%add3A_918], %broadcast_in_dim3A_9 masked %ge3A_450 {add = true} : memref<61448xf32, #tpu.memory_space<vmem>>[vector<16xi32>], vector<16xf32>, vector<16xi1>
    %get3A_919 = arith.constant 0 : i32
    %get3A_920 = arith.index_cast %scan3A_445 : i32 to index
    %get3A_921 = arith.index_cast %get3A_919 : i32 to index
    %get3A_922 = arith.constant 112 : index
    %get3A_923 = tpu.vector_load %arg7[%get3A_920, %get3A_921, %get3A_922] {strides = array<i32>} : memref<61x4x128xf32, #tpu.memory_space<vmem>>, vector<16xf32>,
    %get3A_924 = arith.constant 1 : i32
    %get3A_925 = arith.index_cast %scan3A_445 : i32 to index
    %get3A_926 = arith.index_cast %get3A_924 : i32 to index
    %get3A_927 = arith.constant 112 : index
    %get3A_928 = tpu.vector_load %arg7[%get3A_925, %get3A_926, %get3A_927] {strides = array<i32>} : memref<61x4x128xf32, #tpu.memory_space<vmem>>, vector<16xf32>,
    %get3A_929 = arith.constant 2 : i32
    %get3A_930 = arith.index_cast %scan3A_445 : i32 to index
    %get3A_931 = arith.index_cast %get3A_929 : i32 to index
    %get3A_932 = arith.constant 112 : index
    %get3A_933 = tpu.vector_load %arg7[%get3A_930, %get3A_931, %get3A_932] {strides = array<i32>} : memref<61x4x128xf32, #tpu.memory_space<vmem>>, vector<16xf32>,
    %get3A_934 = arith.constant 3 : i32
    %get3A_935 = arith.index_cast %scan3A_445 : i32 to index
    %get3A_936 = arith.index_cast %get3A_934 : i32 to index
    %get3A_937 = arith.constant 112 : index
    %get3A_938 = tpu.vector_load %arg7[%get3A_935, %get3A_936, %get3A_937] {strides = array<i32>} : memref<61x4x128xf32, #tpu.memory_space<vmem>>, vector<16xf32>,
    %mul3A_939 = arith.constant 5.000000e-02 : f32
    %mul3A_940 = vector.broadcast %mul3A_939 : f32 to vector<16xf32>
    %mul3A_941 = arith.mulf %get3A_923, %mul3A_940 : vector<16xf32>
    %convert_element_type3A_942 = arith.fptosi %mul3A_941 : vector<16xf32> to vector<16xi32>
    %jit3A_943 = arith.constant 0 : i32
    %jit3A_944 = arith.constant 31 : i32
    %max3A_945 = vector.broadcast %jit3A_943 : i32 to vector<16xi32>
    %max3A_946 = arith.maxsi %max3A_945, %convert_element_type3A_942 : vector<16xi32>
    %min3A_947 = vector.broadcast %jit3A_944 : i32 to vector<16xi32>
    %min3A_948 = arith.minsi %min3A_947, %max3A_946 : vector<16xi32>
    %mul3A_949 = arith.constant 5.000000e-02 : f32
    %mul3A_950 = vector.broadcast %mul3A_949 : f32 to vector<16xf32>
    %mul3A_951 = arith.mulf %get3A_928, %mul3A_950 : vector<16xf32>
    %convert_element_type3A_952 = arith.fptosi %mul3A_951 : vector<16xf32> to vector<16xi32>
    %jit3A_953 = arith.constant 0 : i32
    %jit3A_954 = arith.constant 23 : i32
    %max3A_955 = vector.broadcast %jit3A_953 : i32 to vector<16xi32>
    %max3A_956 = arith.maxsi %max3A_955, %convert_element_type3A_952 : vector<16xi32>
    %min3A_957 = vector.broadcast %jit3A_954 : i32 to vector<16xi32>
    %min3A_958 = arith.minsi %min3A_957, %max3A_956 : vector<16xi32>
    %sub3A_959 = arith.subf %get3A_933, %select_n3A_428 : vector<16xf32>
    %mul3A_960 = arith.mulf %sub3A_959, %select_n3A_425 : vector<16xf32>
    %convert_element_type3A_961 = arith.fptosi %mul3A_960 : vector<16xf32> to vector<16xi32>
    %jit3A_962 = arith.constant 0 : i32
    %jit3A_963 = arith.constant 4 : i32
    %max3A_964 = vector.broadcast %jit3A_962 : i32 to vector<16xi32>
    %max3A_965 = arith.maxsi %max3A_964, %convert_element_type3A_961 : vector<16xi32>
    %min3A_966 = vector.broadcast %jit3A_963 : i32 to vector<16xi32>
    %min3A_967 = arith.minsi %min3A_966, %max3A_965 : vector<16xi32>
    %gt3A_968 = arith.constant 0.000000e+00 : f32
    %gt3A_969 = vector.broadcast %gt3A_968 : f32 to vector<16xf32>
    %gt3A_970 = arith.cmpf ogt, %get3A_938, %gt3A_969 : vector<16xf32>
    %jit3A_971 = arith.constant 0 : i32
    %jit3A_972 = arith.constant 3840 : i32
    %broadcast_in_dim3A_973 = vector.broadcast %jit3A_971 : i32 to vector<16xi32>
    %broadcast_in_dim3A_974 = vector.broadcast %jit3A_972 : i32 to vector<16xi32>
    %select_n3A_975 = arith.select %gt3A_970, %broadcast_in_dim3A_973, %broadcast_in_dim3A_974 : vector<16xi1>, vector<16xi32>
    %mul3A_976 = arith.constant 768 : i32
    %mul3A_977 = vector.broadcast %mul3A_976 : i32 to vector<16xi32>
    %mul3A_978 = arith.muli %min3A_967, %mul3A_977 : vector<16xi32>
    %add3A_979 = arith.addi %select_n3A_975, %mul3A_978 : vector<16xi32>
    %mul3A_980 = arith.constant 32 : i32
    %mul3A_981 = vector.broadcast %mul3A_980 : i32 to vector<16xi32>
    %mul3A_982 = arith.muli %min3A_958, %mul3A_981 : vector<16xi32>
    %add3A_983 = arith.addi %add3A_979, %mul3A_982 : vector<16xi32>
    %add3A_984 = arith.addi %add3A_983, %min3A_948 : vector<16xi32>
    %add3A_985 = arith.addi %add3A_984, %mul3A_80 : vector<16xi32>
    tpu.vector_store_idx %arg6[%add3A_985], %broadcast_in_dim3A_9 masked %ge3A_450 {add = true} : memref<61448xf32, #tpu.memory_space<vmem>>[vector<16xi32>], vector<16xf32>, vector<16xi1>
    %scan3A_986 = arith.constant 1 : i32
    %scan3A_987 = arith.constant 0 : i32
    %scan3A_988 = arith.constant 0 : i32
    %scan3A_989 = arith.constant 480 : i32
    %scan3A_990 = arith.addi %scan3A_988, %scan3A_989 : i32
    %scan3A_991 = arith.constant 1 : i32
    scf.for %scan3A_995 = %scan3A_988 to %scan3A_990 step %scan3A_991  : i32 {
      %mul3A_996 = arith.constant 16 : i32
      %mul3A_997 = arith.muli %scan3A_995, %mul3A_996 : i32
      %get3A_998 = arith.index_cast %mul3A_997 : i32 to index
      %get3A_999 = tpu.vector_load %arg6[%get3A_998] {strides = array<i32>} : memref<61448xf32, #tpu.memory_space<vmem>>, vector<16xf32>,
      %add3A_1000 = arith.constant 7681 : i32
      %add3A_1001 = arith.addi %add3A_1000, %mul3A_997 : i32
      %get3A_1002 = arith.index_cast %add3A_1001 : i32 to index
      %get3A_1003 = tpu.vector_load %arg6[%get3A_1002] {strides = array<i32>} : memref<61448xf32, #tpu.memory_space<vmem>>, vector<16xf32>,
      %add3A_1004 = arith.addf %get3A_999, %get3A_1003 : vector<16xf32>
      %add3A_1005 = arith.constant 15362 : i32
      %add3A_1006 = arith.addi %add3A_1005, %mul3A_997 : i32
      %get3A_1007 = arith.index_cast %add3A_1006 : i32 to index
      %get3A_1008 = tpu.vector_load %arg6[%get3A_1007] {strides = array<i32>} : memref<61448xf32, #tpu.memory_space<vmem>>, vector<16xf32>,
      %add3A_1009 = arith.addf %add3A_1004, %get3A_1008 : vector<16xf32>
      %add3A_1010 = arith.constant 23043 : i32
      %add3A_1011 = arith.addi %add3A_1010, %mul3A_997 : i32
      %get3A_1012 = arith.index_cast %add3A_1011 : i32 to index
      %get3A_1013 = tpu.vector_load %arg6[%get3A_1012] {strides = array<i32>} : memref<61448xf32, #tpu.memory_space<vmem>>, vector<16xf32>,
      %add3A_1014 = arith.addf %add3A_1009, %get3A_1013 : vector<16xf32>
      %add3A_1015 = arith.constant 30724 : i32
      %add3A_1016 = arith.addi %add3A_1015, %mul3A_997 : i32
      %get3A_1017 = arith.index_cast %add3A_1016 : i32 to index
      %get3A_1018 = tpu.vector_load %arg6[%get3A_1017] {strides = array<i32>} : memref<61448xf32, #tpu.memory_space<vmem>>, vector<16xf32>,
      %add3A_1019 = arith.addf %add3A_1014, %get3A_1018 : vector<16xf32>
      %add3A_1020 = arith.constant 38405 : i32
      %add3A_1021 = arith.addi %add3A_1020, %mul3A_997 : i32
      %get3A_1022 = arith.index_cast %add3A_1021 : i32 to index
      %get3A_1023 = tpu.vector_load %arg6[%get3A_1022] {strides = array<i32>} : memref<61448xf32, #tpu.memory_space<vmem>>, vector<16xf32>,
      %add3A_1024 = arith.addf %add3A_1019, %get3A_1023 : vector<16xf32>
      %add3A_1025 = arith.constant 46086 : i32
      %add3A_1026 = arith.addi %add3A_1025, %mul3A_997 : i32
      %get3A_1027 = arith.index_cast %add3A_1026 : i32 to index
      %get3A_1028 = tpu.vector_load %arg6[%get3A_1027] {strides = array<i32>} : memref<61448xf32, #tpu.memory_space<vmem>>, vector<16xf32>,
      %add3A_1029 = arith.addf %add3A_1024, %get3A_1028 : vector<16xf32>
      %add3A_1030 = arith.constant 53767 : i32
      %add3A_1031 = arith.addi %add3A_1030, %mul3A_997 : i32
      %get3A_1032 = arith.index_cast %add3A_1031 : i32 to index
      %get3A_1033 = tpu.vector_load %arg6[%get3A_1032] {strides = array<i32>} : memref<61448xf32, #tpu.memory_space<vmem>>, vector<16xf32>,
      %add3A_1034 = arith.addf %add3A_1029, %get3A_1033 : vector<16xf32>
      %swap3A_1035 = arith.index_cast %mul3A_997 : i32 to index
      %swap3A_1036 = tpu.vector_load %arg6[%swap3A_1035] {strides = array<i32>} : memref<61448xf32, #tpu.memory_space<vmem>>, vector<16xf32>,
      tpu.vector_store %arg6[%swap3A_1035], %add3A_1034 {strides = array<i32>} : memref<61448xf32, #tpu.memory_space<vmem>>, vector<16xf32>,
    }
    %scan3A_992 = arith.constant 480 : i32
    %mul3A_993 = arith.constant 7680 : i32
    %mul3A_994 = arith.muli %add3A, %mul3A_993 : i32
    "tpu.region"() ({
      %run_scoped3A = tpu.sem_alloc : memref<!tpu.dma_semaphore, #tpu.memory_space<semaphore_mem>>
      %dma_start3A_995 = arith.constant 0 : i32
      %dma_start3A_996 = tpu.memref_slice %arg6[%dma_start3A_995] : memref<61448xf32, #tpu.memory_space<vmem>> -> memref<7680xf32, #tpu.memory_space<vmem>>
      %dma_start3A_997 = tpu.memref_slice %arg5[%mul3A_994] : memref<245760xf32, #tpu.memory_space<hbm>> -> memref<7680xf32, #tpu.memory_space<hbm>>
      %dma_start3A_998 = tpu.memref_slice %arg5[%mul3A_994] : memref<245760xf32, #tpu.memory_space<hbm>> -> memref<7680xf32, #tpu.memory_space<hbm>>
      %dma_start3A_999 = arith.constant 0 : i32
      %dma_start3A_1000 = tpu.memref_slice %arg6[%dma_start3A_999] : memref<61448xf32, #tpu.memory_space<vmem>> -> memref<7680xf32, #tpu.memory_space<vmem>>
      tpu.enqueue_dma source(%dma_start3A_1000 : memref<7680xf32, #tpu.memory_space<vmem>>) target(%dma_start3A_998 : memref<7680xf32, #tpu.memory_space<hbm>>) target_semaphore(%run_scoped3A : memref<!tpu.dma_semaphore, #tpu.memory_space<semaphore_mem>>)
      %dma_wait3A = arith.constant 0 : i32
      %dma_wait3A_1001 = tpu.memref_slice %arg6[%dma_wait3A] : memref<61448xf32, #tpu.memory_space<vmem>> -> memref<7680xf32, #tpu.memory_space<vmem>>
      %dma_wait3A_1002 = tpu.memref_slice %arg5[%mul3A_994] : memref<245760xf32, #tpu.memory_space<hbm>> -> memref<7680xf32, #tpu.memory_space<hbm>>
      %dma_wait3A_1003 = tpu.memref_slice %arg5[%mul3A_994] : memref<245760xf32, #tpu.memory_space<hbm>> -> memref<7680xf32, #tpu.memory_space<hbm>>
      %dma_wait3A_1004 = arith.constant 0 : i32
      %dma_wait3A_1005 = tpu.memref_slice %arg6[%dma_wait3A_1004] : memref<61448xf32, #tpu.memory_space<vmem>> -> memref<7680xf32, #tpu.memory_space<vmem>>
      tpu.wait_dma2 semaphore(%run_scoped3A : memref<!tpu.dma_semaphore, #tpu.memory_space<semaphore_mem>>) src(%dma_wait3A_1005 : memref<7680xf32, #tpu.memory_space<vmem>>) dst(%dma_wait3A_1003 : memref<7680xf32, #tpu.memory_space<hbm>>)
      tpu.yield
    }) : () -> ()
    return
  }
}

#map = affine_map<(d0, d1) -> (0, 0, 0)>
#map1 = affine_map<(d0, d1) -> (0, 0)>
module attributes {stable_mosaic.version = 14 : i64} {
  func.func @_sc_minmax(%arg0: i32, %arg1: i32, %arg2: memref<31250x4x128xf32, #tpu.memory_space<hbm>>, %arg3: memref<32x16xf32, #tpu.memory_space<hbm>>, %arg4: memref<32x16xf32, #tpu.memory_space<hbm>>, %arg5: memref<504x1x128xf32, #tpu.memory_space<vmem>>, %arg6: memref<504x1x128xf32, #tpu.memory_space<vmem>>, %arg7: memref<16xf32, #tpu.memory_space<vmem>>, %arg8: memref<16xf32, #tpu.memory_space<vmem>>, %arg9: memref<!tpu.dma_semaphore, #tpu.memory_space<semaphore_mem>>, %arg10: memref<!tpu.dma_semaphore, #tpu.memory_space<semaphore_mem>>) attributes {dimension_semantics = [#tpu.dimension_semantics<core_parallel>, #tpu.dimension_semantics<subcore_parallel>], iteration_bounds = array<i64: 2, 16>, scalar_prefetch = 0 : i64, scratch_operands = 6 : i64, tpu.core_type = #tpu.core_type<sc_vector_subcore>, window_params = [{transform_indices = #map}, {transform_indices = #map1}, {transform_indices = #map1}]} {
    %mul3A = arith.constant 2 : i32
    %mul3A_0 = arith.muli %arg1, %mul3A : i32
    %add3A = arith.addi %mul3A_0, %arg0 : i32
    %mul3A_1 = arith.constant 976 : i32
    %mul3A_2 = arith.muli %mul3A_1, %add3A : i32
    %add3A_3 = arith.constant 0 : i32
    %add3A_4 = arith.addi %mul3A_2, %add3A_3 : i32
    %min3A = arith.constant 30746 : i32
    %min3A_5 = arith.minsi %add3A_4, %min3A : i32
    %dma_start3A = arith.constant 2 : i32
    %dma_start3A_6 = arith.constant 0 : i32
    %dma_start3A_7 = tpu.memref_slice %arg2[%min3A_5, %dma_start3A, %dma_start3A_6] : memref<31250x4x128xf32, #tpu.memory_space<hbm>> -> memref<504x1x128xf32, #tpu.memory_space<hbm>>
    %dma_start3A_8 = arith.constant 2 : i32
    %dma_start3A_9 = arith.constant 0 : i32
    %dma_start3A_10 = tpu.memref_slice %arg2[%min3A_5, %dma_start3A_8, %dma_start3A_9] : memref<31250x4x128xf32, #tpu.memory_space<hbm>> -> memref<504x1x128xf32, #tpu.memory_space<hbm>>
    tpu.enqueue_dma source(%dma_start3A_10 : memref<504x1x128xf32, #tpu.memory_space<hbm>>) target(%arg5 : memref<504x1x128xf32, #tpu.memory_space<vmem>>) target_semaphore(%arg9 : memref<!tpu.dma_semaphore, #tpu.memory_space<semaphore_mem>>)
    %add3A_11 = arith.constant 504 : i32
    %add3A_12 = arith.addi %mul3A_2, %add3A_11 : i32
    %min3A_13 = arith.constant 30746 : i32
    %min3A_14 = arith.minsi %add3A_12, %min3A_13 : i32
    %dma_start3A_15 = arith.constant 2 : i32
    %dma_start3A_16 = arith.constant 0 : i32
    %dma_start3A_17 = tpu.memref_slice %arg2[%min3A_14, %dma_start3A_15, %dma_start3A_16] : memref<31250x4x128xf32, #tpu.memory_space<hbm>> -> memref<504x1x128xf32, #tpu.memory_space<hbm>>
    %dma_start3A_18 = arith.constant 2 : i32
    %dma_start3A_19 = arith.constant 0 : i32
    %dma_start3A_20 = tpu.memref_slice %arg2[%min3A_14, %dma_start3A_18, %dma_start3A_19] : memref<31250x4x128xf32, #tpu.memory_space<hbm>> -> memref<504x1x128xf32, #tpu.memory_space<hbm>>
    tpu.enqueue_dma source(%dma_start3A_20 : memref<504x1x128xf32, #tpu.memory_space<hbm>>) target(%arg6 : memref<504x1x128xf32, #tpu.memory_space<vmem>>) target_semaphore(%arg10 : memref<!tpu.dma_semaphore, #tpu.memory_space<semaphore_mem>>)
    %broadcast_in_dim3A = arith.constant 0x7F800000 : f32
    %broadcast_in_dim3A_21 = vector.broadcast %broadcast_in_dim3A : f32 to vector<16xf32>
    %neg3A = arith.constant 0.000000e+00 : f32
    %neg3A_22 = vector.broadcast %neg3A : f32 to vector<16xf32>
    %neg3A_23 = arith.subf %neg3A_22, %broadcast_in_dim3A_21 : vector<16xf32>
    %scan3A = arith.constant 0 : i32
    %mul3A_24 = arith.constant 2 : i32
    %mul3A_25 = arith.muli %mul3A_24, %scan3A : i32
    %dma_wait3A = arith.constant 0 : i32
    %dma_wait3A_26 = arith.constant 2 : i32
    %dma_wait3A_27 = arith.constant 0 : i32
    %dma_wait3A_28 = tpu.memref_slice %arg2[%dma_wait3A, %dma_wait3A_26, %dma_wait3A_27] : memref<31250x4x128xf32, #tpu.memory_space<hbm>> -> memref<504x1x128xf32, #tpu.memory_space<hbm>>
    %dma_wait3A_29 = arith.constant 0 : i32
    %dma_wait3A_30 = arith.constant 2 : i32
    %dma_wait3A_31 = arith.constant 0 : i32
    %dma_wait3A_32 = tpu.memref_slice %arg2[%dma_wait3A_29, %dma_wait3A_30, %dma_wait3A_31] : memref<31250x4x128xf32, #tpu.memory_space<hbm>> -> memref<504x1x128xf32, #tpu.memory_space<hbm>>
    tpu.wait_dma2 semaphore(%arg9 : memref<!tpu.dma_semaphore, #tpu.memory_space<semaphore_mem>>) src(%dma_wait3A_32 : memref<504x1x128xf32, #tpu.memory_space<hbm>>) dst(%arg5 : memref<504x1x128xf32, #tpu.memory_space<vmem>>)
    %scan3A_33 = arith.constant 0 : i32
    %scan3A_34 = arith.constant 504 : i32
    %scan3A_35 = arith.addi %scan3A_33, %scan3A_34 : i32
    %scan3A_36 = arith.constant 1 : i32
    %scan3A_37:2 = scf.for %scan3A_68 = %scan3A_33 to %scan3A_35 step %scan3A_36 iter_args(%scan3A_69 = %broadcast_in_dim3A_21, %scan3A_70 = %neg3A_23) -> (vector<16xf32>, vector<16xf32>)  : i32 {
      %get3A = arith.constant 0 : i32
      %get3A_71 = arith.index_cast %scan3A_68 : i32 to index
      %get3A_72 = arith.index_cast %get3A : i32 to index
      %get3A_73 = arith.constant 0 : index
      %get3A_74 = tpu.vector_load %arg5[%get3A_71, %get3A_72, %get3A_73] {strides = array<i32>} : memref<504x1x128xf32, #tpu.memory_space<vmem>>, vector<16xf32>,
      %min3A_75 = arith.minimumf %scan3A_69, %get3A_74 : vector<16xf32>
      %max3A = arith.maximumf %scan3A_70, %get3A_74 : vector<16xf32>
      %get3A_76 = arith.constant 0 : i32
      %get3A_77 = arith.index_cast %scan3A_68 : i32 to index
      %get3A_78 = arith.index_cast %get3A_76 : i32 to index
      %get3A_79 = arith.constant 16 : index
      %get3A_80 = tpu.vector_load %arg5[%get3A_77, %get3A_78, %get3A_79] {strides = array<i32>} : memref<504x1x128xf32, #tpu.memory_space<vmem>>, vector<16xf32>,
      %min3A_81 = arith.minimumf %min3A_75, %get3A_80 : vector<16xf32>
      %max3A_82 = arith.maximumf %max3A, %get3A_80 : vector<16xf32>
      %get3A_83 = arith.constant 0 : i32
      %get3A_84 = arith.index_cast %scan3A_68 : i32 to index
      %get3A_85 = arith.index_cast %get3A_83 : i32 to index
      %get3A_86 = arith.constant 32 : index
      %get3A_87 = tpu.vector_load %arg5[%get3A_84, %get3A_85, %get3A_86] {strides = array<i32>} : memref<504x1x128xf32, #tpu.memory_space<vmem>>, vector<16xf32>,
      %min3A_88 = arith.minimumf %min3A_81, %get3A_87 : vector<16xf32>
      %max3A_89 = arith.maximumf %max3A_82, %get3A_87 : vector<16xf32>
      %get3A_90 = arith.constant 0 : i32
      %get3A_91 = arith.index_cast %scan3A_68 : i32 to index
      %get3A_92 = arith.index_cast %get3A_90 : i32 to index
      %get3A_93 = arith.constant 48 : index
      %get3A_94 = tpu.vector_load %arg5[%get3A_91, %get3A_92, %get3A_93] {strides = array<i32>} : memref<504x1x128xf32, #tpu.memory_space<vmem>>, vector<16xf32>,
      %min3A_95 = arith.minimumf %min3A_88, %get3A_94 : vector<16xf32>
      %max3A_96 = arith.maximumf %max3A_89, %get3A_94 : vector<16xf32>
      %get3A_97 = arith.constant 0 : i32
      %get3A_98 = arith.index_cast %scan3A_68 : i32 to index
      %get3A_99 = arith.index_cast %get3A_97 : i32 to index
      %get3A_100 = arith.constant 64 : index
      %get3A_101 = tpu.vector_load %arg5[%get3A_98, %get3A_99, %get3A_100] {strides = array<i32>} : memref<504x1x128xf32, #tpu.memory_space<vmem>>, vector<16xf32>,
      %min3A_102 = arith.minimumf %min3A_95, %get3A_101 : vector<16xf32>
      %max3A_103 = arith.maximumf %max3A_96, %get3A_101 : vector<16xf32>
      %get3A_104 = arith.constant 0 : i32
      %get3A_105 = arith.index_cast %scan3A_68 : i32 to index
      %get3A_106 = arith.index_cast %get3A_104 : i32 to index
      %get3A_107 = arith.constant 80 : index
      %get3A_108 = tpu.vector_load %arg5[%get3A_105, %get3A_106, %get3A_107] {strides = array<i32>} : memref<504x1x128xf32, #tpu.memory_space<vmem>>, vector<16xf32>,
      %min3A_109 = arith.minimumf %min3A_102, %get3A_108 : vector<16xf32>
      %max3A_110 = arith.maximumf %max3A_103, %get3A_108 : vector<16xf32>
      %get3A_111 = arith.constant 0 : i32
      %get3A_112 = arith.index_cast %scan3A_68 : i32 to index
      %get3A_113 = arith.index_cast %get3A_111 : i32 to index
      %get3A_114 = arith.constant 96 : index
      %get3A_115 = tpu.vector_load %arg5[%get3A_112, %get3A_113, %get3A_114] {strides = array<i32>} : memref<504x1x128xf32, #tpu.memory_space<vmem>>, vector<16xf32>,
      %min3A_116 = arith.minimumf %min3A_109, %get3A_115 : vector<16xf32>
      %max3A_117 = arith.maximumf %max3A_110, %get3A_115 : vector<16xf32>
      %get3A_118 = arith.constant 0 : i32
      %get3A_119 = arith.index_cast %scan3A_68 : i32 to index
      %get3A_120 = arith.index_cast %get3A_118 : i32 to index
      %get3A_121 = arith.constant 112 : index
      %get3A_122 = tpu.vector_load %arg5[%get3A_119, %get3A_120, %get3A_121] {strides = array<i32>} : memref<504x1x128xf32, #tpu.memory_space<vmem>>, vector<16xf32>,
      %min3A_123 = arith.minimumf %min3A_116, %get3A_122 : vector<16xf32>
      %max3A_124 = arith.maximumf %max3A_117, %get3A_122 : vector<16xf32>
      scf.yield %min3A_123, %max3A_124 : vector<16xf32>, vector<16xf32>
    }
    %scan3A_38 = arith.constant 504 : i32
    %add3A_39 = arith.constant 2 : i32
    %add3A_40 = arith.addi %mul3A_25, %add3A_39 : i32
    %lt3A = arith.constant 2 : i32
    %lt3A_41 = arith.cmpi slt, %add3A_40, %lt3A : i32
    %convert_element_type3A = arith.extui %lt3A_41 : i1 to i32
    %cond3A = arith.constant 0 : i32
    %cond3A_42 = arith.cmpi ne, %convert_element_type3A, %cond3A : i32
    scf.if %cond3A_42 {
      %add3A_68 = arith.constant 2 : i32
      %add3A_69 = arith.addi %mul3A_25, %add3A_68 : i32
      %mul3A_70 = arith.constant 504 : i32
      %mul3A_71 = arith.muli %add3A_69, %mul3A_70 : i32
      %add3A_72 = arith.addi %mul3A_2, %mul3A_71 : i32
      %min3A_73 = arith.constant 30746 : i32
      %min3A_74 = arith.minsi %add3A_72, %min3A_73 : i32
      %dma_start3A_75 = arith.constant 2 : i32
      %dma_start3A_76 = arith.constant 0 : i32
      %dma_start3A_77 = tpu.memref_slice %arg2[%min3A_74, %dma_start3A_75, %dma_start3A_76] : memref<31250x4x128xf32, #tpu.memory_space<hbm>> -> memref<504x1x128xf32, #tpu.memory_space<hbm>>
      %dma_start3A_78 = arith.constant 2 : i32
      %dma_start3A_79 = arith.constant 0 : i32
      %dma_start3A_80 = tpu.memref_slice %arg2[%min3A_74, %dma_start3A_78, %dma_start3A_79] : memref<31250x4x128xf32, #tpu.memory_space<hbm>> -> memref<504x1x128xf32, #tpu.memory_space<hbm>>
      tpu.enqueue_dma source(%dma_start3A_80 : memref<504x1x128xf32, #tpu.memory_space<hbm>>) target(%arg5 : memref<504x1x128xf32, #tpu.memory_space<vmem>>) target_semaphore(%arg9 : memref<!tpu.dma_semaphore, #tpu.memory_space<semaphore_mem>>)
    } else {
    }
    %dma_wait3A_43 = arith.constant 0 : i32
    %dma_wait3A_44 = arith.constant 2 : i32
    %dma_wait3A_45 = arith.constant 0 : i32
    %dma_wait3A_46 = tpu.memref_slice %arg2[%dma_wait3A_43, %dma_wait3A_44, %dma_wait3A_45] : memref<31250x4x128xf32, #tpu.memory_space<hbm>> -> memref<504x1x128xf32, #tpu.memory_space<hbm>>
    %dma_wait3A_47 = arith.constant 0 : i32
    %dma_wait3A_48 = arith.constant 2 : i32
    %dma_wait3A_49 = arith.constant 0 : i32
    %dma_wait3A_50 = tpu.memref_slice %arg2[%dma_wait3A_47, %dma_wait3A_48, %dma_wait3A_49] : memref<31250x4x128xf32, #tpu.memory_space<hbm>> -> memref<504x1x128xf32, #tpu.memory_space<hbm>>
    tpu.wait_dma2 semaphore(%arg10 : memref<!tpu.dma_semaphore, #tpu.memory_space<semaphore_mem>>) src(%dma_wait3A_50 : memref<504x1x128xf32, #tpu.memory_space<hbm>>) dst(%arg6 : memref<504x1x128xf32, #tpu.memory_space<vmem>>)
    %scan3A_51 = arith.constant 0 : i32
    %scan3A_52 = arith.constant 504 : i32
    %scan3A_53 = arith.addi %scan3A_51, %scan3A_52 : i32
    %scan3A_54 = arith.constant 1 : i32
    %scan3A_55:2 = scf.for %scan3A_68 = %scan3A_51 to %scan3A_53 step %scan3A_54 iter_args(%scan3A_69 = %scan3A_37#0, %scan3A_70 = %scan3A_37#1) -> (vector<16xf32>, vector<16xf32>)  : i32 {
      %get3A = arith.constant 0 : i32
      %get3A_71 = arith.index_cast %scan3A_68 : i32 to index
      %get3A_72 = arith.index_cast %get3A : i32 to index
      %get3A_73 = arith.constant 0 : index
      %get3A_74 = tpu.vector_load %arg6[%get3A_71, %get3A_72, %get3A_73] {strides = array<i32>} : memref<504x1x128xf32, #tpu.memory_space<vmem>>, vector<16xf32>,
      %min3A_75 = arith.minimumf %scan3A_69, %get3A_74 : vector<16xf32>
      %max3A = arith.maximumf %scan3A_70, %get3A_74 : vector<16xf32>
      %get3A_76 = arith.constant 0 : i32
      %get3A_77 = arith.index_cast %scan3A_68 : i32 to index
      %get3A_78 = arith.index_cast %get3A_76 : i32 to index
      %get3A_79 = arith.constant 16 : index
      %get3A_80 = tpu.vector_load %arg6[%get3A_77, %get3A_78, %get3A_79] {strides = array<i32>} : memref<504x1x128xf32, #tpu.memory_space<vmem>>, vector<16xf32>,
      %min3A_81 = arith.minimumf %min3A_75, %get3A_80 : vector<16xf32>
      %max3A_82 = arith.maximumf %max3A, %get3A_80 : vector<16xf32>
      %get3A_83 = arith.constant 0 : i32
      %get3A_84 = arith.index_cast %scan3A_68 : i32 to index
      %get3A_85 = arith.index_cast %get3A_83 : i32 to index
      %get3A_86 = arith.constant 32 : index
      %get3A_87 = tpu.vector_load %arg6[%get3A_84, %get3A_85, %get3A_86] {strides = array<i32>} : memref<504x1x128xf32, #tpu.memory_space<vmem>>, vector<16xf32>,
      %min3A_88 = arith.minimumf %min3A_81, %get3A_87 : vector<16xf32>
      %max3A_89 = arith.maximumf %max3A_82, %get3A_87 : vector<16xf32>
      %get3A_90 = arith.constant 0 : i32
      %get3A_91 = arith.index_cast %scan3A_68 : i32 to index
      %get3A_92 = arith.index_cast %get3A_90 : i32 to index
      %get3A_93 = arith.constant 48 : index
      %get3A_94 = tpu.vector_load %arg6[%get3A_91, %get3A_92, %get3A_93] {strides = array<i32>} : memref<504x1x128xf32, #tpu.memory_space<vmem>>, vector<16xf32>,
      %min3A_95 = arith.minimumf %min3A_88, %get3A_94 : vector<16xf32>
      %max3A_96 = arith.maximumf %max3A_89, %get3A_94 : vector<16xf32>
      %get3A_97 = arith.constant 0 : i32
      %get3A_98 = arith.index_cast %scan3A_68 : i32 to index
      %get3A_99 = arith.index_cast %get3A_97 : i32 to index
      %get3A_100 = arith.constant 64 : index
      %get3A_101 = tpu.vector_load %arg6[%get3A_98, %get3A_99, %get3A_100] {strides = array<i32>} : memref<504x1x128xf32, #tpu.memory_space<vmem>>, vector<16xf32>,
      %min3A_102 = arith.minimumf %min3A_95, %get3A_101 : vector<16xf32>
      %max3A_103 = arith.maximumf %max3A_96, %get3A_101 : vector<16xf32>
      %get3A_104 = arith.constant 0 : i32
      %get3A_105 = arith.index_cast %scan3A_68 : i32 to index
      %get3A_106 = arith.index_cast %get3A_104 : i32 to index
      %get3A_107 = arith.constant 80 : index
      %get3A_108 = tpu.vector_load %arg6[%get3A_105, %get3A_106, %get3A_107] {strides = array<i32>} : memref<504x1x128xf32, #tpu.memory_space<vmem>>, vector<16xf32>,
      %min3A_109 = arith.minimumf %min3A_102, %get3A_108 : vector<16xf32>
      %max3A_110 = arith.maximumf %max3A_103, %get3A_108 : vector<16xf32>
      %get3A_111 = arith.constant 0 : i32
      %get3A_112 = arith.index_cast %scan3A_68 : i32 to index
      %get3A_113 = arith.index_cast %get3A_111 : i32 to index
      %get3A_114 = arith.constant 96 : index
      %get3A_115 = tpu.vector_load %arg6[%get3A_112, %get3A_113, %get3A_114] {strides = array<i32>} : memref<504x1x128xf32, #tpu.memory_space<vmem>>, vector<16xf32>,
      %min3A_116 = arith.minimumf %min3A_109, %get3A_115 : vector<16xf32>
      %max3A_117 = arith.maximumf %max3A_110, %get3A_115 : vector<16xf32>
      %get3A_118 = arith.constant 0 : i32
      %get3A_119 = arith.index_cast %scan3A_68 : i32 to index
      %get3A_120 = arith.index_cast %get3A_118 : i32 to index
      %get3A_121 = arith.constant 112 : index
      %get3A_122 = tpu.vector_load %arg6[%get3A_119, %get3A_120, %get3A_121] {strides = array<i32>} : memref<504x1x128xf32, #tpu.memory_space<vmem>>, vector<16xf32>,
      %min3A_123 = arith.minimumf %min3A_116, %get3A_122 : vector<16xf32>
      %max3A_124 = arith.maximumf %max3A_117, %get3A_122 : vector<16xf32>
      scf.yield %min3A_123, %max3A_124 : vector<16xf32>, vector<16xf32>
    }
    %scan3A_56 = arith.constant 504 : i32
    %add3A_57 = arith.constant 3 : i32
    %add3A_58 = arith.addi %mul3A_25, %add3A_57 : i32
    %lt3A_59 = arith.constant 2 : i32
    %lt3A_60 = arith.cmpi slt, %add3A_58, %lt3A_59 : i32
    %convert_element_type3A_61 = arith.extui %lt3A_60 : i1 to i32
    %cond3A_62 = arith.constant 0 : i32
    %cond3A_63 = arith.cmpi ne, %convert_element_type3A_61, %cond3A_62 : i32
    scf.if %cond3A_63 {
      %add3A_68 = arith.constant 3 : i32
      %add3A_69 = arith.addi %mul3A_25, %add3A_68 : i32
      %mul3A_70 = arith.constant 504 : i32
      %mul3A_71 = arith.muli %add3A_69, %mul3A_70 : i32
      %add3A_72 = arith.addi %mul3A_2, %mul3A_71 : i32
      %min3A_73 = arith.constant 30746 : i32
      %min3A_74 = arith.minsi %add3A_72, %min3A_73 : i32
      %dma_start3A_75 = arith.constant 2 : i32
      %dma_start3A_76 = arith.constant 0 : i32
      %dma_start3A_77 = tpu.memref_slice %arg2[%min3A_74, %dma_start3A_75, %dma_start3A_76] : memref<31250x4x128xf32, #tpu.memory_space<hbm>> -> memref<504x1x128xf32, #tpu.memory_space<hbm>>
      %dma_start3A_78 = arith.constant 2 : i32
      %dma_start3A_79 = arith.constant 0 : i32
      %dma_start3A_80 = tpu.memref_slice %arg2[%min3A_74, %dma_start3A_78, %dma_start3A_79] : memref<31250x4x128xf32, #tpu.memory_space<hbm>> -> memref<504x1x128xf32, #tpu.memory_space<hbm>>
      tpu.enqueue_dma source(%dma_start3A_80 : memref<504x1x128xf32, #tpu.memory_space<hbm>>) target(%arg6 : memref<504x1x128xf32, #tpu.memory_space<vmem>>) target_semaphore(%arg10 : memref<!tpu.dma_semaphore, #tpu.memory_space<semaphore_mem>>)
    } else {
    }
    %scan3A_64 = arith.constant 1 : i32
    %swap3A = arith.constant 0 : index
    %swap3A_65 = tpu.vector_load %arg7[%swap3A] {strides = array<i32>} : memref<16xf32, #tpu.memory_space<vmem>>, vector<16xf32>,
    tpu.vector_store %arg7[%swap3A], %scan3A_55#0 {strides = array<i32>} : memref<16xf32, #tpu.memory_space<vmem>>, vector<16xf32>,
    %swap3A_66 = arith.constant 0 : index
    %swap3A_67 = tpu.vector_load %arg8[%swap3A_66] {strides = array<i32>} : memref<16xf32, #tpu.memory_space<vmem>>, vector<16xf32>,
    tpu.vector_store %arg8[%swap3A_66], %scan3A_55#1 {strides = array<i32>} : memref<16xf32, #tpu.memory_space<vmem>>, vector<16xf32>,
    "tpu.region"() ({
      %run_scoped3A = tpu.sem_alloc : memref<!tpu.dma_semaphore, #tpu.memory_space<semaphore_mem>>
      %dma_start3A_68 = arith.constant 0 : i32
      %dma_start3A_69 = tpu.memref_slice %arg3[%add3A, %dma_start3A_68] : memref<32x16xf32, #tpu.memory_space<hbm>> -> memref<1x16xf32, #tpu.memory_space<hbm>>
      %dma_start3A_70 = tpu.memref_squeeze %dma_start3A_69 : memref<1x16xf32, #tpu.memory_space<hbm>> -> memref<16xf32, #tpu.memory_space<hbm>>
      %dma_start3A_71 = arith.constant 0 : i32
      %dma_start3A_72 = tpu.memref_slice %arg3[%add3A, %dma_start3A_71] : memref<32x16xf32, #tpu.memory_space<hbm>> -> memref<1x16xf32, #tpu.memory_space<hbm>>
      %dma_start3A_73 = tpu.memref_squeeze %dma_start3A_72 : memref<1x16xf32, #tpu.memory_space<hbm>> -> memref<16xf32, #tpu.memory_space<hbm>>
      tpu.enqueue_dma source(%arg7 : memref<16xf32, #tpu.memory_space<vmem>>) target(%dma_start3A_73 : memref<16xf32, #tpu.memory_space<hbm>>) target_semaphore(%run_scoped3A : memref<!tpu.dma_semaphore, #tpu.memory_space<semaphore_mem>>)
      %dma_wait3A_74 = arith.constant 0 : i32
      %dma_wait3A_75 = tpu.memref_slice %arg3[%add3A, %dma_wait3A_74] : memref<32x16xf32, #tpu.memory_space<hbm>> -> memref<1x16xf32, #tpu.memory_space<hbm>>
      %dma_wait3A_76 = tpu.memref_squeeze %dma_wait3A_75 : memref<1x16xf32, #tpu.memory_space<hbm>> -> memref<16xf32, #tpu.memory_space<hbm>>
      %dma_wait3A_77 = arith.constant 0 : i32
      %dma_wait3A_78 = tpu.memref_slice %arg3[%add3A, %dma_wait3A_77] : memref<32x16xf32, #tpu.memory_space<hbm>> -> memref<1x16xf32, #tpu.memory_space<hbm>>
      %dma_wait3A_79 = tpu.memref_squeeze %dma_wait3A_78 : memref<1x16xf32, #tpu.memory_space<hbm>> -> memref<16xf32, #tpu.memory_space<hbm>>
      tpu.wait_dma2 semaphore(%run_scoped3A : memref<!tpu.dma_semaphore, #tpu.memory_space<semaphore_mem>>) src(%arg7 : memref<16xf32, #tpu.memory_space<vmem>>) dst(%dma_wait3A_79 : memref<16xf32, #tpu.memory_space<hbm>>)
      tpu.yield
    }) : () -> ()
    "tpu.region"() ({
      %run_scoped3A = tpu.sem_alloc : memref<!tpu.dma_semaphore, #tpu.memory_space<semaphore_mem>>
      %dma_start3A_68 = arith.constant 0 : i32
      %dma_start3A_69 = tpu.memref_slice %arg4[%add3A, %dma_start3A_68] : memref<32x16xf32, #tpu.memory_space<hbm>> -> memref<1x16xf32, #tpu.memory_space<hbm>>
      %dma_start3A_70 = tpu.memref_squeeze %dma_start3A_69 : memref<1x16xf32, #tpu.memory_space<hbm>> -> memref<16xf32, #tpu.memory_space<hbm>>
      %dma_start3A_71 = arith.constant 0 : i32
      %dma_start3A_72 = tpu.memref_slice %arg4[%add3A, %dma_start3A_71] : memref<32x16xf32, #tpu.memory_space<hbm>> -> memref<1x16xf32, #tpu.memory_space<hbm>>
      %dma_start3A_73 = tpu.memref_squeeze %dma_start3A_72 : memref<1x16xf32, #tpu.memory_space<hbm>> -> memref<16xf32, #tpu.memory_space<hbm>>
      tpu.enqueue_dma source(%arg8 : memref<16xf32, #tpu.memory_space<vmem>>) target(%dma_start3A_73 : memref<16xf32, #tpu.memory_space<hbm>>) target_semaphore(%run_scoped3A : memref<!tpu.dma_semaphore, #tpu.memory_space<semaphore_mem>>)
      %dma_wait3A_74 = arith.constant 0 : i32
      %dma_wait3A_75 = tpu.memref_slice %arg4[%add3A, %dma_wait3A_74] : memref<32x16xf32, #tpu.memory_space<hbm>> -> memref<1x16xf32, #tpu.memory_space<hbm>>
      %dma_wait3A_76 = tpu.memref_squeeze %dma_wait3A_75 : memref<1x16xf32, #tpu.memory_space<hbm>> -> memref<16xf32, #tpu.memory_space<hbm>>
      %dma_wait3A_77 = arith.constant 0 : i32
      %dma_wait3A_78 = tpu.memref_slice %arg4[%add3A, %dma_wait3A_77] : memref<32x16xf32, #tpu.memory_space<hbm>> -> memref<1x16xf32, #tpu.memory_space<hbm>>
      %dma_wait3A_79 = tpu.memref_squeeze %dma_wait3A_78 : memref<1x16xf32, #tpu.memory_space<hbm>> -> memref<16xf32, #tpu.memory_space<hbm>>
      tpu.wait_dma2 semaphore(%run_scoped3A : memref<!tpu.dma_semaphore, #tpu.memory_space<semaphore_mem>>) src(%arg8 : memref<16xf32, #tpu.memory_space<vmem>>) dst(%dma_wait3A_79 : memref<16xf32, #tpu.memory_space<hbm>>)
      tpu.yield
    }) : () -> ()
    return
  }
}

module attributes {stable_mosaic.version = 14 : i64} {
  func.func @_fin_body(%arg0: memref<1920x128xf32, #tpu.memory_space<vmem>>, %arg1: memref<60x128xf32, #tpu.memory_space<vmem>>) attributes {dimension_semantics = [], scalar_prefetch = 0 : i64, scratch_operands = 0 : i64, tpu.core_type = #tpu.core_type<tc>} {
    %get3A = arith.constant 0 : index
    %get3A_0 = arith.constant 0 : index
    %get3A_1 = vector.load %arg0[%get3A, %get3A_0] : memref<1920x128xf32, #tpu.memory_space<vmem>>, vector<1920x128xf32>
    %reshape3A = vector.shape_cast %get3A_1 : vector<1920x128xf32> to vector<32x60x128xf32>
    %reduce_sum3A = arith.constant dense<0.000000e+00> : vector<60x128xf32>
    %reduce_sum3A_2 = vector.multi_reduction <add>, %reshape3A, %reduce_sum3A [0] : vector<32x60x128xf32> to vector<60x128xf32>
    %reduce_sum3A_3 = vector.shape_cast %reduce_sum3A_2 : vector<60x128xf32> to vector<1x60x128xf32>
    %reduce_sum3A_4 = arith.constant dense<0.000000e+00> : vector<1xf32>
    %reduce_sum3A_5 = vector.multi_reduction <add>, %reduce_sum3A_3, %reduce_sum3A_4 [1, 2] : vector<1x60x128xf32> to vector<1xf32>
    %reduce_sum3A_6 = vector.shape_cast %reduce_sum3A_5 : vector<1xf32> to vector<1x1x1xf32>
    %reduce_sum3A_7 = vector.extract %reduce_sum3A_6[0, 0, 0] : f32 from vector<1x1x1xf32>
    %gt3A = arith.constant 0.000000e+00 : f32
    %gt3A_8 = arith.cmpf ogt, %reduce_sum3A_7, %gt3A : f32
    %div3A = vector.broadcast %reduce_sum3A_7 : f32 to vector<60x128xf32>
    %div3A_9 = arith.divf %reduce_sum3A_2, %div3A : vector<60x128xf32>
    %select_n3A = arith.select %gt3A_8, %div3A_9, %reduce_sum3A_2 : vector<60x128xf32>
    %swap3A = arith.constant 0 : index
    %swap3A_10 = arith.constant 0 : index
    %swap3A_11 = vector.load %arg1[%swap3A, %swap3A_10] : memref<60x128xf32, #tpu.memory_space<vmem>>, vector<60x128xf32>
    tpu.vector_store %arg1[%swap3A, %swap3A_10], %select_n3A {strides = array<i32>} : memref<60x128xf32, #tpu.memory_space<vmem>>, vector<60x128xf32>,
    return
  }
}

</mosaic_0001>

<sc_bundles>
// kernel: kernel.5.cloned.1.call-start
scs
__scs_entry_jumppad:
0x0: {  	(pc) =	sbr.rel $0x88, $3  }
0x1: {  	(tag) =	ssettag $0x0;
	lr =	simm.s32 $0x1  }
0x2: {  	[smem:$0x3FA0] =	sst lr;
	_ =	strace $0xD0000000  }
0x3: {  	_ = 	snop  }
0x4: {  	_ = 	snop  }
0x5: {  	_ = 	snop  }
0x6: {  	_ = 	snop  }
0x7: {  	_ = 	snop  }
__scs_overlays_trampoline_lowered:
0x8: {  	[smem:$0x3FAF] =	sst s0  }
0x9: {  	[smem:$0x3FB0] =	sst s1  }
0xa: {  	[smem:$0x3FB1] =	sst s2  }
0xb: {  	[smem:$0x3FB2] =	sst s3  }
0xc: {  	[smem:$0x3FB3] =	sst s4  }
0xd: {  	[smem:$0x3FB4] =	sst s5  }
0xe: {  	[smem:$0x3FB5] =	sst s6  }
0xf: {  	[smem:$0x3FB6] =	sst s7  }
0x10: {  	[smem:$0x3FB7] =	sst s8  }
0x11: {  	[smem:$0x3FB8] =	sst s9;
	s0 =	simm.s32 @!p0 $0x0  }
0x12: {  	s1 =	sld [smem:$0x3F9E];
	s0 =	simm.s32 @p0 $0x1  }
0x13: {  	[smem:$0x3FB9] =	sst s0;
	s0 =	simm.s32 @!p1 $0x0  }
0x14: {  	s2 =	sld [smem:$0x3F9D];
	s0 =	simm.s32 @p1 $0x1  }
0x15: {  	[smem:$0x3FBA] =	sst s0;
	s0 =	simm.s32 @!p2 $0x0  }
0x16: {  	s3 =	sld [smem:$0x3FDB];
	s0 =	simm.s32 @p2 $0x1  }
0x17: {  	s4 =	simm.s32 $0x1BF5;
	[smem:$0x3FBC] =	sst s0  }
0x18: {  	s0 =	sld [smem:$0x3F9F];
	_ =	swait.ge [sflag:s4], $0x0  }
0x19: {  	s7 =	sld [smem:$0x3FA0]  }
0x1a: {  	s8 =	sadd.s32 $0xFFFFE003, lr  }
0x1b: {  	s9 =	sadd.s32 $0xFFFFFEF7, lr;
	s5 =	simm.s32 $0xFFFFFFFF;
	p2 =	slt.u32 s8, $0xFFFFF086  }
0x1c: {  	p1 =	slt.u32 s9, $0xF7A;
	s5 =	simm.s32 @!p2 $0x0  }
0x1d: {  	s5 =	simm.s32 @p1 $0x1;
	p0 =	seq.s32 s7, s2  }
0x1e: {  	s7 =	smul.u32 @!p0 $0xF7A, s2;
	p2 =	seq.s32 @!p0 s5, $0x0  }
0x1f: {  	s9 =	smul.u32 $0xF7A, s1;
	s8 =	simm.s32 @!p0 $0x1BF5;
	p2 =	por !p2, p0  }
0x20: {  	[sflag:s8] =	ssyncset.s32 @!p0 $0xFFFFF086;
	s6 =	sadd.s32 @!p0 s3, s7;
	s7 =	simm.s32 @!p0 $0x108  }
0x21: {  	s3 =	sadd.s32 s3, s9;
	s6 =	sadd.s32 @!p0 $0x88, s6;
	s7 =	simm.s32 @p2 $0x1082  }
0x22: {  	[simem:s7], [sflag:s8] =	dma.local @!p0 [hbm:s6], $0xF7A  }
0x23: {  	s9 =	sor.u32 $0xD0000000, s2;
	s6 =	simm.s32 $0x108;
	_ =	swait.ge @!p0 [sflag:s8], $0x0  }
0x24: {  	s3 =	sadd.s32 $0x88, s3;
	s6 =	simm.s32 @!p1 $0x1082;
	[sflag:s4] =	ssyncset.s32 $0xFFFFF086  }
0x25: {  	[simem:s6], [sflag:s4] =	dma.local [hbm:s3], $0xF7A  }
0x26: {  	[smem:$0x3FA0] =	sst s1;
	(tag) =	ssettag s2;
	_ =	strace s9  }
0x27: {  	s1 =	sld [smem:$0x3FB0]  }
0x28: {  	s2 =	sld [smem:$0x3FB1]  }
0x29: {  	s4 =	sld [smem:$0x3FB3]  }
0x2a: {  	p0 =	seq.s32 s5, $0x0;
	s5 =	sld [smem:$0x3FB4]  }
0x2b: {  	s6 =	sld [smem:$0x3FB5]  }
0x2c: {  	s7 =	sld [smem:$0x3FB6]  }
0x2d: {  	s3 =	simm.s32 $0x108;
	s8 =	sld [smem:$0x3FB7]  }
0x2e: {  	s3 =	simm.s32 @!p0 $0x1082;
	s9 =	sld [smem:$0x3FB8]  }
0x2f: {  	lr =	sadd.s32 s0, s3;
	s0 =	sld [smem:$0x3FAF]  }
0x30: {  	s3 =	sld [smem:$0x3FB2]  }
0x31: {  	[smem:$0x3FBB] =	sst s10  }
0x32: {  	s10 =	sld [smem:$0x3FB9];
	_ =	sdelay $0x3  }
0x33: {  	p0 =	seq.s32 s10, $0x1;
	s10 =	sld [smem:$0x3FBB];
	_ =	sdelay $0x3  }
0x34: {  	[smem:$0x3FBB] =	sst s10  }
0x35: {  	s10 =	sld [smem:$0x3FBA];
	_ =	sdelay $0x3  }
0x36: {  	p1 =	seq.s32 s10, $0x1;
	s10 =	sld [smem:$0x3FBB];
	_ =	sdelay $0x3  }
0x37: {  	[smem:$0x3FBB] =	sst s10  }
0x38: {  	s10 =	sld [smem:$0x3FBC]  }
0x39: {  	_ = 	snop;
	(pc) =	sbr.ind lr, $3  }
0x3a: {  	_ = 	snop  }
0x3b: {  	_ = 	snop  }
0x3c: {  	p2 =	seq.s32 s10, $0x1;
	s10 =	sld [smem:$0x3FBB]  }
0x3d: {  	_ =	shalt  }
0x3e: {  	_ =	shalt  }
0x3f: {  	_ =	shalt  }
0x40: {  	_ =	shalt  }
0x41: {  	_ =	shalt  }
0x42: {  	_ =	shalt  }
0x43: {  	_ =	shalt  }
0x44: {  	_ =	shalt  }
0x45: {  	_ =	shalt  }
0x46: {  	_ =	shalt  }
0x47: {  	_ =	shalt  }
0x48: {  	_ =	shalt  }
0x49: {  	_ =	shalt  }
0x4a: {  	_ =	shalt  }
0x4b: {  	_ =	shalt  }
0x4c: {  	_ =	shalt  }
0x4d: {  	_ =	shalt  }
0x4e: {  	_ =	shalt  }
0x4f: {  	_ =	shalt  }
0x50: {  	_ =	shalt  }
0x51: {  	_ =	shalt  }
0x52: {  	_ =	shalt  }
0x53: {  	_ =	shalt  }
0x54: {  	_ =	shalt  }
0x55: {  	_ =	shalt  }
0x56: {  	_ =	shalt  }
0x57: {  	_ =	shalt  }
0x58: {  	_ =	shalt  }
0x59: {  	_ =	shalt  }
0x5a: {  	_ =	shalt  }
0x5b: {  	_ =	shalt  }
0x5c: {  	_ =	shalt  }
0x5d: {  	_ =	shalt  }
0x5e: {  	_ =	shalt  }
0x5f: {  	_ =	shalt  }
0x60: {  	_ =	shalt  }
0x61: {  	_ =	shalt  }
0x62: {  	_ =	shalt  }
0x63: {  	_ =	shalt  }
0x64: {  	_ =	shalt  }
0x65: {  	_ =	shalt  }
0x66: {  	_ =	shalt  }
0x67: {  	_ =	shalt  }
0x68: {  	_ =	shalt  }
0x69: {  	_ =	shalt  }
0x6a: {  	_ =	shalt  }
0x6b: {  	_ =	shalt  }
0x6c: {  	_ =	shalt  }
0x6d: {  	_ =	shalt  }
0x6e: {  	_ =	shalt  }
0x6f: {  	_ =	shalt  }
0x70: {  	_ =	shalt  }
0x71: {  	_ =	shalt  }
0x72: {  	_ =	shalt  }
0x73: {  	_ =	shalt  }
0x74: {  	_ =	shalt  }
0x75: {  	_ =	shalt  }
0x76: {  	_ =	shalt  }
0x77: {  	_ =	shalt  }
0x78: {  	_ =	shalt  }
0x79: {  	_ =	shalt  }
0x7a: {  	_ =	shalt  }
0x7b: {  	_ =	shalt  }
0x7c: {  	_ =	shalt  }
0x7d: {  	_ =	shalt  }
0x7e: {  	_ =	shalt  }
0x7f: {  	_ =	shalt  }
0x80: {  	_ =	shalt  }
0x81: {  	_ =	shalt  }
0x82: {  	_ =	shalt  }
0x83: {  	_ =	shalt  }
0x84: {  	_ =	shalt  }
0x85: {  	_ =	shalt  }
0x86: {  	_ =	shalt  }
0x87: {  	_ =	shalt  }
.Lfunc_end0:
.L_simem_size_0:
called_computation_lowered:
.L_overlay_start_0:
0x88: {  	s2 =	sld [smem:$0x3FD9]  }
0x89: {  	s3 =	sld [smem:$0x3FFE];
	_ =	sdelay $0x1  }
0x8a: {  	s1 =	srdreg.scid  }
0x8b: {  	s0 =	sand.u32 $0x1, s1  }
0x8c: {  	s17 =	sshll.u32 s0, $0xA;
	s2 =	sadd.s32 s3, s2  }
0x8d: {  	s2 =	sadd.s32 s2, s17  }
0x8e: {  	[smem:$0x3FC7] =	sst s2  }
0x8f: {  	_ = 	snop  }
0x90: {  	s2 =	sld [smem:$0x3FC9]  }
0x91: {  	s18 =	sld [smem:$0x3FD0];
	(tm) =	ssettm $0x1  }
0x92: {  	s4 =	sld [smem:$0x3FFB];
	_ =	sdelay $0x3  }
0x93: {  	_ =	strace s4  }
0x94: {  	s4 =	sld [smem:$0x3FFC];
	_ =	sdelay $0x3  }
0x95: {  	_ =	strace s4  }
0x96: {  	s4 =	sld [smem:$0x3FFD];
	_ =	sdelay $0x3  }
0x97: {  	_ =	strace s4  }
0x98: {  	_ =	strace $0x8FFFFFFF  }
0x99: {  	s19 =	sld [smem:$0x3FDB];
	_ =	sdelay $0x1  }
0x9a: {  	s5 =	simm.s32 $_scs_section_size  }
0x9b: {  	s6 =	simm.s32 $_size__tile_overlayer_lowered;
	s7 =	simm.s32 $_tile_overlayer_lowered  }
0x9c: {  	s22 =	simm.s32 $0x1BFF;
	s21 =	sshll.u32 s7, $0x1;
	s4 =	sadd.s32 s5, s19  }
0x9d: {  	s8 =	simm.s32 $0x0;
	s20 =	sshll.u32 s6, $0x1;
	s6 =	sadd.s32 s21, s4  }
0x9e: {  	[timem:s8], [sflag:s22] =	dma.local [hbm:s6], s20  }
0x9f: {  	_ =	swait.ge [sflag:s22], s20  }
0xa0: {  	s5 =	ssub.s32 $0x0, s20;
	[sflag:s22] =	ssyncset.done $0x0  }
0xa1: {  	[sflag:s22] =	ssyncadd.s32 s5;
	_ =	sdelay $0x1  }
0xa2: {  	s23 =	simm.s32 $0x1B8B  }
0xa3: {  	_ =	swait.ge [sflag:s23], $0x1  }
0xa4: {  	[sflag:s23] =	ssyncset.done $0x0  }
0xa5: {  	s25 =	simm.s32 $0x1B8E;
	s24 =	sld [smem:$0x3FFE];
	[sflag:s23] =	ssyncadd.s32 $0xFFFFFFFF  }
0xa6: {  	s26 =	simm.s32 $execute0_lowered;
	[smem:$0x3FD2] =	sst s25  }
0xa7: {  	s6 =	sshll.u32 s26, $0x1;
	_ =	strace $0x80000046;
	[dreg:$0x1] =	wrdreg $0xFFFFFFFF  }
0xa8: {  	s28 =	simm.s32 $_size_execute0_lowered;
	s4 =	sadd.s32 s4, s6;
	[dreg:$0x0] =	wrdreg $0x0  }
0xa9: {  	s6 =	sshll.u32 s28, $0x1;
	[dreg:$0x2] =	wrdreg s4  }
0xaa: {  	[dreg:$0x3] =	wrdreg s6  }
0xab: {  	[dreg:$0x4] =	wrdreg $0xC0  }
0xac: {  	_ =	task [dreg:s8], $0x5FFFF  }
0xad: {  	[dreg:$0x1] =	wrdreg $0xFFFFFFFF  }
0xae: {  	[dreg:$0x0] =	wrdreg $0x60  }
0xaf: {  	[dreg:$0x2] =	wrdreg s2  }
0xb0: {  	[dreg:$0x3] =	wrdreg s18  }
0xb1: {  	[dreg:$0x4] =	wrdreg s24  }
0xb2: {  	[dreg:$0x5] =	wrdreg $0x9  }
0xb3: {  	_ =	task.clear_ibuf [dreg:s8], $0x6FFFF;
	_ =	strace $0x90000046  }
0xb4: {  	s29 =	simm.s32 $0x9;
	_ =	strace $0x80000048  }
0xb5: {  	_ =	swait.ge [sflag:s29], $0x1  }
0xb6: {  	[sflag:s29] =	ssyncadd.s32 $0xFFFFFFFF  }
0xb7: {  	_ =	strace $0x90000048  }
0xb8: {  	_ =	sfence  }
0xb9: {  	s30 =	sld [smem:$0x0];
	_ =	sdelay $0x2  }
0xba: {  	s31 =	sshll.u32 s1, $0xD;
	s1 =	sshrl.u32 s1, $0x2  }
0xbb: {  	s3 =	sand.u32 $0x4000, s31;
	s1 =	sadd.s32 s1, s30  }
0xbc: {  	s0 =	sor.u32 s3, s0;
	s1 =	sshll.u32 s1, $0x11  }
0xbd: {  	s0 =	sor.u32 s1, s0  }
0xbe: {  	s0 =	sadd.s32 $0x8F2B, s0  }
0xbf: {  	[sflag:s0] =	ssyncadd.remote.s32 $0x1  }
0xc0: {  	_ =	sfence.sel $0xFFFF  }
0xc1: {  	[dreg:$0x0] =	wrdreg $0xFFFFFFFF;
	(pc) =	sbr.abs _section_cstart, $3  }
0xc2: {  	[dreg:$0x1] =	wrdreg $0xFFFFFFFF  }
0xc3: {  	_ =	task.clear_ibuf [dreg:s8], $0x2FFFF;
	_ =	strace $0x9FFFFFFF  }
0xc4: {  	(tm) =	ssettm $0x7FFFFFFF  }
0xc5: {  	_ =	shalt  }
tec
execute0_lowered:
.L_overlay_start_1:
0x0: {  	(tag) =	ssettag $0x1  }
0x1: {  	s3 =	rddreg [dreg:$0x0]  }
0x2: {  	s5 =	rddreg [dreg:$0x1]  }
0x3: {  	s1 =	srdreg.scid;
	s0 =	stileid.u32  }
0x4: {  	s4 =	rddreg [dreg:$0x2];
	s2 =	simm.s32 $0x0;
	s11 =	simm.s32 $0x1  }
0x5: {  	s12 =	simm.s32 $0x2;
	s13 =	simm.s32 $0x1F800;
	s14 =	simm.s32 $0x3  }
0x6: {  	s15 =	simm.s32 $0x1F810;
	s6 =	sand.u32 $0x1, s1;
	s7 =	sshll.u32 s0, $0x1  }
0x7: {  	s16 =	simm.s32 $0x0;
	[smem:$0x7FF] =	sst s2;
	s7 =	sor.u32 s6, s7  }
0x8: {  	s1 =	rddreg [dreg:$0x3];
	_ =	strace $0x80000047;
	s8 =	smul.u32 $0x3D0, s7  }
0x9: {  	s29 =	ssub.s32 $0x2, s6;
	s9 =	sshll.u32 s7, $0x1;
	s7 =	smul.u32 $0xF400, s7  }
0xa: {  	s31 =	sshrl.u32 s29, $0x1;
	s10 =	sadd.s32 s9, s4;
	s8 =	smin.u32 s8, $0x7622  }
0xb: {  	s5 =	sadd.s32 s5, s9;
	s9 =	simm.s32 $0x200;
	s30 =	sshll.u32 s8, $0x6  }
0xc: {  	s7 =	sadd.s32 s7, s3;
	s8 =	ssub.s32 s29, s31;
	s6 =	sadd.s32 s30, s3  }
0xd: {  	s3 =	sadd.s32 $0x20, s7;
	s7 =	smax.u32 s8, $0x1;
	s8 =	simm.s32 $0x80  }
0xe: {  	s4 =	sadd.s32 $0x7E20, s6;
	s6 =	sadd.s32 $0xE00, s10;
	s10 =	simm.s32 $0xFC00  }
.LBB2_1:
0xf: {  	[tilespmem:s2], [sflag:$0x1] =	stream.strided.gather [hbm4b:s3+s8], $0xFC00, s9, s8, $0x38;
	[tilespmem:$0x1F820] =	vst v63  }
0x10: {  	_ = 	snop  }
0x11: {  	[tilespmem:s10], [sflag:$0x2] =	stream.strided.gather [hbm4b:s4+s8], $0xFC00, s9, s8, $0x38;
	[tilespmem:$0x1F820] =	vst v63  }
0x12: {  	_ =	swait.ge [sflag:s11], $0xFC00  }
0x13: {  	[sflag:s11] =	ssyncset.done $0x0  }
0x14: {  	s19 =	simm.s32 $0x0;
	[sflag:s11] =	ssyncadd.s32 $0xFFFF0400  }
0x15: {  	v2 =	vld [tilespmem:s19+$0x0]  }
0x16: {  	v3 =	vld [tilespmem:s19+$0x10]  }
0x17: {  	v4 =	vld [tilespmem:s19+$0x20]  }
0x18: {  	v0 =	vld [tilespmem:s19+$0x30]  }
0x19: {  	v5 =	vimm.f32 $+Inf;
	v6 =	vimm.f32 $-Inf;
	v1 =	vld [tilespmem:s19+$0x40]  }
0x1a: {  	v5 =	vmin.f32 v5, v2;
	v6 =	vmax.f32 v6, v2;
	v2 =	vld [tilespmem:s19+$0x50]  }
0x1b: {  	v5 =	vmin.f32 v5, v3;
	v6 =	vmax.f32 v6, v3;
	v3 =	vld [tilespmem:s19+$0x60]  }
0x1c: {  	s17 =	simm.s32 $0x80;
	s18 =	simm.s32 $0x400;
	v5 =	vmin.f32 v5, v4;
	v6 =	vmax.f32 v6, v4;
	v4 =	vld [tilespmem:s19+$0x70]  }
.LBB2_2:
0x1d: {  	p0 =	sne.s32 s18, $0x3EE00;
	v7 =	vld [tilespmem:s17+$0x0];
	v5 =	vmin.f32 v5, v0;
	v0 =	vmax.f32 v6, v0  }
0x1e: {  	v6 =	vld [tilespmem:s17+$0x10];
	v5 =	vmin.f32 v5, v1;
	v0 =	vmax.f32 v0, v1  }
0x1f: {  	v8 =	vld [tilespmem:s17+$0x20];
	v1 =	vmin.f32 v5, v2;
	v2 =	vmax.f32 v0, v2  }
.Ltmp0:
0x20: {  	v0 =	vld [tilespmem:s17+$0x30];
	v5 =	vmin.f32 v1, v3;
	v2 =	vmax.f32 v2, v3;
	(pc) =	sbr.rel @p0 .LBB2_2-.Ltmp0, $4  }
0x21: {  	v1 =	vld [tilespmem:s17+$0x40];
	v3 =	vmin.f32 v5, v4;
	v2 =	vmax.f32 v2, v4  }
0x22: {  	v3 =	vmin.f32 v3, v7;
	v4 =	vmax.f32 v2, v7;
	v2 =	vld [tilespmem:s17+$0x50]  }
0x23: {  	v5 =	vmin.f32 v3, v6;
	v4 =	vmax.f32 v4, v6;
	v3 =	vld [tilespmem:s17+$0x60]  }
0x24: {  	v5 =	vmin.f32 v5, v8;
	v6 =	vmax.f32 v4, v8;
	v4 =	vld [tilespmem:s17+$0x70];
	s17 =	sshra.s32 s18, $0x2;
	s18 =	sadd.s32 $0x200, s18  }
0x25: {  	v7 =	vld [tilespmem:s17+$0x0]  }
0x26: {  	v8 =	vld [tilespmem:s17+$0x10]  }
0x27: {  	v9 =	vld [tilespmem:s17+$0x20];
	v5 =	vmin.f32 v5, v0;
	v0 =	vmax.f32 v6, v0  }
0x28: {  	v6 =	vld [tilespmem:s17+$0x30];
	v5 =	vmin.f32 v5, v1;
	v0 =	vmax.f32 v0, v1  }
0x29: {  	v1 =	vld [tilespmem:s17+$0x40];
	v5 =	vmin.f32 v5, v2;
	v0 =	vmax.f32 v0, v2  }
0x2a: {  	v2 =	vld [tilespmem:s17+$0x50];
	v5 =	vmin.f32 v5, v3;
	v0 =	vmax.f32 v0, v3  }
0x2b: {  	v3 =	vld [tilespmem:s17+$0x60];
	v5 =	vmin.f32 v5, v4;
	v0 =	vmax.f32 v0, v4  }
0x2c: {  	v4 =	vld [tilespmem:s17+$0x70];
	_ =	swait.ge [sflag:s12], $0xFC00;
	v5 =	vmin.f32 v5, v7;
	v0 =	vmax.f32 v0, v7  }
0x2d: {  	[sflag:s12] =	ssyncset.done $0x0;
	v5 =	vmin.f32 v5, v8;
	v0 =	vmax.f32 v0, v8  }
0x2e: {  	s19 =	simm.s32 $0x0;
	[sflag:s12] =	ssyncadd.s32 $0xFFFF0400;
	v5 =	vmin.f32 v5, v9;
	v0 =	vmax.f32 v0, v9  }
0x2f: {  	v5 =	vmin.f32 v5, v6;
	v0 =	vmax.f32 v0, v6;
	v6 =	vld [tilespmem:s19+$0xFC00]  }
0x30: {  	v7 =	vld [tilespmem:s19+$0xFC10];
	v5 =	vmin.f32 v5, v1;
	v0 =	vmax.f32 v0, v1  }
0x31: {  	v8 =	vld [tilespmem:s19+$0xFC20];
	v1 =	vmin.f32 v5, v2;
	v0 =	vmax.f32 v0, v2  }
0x32: {  	v1 =	vmin.f32 v1, v3;
	v2 =	vmax.f32 v0, v3;
	v0 =	vld [tilespmem:s19+$0xFC30]  }
0x33: {  	v3 =	vmin.f32 v1, v4;
	v2 =	vmax.f32 v2, v4;
	v1 =	vld [tilespmem:s19+$0xFC40]  }
0x34: {  	v3 =	vmin.f32 v3, v6;
	v4 =	vmax.f32 v2, v6;
	v2 =	vld [tilespmem:s19+$0xFC50]  }
0x35: {  	v5 =	vmin.f32 v3, v7;
	v4 =	vmax.f32 v4, v7;
	v3 =	vld [tilespmem:s19+$0xFC60]  }
0x36: {  	s18 =	simm.s32 $0x400;
	s17 =	simm.s32 $0x80;
	v5 =	vmin.f32 v5, v8;
	v6 =	vmax.f32 v4, v8;
	v4 =	vld [tilespmem:s19+$0xFC70]  }
.LBB2_4:
0x37: {  	p0 =	sne.s32 s18, $0x3EE00;
	v7 =	vld [tilespmem:s17+$0xFC00];
	v5 =	vmin.f32 v5, v0;
	v0 =	vmax.f32 v6, v0  }
0x38: {  	v6 =	vld [tilespmem:s17+$0xFC10];
	v5 =	vmin.f32 v5, v1;
	v0 =	vmax.f32 v0, v1  }
0x39: {  	v8 =	vld [tilespmem:s17+$0xFC20];
	v1 =	vmin.f32 v5, v2;
	v2 =	vmax.f32 v0, v2  }
.Ltmp1:
0x3a: {  	v0 =	vld [tilespmem:s17+$0xFC30];
	v5 =	vmin.f32 v1, v3;
	v2 =	vmax.f32 v2, v3;
	(pc) =	sbr.rel @p0 .LBB2_4-.Ltmp1, $4  }
0x3b: {  	v1 =	vld [tilespmem:s17+$0xFC40];
	v3 =	vmin.f32 v5, v4;
	v2 =	vmax.f32 v2, v4  }
0x3c: {  	v3 =	vmin.f32 v3, v7;
	v4 =	vmax.f32 v2, v7;
	v2 =	vld [tilespmem:s17+$0xFC50]  }
0x3d: {  	v5 =	vmin.f32 v3, v6;
	v4 =	vmax.f32 v4, v6;
	v3 =	vld [tilespmem:s17+$0xFC60]  }
0x3e: {  	v5 =	vmin.f32 v5, v8;
	v6 =	vmax.f32 v4, v8;
	v4 =	vld [tilespmem:s17+$0xFC70];
	s17 =	sshra.s32 s18, $0x2;
	s18 =	sadd.s32 $0x200, s18  }
0x3f: {  	v7 =	vld [tilespmem:s17+$0xFC00];
	v5 =	vmin.f32 v5, v0  }
0x40: {  	v54 =	vmax.f32 v6, v0;
	v55 =	vld [tilespmem:s17+$0xFC10];
	v5 =	vmin.f32 v5, v1  }
0x41: {  	v56 =	vld [tilespmem:s17+$0xFC20];
	v0 =	vmax.f32 v54, v1;
	v5 =	vmin.f32 v5, v2  }
0x42: {  	v57 =	vld [tilespmem:s17+$0xFC30];
	v0 =	vmax.f32 v0, v2;
	v5 =	vmin.f32 v5, v3  }
0x43: {  	v58 =	vld [tilespmem:s17+$0xFC40];
	v0 =	vmax.f32 v0, v3;
	v5 =	vmin.f32 v5, v4  }
0x44: {  	v60 =	vld [tilespmem:s17+$0xFC50];
	v0 =	vmax.f32 v0, v4;
	v59 =	vmin.f32 v5, v7  }
0x45: {  	v61 =	vld [tilespmem:s17+$0xFC60];
	v0 =	vmax.f32 v0, v7;
	v4 =	vmin.f32 v59, v55  }
0x46: {  	v62 =	vld [tilespmem:s17+$0xFC70];
	v0 =	vmax.f32 v0, v55;
	v4 =	vmin.f32 v4, v56  }
0x47: {  	v0 =	vmax.f32 v0, v56;
	v63 =	vmin.f32 v4, v57  }
0x48: {  	v0 =	vmax.f32 v0, v57;
	v1 =	vmin.f32 v63, v58  }
0x49: {  	v0 =	vmax.f32 v0, v58;
	v1 =	vmin.f32 v1, v60  }
0x4a: {  	v0 =	vmax.f32 v0, v60;
	v1 =	vmin.f32 v1, v61  }
0x4b: {  	v0 =	vmax.f32 v0, v61;
	v1 =	vmin.f32 v1, v62  }
0x4c: {  	v0 =	vmax.f32 v0, v62;
	[tilespmem:$0x1F800] =	vst v1  }
0x4d: {  	[tilespmem:$0x1F810] =	vst v0  }
0x4e: {  	[hbm4b:s5+s2] =	stream.linear.scatter [tilespmem:s13], [sflag:$0x3], $0x10, $0x38;
	[tilespmem:$0x1F820] =	vst v63  }
0x4f: {  	s16 =	sadd.s32 $0x1, s16;
	_ =	swait.ge [sflag:s14], $0x10  }
0x50: {  	p0 =	sne.s32 s16, s7;
	[sflag:s14] =	ssyncset.done $0x0  }
.Ltmp2:
0x51: {  	[sflag:s14] =	ssyncadd.s32 $0xFFFFFFF0;
	(pc) =	sbr.rel @p0 .LBB2_1-.Ltmp2, $4  }
0x52: {  	[hbm4b:s6+s2] =	stream.linear.scatter [tilespmem:s15], [sflag:$0x3], $0x10, $0x38;
	[tilespmem:$0x1F820] =	vst v63  }
0x53: {  	_ =	swait.ge [sflag:s14], $0x10  }
0x54: {  	[sflag:s14] =	ssyncset.done $0x0  }
0x55: {  	[sflag:s14] =	ssyncadd.s32 $0xFFFFFFF0  }
0x56: {  	_ =	sfence.sel $0x180000  }
0x57: {  	[bflag:$0x0] =	sbarrier.arrive $0xFFFF  }
0x58: {  	p0 =	sne.s32 s0, $0x0;
	_ =	strace $0x90000047  }
0x59: {  	s0 =	sadd.s32 @!p0 $0x100000, s1;
	[bflag:$0x2] =	sbarrier.arrive $0xFFFF  }
0x5a: {  	[sflag:s0] =	ssyncadd.tile.s32 @!p0 $0x1;
	_ =	shalt  }
.Lfunc_end2:
_tile_overlayer_lowered:
.L_overlay_start_2:
0x5b: {  	(tag) =	ssettag $0x2  }
0x5c: {  	s0 =	rddreg [dreg:$0x0];
	s2 =	stileid.u32  }
0x5d: {  	s1 =	rddreg [dreg:$0x1];
	p0 =	sne.s32 s2, $0x0  }
0x5e: {  	s3 =	rddreg [dreg:$0x2];
	[bflag:$0x3] =	sbarrier.arrive $0xFFFF;
	s2 =	simm.s32 @!p0 $0x1C03  }
0x5f: {  	[timem:s3], [sflag:s2] =	dma.local @!p0 [hbm:s0], s1  }
0x60: {  	s0 =	simm.s32 @!p0 $0x3  }
0x61: {  	_ =	swait.ge @!p0 [sflag:s0], s1  }
0x62: {  	s1 =	ssub.s32 @!p0 $0x0, s1;
	[sflag:s0] =	ssyncset.done @!p0 $0x0  }
0x63: {  	[sflag:s0] =	ssyncadd.s32 @!p0 s1  }
0x64: {  	[bflag:$0x3] =	sbarrier.arrive $0xFFFF  }
0x65: {  	_ =	shalt  }

// kernel: kernel.8.cloned.1.call-start
scs
__scs_entry_jumppad:
0x0: {  	(pc) =	sbr.rel $0x88, $3  }
0x1: {  	(tag) =	ssettag $0x0;
	lr =	simm.s32 $0x1  }
0x2: {  	[smem:$0x3FA0] =	sst lr;
	_ =	strace $0xD0000000  }
0x3: {  	_ = 	snop  }
0x4: {  	_ = 	snop  }
0x5: {  	_ = 	snop  }
0x6: {  	_ = 	snop  }
0x7: {  	_ = 	snop  }
__scs_overlays_trampoline_lowered:
0x8: {  	[smem:$0x3FAF] =	sst s0  }
0x9: {  	[smem:$0x3FB0] =	sst s1  }
0xa: {  	[smem:$0x3FB1] =	sst s2  }
0xb: {  	[smem:$0x3FB2] =	sst s3  }
0xc: {  	[smem:$0x3FB3] =	sst s4  }
0xd: {  	[smem:$0x3FB4] =	sst s5  }
0xe: {  	[smem:$0x3FB5] =	sst s6  }
0xf: {  	[smem:$0x3FB6] =	sst s7  }
0x10: {  	[smem:$0x3FB7] =	sst s8  }
0x11: {  	[smem:$0x3FB8] =	sst s9;
	s0 =	simm.s32 @!p0 $0x0  }
0x12: {  	s1 =	sld [smem:$0x3F9E];
	s0 =	simm.s32 @p0 $0x1  }
0x13: {  	[smem:$0x3FB9] =	sst s0;
	s0 =	simm.s32 @!p1 $0x0  }
0x14: {  	s2 =	sld [smem:$0x3F9D];
	s0 =	simm.s32 @p1 $0x1  }
0x15: {  	[smem:$0x3FBA] =	sst s0;
	s0 =	simm.s32 @!p2 $0x0  }
0x16: {  	s3 =	sld [smem:$0x3FDB];
	s0 =	simm.s32 @p2 $0x1  }
0x17: {  	s4 =	simm.s32 $0x1BF5;
	[smem:$0x3FBC] =	sst s0  }
0x18: {  	s0 =	sld [smem:$0x3F9F];
	_ =	swait.ge [sflag:s4], $0x0  }
0x19: {  	s7 =	sld [smem:$0x3FA0]  }
0x1a: {  	s8 =	sadd.s32 $0xFFFFE003, lr  }
0x1b: {  	s9 =	sadd.s32 $0xFFFFFEF7, lr;
	s5 =	simm.s32 $0xFFFFFFFF;
	p2 =	slt.u32 s8, $0xFFFFF086  }
0x1c: {  	p1 =	slt.u32 s9, $0xF7A;
	s5 =	simm.s32 @!p2 $0x0  }
0x1d: {  	s5 =	simm.s32 @p1 $0x1;
	p0 =	seq.s32 s7, s2  }
0x1e: {  	s7 =	smul.u32 @!p0 $0xF7A, s2;
	p2 =	seq.s32 @!p0 s5, $0x0  }
0x1f: {  	s9 =	smul.u32 $0xF7A, s1;
	s8 =	simm.s32 @!p0 $0x1BF5;
	p2 =	por !p2, p0  }
0x20: {  	[sflag:s8] =	ssyncset.s32 @!p0 $0xFFFFF086;
	s6 =	sadd.s32 @!p0 s3, s7;
	s7 =	simm.s32 @!p0 $0x108  }
0x21: {  	s3 =	sadd.s32 s3, s9;
	s6 =	sadd.s32 @!p0 $0x88, s6;
	s7 =	simm.s32 @p2 $0x1082  }
0x22: {  	[simem:s7], [sflag:s8] =	dma.local @!p0 [hbm:s6], $0xF7A  }
0x23: {  	s9 =	sor.u32 $0xD0000000, s2;
	s6 =	simm.s32 $0x108;
	_ =	swait.ge @!p0 [sflag:s8], $0x0  }
0x24: {  	s3 =	sadd.s32 $0x88, s3;
	s6 =	simm.s32 @!p1 $0x1082;
	[sflag:s4] =	ssyncset.s32 $0xFFFFF086  }
0x25: {  	[simem:s6], [sflag:s4] =	dma.local [hbm:s3], $0xF7A  }
0x26: {  	[smem:$0x3FA0] =	sst s1;
	(tag) =	ssettag s2;
	_ =	strace s9  }
0x27: {  	s1 =	sld [smem:$0x3FB0]  }
0x28: {  	s2 =	sld [smem:$0x3FB1]  }
0x29: {  	s4 =	sld [smem:$0x3FB3]  }
0x2a: {  	p0 =	seq.s32 s5, $0x0;
	s5 =	sld [smem:$0x3FB4]  }
0x2b: {  	s6 =	sld [smem:$0x3FB5]  }
0x2c: {  	s7 =	sld [smem:$0x3FB6]  }
0x2d: {  	s3 =	simm.s32 $0x108;
	s8 =	sld [smem:$0x3FB7]  }
0x2e: {  	s3 =	simm.s32 @!p0 $0x1082;
	s9 =	sld [smem:$0x3FB8]  }
0x2f: {  	lr =	sadd.s32 s0, s3;
	s0 =	sld [smem:$0x3FAF]  }
0x30: {  	s3 =	sld [smem:$0x3FB2]  }
0x31: {  	[smem:$0x3FBB] =	sst s10  }
0x32: {  	s10 =	sld [smem:$0x3FB9];
	_ =	sdelay $0x3  }
0x33: {  	p0 =	seq.s32 s10, $0x1;
	s10 =	sld [smem:$0x3FBB];
	_ =	sdelay $0x3  }
0x34: {  	[smem:$0x3FBB] =	sst s10  }
0x35: {  	s10 =	sld [smem:$0x3FBA];
	_ =	sdelay $0x3  }
0x36: {  	p1 =	seq.s32 s10, $0x1;
	s10 =	sld [smem:$0x3FBB];
	_ =	sdelay $0x3  }
0x37: {  	[smem:$0x3FBB] =	sst s10  }
0x38: {  	s10 =	sld [smem:$0x3FBC]  }
0x39: {  	_ = 	snop;
	(pc) =	sbr.ind lr, $3  }
0x3a: {  	_ = 	snop  }
0x3b: {  	_ = 	snop  }
0x3c: {  	p2 =	seq.s32 s10, $0x1;
	s10 =	sld [smem:$0x3FBB]  }
0x3d: {  	_ =	shalt  }
0x3e: {  	_ =	shalt  }
0x3f: {  	_ =	shalt  }
0x40: {  	_ =	shalt  }
0x41: {  	_ =	shalt  }
0x42: {  	_ =	shalt  }
0x43: {  	_ =	shalt  }
0x44: {  	_ =	shalt  }
0x45: {  	_ =	shalt  }
0x46: {  	_ =	shalt  }
0x47: {  	_ =	shalt  }
0x48: {  	_ =	shalt  }
0x49: {  	_ =	shalt  }
0x4a: {  	_ =	shalt  }
0x4b: {  	_ =	shalt  }
0x4c: {  	_ =	shalt  }
0x4d: {  	_ =	shalt  }
0x4e: {  	_ =	shalt  }
0x4f: {  	_ =	shalt  }
0x50: {  	_ =	shalt  }
0x51: {  	_ =	shalt  }
0x52: {  	_ =	shalt  }
0x53: {  	_ =	shalt  }
0x54: {  	_ =	shalt  }
0x55: {  	_ =	shalt  }
0x56: {  	_ =	shalt  }
0x57: {  	_ =	shalt  }
0x58: {  	_ =	shalt  }
0x59: {  	_ =	shalt  }
0x5a: {  	_ =	shalt  }
0x5b: {  	_ =	shalt  }
0x5c: {  	_ =	shalt  }
0x5d: {  	_ =	shalt  }
0x5e: {  	_ =	shalt  }
0x5f: {  	_ =	shalt  }
0x60: {  	_ =	shalt  }
0x61: {  	_ =	shalt  }
0x62: {  	_ =	shalt  }
0x63: {  	_ =	shalt  }
0x64: {  	_ =	shalt  }
0x65: {  	_ =	shalt  }
0x66: {  	_ =	shalt  }
0x67: {  	_ =	shalt  }
0x68: {  	_ =	shalt  }
0x69: {  	_ =	shalt  }
0x6a: {  	_ =	shalt  }
0x6b: {  	_ =	shalt  }
0x6c: {  	_ =	shalt  }
0x6d: {  	_ =	shalt  }
0x6e: {  	_ =	shalt  }
0x6f: {  	_ =	shalt  }
0x70: {  	_ =	shalt  }
0x71: {  	_ =	shalt  }
0x72: {  	_ =	shalt  }
0x73: {  	_ =	shalt  }
0x74: {  	_ =	shalt  }
0x75: {  	_ =	shalt  }
0x76: {  	_ =	shalt  }
0x77: {  	_ =	shalt  }
0x78: {  	_ =	shalt  }
0x79: {  	_ =	shalt  }
0x7a: {  	_ =	shalt  }
0x7b: {  	_ =	shalt  }
0x7c: {  	_ =	shalt  }
0x7d: {  	_ =	shalt  }
0x7e: {  	_ =	shalt  }
0x7f: {  	_ =	shalt  }
0x80: {  	_ =	shalt  }
0x81: {  	_ =	shalt  }
0x82: {  	_ =	shalt  }
0x83: {  	_ =	shalt  }
0x84: {  	_ =	shalt  }
0x85: {  	_ =	shalt  }
0x86: {  	_ =	shalt  }
0x87: {  	_ =	shalt  }
.Lfunc_end0:
.L_simem_size_0:
called_computation.1_lowered:
.L_overlay_start_0:
0x88: {  	s2 =	sld [smem:$0x3FD9]  }
0x89: {  	s3 =	sld [smem:$0x3FFE];
	_ =	sdelay $0x1  }
0x8a: {  	s1 =	srdreg.scid  }
0x8b: {  	s0 =	sand.u32 $0x1, s1  }
0x8c: {  	s17 =	sshll.u32 s0, $0xA;
	s2 =	sadd.s32 s3, s2  }
0x8d: {  	s2 =	sadd.s32 s2, s17  }
0x8e: {  	[smem:$0x3FC7] =	sst s2  }
0x8f: {  	_ = 	snop  }
0x90: {  	s2 =	sld [smem:$0x3FC9]  }
0x91: {  	s18 =	sld [smem:$0x3FD0];
	(tm) =	ssettm $0x1  }
0x92: {  	s4 =	sld [smem:$0x3FFB];
	_ =	sdelay $0x3  }
0x93: {  	_ =	strace s4  }
0x94: {  	s4 =	sld [smem:$0x3FFC];
	_ =	sdelay $0x3  }
0x95: {  	_ =	strace s4  }
0x96: {  	s4 =	sld [smem:$0x3FFD];
	_ =	sdelay $0x3  }
0x97: {  	_ =	strace s4  }
0x98: {  	_ =	strace $0x8FFFFFFF  }
0x99: {  	s19 =	sld [smem:$0x3FDB];
	_ =	sdelay $0x1  }
0x9a: {  	s5 =	simm.s32 $_scs_section_size  }
0x9b: {  	s6 =	simm.s32 $_size__tile_overlayer_lowered;
	s7 =	simm.s32 $_tile_overlayer_lowered  }
0x9c: {  	s22 =	simm.s32 $0x1BFF;
	s21 =	sshll.u32 s7, $0x1;
	s4 =	sadd.s32 s5, s19  }
0x9d: {  	s8 =	simm.s32 $0x0;
	s20 =	sshll.u32 s6, $0x1;
	s6 =	sadd.s32 s21, s4  }
0x9e: {  	[timem:s8], [sflag:s22] =	dma.local [hbm:s6], s20  }
0x9f: {  	_ =	swait.ge [sflag:s22], s20  }
0xa0: {  	s5 =	ssub.s32 $0x0, s20;
	[sflag:s22] =	ssyncset.done $0x0  }
0xa1: {  	[sflag:s22] =	ssyncadd.s32 s5;
	_ =	sdelay $0x1  }
0xa2: {  	s23 =	simm.s32 $0x1B8B  }
0xa3: {  	_ =	swait.ge [sflag:s23], $0x1  }
0xa4: {  	[sflag:s23] =	ssyncset.done $0x0  }
0xa5: {  	s25 =	simm.s32 $0x1B8E;
	s24 =	sld [smem:$0x3FFE];
	[sflag:s23] =	ssyncadd.s32 $0xFFFFFFFF  }
0xa6: {  	s26 =	simm.s32 $execute0_lowered;
	[smem:$0x3FD2] =	sst s25  }
0xa7: {  	s6 =	sshll.u32 s26, $0x1;
	_ =	strace $0x80000049;
	[dreg:$0x1] =	wrdreg $0xFFFFFFFF  }
0xa8: {  	s28 =	simm.s32 $_size_execute0_lowered;
	s4 =	sadd.s32 s4, s6;
	[dreg:$0x0] =	wrdreg $0x0  }
0xa9: {  	s6 =	sshll.u32 s28, $0x1;
	[dreg:$0x2] =	wrdreg s4  }
0xaa: {  	[dreg:$0x3] =	wrdreg s6  }
0xab: {  	[dreg:$0x4] =	wrdreg $0xC0  }
0xac: {  	_ =	task [dreg:s8], $0x5FFFF  }
0xad: {  	[dreg:$0x1] =	wrdreg $0xFFFFFFFF  }
0xae: {  	[dreg:$0x0] =	wrdreg $0x60  }
0xaf: {  	[dreg:$0x2] =	wrdreg s2  }
0xb0: {  	[dreg:$0x3] =	wrdreg s18  }
0xb1: {  	[dreg:$0x4] =	wrdreg s24  }
0xb2: {  	[dreg:$0x5] =	wrdreg $0x9  }
0xb3: {  	_ =	task.clear_ibuf [dreg:s8], $0x6FFFF;
	_ =	strace $0x90000049  }
0xb4: {  	s29 =	simm.s32 $0x9;
	_ =	strace $0x8000004B  }
0xb5: {  	_ =	swait.ge [sflag:s29], $0x1  }
0xb6: {  	[sflag:s29] =	ssyncadd.s32 $0xFFFFFFFF  }
0xb7: {  	_ =	strace $0x9000004B  }
0xb8: {  	_ =	sfence  }
0xb9: {  	s30 =	sld [smem:$0x0];
	_ =	sdelay $0x2  }
0xba: {  	s31 =	sshll.u32 s1, $0xD;
	s1 =	sshrl.u32 s1, $0x2  }
0xbb: {  	s3 =	sand.u32 $0x4000, s31;
	s1 =	sadd.s32 s1, s30  }
0xbc: {  	s0 =	sor.u32 s3, s0;
	s1 =	sshll.u32 s1, $0x11  }
0xbd: {  	s0 =	sor.u32 s1, s0  }
0xbe: {  	s0 =	sadd.s32 $0x8F2B, s0  }
0xbf: {  	[sflag:s0] =	ssyncadd.remote.s32 $0x1  }
0xc0: {  	_ =	sfence.sel $0xFFFF  }
0xc1: {  	[dreg:$0x0] =	wrdreg $0xFFFFFFFF;
	(pc) =	sbr.abs _section_cstart, $3  }
0xc2: {  	[dreg:$0x1] =	wrdreg $0xFFFFFFFF  }
0xc3: {  	_ =	task.clear_ibuf [dreg:s8], $0x2FFFF;
	_ =	strace $0x9FFFFFFF  }
0xc4: {  	(tm) =	ssettm $0x7FFFFFFF  }
0xc5: {  	_ =	shalt  }
tec
execute0_lowered:
.L_overlay_start_1:
0x0: {  	(tag) =	ssettag $0x1  }
0x1: {  	vm14 =	vcmask $0x300;
	v0 =	vimm.s32 $0x0;
	vm13 =	vcmask $0x704  }
0x2: {  	vm12 =	vcmask $0xB08;
	vm11 =	vcmask $0xF0C;
	vm10 =	vcmask $0x1310  }
0x3: {  	vm9 =	vcmask $0x1714;
	vm8 =	vcmask $0x1B18;
	vm7 =	vcmask $0x2320  }
0x4: {  	vm0 =	vmxor vm0, vm0;
	vm6 =	vcmask $0x2724;
	v1 =	vimm.s32 $0x0  }
0x5: {  	vm5 =	vcmask $0x2B28;
	vm4 =	vcmask $0x2F2C;
	vm3 =	vcmask $0x3330  }
0x6: {  	v3 =	vlaneseq.u32;
	vm1 =	vcmask $0x3734;
	vm2 =	vcmask $0x3B38  }
0x7: {  	v5 =	vimm.s32 $0x3C02;
	v6 =	vimm.s32 $0x5A03;
	v7 =	vimm.s32 $0x7804  }
0x8: {  	v8 =	vimm.s32 $0x9605;
	v9 =	vimm.s32 $0xB406;
	v0 =	vsel vm14, $0x1E01, v0  }
0x9: {  	v3 =	vand.u32 $0x7, v3;
	v5 =	vsel vm14, $0x5A03, v5;
	v6 =	vsel vm14, $0x7804, v6  }
0xa: {  	v7 =	vsel vm14, $0x9605, v7;
	v8 =	vsel vm14, $0xB406, v8;
	v9 =	vsel vm14, $0xD207, v9  }
0xb: {  	s0 =	stileid.u32;
	v0 =	vsel vm13, $0x3C02, v0;
	v62 =	vmul.u32 $0x1E01, v3;
	v5 =	vsel vm13, $0x7804, v5  }
0xc: {  	s6 =	simm.s32 $0x3D1;
	p0 =	slt.u32 s0, $0x9;
	v6 =	vsel vm13, $0x9605, v6;
	v7 =	vsel vm13, $0xB406, v7;
	v8 =	vsel vm13, $0xD207, v8  }
0xd: {  	s6 =	simm.s32 @!p0 $0x3D0;
	v9 =	vsel vm13, $0x0, v9;
	v0 =	vsel vm12, $0x5A03, v0;
	v5 =	vsel vm12, $0x9605, v5  }
0xe: {  	p0 =	sne.s32 s6, $0x3D0;
	v6 =	vsel vm12, $0xB406, v6;
	v7 =	vsel vm12, $0xD207, v7;
	v8 =	vsel vm12, $0x0, v8  }
0xf: {  	v9 =	vsel vm12, $0x1E01, v9;
	v0 =	vsel vm11, $0x7804, v0;
	vm0 =	vmneg @p0 vm0  }
0x10: {  	v5 =	vsel vm11, $0xB406, v5;
	v6 =	vsel vm11, $0xD207, v6;
	v7 =	vsel vm11, $0x0, v7  }
0x11: {  	v8 =	vsel vm11, $0x1E01, v8;
	v9 =	vsel vm11, $0x3C02, v9;
	v0 =	vsel vm10, $0x9605, v0  }
0x12: {  	v1 =	vsel vm0, $0xFFFFFFFF, v1;
	v5 =	vsel vm10, $0xD207, v5;
	v6 =	vsel vm10, $0x0, v6  }
0x13: {  	v7 =	vsel vm10, $0x1E01, v7;
	v8 =	vsel vm10, $0x3C02, v8;
	v9 =	vsel vm10, $0x5A03, v9  }
0x14: {  	v0 =	vsel vm9, $0xB406, v0;
	v5 =	vsel vm9, $0x0, v5;
	v6 =	vsel vm9, $0x1E01, v6  }
0x15: {  	v7 =	vsel vm9, $0x3C02, v7;
	v8 =	vsel vm9, $0x5A03, v8;
	v9 =	vsel vm9, $0x7804, v9  }
0x16: {  	v0 =	vsel vm8, $0xD207, v0;
	v5 =	vsel vm8, $0x1E01, v5;
	v6 =	vsel vm8, $0x3C02, v6  }
0x17: {  	v7 =	vsel vm8, $0x5A03, v7;
	v8 =	vsel vm8, $0x7804, v8;
	v0 =	vsel vm7, $0x1E01, v0  }
0x18: {  	[tilespmem:$0x1FF70] =	vst v1;
	v9 =	vsel vm8, $0x9605, v9;
	v5 =	vsel vm7, $0x5A03, v5;
	v1 =	vsel vm6, $0x3C02, v0  }
0x19: {  	v6 =	vsel vm7, $0x7804, v6;
	v7 =	vsel vm7, $0x9605, v7;
	v2 =	vsel vm5, $0x5A03, v1  }
0x1a: {  	v8 =	vsel vm7, $0xB406, v8;
	v9 =	vsel vm7, $0xD207, v9;
	v2 =	vsel vm4, $0x7804, v2  }
0x1b: {  	v5 =	vsel vm6, $0x7804, v5;
	v6 =	vsel vm6, $0x9605, v6;
	v2 =	vsel vm3, $0x9605, v2  }
0x1c: {  	v7 =	vsel vm6, $0xB406, v7;
	v8 =	vsel vm6, $0xD207, v8;
	v4 =	vsel vm1, $0xB406, v2  }
0x1d: {  	v9 =	vsel vm6, $0x0, v9;
	v63 =	vsel vm2, $0xD207, v4;
	v4 =	vimm.s32 $0x1E01  }
0x1e: {  	s1 =	rddreg [dreg:$0x0];
	v5 =	vsel vm5, $0x9605, v5;
	v6 =	vsel vm5, $0xB406, v6;
	v4 =	vsel vm14, $0x3C02, v4  }
0x1f: {  	s2 =	rddreg [dreg:$0x1];
	v7 =	vsel vm5, $0xD207, v7;
	v8 =	vsel vm5, $0x0, v8;
	v4 =	vsel vm13, $0x5A03, v4  }
0x20: {  	s3 =	srdreg.scid;
	s8 =	rddreg [dreg:$0x2];
	v9 =	vsel vm5, $0x1E01, v9;
	v5 =	vsel vm4, $0xB406, v5;
	v4 =	vsel vm12, $0x7804, v4  }
0x21: {  	s4 =	simm.s32 $0x0;
	s14 =	simm.s32 $0x16A08;
	s15 =	simm.s32 $0x1E408;
	v6 =	vsel vm4, $0xD207, v6;
	v7 =	vsel vm4, $0x0, v7;
	v4 =	vsel vm11, $0x9605, v4  }
0x22: {  	s16 =	simm.s32 $0x3;
	s17 =	simm.s32 $0x1E608;
	s18 =	simm.s32 $0x1;
	v8 =	vsel vm4, $0x1E01, v8;
	v9 =	vsel vm4, $0x3C02, v9;
	v4 =	vsel vm10, $0xB406, v4  }
0x23: {  	s19 =	simm.s32 $0x2;
	s7 =	sand.u32 $0x1, s3;
	s26 =	sshll.u32 s0, $0x1;
	v5 =	vsel vm3, $0xD207, v5;
	v6 =	vsel vm3, $0x0, v6;
	v4 =	vsel vm9, $0xD207, v4  }
0x24: {  	s20 =	simm.s32 $0x0;
	[smem:$0x7FF] =	sst s4;
	s5 =	sor.u32 s7, s26;
	v7 =	vsel vm3, $0x1E01, v7;
	v8 =	vsel vm3, $0x3C02, v8;
	v4 =	vsel vm8, $0x0, v4  }
0x25: {  	s3 =	rddreg [dreg:$0x3];
	s9 =	smul.u32 $0x3D0, s5;
	_ =	strace $0x8000004A;
	[tilespmem:$0x1FF80] =	vst v62;
	v9 =	vsel vm3, $0x5A03, v9;
	v5 =	vsel vm1, $0x0, v5;
	v4 =	vsel vm7, $0x3C02, v4  }
0x26: {  	s7 =	ssub.s32 $0x2, s7;
	s10 =	smul.u32 $0x3C0, s5;
	s11 =	smin.u32 s5, $0x12;
	v6 =	vsel vm1, $0x1E01, v6;
	v48 =	vsel vm2, $0x1E01, v5;
	[tilespmem:$0x1FF90] =	vst v63;
	v4 =	vsel vm6, $0x5A03, v4  }
0x27: {  	s5 =	sadd.s32 $0xE00, s8;
	s29 =	sshrl.u32 s7, $0x1;
	s9 =	sadd.s32 s11, s9;
	v7 =	vsel vm1, $0x3C02, v7;
	v50 =	vsel vm2, $0x3C02, v6;
	[tilespmem:$0x1FFB0] =	vst v48;
	v4 =	vsel vm5, $0x7804, v4  }
0x28: {  	s13 =	ssub.s32 s7, s29;
	s28 =	sadd.s32 s10, s8;
	s6 =	sadd.s32 s6, s9;
	v8 =	vsel vm1, $0x5A03, v8;
	v51 =	vsel vm2, $0x5A03, v7;
	[tilespmem:$0x1FFC0] =	vst v50;
	v4 =	vsel vm4, $0x9605, v4  }
0x29: {  	s30 =	sshll.u32 s9, $0x6;
	s8 =	sadd.s32 $0x7A, s9;
	s12 =	sshll.u32 s6, $0x9;
	v9 =	vsel vm1, $0x7804, v9;
	v52 =	vsel vm2, $0x7804, v8;
	[tilespmem:$0x1FFD0] =	vst v51;
	v4 =	vsel vm3, $0xB406, v4  }
0x2a: {  	s9 =	sadd.s32 $0xB7, s9;
	s6 =	sadd.s32 s1, s30;
	s31 =	sadd.s32 $0xFFFFFE00, s12;
	v53 =	vsel vm2, $0x9605, v9;
	[tilespmem:$0x1FFE0] =	vst v52;
	v4 =	vsel vm1, $0xD207, v4  }
0x2b: {  	s11 =	sadd.s32 $0x1000, s28;
	s7 =	sadd.s32 $0xF40, s6;
	s10 =	sshrl.u32 s31, $0x3;
	[tilespmem:$0x1FFF0] =	vst v53;
	v47 =	vsel vm2, $0x0, v4  }
0x2c: {  	s12 =	smax.u32 s13, $0x1;
	s13 =	simm.s32 $0xF008;
	v0 =	vimm.f32 $0.0e+00;
	s10 =	sadd.s32 s1, s10;
	v4 =	vimm.f32 $1.000000000e+00;
	[tilespmem:$0x1FFA0] =	vst v47  }
.LBB2_1:
0x2d: {  	[tilespmem:s13], [sflag:$0x1] =	stream.linear.gather [hbm4b:s6+s4], $0x7A00, $0x38;
	[tilespmem:$0x1E808] =	vst v63  }
0x2e: {  	_ = 	snop  }
0x2f: {  	[tilespmem:s14], [sflag:$0x2] =	stream.linear.gather [hbm4b:s7+s4], $0x7A00, $0x38;
	[tilespmem:$0x1E808] =	vst v63  }
0x30: {  	_ = 	snop  }
0x31: {  	[tilespmem:s15], [sflag:$0x3] =	stream.linear.gather [hbm4b:s2+s4], $0x200, $0x38;
	[tilespmem:$0x1E808] =	vst v63  }
0x32: {  	_ =	swait.ge [sflag:s16], $0x200  }
0x33: {  	[sflag:s16] =	ssyncset.done $0x0  }
0x34: {  	[sflag:s16] =	ssyncadd.s32 $0xFFFFFE00  }
0x35: {  	[tilespmem:s17], [sflag:$0x3] =	stream.linear.gather [hbm4b:s5+s4], $0x200, $0x38;
	[tilespmem:$0x1E808] =	vst v63  }
0x36: {  	_ =	swait.ge [sflag:s16], $0x200  }
0x37: {  	[sflag:s16] =	ssyncset.done $0x0  }
0x38: {  	[sflag:s16] =	ssyncadd.s32 $0xFFFFFE00  }
0x39: {  	v1 =	vld [tilespmem:$0x1E408]  }
0x3a: {  	v2 =	vld [tilespmem:$0x1E608]  }
0x3b: {  	v13 =	vld [tilespmem:$0x1E418]  }
0x3c: {  	v14 =	vld [tilespmem:$0x1E618]  }
0x3d: {  	v15 =	vld [tilespmem:$0x1E428]  }
0x3e: {  	v16 =	vld [tilespmem:$0x1E628]  }
0x3f: {  	v17 =	vld [tilespmem:$0x1E438]  }
0x40: {  	v18 =	vld [tilespmem:$0x1E638]  }
0x41: {  	v19 =	vld [tilespmem:$0x1E448]  }
0x42: {  	v20 =	vld [tilespmem:$0x1E648]  }
0x43: {  	v21 =	vld [tilespmem:$0x1E458]  }
0x44: {  	v22 =	vld [tilespmem:$0x1E658]  }
0x45: {  	v23 =	vld [tilespmem:$0x1E468]  }
0x46: {  	v24 =	vld [tilespmem:$0x1E668]  }
0x47: {  	v25 =	vld [tilespmem:$0x1E478]  }
0x48: {  	v26 =	vld [tilespmem:$0x1E678]  }
0x49: {  	v27 =	vld [tilespmem:$0x1E488]  }
0x4a: {  	v28 =	vld [tilespmem:$0x1E688]  }
0x4b: {  	v29 =	vld [tilespmem:$0x1E498]  }
0x4c: {  	v30 =	vld [tilespmem:$0x1E698]  }
0x4d: {  	v31 =	vld [tilespmem:$0x1E4A8]  }
0x4e: {  	v32 =	vld [tilespmem:$0x1E6A8]  }
0x4f: {  	v33 =	vld [tilespmem:$0x1E4B8]  }
0x50: {  	v34 =	vld [tilespmem:$0x1E6B8]  }
0x51: {  	v35 =	vld [tilespmem:$0x1E4C8]  }
0x52: {  	v36 =	vld [tilespmem:$0x1E6C8]  }
0x53: {  	v37 =	vld [tilespmem:$0x1E4D8]  }
0x54: {  	v38 =	vld [tilespmem:$0x1E6D8]  }
0x55: {  	v39 =	vld [tilespmem:$0x1E4E8]  }
0x56: {  	v40 =	vld [tilespmem:$0x1E6E8]  }
0x57: {  	v41 =	vld [tilespmem:$0x1E4F8]  }
0x58: {  	v42 =	vld [tilespmem:$0x1E6F8]  }
0x59: {  	v43 =	vld [tilespmem:$0x1E508]  }
0x5a: {  	v44 =	vld [tilespmem:$0x1E708]  }
0x5b: {  	v45 =	vld [tilespmem:$0x1E518]  }
0x5c: {  	v46 =	vld [tilespmem:$0x1E718]  }
0x5d: {  	v47 =	vld [tilespmem:$0x1E528]  }
0x5e: {  	v48 =	vld [tilespmem:$0x1E728]  }
0x5f: {  	v49 =	vld [tilespmem:$0x1E538]  }
0x60: {  	v50 =	vld [tilespmem:$0x1E738]  }
0x61: {  	v51 =	vld [tilespmem:$0x1E548]  }
0x62: {  	v52 =	vld [tilespmem:$0x1E748]  }
0x63: {  	v53 =	vld [tilespmem:$0x1E558]  }
0x64: {  	v54 =	vld [tilespmem:$0x1E758]  }
0x65: {  	v55 =	vld [tilespmem:$0x1E568]  }
0x66: {  	v56 =	vld [tilespmem:$0x1E768]  }
0x67: {  	v57 =	vld [tilespmem:$0x1E578]  }
0x68: {  	v58 =	vld [tilespmem:$0x1E778]  }
0x69: {  	v59 =	vld [tilespmem:$0x1E588]  }
0x6a: {  	v60 =	vld [tilespmem:$0x1E788]  }
0x6b: {  	v61 =	vld [tilespmem:$0x1E598]  }
0x6c: {  	v62 =	vld [tilespmem:$0x1E798]  }
0x6d: {  	v63 =	vld [tilespmem:$0x1E5A8]  }
0x6e: {  	[tilespmem:$0x1FF40] =	vst v1;
	v1 =	vld [tilespmem:$0x1E5F8]  }
0x6f: {  	v11 =	vld [tilespmem:$0x1E7A8]  }
0x70: {  	v12 =	vld [tilespmem:$0x1E5B8]  }
0x71: {  	v3 =	vld [tilespmem:$0x1E7B8]  }
0x72: {  	v5 =	vld [tilespmem:$0x1E5C8]  }
0x73: {  	[tilespmem:$0x1FF50] =	vst v1;
	v1 =	vld [tilespmem:$0x1E7F8]  }
0x74: {  	v6 =	vld [tilespmem:$0x1E7C8]  }
0x75: {  	v7 =	vld [tilespmem:$0x1E5D8]  }
0x76: {  	v8 =	vld [tilespmem:$0x1E7D8]  }
0x77: {  	v9 =	vld [tilespmem:$0x1E5E8]  }
0x78: {  	s21 =	simm.s32 $0x0;
	s22 =	simm.s32 $0x400;
	v10 =	vld [tilespmem:$0x1E7E8];
	[tilespmem:$0x1FF60] =	vst v1  }
.LBB2_2:
0x79: {  	p0 =	sne.s32 s22, $0x3BC00;
	[tilespmem:s21+$0xF0] =	vst v0  }
0x7a: {  	[tilespmem:s21+$0x0] =	vst v0  }
0x7b: {  	[tilespmem:s21+$0x10] =	vst v0  }
0x7c: {  	[tilespmem:s21+$0x20] =	vst v0  }
0x7d: {  	[tilespmem:s21+$0x30] =	vst v0  }
0x7e: {  	[tilespmem:s21+$0x40] =	vst v0  }
0x7f: {  	[tilespmem:s21+$0x50] =	vst v0  }
0x80: {  	[tilespmem:s21+$0x60] =	vst v0  }
0x81: {  	[tilespmem:s21+$0x70] =	vst v0  }
0x82: {  	[tilespmem:s21+$0x80] =	vst v0  }
0x83: {  	[tilespmem:s21+$0x90] =	vst v0  }
.Ltmp0:
0x84: {  	[tilespmem:s21+$0xA0] =	vst v0;
	(pc) =	sbr.rel @p0 .LBB2_2-.Ltmp0, $4  }
0x85: {  	[tilespmem:s21+$0xB0] =	vst v0  }
0x86: {  	[tilespmem:s21+$0xC0] =	vst v0  }
0x87: {  	[tilespmem:s21+$0xD0] =	vst v0  }
0x88: {  	[tilespmem:s21+$0xE0] =	vst v0;
	s21 =	sshra.s32 s22, $0x2;
	s22 =	sadd.s32 $0x400, s22  }
0x89: {  	v1 =	vld [tilespmem:$0x1FF40];
	_ =	sdelay $0x4  }
0x8a: {  	v13 =	vmin.f32 v1, v13  }
0x8b: {  	v14 =	vmax.f32 v2, v14;
	v13 =	vmin.f32 v13, v15  }
0x8c: {  	v14 =	vmax.f32 v14, v16;
	v13 =	vmin.f32 v13, v17  }
0x8d: {  	v14 =	vmax.f32 v14, v18;
	v13 =	vmin.f32 v13, v19  }
0x8e: {  	v14 =	vmax.f32 v14, v20;
	v13 =	vmin.f32 v13, v21  }
0x8f: {  	v14 =	vmax.f32 v14, v22;
	v13 =	vmin.f32 v13, v23  }
0x90: {  	v14 =	vmax.f32 v14, v24;
	v13 =	vmin.f32 v13, v25  }
0x91: {  	v14 =	vmax.f32 v14, v26;
	v13 =	vmin.f32 v13, v27  }
0x92: {  	v14 =	vmax.f32 v14, v28;
	v13 =	vmin.f32 v13, v29  }
0x93: {  	v14 =	vmax.f32 v14, v30;
	v13 =	vmin.f32 v13, v31  }
0x94: {  	v14 =	vmax.f32 v14, v32;
	v13 =	vmin.f32 v13, v33  }
0x95: {  	v14 =	vmax.f32 v14, v34;
	v13 =	vmin.f32 v13, v35  }
0x96: {  	v14 =	vmax.f32 v14, v36;
	v13 =	vmin.f32 v13, v37  }
0x97: {  	v14 =	vmax.f32 v14, v38;
	v13 =	vmin.f32 v13, v39  }
0x98: {  	v14 =	vmax.f32 v14, v40;
	v13 =	vmin.f32 v13, v41  }
0x99: {  	v14 =	vmax.f32 v14, v42;
	v13 =	vmin.f32 v13, v43  }
0x9a: {  	v14 =	vmax.f32 v14, v44;
	v13 =	vmin.f32 v13, v45  }
0x9b: {  	v14 =	vmax.f32 v14, v46;
	v13 =	vmin.f32 v13, v47  }
0x9c: {  	v14 =	vmax.f32 v14, v48;
	v13 =	vmin.f32 v13, v49  }
0x9d: {  	v14 =	vmax.f32 v14, v50;
	v13 =	vmin.f32 v13, v51  }
0x9e: {  	v14 =	vmax.f32 v14, v52;
	v13 =	vmin.f32 v13, v53  }
0x9f: {  	v14 =	vmax.f32 v14, v54;
	v13 =	vmin.f32 v13, v55  }
0xa0: {  	v14 =	vmax.f32 v14, v56;
	v13 =	vmin.f32 v13, v57  }
0xa1: {  	v14 =	vmax.f32 v14, v58;
	v13 =	vmin.f32 v13, v59  }
0xa2: {  	v14 =	vmax.f32 v14, v60;
	v13 =	vmin.f32 v13, v61  }
0xa3: {  	v58 =	vld [tilespmem:$0x1FF50];
	v14 =	vmax.f32 v14, v62;
	v13 =	vmin.f32 v13, v63  }
0xa4: {  	v11 =	vmax.f32 v14, v11;
	v59 =	vld [tilespmem:$0x1FF60];
	v12 =	vmin.f32 v13, v12  }
0xa5: {  	v11 =	vmax.f32 v11, v3;
	v12 =	vmin.f32 v12, v5  }
0xa6: {  	v11 =	vmax.f32 v11, v6;
	v12 =	vmin.f32 v12, v7  }
0xa7: {  	v11 =	vmax.f32 v11, v8;
	v12 =	vmin.f32 v12, v9  }
0xa8: {  	v11 =	vmax.f32 v11, v10;
	v12 =	vmin.f32 v12, v58  }
0xa9: {  	v11 =	vmax.f32 v11, v59;
	(xrf0) =	vmin.scan.msk.f32 $0xffff, v12  }
0xaa: {  	(xrf0) =	vmax.scan.msk.f32 $0xffff, v11;
	_ =	sdelay $0x4  }
0xab: {  	v60, _, _ =	vpop (xrf0)  }
0xac: {  	v61, _, _ =	vpop (xrf0)  }
0xad: {  	[tilespmem:s21+$0xF0] =	vst v0;
	v62 =	vbroadcast v60, $0xF;
	v63 =	vbroadcast v61, $0xF  }
0xae: {  	[tilespmem:s21+$0x0] =	vst v0  }
0xaf: {  	[tilespmem:s21+$0x10] =	vst v0;
	v12 =	vsub.f32 v63, v62  }
0xb0: {  	[tilespmem:s21+$0x20] =	vst v0;
	vm1 =	vgt.f32 v63, v62  }
0xb1: {  	[tilespmem:s21+$0x30] =	vst v0;
	v11 =	vnsel vm1, $0x3F800000, v12  }
0xb2: {  	[tilespmem:s21+$0x40] =	vst v0;
	(erf) = vrcp.f32 v11  }
0xb3: {  	[tilespmem:s21+$0x50] =	vst v0  }
0xb4: {  	[tilespmem:s21+$0x60] =	vst v0  }
0xb5: {  	[tilespmem:s21+$0x70] =	vst v0  }
0xb6: {  	[tilespmem:s21+$0x80] =	vst v0  }
0xb7: {  	[tilespmem:s21+$0x90] =	vst v0  }
0xb8: {  	[tilespmem:s21+$0xA0] =	vst v0  }
0xb9: {  	[tilespmem:s21+$0xB0] =	vst v0  }
0xba: {  	[tilespmem:s21+$0xC0] =	vst v0  }
0xbb: {  	[tilespmem:s21+$0xD0] =	vst v0;
	v11 =	vpop (erf)  }
0xbc: {  	[tilespmem:s21+$0xE0] =	vst v0;
	v48 =	vld [tilespmem:$0x1FFB0];
	v11 =	vmul.f32 $5.000000000e+00, v11  }
0xbd: {  	[tilespmem:$0xEFF8] =	vst v0;
	v47 =	vld [tilespmem:$0x1FFA0];
	v56 =	vnsel vm1, $0x0, v62  }
0xbe: {  	v63 =	vld [tilespmem:$0x1FF90];
	[tilespmem:$0x1FF30] =	vst v56;
	v54 =	vnsel vm1, $0x3DCCCCCD, v11  }
0xbf: {  	s21 =	simm.s32 $0x0;
	v55 =	vimm.s32 $0xF00;
	v62 =	vld [tilespmem:$0x1FF80];
	[tilespmem:$0x1FF20] =	vst v54  }
.LBB2_4:
0xc0: {  	_ =	swait.ge [sflag:s18], $0x7A00  }
0xc1: {  	[sflag:s18] =	ssyncset.done $0x0  }
0xc2: {  	s22 =	simm.s32 $0xF208;
	[sflag:s18] =	ssyncadd.s32 $0xFFFF8600  }
0xc3: {  	v13 =	vld [tilespmem:s22+$0x0]  }
0xc4: {  	v14 =	vld [tilespmem:s22+$0x80]  }
0xc5: {  	v15 =	vld [tilespmem:s22+$0x10]  }
0xc6: {  	v16 =	vld [tilespmem:s22+$0x90]  }
0xc7: {  	v17 =	vld [tilespmem:s22+$0x20]  }
0xc8: {  	v18 =	vld [tilespmem:s22+$0xA0]  }
0xc9: {  	v19 =	vld [tilespmem:s22+$0x30]  }
0xca: {  	v20 =	vld [tilespmem:s22+$0xB0]  }
0xcb: {  	v21 =	vld [tilespmem:s22+$0x40]  }
0xcc: {  	v22 =	vld [tilespmem:s22+$0xC0]  }
0xcd: {  	v23 =	vld [tilespmem:s22+$0x50]  }
0xce: {  	v24 =	vld [tilespmem:s22+$0xD0]  }
0xcf: {  	v25 =	vld [tilespmem:s22+$0x60]  }
0xd0: {  	v26 =	vld [tilespmem:s22+$0xE0]  }
0xd1: {  	v27 =	vld [tilespmem:s22+$0x70];
	v13 =	vmul.f32 $5.000000070e-02, v13;
	v14 =	vmul.f32 $5.000000070e-02, v14  }
0xd2: {  	v28 =	vld [tilespmem:s22+$0xF0];
	v15 =	vmul.f32 $5.000000070e-02, v15;
	v16 =	vmul.f32 $5.000000070e-02, v16  }
0xd3: {  	v29 =	vld [tilespmem:s22+$0x180];
	v17 =	vmul.f32 $5.000000070e-02, v17;
	v18 =	vmul.f32 $5.000000070e-02, v18  }
0xd4: {  	v30 =	vld [tilespmem:s22+$0x190];
	v19 =	vmul.f32 $5.000000070e-02, v19;
	v20 =	vmul.f32 $5.000000070e-02, v20  }
0xd5: {  	v31 =	vld [tilespmem:s22+$0x100];
	v21 =	vmul.f32 $5.000000070e-02, v21;
	v22 =	vmul.f32 $5.000000070e-02, v22  }
0xd6: {  	v32 =	vld [tilespmem:s22+$0x110];
	v23 =	vmul.f32 $5.000000070e-02, v23;
	v24 =	vmul.f32 $5.000000070e-02, v24  }
0xd7: {  	v33 =	vld [tilespmem:s22+$0x120];
	v25 =	vmul.f32 $5.000000070e-02, v25;
	v26 =	vmul.f32 $5.000000070e-02, v26  }
0xd8: {  	v35 =	vld [tilespmem:s22+$0x140];
	v27 =	vmul.f32 $5.000000070e-02, v27;
	v28 =	vmul.f32 $5.000000070e-02, v28;
	vm1 =	vgt.f32 v29, $0.0e+00  }
0xd9: {  	v36 =	vld [tilespmem:s22+$0x160];
	vm13 =	vgt.f32 v30, $0.0e+00;
	v34 =	vtrunc.f32 v13;
	v14 =	vtrunc.f32 v14  }
0xda: {  	v37 =	vld [tilespmem:s22+$0x170];
	v31 =	vsub.f32 v31, v56;
	v15 =	vtrunc.f32 v15;
	v16 =	vtrunc.f32 v16  }
0xdb: {  	v38 =	vld [tilespmem:s22+$0x1A0];
	v32 =	vsub.f32 v32, v56;
	v17 =	vtrunc.f32 v17;
	v18 =	vtrunc.f32 v18  }
0xdc: {  	v39 =	vld [tilespmem:s22+$0x1B0];
	v33 =	vsub.f32 v33, v56;
	v19 =	vtrunc.f32 v19;
	v20 =	vtrunc.f32 v20  }
0xdd: {  	v40 =	vld [tilespmem:s22+$0x1C0];
	v35 =	vsub.f32 v35, v56;
	v21 =	vtrunc.f32 v21;
	v22 =	vtrunc.f32 v22  }
0xde: {  	v41 =	vld [tilespmem:s22+$0x1D0];
	v36 =	vsub.f32 v36, v56;
	v23 =	vtrunc.f32 v23;
	v24 =	vtrunc.f32 v24  }
0xdf: {  	v43 =	vld [tilespmem:s22+$0x1E0];
	v37 =	vsub.f32 v37, v56;
	v25 =	vtrunc.f32 v25;
	v26 =	vtrunc.f32 v26  }
0xe0: {  	v44 =	vld [tilespmem:s22+$0x1F0];
	vm14 =	vgt.f32 v38, $0.0e+00;
	v27 =	vtrunc.f32 v27;
	v28 =	vtrunc.f32 v28  }
0xe1: {  	vm15 =	vgt.f32 v39, $0.0e+00;
	v31 =	vmul.f32 v31, v54;
	v32 =	vmul.f32 v32, v54  }
0xe2: {  	vm4 =	vgt.f32 v40, $0.0e+00;
	v33 =	vmul.f32 v33, v54;
	v35 =	vmul.f32 v35, v54  }
0xe3: {  	vm5 =	vgt.f32 v41, $0.0e+00;
	v36 =	vmul.f32 v36, v54;
	v37 =	vmul.f32 v37, v54  }
0xe4: {  	vm6 =	vgt.f32 v43, $0.0e+00;
	v34 =	vcvt.f32.s32 v34;
	v14 =	vcvt.f32.s32 v14  }
0xe5: {  	vm7 =	vgt.f32 v44, $0.0e+00;
	v15 =	vcvt.f32.s32 v15;
	v16 =	vcvt.f32.s32 v16  }
0xe6: {  	v42 =	vsel vm13, $0x0, v55;
	v17 =	vcvt.f32.s32 v17;
	v18 =	vcvt.f32.s32 v18  }
0xe7: {  	v38 =	vsel vm14, $0x0, v55;
	v19 =	vcvt.f32.s32 v19;
	v20 =	vcvt.f32.s32 v20  }
0xe8: {  	v39 =	vsel vm15, $0x0, v55;
	v21 =	vcvt.f32.s32 v21;
	v22 =	vcvt.f32.s32 v22  }
0xe9: {  	v29 =	vld [tilespmem:s22+$0x130];
	v40 =	vsel vm4, $0x0, v55;
	v23 =	vcvt.f32.s32 v23;
	v24 =	vcvt.f32.s32 v24  }
0xea: {  	v30 =	vld [tilespmem:s22+$0x150];
	v41 =	vsel vm5, $0x0, v55;
	v25 =	vcvt.f32.s32 v25;
	v26 =	vcvt.f32.s32 v26  }
0xeb: {  	v43 =	vsel vm6, $0x0, v55;
	v27 =	vcvt.f32.s32 v27;
	v28 =	vcvt.f32.s32 v28  }
0xec: {  	v44 =	vsel vm7, $0x0, v55;
	v31 =	vtrunc.f32 v31;
	v32 =	vtrunc.f32 v32  }
0xed: {  	v13 =	vsel vm1, $0x0, v55;
	v33 =	vtrunc.f32 v33;
	v35 =	vtrunc.f32 v35  }
0xee: {  	v36 =	vtrunc.f32 v36;
	v37 =	vtrunc.f32 v37;
	v29 =	vsub.f32 v29, v56  }
0xef: {  	v30 =	vsub.f32 v30, v56;
	vm8 =	vgt.s32 v34, $0x0;
	vm9 =	vgt.s32 v14, $0x0  }
0xf0: {  	vm10 =	vgt.s32 v15, $0x0;
	vm11 =	vgt.s32 v16, $0x0;
	vm12 =	vgt.s32 v17, $0x0  }
0xf1: {  	vm13 =	vgt.s32 v18, $0x0;
	vm14 =	vgt.s32 v19, $0x0;
	vm15 =	vgt.s32 v20, $0x0  }
0xf2: {  	vm4 =	vgt.s32 v21, $0x0;
	vm5 =	vgt.s32 v22, $0x0;
	v31 =	vcvt.f32.s32 v31  }
0xf3: {  	vm6 =	vgt.s32 v23, $0x0;
	v32 =	vcvt.f32.s32 v32;
	v33 =	vcvt.f32.s32 v33  }
0xf4: {  	vm7 =	vgt.s32 v24, $0x0;
	v35 =	vcvt.f32.s32 v35;
	v36 =	vcvt.f32.s32 v36  }
0xf5: {  	v37 =	vcvt.f32.s32 v37;
	v34 =	vnsel vm8, $0x0, v34;
	v14 =	vnsel vm9, $0x0, v14  }
0xf6: {  	v15 =	vnsel vm10, $0x0, v15;
	v16 =	vnsel vm11, $0x0, v16;
	v17 =	vnsel vm12, $0x0, v17  }
0xf7: {  	v18 =	vnsel vm13, $0x0, v18;
	v19 =	vnsel vm14, $0x0, v19;
	v20 =	vnsel vm15, $0x0, v20  }
0xf8: {  	v21 =	vnsel vm4, $0x0, v21;
	v22 =	vnsel vm5, $0x0, v22;
	v23 =	vnsel vm6, $0x0, v23  }
0xf9: {  	v24 =	vnsel vm7, $0x0, v24;
	vm8 =	vgt.s32 v25, $0x0;
	vm9 =	vgt.s32 v26, $0x0  }
0xfa: {  	vm10 =	vgt.s32 v27, $0x0;
	vm11 =	vgt.s32 v28, $0x0;
	v29 =	vmul.f32 v29, v54  }
0xfb: {  	v30 =	vmul.f32 v30, v54;
	v25 =	vnsel vm8, $0x0, v25;
	v26 =	vnsel vm9, $0x0, v26  }
0xfc: {  	v27 =	vnsel vm10, $0x0, v27;
	v34 =	vmin.u32 v34, $0x1F;
	v14 =	vmin.u32 v14, $0x17  }
0xfd: {  	v11 =	vld [tilespmem:s22+$0xFFFFFF80];
	v28 =	vnsel vm11, $0x0, v28;
	v15 =	vmin.u32 v15, $0x1F;
	v16 =	vmin.u32 v16, $0x17  }
0xfe: {  	v49 =	vld [tilespmem:s22+$0xFFFFFF90];
	v17 =	vmin.u32 v17, $0x1F;
	v18 =	vmin.u32 v18, $0x17;
	v19 =	vmin.u32 v19, $0x1F  }
0xff: {  	v20 =	vmin.u32 v20, $0x17;
	v21 =	vmin.u32 v21, $0x1F;
	v22 =	vmin.u32 v22, $0x17  }
0x100: {  	vm12 =	vgt.s32 v31, $0x0;
	v23 =	vmin.u32 v23, $0x1F;
	vm13 =	vgt.s32 v32, $0x0  }
0x101: {  	v52 =	vld [tilespmem:s22+$0xFFFFFF20];
	v24 =	vmin.u32 v24, $0x17;
	vm14 =	vgt.s32 v33, $0x0;
	vm4 =	vgt.s32 v35, $0x0  }
0x102: {  	v57 =	vld [tilespmem:s22+$0xFFFFFF40];
	vm6 =	vgt.s32 v36, $0x0;
	vm7 =	vgt.s32 v37, $0x0;
	vm8 =	vgt.f32 v11, $0.0e+00  }
0x103: {  	v59 =	vld [tilespmem:s22+$0xFFFFFF60];
	vm9 =	vgt.f32 v49, $0.0e+00;
	v31 =	vnsel vm12, $0x0, v31;
	v32 =	vnsel vm13, $0x0, v32  }
0x104: {  	v60 =	vld [tilespmem:s22+$0xFFFFFF70];
	v25 =	vmin.u32 v25, $0x1F;
	v33 =	vnsel vm14, $0x0, v33;
	v26 =	vmin.u32 v26, $0x17  }
0x105: {  	v2 =	vld [tilespmem:s22+$0xFFFFFE30];
	v27 =	vmin.u32 v27, $0x1F;
	v35 =	vnsel vm4, $0x0, v35;
	v28 =	vmin.u32 v28, $0x17  }
0x106: {  	v5 =	vld [tilespmem:s22+$0xFFFFFE40];
	v14 =	vshll.u32 v14, $0x5;
	v13 =	vor.u32 v13, v34;
	v51 =	vnsel vm6, $0x0, v36  }
0x107: {  	v9 =	vld [tilespmem:s22+$0xFFFFFEE0];
	v16 =	vshll.u32 v16, $0x5;
	v15 =	vor.u32 v42, v15;
	v18 =	vshll.u32 v18, $0x5  }
0x108: {  	v17 =	vor.u32 v38, v17;
	v20 =	vshll.u32 v20, $0x5;
	v19 =	vor.u32 v39, v19  }
0x109: {  	v22 =	vshll.u32 v22, $0x5;
	v21 =	vor.u32 v40, v21;
	v24 =	vshll.u32 v24, $0x5  }
0x10a: {  	v23 =	vor.u32 v41, v23;
	v36 =	vsub.f32 v52, v56;
	v38 =	vsub.f32 v57, v56  }
0x10b: {  	v34 =	vmul.f32 $5.000000070e-02, v2;
	v41 =	vsub.f32 v60, v56;
	v60 =	vmul.f32 $5.000000070e-02, v5  }
0x10c: {  	v8 =	vld [tilespmem:s22+$0xFFFFFE60];
	v40 =	vsub.f32 v59, v56;
	v42 =	vmul.f32 $5.000000070e-02, v9;
	v29 =	vtrunc.f32 v29  }
0x10d: {  	v30 =	vtrunc.f32 v30;
	v26 =	vshll.u32 v26, $0x5;
	v25 =	vor.u32 v43, v25  }
0x10e: {  	v61 =	vld [tilespmem:s22+$0xFFFFFE80];
	v28 =	vshll.u32 v28, $0x5;
	v27 =	vor.u32 v44, v27;
	v14 =	vadd.s32 v14, v13  }
0x10f: {  	v15 =	vadd.s32 v16, v15;
	v16 =	vnsel vm7, $0x0, v37;
	v17 =	vadd.s32 v18, v17  }
0x110: {  	v6 =	vld [tilespmem:s22+$0xFFFFFED0];
	v19 =	vadd.s32 v20, v19;
	v20 =	vadd.s32 v22, v21;
	v22 =	vadd.s32 v24, v23  }
0x111: {  	v18 =	vmin.u32 v31, $0x4;
	v0 =	vmin.u32 v51, $0x4;
	v44 =	vmul.f32 $5.000000070e-02, v8  }
0x112: {  	v29 =	vcvt.f32.s32 v29;
	v30 =	vcvt.f32.s32 v30;
	v23 =	vadd.s32 v26, v25  }
0x113: {  	v45 =	vld [tilespmem:s22+$0xFFFFFF00];
	v13 =	vadd.s32 v28, v27;
	v25 =	vmin.u32 v32, $0x4;
	v32 =	vmul.f32 $5.000000070e-02, v61  }
0x114: {  	v46 =	vld [tilespmem:s22+$0xFFFFFF10];
	v26 =	vmin.u32 v33, $0x4;
	v36 =	vmul.f32 v36, v54;
	v38 =	vmul.f32 v38, v54  }
0x115: {  	v53 =	vld [tilespmem:s22+$0xFFFFFF30];
	v18 =	vmul.u32 $0x300, v18;
	v33 =	vmul.f32 $5.000000070e-02, v6;
	v34 =	vtrunc.f32 v34  }
0x116: {  	v57 =	vld [tilespmem:s22+$0xFFFFFE70];
	v42 =	vtrunc.f32 v42;
	v25 =	vmul.u32 $0x300, v25;
	v26 =	vmul.u32 $0x300, v26  }
0x117: {  	v59 =	vld [tilespmem:s22+$0xFFFFFFA0];
	v44 =	vtrunc.f32 v44;
	v34 =	vcvt.f32.s32 v34;
	vm15 =	vgt.s32 v29, $0x0  }
0x118: {  	v52 =	vld [tilespmem:s22+$0xFFFFFFE0];
	vm5 =	vgt.s32 v30, $0x0;
	v14 =	vadd.s32 v18, v14;
	v36 =	vtrunc.f32 v36  }
0x119: {  	v21 =	vld [tilespmem:s22+$0xFFFFFE10];
	v18 =	vmin.u32 v16, $0x4;
	v38 =	vtrunc.f32 v38;
	v32 =	vtrunc.f32 v32  }
0x11a: {  	v24 =	vld [tilespmem:s22+$0xFFFFFE90];
	v33 =	vtrunc.f32 v33;
	v29 =	vnsel vm15, $0x0, v29;
	v30 =	vnsel vm5, $0x0, v30  }
0x11b: {  	v31 =	vld [tilespmem:s22+$0xFFFFFEA0];
	v14 =	vadd.s32 v62, v14;
	v15 =	vadd.s32 v25, v15;
	v16 =	vadd.s32 v26, v17  }
0x11c: {  	v3 =	vld [tilespmem:s22+$0xFFFFFEB0];
	v39 =	vmul.f32 $5.000000070e-02, v57;
	vm10 =	vgt.f32 v59, $0.0e+00;
	v36 =	vcvt.f32.s32 v36  }
0x11d: {  	v28 =	vld [tilespmem:s22+$0xFFFFFE20];
	vm14 =	vgt.f32 v52, $0.0e+00;
	v38 =	vcvt.f32.s32 v38;
	v32 =	vcvt.f32.s32 v32  }
0x11e: {  	v61 =	vld [tilespmem:s22+$0xFFFFFFB0];
	v27 =	vmin.u32 v29, $0x4;
	v29 =	vmin.u32 v35, $0x4;
	v30 =	vmin.u32 v30, $0x4  }
0x11f: {  	v15 =	vadd.s32 v63, v15;
	v16 =	vadd.s32 v47, v16;
	v7 =	vmul.f32 $5.000000070e-02, v21  }
0x120: {  	v24 =	vmul.f32 $5.000000070e-02, v24;
	v21 =	vsub.f32 v46, v56;
	v31 =	vmul.f32 $5.000000070e-02, v31  }
0x121: {  	v58 =	vld [tilespmem:s22+$0xFFFFFF50];
	v35 =	vmul.f32 $5.000000070e-02, v3;
	v25 =	vmul.u32 $0x300, v27;
	v26 =	vmul.u32 $0x300, v29  }
0x122: {  	v1 =	vld [tilespmem:s22+$0xFFFFFE00];
	v29 =	vsub.f32 v45, v56;
	v45 =	vmul.f32 $5.000000070e-02, v28;
	v28 =	vsub.f32 v53, v56  }
0x123: {  	v51 =	vld [tilespmem:s22+$0xFFFFFEF0];
	vm11 =	vgt.f32 v61, $0.0e+00;
	v39 =	vtrunc.f32 v39;
	v21 =	vmul.f32 v21, v54  }
0x124: {  	vm6 =	vgt.s32 v36, $0x0;
	v37 =	vtrunc.f32 v7;
	v8 =	vtrunc.f32 v24  }
0x125: {  	v31 =	vtrunc.f32 v31;
	v35 =	vtrunc.f32 v35;
	v36 =	vnsel vm6, $0x0, v36  }
0x126: {  	vm6 =	vgt.s32 v34, $0x0;
	v17 =	vadd.s32 v25, v19;
	v19 =	vmul.u32 $0x300, v30  }
0x127: {  	v27 =	vadd.s32 v26, v20;
	v30 =	vmul.f32 $5.000000070e-02, v1;
	v10 =	vmul.f32 v29, v54  }
0x128: {  	v29 =	vsub.f32 v58, v56;
	v58 =	vmul.f32 v28, v54;
	v1 =	vmul.f32 $5.000000070e-02, v51  }
0x129: {  	v20 =	vmul.u32 $0x300, v0;
	v45 =	vtrunc.f32 v45;
	v37 =	vcvt.f32.s32 v37  }
0x12a: {  	v3 =	vld [tilespmem:s22+$0xFFFFFFD0];
	v31 =	vcvt.f32.s32 v31;
	v51 =	vnsel vm6, $0x0, v34;
	v17 =	vadd.s32 v48, v17  }
0x12b: {  	v2 =	vtrunc.f32 v21;
	v21 =	vsel vm10, $0x0, v55;
	v50 =	vmul.f32 v29, v54  }
0x12c: {  	v28 =	vadd.s32 v19, v22;
	v22 =	vmul.f32 v40, v54;
	v29 =	vadd.s32 v20, v23  }
0x12d: {  	v23 =	vmul.f32 v41, v54;
	v19 =	vsel vm8, $0x0, v55;
	v46 =	vtrunc.f32 v10  }
0x12e: {  	v7 =	vld [tilespmem:s22+$0xFFFFFFF0];
	v20 =	vsel vm9, $0x0, v55;
	v48 =	vtrunc.f32 v58;
	v30 =	vtrunc.f32 v30  }
0x12f: {  	v25 =	vld [tilespmem:s22+$0xFFFFFEC0];
	vm13 =	vgt.f32 v3, $0.0e+00;
	v41 =	vtrunc.f32 v60;
	v40 =	vcvt.f32.s32 v2  }
0x130: {  	v26 =	vld [tilespmem:s22+$0xFFFFFE50];
	v11 =	vtrunc.f32 v1;
	vm8 =	vgt.s32 v38, $0x0;
	v1 =	vcvt.f32.s32 v45  }
0x131: {  	v0 =	vld [tilespmem:s22+$0xFFFFFFC0];
	v24 =	vsel vm13, $0x0, v55;
	v46 =	vcvt.f32.s32 v46;
	v48 =	vcvt.f32.s32 v48  }
0x132: {  	v30 =	vcvt.f32.s32 v30;
	v38 =	vnsel vm8, $0x0, v38;
	v2 =	vcvt.f32.s32 v41  }
0x133: {  	v5 =	vtrunc.f32 v50;
	v6 =	vtrunc.f32 v22;
	v22 =	vsel vm11, $0x0, v55  }
0x134: {  	v53 =	vtrunc.f32 v23;
	vm15 =	vgt.f32 v7, $0.0e+00;
	v7 =	vcvt.f32.s32 v42  }
0x135: {  	vm5 =	vgt.s32 v40, $0x0;
	v25 =	vmul.f32 $5.000000070e-02, v25;
	v26 =	vmul.f32 $5.000000070e-02, v26  }
0x136: {  	vm12 =	vgt.f32 v0, $0.0e+00;
	vm4 =	vgt.s32 v46, $0x0;
	v40 =	vnsel vm5, $0x0, v40  }
0x137: {  	v43 =	vcvt.f32.s32 v5;
	vm7 =	vgt.s32 v48, $0x0;
	v61 =	vcvt.f32.s32 v6  }
0x138: {  	v0 =	vcvt.f32.s32 v53;
	vm11 =	vgt.s32 v30, $0x0;
	vm5 =	vgt.s32 v31, $0x0  }
0x139: {  	vm8 =	vgt.s32 v2, $0x0;
	v6 =	vcvt.f32.s32 v44;
	v23 =	vsel vm12, $0x0, v55  }
0x13a: {  	v46 =	vnsel vm4, $0x0, v46;
	v48 =	vnsel vm7, $0x0, v48;
	v53 =	vnsel vm11, $0x0, v30  }
0x13b: {  	vm12 =	vgt.s32 v32, $0x0;
	v30 =	vcvt.f32.s32 v8;
	vm4 =	vgt.s32 v1, $0x0  }
0x13c: {  	v57 =	vnsel vm5, $0x0, v31;
	v58 =	vnsel vm8, $0x0, v2;
	v8 =	vcvt.f32.s32 v39  }
0x13d: {  	v9 =	vtrunc.f32 v25;
	v10 =	vtrunc.f32 v26;
	v25 =	vsel vm14, $0x0, v55  }
0x13e: {  	v26 =	vsel vm15, $0x0, v55;
	vm9 =	vgt.s32 v43, $0x0;
	vm10 =	vgt.s32 v61, $0x0  }
0x13f: {  	v54 =	vnsel vm12, $0x0, v32;
	vm13 =	vgt.s32 v0, $0x0;
	vm14 =	vgt.s32 v37, $0x0  }
0x140: {  	v56 =	vnsel vm4, $0x0, v1;
	vm12 =	vgt.s32 v6, $0x0;
	v39 =	vmin.u32 v46, $0x4  }
0x141: {  	v34 =	vmin.u32 v48, $0x4;
	v43 =	vnsel vm9, $0x0, v43;
	v49 =	vnsel vm10, $0x0, v61  }
0x142: {  	v45 =	vnsel vm13, $0x0, v0;
	v50 =	vnsel vm14, $0x0, v37;
	v31 =	vcvt.f32.s32 v9;
	v0 =	vld [tilespmem:$0x1FFC0]  }
0x143: {  	vm15 =	vgt.s32 v30, $0x0;
	v3 =	vcvt.f32.s32 v10;
	v9 =	vcvt.f32.s32 v11;
	[tilespmem:v14+s4+$0x0] =	vst.idx.add.f32.msk $0xffff, v4  }
0x144: {  	vm13 =	vgt.s32 v7, $0x0;
	v10 =	vmul.u32 $0x300, v18;
	vm14 =	vgt.s32 v8, $0x0;
	v42 =	vld [tilespmem:$0x1FFD0]  }
0x145: {  	v55 =	vnsel vm15, $0x0, v30;
	v30 =	vcvt.f32.s32 v35;
	v18 =	vnsel vm13, $0x0, v7;
	[tilespmem:v15+s4+$0x0] =	vst.idx.add.f32.msk $0xffff, v4  }
0x146: {  	v35 =	vmin.u32 v38, $0x4;
	v37 =	vmin.u32 v49, $0x4;
	v15 =	vmin.u32 v53, $0x1F;
	v44 =	vld [tilespmem:$0x1FFE0]  }
0x147: {  	v38 =	vmin.u32 v45, $0x4;
	vm9 =	vgt.s32 v31, $0x0;
	v47 =	vld [tilespmem:$0x1FFF0];
	v11 =	vadd.s32 v0, v27  }
0x148: {  	vm10 =	vgt.s32 v3, $0x0;
	vm15 =	vgt.s32 v9, $0x0;
	v13 =	vadd.s32 v10, v13  }
0x149: {  	[tilespmem:v16+s4+$0x0] =	vst.idx.add.f32.msk $0xffff, v4;
	v16 =	vmin.u32 v50, $0x1F;
	v41 =	vmin.u32 v55, $0x17;
	v14 =	vadd.s32 v42, v28  }
0x14a: {  	v55 =	vimm.s32 $0xF00;
	vm7 =	vgt.s32 v30, $0x0;
	v59 =	vnsel vm9, $0x0, v31  }
0x14b: {  	v60 =	vnsel vm10, $0x0, v3;
	v31 =	vnsel vm12, $0x0, v6;
	[tilespmem:v17+s4+$0x0] =	vst.idx.add.f32.msk $0xffff, v4;
	v28 =	vadd.s32 v44, v29  }
0x14c: {  	v32 =	vnsel vm15, $0x0, v9;
	v5 =	vnsel vm7, $0x0, v30;
	v61 =	vadd.s32 v47, v13;
	[tilespmem:v11+s4+$0x0] =	vst.idx.add.f32.msk $0xffff, v4  }
0x14d: {  	v30 =	vcvt.f32.s32 v33;
	v29 =	vmin.u32 v40, $0x4;
	v40 =	vmin.u32 v54, $0x17;
	v54 =	vld [tilespmem:$0x1FF20]  }
0x14e: {  	v17 =	vmin.u32 v51, $0x1F;
	v33 =	vmin.u32 v36, $0x4;
	v36 =	vmin.u32 v43, $0x4;
	[tilespmem:v14+s4+$0x0] =	vst.idx.add.f32.msk $0xffff, v4  }
0x14f: {  	v43 =	vmin.u32 v59, $0x17;
	vm11 =	vgt.s32 v30, $0x0;
	v13 =	vmin.u32 v56, $0x1F;
	v56 =	vld [tilespmem:$0x1FF30]  }
0x150: {  	v27 =	vnsel vm14, $0x0, v8;
	v42 =	vmin.u32 v5, $0x17;
	v30 =	vnsel vm11, $0x0, v30;
	[tilespmem:v28+s4+$0x0] =	vst.idx.add.f32.msk $0xffff, v4  }
0x151: {  	s23 =	simm.s32 $0xF608;
	s22 =	simm.s32 $0x0;
	v44 =	vmin.u32 v57, $0x17;
	v14 =	vmin.u32 v60, $0x1F;
	v28 =	vmin.u32 v58, $0x1F;
	[tilespmem:v61+s4+$0x0] =	vst.idx.add.f32.msk $0xffff, v4  }
.LBB2_5:
0x152: {  	v45 =	vld [tilespmem:s23+$0x0]  }
0x153: {  	v30 =	vmin.u32 v30, $0x17;
	v31 =	vmin.u32 v31, $0x1F;
	v18 =	vmin.u32 v18, $0x17;
	v46 =	vld [tilespmem:s23+$0x80]  }
0x154: {  	v39 =	vmul.u32 $0x300, v39;
	v27 =	vmin.u32 v27, $0x1F;
	v32 =	vmin.u32 v32, $0x17;
	v47 =	vld [tilespmem:s23+$0x10]  }
0x155: {  	v29 =	vmul.u32 $0x300, v29;
	v33 =	vmul.u32 $0x300, v33;
	v34 =	vmul.u32 $0x300, v34;
	v48 =	vld [tilespmem:s23+$0x90]  }
0x156: {  	v35 =	vmul.u32 $0x300, v35;
	v36 =	vmul.u32 $0x300, v36;
	v37 =	vmul.u32 $0x300, v37;
	v49 =	vld [tilespmem:s23+$0x20]  }
0x157: {  	v40 =	vshll.u32 v40, $0x5;
	v15 =	vor.u32 v19, v15;
	v19 =	vmul.u32 $0x300, v38;
	v7 =	vld [tilespmem:s23+$0xA0]  }
0x158: {  	v41 =	vshll.u32 v41, $0x5;
	v16 =	vor.u32 v20, v16;
	v20 =	vshll.u32 v44, $0x5;
	v8 =	vld [tilespmem:s23+$0x30]  }
0x159: {  	v13 =	vor.u32 v21, v13;
	v21 =	vshll.u32 v42, $0x5;
	v17 =	vor.u32 v22, v17;
	v22 =	vld [tilespmem:s23+$0xB0]  }
0x15a: {  	v9 =	vshll.u32 v43, $0x5;
	v23 =	vor.u32 v23, v28;
	v14 =	vor.u32 v24, v14;
	v51 =	vld [tilespmem:s23+$0xF0]  }
0x15b: {  	v28 =	vshll.u32 v30, $0x5;
	v30 =	vld [tilespmem:s23+$0x40];
	v18 =	vshll.u32 v18, $0x5;
	v24 =	vor.u32 v25, v31  }
0x15c: {  	v25 =	vld [tilespmem:s23+$0xC0];
	v15 =	vadd.s32 v40, v15;
	v31 =	vshll.u32 v32, $0x5;
	v26 =	vor.u32 v26, v27  }
0x15d: {  	v27 =	vld [tilespmem:s23+$0x50];
	v16 =	vadd.s32 v41, v16;
	v13 =	vadd.s32 v20, v13;
	v17 =	vadd.s32 v21, v17  }
0x15e: {  	v20 =	vld [tilespmem:s23+$0xD0];
	v26 =	vadd.s32 v31, v26;
	v31 =	vmul.f32 $5.000000070e-02, v45;
	v11 =	vmul.f32 $5.000000070e-02, v46  }
0x15f: {  	v18 =	vadd.s32 v18, v24;
	v24 =	vld [tilespmem:s23+$0x60];
	v45 =	vmul.f32 $5.000000070e-02, v47;
	v46 =	vmul.f32 $5.000000070e-02, v48  }
0x160: {  	v10 =	vadd.s32 v29, v16;
	v29 =	vld [tilespmem:s23+$0xE0];
	v50 =	vmul.f32 $5.000000070e-02, v49;
	v38 =	vmul.f32 $5.000000070e-02, v7  }
0x161: {  	v21 =	vadd.s32 v9, v23;
	v53 =	vmul.f32 $5.000000070e-02, v8;
	v22 =	vmul.f32 $5.000000070e-02, v22  }
0x162: {  	v60 =	vld [tilespmem:s23+$0x100];
	v23 =	vadd.s32 v28, v14;
	v42 =	vmul.f32 $5.000000070e-02, v51;
	v58 =	vmul.f32 $5.000000070e-02, v30  }
0x163: {  	v0 =	vadd.s32 v33, v13;
	v25 =	vmul.f32 $5.000000070e-02, v25;
	v27 =	vmul.f32 $5.000000070e-02, v27  }
0x164: {  	v59 =	vadd.s32 v37, v18;
	v20 =	vmul.f32 $5.000000070e-02, v20;
	v24 =	vmul.f32 $5.000000070e-02, v24  }
0x165: {  	v61 =	vadd.s32 v19, v26;
	v26 =	vmul.f32 $5.000000070e-02, v29;
	v31 =	vtrunc.f32 v31  }
0x166: {  	v48 =	vadd.s32 v34, v17;
	v4 =	vtrunc.f32 v11;
	v33 =	vtrunc.f32 v45  }
0x167: {  	v37 =	vsub.f32 v60, v56;
	v5 =	vtrunc.f32 v46;
	v34 =	vtrunc.f32 v50  }
0x168: {  	v9 =	vld [tilespmem:s23+$0x1A0];
	v52 =	vadd.s32 v35, v21;
	v38 =	vtrunc.f32 v38;
	v35 =	vtrunc.f32 v53  }
0x169: {  	v28 =	vadd.s32 v39, v15;
	v21 =	vld [tilespmem:s23+$0x180];
	v7 =	vtrunc.f32 v22;
	v37 =	vmul.f32 v37, v54  }
0x16a: {  	v57 =	vadd.s32 v36, v23;
	v23 =	vld [tilespmem:s23+$0x190];
	v36 =	vtrunc.f32 v58;
	v25 =	vtrunc.f32 v25  }
0x16b: {  	v19 =	vld [tilespmem:s23+$0x110];
	v30 =	vadd.s32 v63, v10;
	v27 =	vtrunc.f32 v27;
	v46 =	vtrunc.f32 v20  }
0x16c: {  	v6 =	vld [tilespmem:s23+$0x150];
	[tilespmem:$0x1FE90] =	vst v61;
	v29 =	vadd.s32 v62, v28;
	v61 =	vcvt.f32.s32 v31;
	v62 =	vcvt.f32.s32 v4  }
0x16d: {  	v47 =	vld [tilespmem:s23+$0x70];
	vm3 =	vgt.f32 v9, $0.0e+00;
	v63 =	vcvt.f32.s32 v33;
	v3 =	vcvt.f32.s32 v5  }
0x16e: {  	v51 =	vld [tilespmem:s23+$0x1E0];
	vm1 =	vgt.f32 v21, $0.0e+00;
	v2 =	vcvt.f32.s32 v34;
	v1 =	vcvt.f32.s32 v38  }
0x16f: {  	[tilespmem:$0x1FE50] =	vst v48;
	vm2 =	vgt.f32 v23, $0.0e+00;
	v4 =	vcvt.f32.s32 v7;
	v48 =	vtrunc.f32 v24  }
0x170: {  	v19 =	vsub.f32 v19, v56;
	v11 =	vtrunc.f32 v26;
	v5 =	vcvt.f32.s32 v36  }
0x171: {  	v10 =	vld [tilespmem:s23+$0x1B0];
	v24 =	vsub.f32 v6, v56;
	v6 =	vcvt.f32.s32 v25;
	v7 =	vcvt.f32.s32 v27  }
0x172: {  	v32 =	vld [tilespmem:s23+$0xFFFFFE50];
	[tilespmem:$0x1FE60] =	vst v52;
	v52 =	vsel vm1, $0x0, v55;
	v46 =	vcvt.f32.s32 v46;
	v41 =	vmul.f32 $5.000000070e-02, v47  }
0x173: {  	v28 =	vld [tilespmem:s23+$0x120];
	vm7 =	vgt.f32 v51, $0.0e+00;
	v51 =	vcvt.f32.s32 v35;
	v48 =	vcvt.f32.s32 v48  }
0x174: {  	v21 =	vld [tilespmem:s23+$0x130];
	v53 =	vsel vm2, $0x0, v55;
	v49 =	vcvt.f32.s32 v11;
	v11 =	vtrunc.f32 v37  }
0x175: {  	v22 =	vld [tilespmem:s23+$0x160];
	vm1 =	vgt.s32 v61, $0x0;
	vm2 =	vgt.s32 v62, $0x0;
	v45 =	vmul.f32 v24, v54  }
0x176: {  	v23 =	vld [tilespmem:s23+$0x140];
	vm4 =	vgt.f32 v10, $0.0e+00;
	vm9 =	vgt.s32 v5, $0x0;
	vm10 =	vgt.s32 v6, $0x0  }
0x177: {  	v39 =	vld [tilespmem:s23+$0xFFFFFEA0];
	vm11 =	vgt.s32 v7, $0x0;
	vm12 =	vgt.s32 v46, $0x0;
	v11 =	vcvt.f32.s32 v11  }
0x178: {  	v8 =	vld [tilespmem:s23+$0x170];
	v62 =	vnsel vm2, $0x0, v62;
	v28 =	vsub.f32 v28, v56;
	v40 =	vtrunc.f32 v41  }
0x179: {  	v26 =	vld [tilespmem:s23+$0x1D0];
	v21 =	vsub.f32 v21, v56;
	v41 =	vtrunc.f32 v42;
	v42 =	vmul.f32 v19, v54  }
0x17a: {  	v16 =	vld [tilespmem:s23+$0xFFFFFFD0];
	v19 =	vsub.f32 v22, v56;
	vm13 =	vgt.s32 v48, $0x0;
	vm14 =	vgt.s32 v49, $0x0  }
0x17b: {  	[tilespmem:$0x1FE40] =	vst v0;
	v18 =	vld [tilespmem:s23+$0xFFFFFFB0];
	v62 =	vmin.u32 v62, $0x17;
	v20 =	vsub.f32 v23, v56;
	v0 =	vcvt.f32.s32 v40  }
0x17c: {  	v24 =	vld [tilespmem:s23+$0x1F0];
	v14 =	vcvt.f32.s32 v41;
	v48 =	vnsel vm13, $0x0, v48;
	v49 =	vnsel vm14, $0x0, v49  }
0x17d: {  	v9 =	vld [tilespmem:s23+$0xFFFFFF10];
	v28 =	vmul.f32 v28, v54;
	v50 =	vmul.f32 v21, v54;
	v21 =	vsub.f32 v8, v56  }
0x17e: {  	v17 =	vld [tilespmem:s23+$0xFFFFFFC0];
	v47 =	vmul.f32 v19, v54;
	vm6 =	vgt.f32 v26, $0.0e+00;
	v40 =	vtrunc.f32 v42  }
0x17f: {  	v34 =	vld [tilespmem:s23+$0xFFFFFE10];
	v48 =	vmin.u32 v48, $0x1F;
	v44 =	vmul.f32 v20, v54;
	v15 =	vcvt.f32.s32 v40  }
0x180: {  	v38 =	vld [tilespmem:s23+$0xFFFFFE20];
	vm15 =	vgt.s32 v0, $0x0;
	vm0 =	vgt.s32 v14, $0x0;
	v56 =	vmul.f32 v21, v54  }
0x181: {  	v31 =	vld [tilespmem:s23+$0xFFFFFEC0];
	vm8 =	vgt.f32 v24, $0.0e+00;
	v54 =	vsel vm3, $0x0, v55;
	v41 =	vtrunc.f32 v28  }
0x182: {  	[tilespmem:$0x1FE20] =	vst v9;
	v23 =	vld [tilespmem:s23+$0x1C0];
	v42 =	vtrunc.f32 v50;
	vm3 =	vgt.s32 v63, $0x0;
	v9 =	vnsel vm15, $0x0, v0  }
0x183: {  	v8 =	vld [tilespmem:s23+$0xFFFFFF00];
	v0 =	vnsel vm0, $0x0, v14;
	v43 =	vtrunc.f32 v44;
	v44 =	vtrunc.f32 v45  }
0x184: {  	v33 =	vld [tilespmem:s23+$0xFFFFFED0];
	v14 =	vimm.f32 $1.000000000e+00;
	v45 =	vtrunc.f32 v47;
	v13 =	vcvt.f32.s32 v41  }
0x185: {  	v25 =	vld [tilespmem:s23+$0xFFFFFF60];
	v12 =	vcvt.f32.s32 v42;
	v63 =	vnsel vm3, $0x0, v63;
	v9 =	vmin.u32 v9, $0x1F  }
0x186: {  	v36 =	vld [tilespmem:s23+$0xFFFFFE80];
	v0 =	vmin.u32 v0, $0x17;
	v50 =	vtrunc.f32 v56;
	v43 =	vcvt.f32.s32 v43  }
0x187: {  	v27 =	vld [tilespmem:s23+$0xFFFFFEB0];
	vm5 =	vgt.f32 v23, $0.0e+00;
	v44 =	vcvt.f32.s32 v44;
	v45 =	vcvt.f32.s32 v45  }
0x188: {  	v37 =	vld [tilespmem:s23+$0xFFFFFE90];
	v63 =	vmin.u32 v63, $0x1F;
	v0 =	vshll.u32 v0, $0x5;
	[tilespmem:$0x1FE10] =	vst v8;
	v8 =	vimm.s32 $0xF00  }
0x189: {  	v35 =	vld [tilespmem:s23+$0xFFFFFE30];
	v47 =	vcvt.f32.s32 v50;
	v50 =	vnsel vm1, $0x0, v61;
	vm1 =	vgt.s32 v15, $0x0  }
0x18a: {  	[tilespmem:$0x1FE70] =	vst v57;
	v20 =	vld [tilespmem:s23+$0xFFFFFF80];
	vm2 =	vgt.s32 v13, $0x0;
	v55 =	vsel vm4, $0x0, v8;
	v57 =	vsel vm5, $0x0, v8  }
0x18b: {  	[tilespmem:$0x1FE80] =	vst v59;
	v10 =	vld [tilespmem:s23+$0xFFFFFF20];
	v58 =	vsel vm6, $0x0, v8;
	v59 =	vsel vm7, $0x0, v8;
	v60 =	vsel vm8, $0x0, v8  }
0x18c: {  	v22 =	vld [tilespmem:s23+$0xFFFFFF30];
	vm4 =	vgt.s32 v3, $0x0;
	vm5 =	vgt.s32 v2, $0x0;
	vm6 =	vgt.s32 v1, $0x0  }
0x18d: {  	v26 =	vld [tilespmem:s23+$0xFFFFFF70];
	vm7 =	vgt.s32 v51, $0x0;
	vm8 =	vgt.s32 v4, $0x0;
	v50 =	vmin.u32 v50, $0x1F  }
0x18e: {  	v19 =	vld [tilespmem:s23+$0xFFFFFFE0];
	vm13 =	vgt.s32 v43, $0x0;
	vm14 =	vgt.s32 v44, $0x0;
	vm15 =	vgt.s32 v45, $0x0  }
0x18f: {  	v40 =	vld [tilespmem:s23+$0xFFFFFE60];
	v15 =	vnsel vm1, $0x0, v15;
	v13 =	vnsel vm2, $0x0, v13;
	vm1 =	vgt.f32 v20, $0.0e+00  }
0x190: {  	v21 =	vld [tilespmem:s23+$0xFFFFFF40];
	v3 =	vnsel vm4, $0x0, v3;
	v2 =	vnsel vm5, $0x0, v2;
	v8 =	vnsel vm6, $0x0, v1  }
0x191: {  	v24 =	vld [tilespmem:s23+$0xFFFFFF50];
	v51 =	vnsel vm7, $0x0, v51;
	v1 =	vnsel vm8, $0x0, v4;
	v4 =	vnsel vm9, $0x0, v5  }
0x192: {  	v28 =	vld [tilespmem:s23+$0xFFFFFE40];
	v5 =	vnsel vm10, $0x0, v6;
	v6 =	vnsel vm11, $0x0, v7;
	v7 =	vnsel vm12, $0x0, v46  }
0x193: {  	v41 =	vld [tilespmem:s23+$0xFFFFFEE0];
	vm4 =	vgt.s32 v11, $0x0;
	vm12 =	vgt.s32 v12, $0x0;
	vm0 =	vgt.s32 v47, $0x0  }
0x194: {  	v42 =	vld [tilespmem:s23+$0xFFFFFE70];
	v48 =	vor.u32 v59, v48;
	v9 =	vor.u32 v60, v9;
	v43 =	vnsel vm13, $0x0, v43  }
0x195: {  	v56 =	vld [tilespmem:s23+$0xFFFFFE00];
	v44 =	vnsel vm14, $0x0, v44;
	v45 =	vnsel vm15, $0x0, v45;
	vm11 =	vgt.f32 v18, $0.0e+00  }
0x196: {  	v23 =	vld [tilespmem:s23+$0xFFFFFF90];
	vm13 =	vgt.f32 v16, $0.0e+00;
	v16 =	vmul.f32 $5.000000070e-02, v40;
	vm14 =	vgt.f32 v19, $0.0e+00  }
0x197: {  	[tilespmem:$0x1FE30] =	vst v10;
	v61 =	vld [tilespmem:s23+$0xFFFFFEF0];
	v3 =	vmin.u32 v3, $0x17;
	v10 =	vmin.u32 v2, $0x1F;
	v8 =	vmin.u32 v8, $0x17  }
0x198: {  	v46 =	vld [tilespmem:s23+$0xFFFFFFA0];
	v51 =	vmin.u32 v51, $0x1F;
	v2 =	vmin.u32 v1, $0x17;
	v4 =	vmin.u32 v4, $0x1F  }
0x199: {  	v5 =	vmin.u32 v5, $0x17;
	v6 =	vmin.u32 v6, $0x1F;
	v1 =	vmin.u32 v49, $0x17;
	v49 =	vld [tilespmem:s23+$0xFFFFFFF0]  }
0x19a: {  	v7 =	vmin.u32 v7, $0x17;
	[tilespmem:v29+s4+$0x0] =	vst.idx.add.f32.msk $0xffff, v14;
	v29 =	vshll.u32 v62, $0x5;
	v11 =	vnsel vm4, $0x0, v11  }
0x19b: {  	v12 =	vnsel vm12, $0x0, v12;
	v0 =	vadd.s32 v0, v9;
	v59 =	vmin.u32 v43, $0x4  }
0x19c: {  	vm12 =	vgt.f32 v17, $0.0e+00;
	v17 =	vmul.f32 $5.000000070e-02, v32;
	[tilespmem:v30+s4+$0x0] =	vst.idx.add.f32.msk $0xffff, v14;
	v30 =	vor.u32 v52, v50  }
0x19d: {  	v3 =	vshll.u32 v3, $0x5;
	v50 =	vor.u32 v53, v63;
	v8 =	vshll.u32 v8, $0x5  }
0x19e: {  	v10 =	vor.u32 v54, v10;
	v2 =	vshll.u32 v2, $0x5;
	v51 =	vor.u32 v55, v51  }
0x19f: {  	v55 =	vimm.s32 $0xF00;
	v5 =	vshll.u32 v5, $0x5;
	v4 =	vor.u32 v57, v4  }
0x1a0: {  	v7 =	vshll.u32 v7, $0x5;
	v6 =	vor.u32 v58, v6;
	v1 =	vshll.u32 v1, $0x5  }
0x1a1: {  	v52 =	vmin.u32 v11, $0x4;
	v53 =	vmin.u32 v15, $0x4;
	v57 =	vmin.u32 v13, $0x4  }
0x1a2: {  	v58 =	vmin.u32 v12, $0x4;
	v12 =	vmin.u32 v44, $0x4;
	v13 =	vmin.u32 v45, $0x4  }
0x1a3: {  	v43 =	vmul.u32 $0x300, v59;
	vm9 =	vgt.f32 v23, $0.0e+00;
	v16 =	vtrunc.f32 v16  }
0x1a4: {  	v29 =	vadd.s32 v29, v30;
	v3 =	vadd.s32 v3, v50;
	v30 =	vnsel vm0, $0x0, v47  }
0x1a5: {  	v8 =	vadd.s32 v8, v10;
	v2 =	vadd.s32 v2, v51;
	v4 =	vadd.s32 v5, v4  }
0x1a6: {  	v62 =	vld [tilespmem:$0x1FF80];
	v5 =	vadd.s32 v7, v6;
	v1 =	vadd.s32 v1, v48;
	v6 =	vmul.u32 $0x300, v52  }
0x1a7: {  	v63 =	vld [tilespmem:$0x1FF90];
	v7 =	vmul.u32 $0x300, v53;
	v9 =	vmul.u32 $0x300, v57;
	v60 =	vmul.u32 $0x300, v58  }
0x1a8: {  	v44 =	vld [tilespmem:$0x1FFD0];
	v52 =	vmul.u32 $0x300, v12;
	v53 =	vmul.u32 $0x300, v13;
	v10 =	vmul.f32 $5.000000070e-02, v56  }
0x1a9: {  	v45 =	vld [tilespmem:$0x1FE10];
	v57 =	vmul.f32 $5.000000070e-02, v35;
	v19 =	vsel vm1, $0x0, v55;
	v20 =	vsel vm9, $0x0, v55  }
0x1aa: {  	v47 =	vld [tilespmem:$0x1FFA0];
	v23 =	vsel vm12, $0x0, v55;
	v17 =	vtrunc.f32 v17;
	v6 =	vadd.s32 v6, v29  }
0x1ab: {  	v48 =	vld [tilespmem:$0x1FFB0];
	v16 =	vcvt.f32.s32 v16;
	v15 =	vmin.u32 v30, $0x4;
	v6 =	vadd.s32 v62, v6  }
0x1ac: {  	v56 =	vld [tilespmem:$0x1FF30];
	v4 =	vadd.s32 v43, v4;
	v30 =	vmul.f32 $5.000000070e-02, v41;
	v17 =	vcvt.f32.s32 v17  }
0x1ad: {  	v50 =	vld [tilespmem:$0x1FE20];
	v3 =	vadd.s32 v7, v3;
	v8 =	vadd.s32 v9, v8;
	v2 =	vadd.s32 v60, v2  }
0x1ae: {  	v51 =	vld [tilespmem:$0x1FE30];
	v5 =	vadd.s32 v52, v5;
	v60 =	vmul.u32 $0x300, v15;
	v7 =	vmul.f32 $5.000000070e-02, v34  }
0x1af: {  	v43 =	vld [tilespmem:$0x1FFC0];
	v1 =	vadd.s32 v53, v1;
	v52 =	vmul.f32 $5.000000070e-02, v38;
	v53 =	vmul.f32 $5.000000070e-02, v39  }
0x1b0: {  	v29 =	vmul.f32 $5.000000070e-02, v33;
	v38 =	vmul.f32 $5.000000070e-02, v42;
	v3 =	vadd.s32 v63, v3;
	[tilespmem:v6+s4+$0x0] =	vst.idx.add.f32.msk $0xffff, v14  }
0x1b1: {  	vm10 =	vgt.f32 v46, $0.0e+00;
	v10 =	vtrunc.f32 v10;
	v6 =	vmul.f32 $5.000000070e-02, v36;
	v36 =	vld [tilespmem:$0x1FFE0]  }
0x1b2: {  	v40 =	vld [tilespmem:$0x1FE50];
	vm5 =	vgt.s32 v16, $0x0;
	vm15 =	vgt.f32 v49, $0.0e+00;
	v8 =	vadd.s32 v47, v8  }
0x1b3: {  	v54 =	vld [tilespmem:$0x1FF20];
	v30 =	vtrunc.f32 v30;
	v10 =	vcvt.f32.s32 v10;
	v2 =	vadd.s32 v48, v2  }
0x1b4: {  	v39 =	vld [tilespmem:$0x1FE40];
	v49 =	vimm.s32 $0x0;
	v5 =	vadd.s32 v44, v5;
	v4 =	vadd.s32 v43, v4  }
0x1b5: {  	vm3 =	vgt.s32 v17, $0x0;
	v0 =	vadd.s32 v60, v0;
	v9 =	vsub.f32 v50, v56;
	[tilespmem:v3+s4+$0x0] =	vst.idx.add.f32.msk $0xffff, v14  }
0x1b6: {  	v11 =	vsub.f32 v51, v56;
	v3 =	vsub.f32 v45, v56;
	v45 =	vld [tilespmem:$0x1FFF0];
	v1 =	vadd.s32 v36, v1  }
0x1b7: {  	v7 =	vtrunc.f32 v7;
	v12 =	vsub.f32 v22, v56;
	v13 =	vsub.f32 v21, v56;
	[tilespmem:v8+s4+$0x0] =	vst.idx.add.f32.msk $0xffff, v14  }
0x1b8: {  	v29 =	vtrunc.f32 v29;
	v15 =	vsub.f32 v24, v56;
	v21 =	vsub.f32 v25, v56;
	[tilespmem:v2+s4+$0x0] =	vst.idx.add.f32.msk $0xffff, v14  }
0x1b9: {  	v42 =	vtrunc.f32 v38;
	v22 =	vsub.f32 v26, v56;
	v58 =	vmul.f32 v9, v54;
	[tilespmem:v4+s4+$0x0] =	vst.idx.add.f32.msk $0xffff, v14  }
0x1ba: {  	v24 =	vsel vm13, $0x0, v55;
	v25 =	vsel vm14, $0x0, v55;
	v32 =	vadd.s32 v47, v39;
	[tilespmem:v5+s4+$0x0] =	vst.idx.add.f32.msk $0xffff, v14  }
0x1bb: {  	v26 =	vsel vm15, $0x0, v55;
	v33 =	vadd.s32 v48, v40;
	[tilespmem:v1+s4+$0x0] =	vst.idx.add.f32.msk $0xffff, v14;
	v1 =	vtrunc.f32 v58  }
0x1bc: {  	v48 =	vimm.s32 $0x0;
	v7 =	vcvt.f32.s32 v7;
	v1 =	vcvt.f32.s32 v1  }
0x1bd: {  	v41 =	vld [tilespmem:$0x1FE60];
	v50 =	vimm.s32 $0x0;
	v29 =	vcvt.f32.s32 v29;
	v59 =	vmul.f32 v11, v54  }
0x1be: {  	v60 =	vmul.f32 v12, v54;
	v12 =	vmul.f32 v15, v54;
	vm8 =	vgt.s32 v1, $0x0  }
0x1bf: {  	v9 =	vtrunc.f32 v59;
	[tilespmem:v32+s4+$0x0] =	vst.idx.add.f32.msk $0xffff, v14;
	v0 =	vadd.s32 v45, v0;
	v32 =	vsel vm8, $0xFFFFFFFF, v48  }
0x1c0: {  	v51 =	vimm.s32 $0x0;
	v15 =	vmul.f32 $5.000000070e-02, v27;
	v9 =	vcvt.f32.s32 v9;
	[tilespmem:$0x1FEA0] =	vst v32  }
0x1c1: {  	vm15 =	vgt.s32 v10, $0x0;
	v2 =	vtrunc.f32 v52;
	v52 =	vcvt.f32.s32 v30;
	v30 =	vld [tilespmem:$0x1FEA0]  }
0x1c2: {  	v34 =	vadd.s32 v43, v41;
	v18 =	vmul.f32 v22, v54;
	v27 =	vmul.f32 $5.000000070e-02, v28  }
0x1c3: {  	v43 =	vld [tilespmem:$0x1FE70];
	v28 =	vmul.f32 $5.000000070e-02, v31;
	v31 =	vmul.f32 $5.000000070e-02, v61;
	vm9 =	vgt.s32 v9, $0x0  }
0x1c4: {  	v12 =	vtrunc.f32 v12;
	v18 =	vtrunc.f32 v18;
	[tilespmem:v0+s4+$0x0] =	vst.idx.add.f32.msk $0xffff, v14;
	v32 =	vsel vm9, $0xFFFFFFFF, v49  }
0x1c5: {  	v22 =	vsel vm11, $0x0, v55;
	v15 =	vtrunc.f32 v15;
	v0 =	vtrunc.f32 v60;
	[tilespmem:$0x1FEB0] =	vst v32  }
0x1c6: {  	v27 =	vtrunc.f32 v27;
	v0 =	vcvt.f32.s32 v0;
	vm9 =	vnez.u8 v30;
	v30 =	vld [tilespmem:$0x1FEB0]  }
0x1c7: {  	v46 =	vld [tilespmem:$0x1FE80];
	vm0 =	vgt.s32 v7, $0x0;
	v8 =	vmul.f32 $5.000000070e-02, v37;
	v37 =	vmul.f32 v13, v54  }
0x1c8: {  	v47 =	vld [tilespmem:$0x1FE90];
	v13 =	vmul.f32 v21, v54;
	v21 =	vsel vm10, $0x0, v55;
	vm10 =	vgt.s32 v0, $0x0  }
0x1c9: {  	v28 =	vtrunc.f32 v28;
	v35 =	vadd.s32 v44, v43;
	v32 =	vsel vm10, $0xFFFFFFFF, v50  }
0x1ca: {  	vm4 =	vgt.s32 v29, $0x0;
	v31 =	vtrunc.f32 v31;
	v11 =	vtrunc.f32 v37;
	[tilespmem:$0x1FEC0] =	vst v32  }
0x1cb: {  	v11 =	vcvt.f32.s32 v11;
	v1 =	vnsel vm9, $0x0, v1;
	vm9 =	vnez.u8 v30;
	v30 =	vld [tilespmem:$0x1FEC0]  }
0x1cc: {  	v6 =	vtrunc.f32 v6;
	v12 =	vcvt.f32.s32 v12;
	v36 =	vadd.s32 v36, v46;
	[tilespmem:v33+s4+$0x0] =	vst.idx.add.f32.msk $0xffff, v14  }
0x1cd: {  	v18 =	vcvt.f32.s32 v18;
	v37 =	vadd.s32 v45, v47;
	[tilespmem:v34+s4+$0x0] =	vst.idx.add.f32.msk $0xffff, v14;
	vm11 =	vgt.s32 v11, $0x0  }
0x1ce: {  	v15 =	vcvt.f32.s32 v15;
	v27 =	vcvt.f32.s32 v27;
	[tilespmem:v35+s4+$0x0] =	vst.idx.add.f32.msk $0xffff, v14;
	v32 =	vsel vm11, $0xFFFFFFFF, v51  }
0x1cf: {  	v61 =	vnsel vm3, $0x0, v17;
	v28 =	vcvt.f32.s32 v28;
	v3 =	vmul.f32 v3, v54;
	[tilespmem:$0x1FED0] =	vst v32  }
0x1d0: {  	v6 =	vcvt.f32.s32 v6;
	v9 =	vnsel vm9, $0x0, v9;
	vm9 =	vnez.u8 v30;
	v30 =	vld [tilespmem:$0x1FED0]  }
0x1d1: {  	v7 =	vnsel vm0, $0x0, v7;
	v13 =	vtrunc.f32 v13;
	v8 =	vtrunc.f32 v8;
	[tilespmem:v36+s4+$0x0] =	vst.idx.add.f32.msk $0xffff, v14  }
0x1d2: {  	v4 =	vtrunc.f32 v53;
	vm12 =	vgt.s32 v12, $0x0;
	[tilespmem:v37+s4+$0x0] =	vst.idx.add.f32.msk $0xffff, v14;
	v14 =	vimm.s32 $0x0  }
0x1d3: {  	v2 =	vcvt.f32.s32 v2;
	vm14 =	vgt.s32 v18, $0x0;
	v14 =	vsel vm12, $0xFFFFFFFF, v14  }
0x1d4: {  	v53 =	vcvt.f32.s32 v31;
	vm1 =	vgt.s32 v27, $0x0;
	vm2 =	vgt.s32 v28, $0x0;
	[tilespmem:$0x1FEE0] =	vst v14  }
0x1d5: {  	v13 =	vcvt.f32.s32 v13;
	v0 =	vnsel vm9, $0x0, v0;
	vm9 =	vnez.u8 v30;
	v30 =	vld [tilespmem:$0x1FEE0]  }
0x1d6: {  	v31 =	vnsel vm5, $0x0, v16;
	v16 =	vmin.u32 v7, $0x1F;
	v3 =	vtrunc.f32 v3  }
0x1d7: {  	v3 =	vcvt.f32.s32 v3;
	vm13 =	vgt.s32 v13, $0x0;
	v14 =	vimm.s32 $0x0  }
0x1d8: {  	v5 =	vtrunc.f32 v57;
	v8 =	vcvt.f32.s32 v8;
	v14 =	vsel vm13, $0xFFFFFFFF, v14  }
0x1d9: {  	v4 =	vcvt.f32.s32 v4;
	vm6 =	vgt.s32 v52, $0x0;
	vm7 =	vgt.s32 v3, $0x0;
	[tilespmem:$0x1FEF0] =	vst v14  }
0x1da: {  	v14 =	vimm.s32 $0x0;
	v11 =	vnsel vm9, $0x0, v11;
	vm9 =	vnez.u8 v30;
	v30 =	vld [tilespmem:$0x1FEF0]  }
0x1db: {  	v59 =	vnsel vm1, $0x0, v27;
	v3 =	vnsel vm7, $0x0, v3;
	v14 =	vsel vm14, $0xFFFFFFFF, v14  }
0x1dc: {  	v5 =	vcvt.f32.s32 v5;
	v39 =	vmin.u32 v3, $0x4;
	[tilespmem:$0x1FF10] =	vst v14;
	v14 =	vimm.s32 $0x0  }
0x1dd: {  	v60 =	vnsel vm2, $0x0, v28;
	vm12 =	vgt.s32 v2, $0x0;
	v14 =	vsel vm15, $0xFFFFFFFF, v14  }
0x1de: {  	v28 =	vmin.u32 v59, $0x1F;
	v43 =	vmin.u32 v60, $0x17;
	v2 =	vnsel vm12, $0x0, v2;
	[tilespmem:$0x1FF00] =	vst v14  }
0x1df: {  	vm13 =	vgt.s32 v4, $0x0;
	v12 =	vnsel vm9, $0x0, v12;
	vm9 =	vnez.u8 v30;
	v30 =	vld [tilespmem:$0x1FF00]  }
0x1e0: {  	vm8 =	vgt.s32 v53, $0x0;
	v4 =	vnsel vm13, $0x0, v4;
	vm10 =	vgt.s32 v6, $0x0  }
0x1e1: {  	vm14 =	vgt.s32 v5, $0x0;
	v44 =	vmin.u32 v4, $0x17;
	vm11 =	vgt.s32 v8, $0x0  }
0x1e2: {  	v6 =	vnsel vm10, $0x0, v6;
	v5 =	vnsel vm14, $0x0, v5;
	vm15 =	vgt.s32 v15, $0x0  }
0x1e3: {  	v8 =	vnsel vm11, $0x0, v8;
	v32 =	vnsel vm8, $0x0, v53;
	v14 =	vcvt.f32.s32 v42  }
0x1e4: {  	v40 =	vmin.u32 v6, $0x17;
	v13 =	vnsel vm9, $0x0, v13;
	vm9 =	vnez.u8 v30;
	v30 =	vld [tilespmem:$0x1FF10]  }
0x1e5: {  	s22 =	sadd.s32 $0x2, s22;
	v17 =	vmin.u32 v5, $0x1F;
	v58 =	vnsel vm15, $0x0, v15;
	vm7 =	vgt.s32 v14, $0x0  }
0x1e6: {  	p0 =	slt.u32 s22, $0x3A;
	v41 =	vmin.u32 v8, $0x17;
	v42 =	vmin.u32 v58, $0x17;
	v27 =	vnsel vm7, $0x0, v14  }
.Ltmp1:
0x1e7: {  	v14 =	vmin.u32 v61, $0x1F;
	v33 =	vmin.u32 v9, $0x4;
	v34 =	vmin.u32 v0, $0x4;
	(pc) =	sbr.rel @p0 .LBB2_5-.Ltmp1, $4  }
0x1e8: {  	v35 =	vmin.u32 v11, $0x4;
	v36 =	vmin.u32 v12, $0x4;
	v37 =	vmin.u32 v13, $0x4  }
0x1e9: {  	v13 =	vmin.u32 v2, $0x1F;
	v10 =	vnsel vm9, $0x0, v10;
	vm9 =	vnez.u8 v30  }
0x1ea: {  	v15 =	vmin.u32 v10, $0x1F;
	v30 =	vnsel vm4, $0x0, v29;
	v57 =	vnsel vm9, $0x0, v18  }
0x1eb: {  	s23 =	sadd.s32 $0x400, s23;
	v29 =	vmin.u32 v1, $0x4;
	v18 =	vnsel vm6, $0x0, v52;
	v38 =	vmin.u32 v57, $0x4  }
0x1ec: {  	v0 =	vmin.u32 v30, $0x17;
	v1 =	vmin.u32 v31, $0x1F;
	v2 =	vmin.u32 v18, $0x17  }
0x1ed: {  	v3 =	vmul.u32 $0x300, v39;
	v12 =	vshll.u32 v40, $0x5;
	v15 =	vor.u32 v19, v15  }
0x1ee: {  	v4 =	vmin.u32 v27, $0x1F;
	v6 =	vmul.u32 $0x300, v29;
	v12 =	vadd.s32 v12, v15  }
0x1ef: {  	v19 =	vshll.u32 v41, $0x5;
	v16 =	vor.u32 v20, v16;
	v3 =	vadd.s32 v3, v12  }
0x1f0: {  	v5 =	vmin.u32 v32, $0x17;
	v15 =	vadd.s32 v19, v16;
	v3 =	vadd.s32 v62, v3  }
0x1f1: {  	v7 =	vmul.u32 $0x300, v33;
	v8 =	vmul.u32 $0x300, v34;
	v6 =	vadd.s32 v6, v15  }
0x1f2: {  	v9 =	vmul.u32 $0x300, v35;
	v10 =	vmul.u32 $0x300, v36;
	v35 =	vld [tilespmem:$0x1FFA0];
	v6 =	vadd.s32 v63, v6  }
0x1f3: {  	v11 =	vmul.u32 $0x300, v37;
	v18 =	vmul.u32 $0x300, v38;
	v20 =	vshll.u32 v44, $0x5;
	v36 =	vld [tilespmem:$0x1FFB0]  }
0x1f4: {  	v13 =	vor.u32 v21, v13;
	v21 =	vshll.u32 v42, $0x5;
	v44 =	vld [tilespmem:$0x1FFC0];
	v46 =	vimm.f32 $1.000000000e+00  }
0x1f5: {  	v17 =	vor.u32 v22, v17;
	v22 =	vshll.u32 v43, $0x5;
	v23 =	vor.u32 v23, v28;
	[tilespmem:v3+s4+$0x0] =	vst.idx.add.f32.msk $0xffff, v46  }
0x1f6: {  	v14 =	vor.u32 v24, v14;
	v0 =	vshll.u32 v0, $0x5;
	v2 =	vshll.u32 v2, $0x5;
	v45 =	vld [tilespmem:$0x1FFD0]  }
0x1f7: {  	v1 =	vor.u32 v25, v1;
	v5 =	vshll.u32 v5, $0x5;
	v13 =	vadd.s32 v20, v13;
	[tilespmem:v6+s4+$0x0] =	vst.idx.add.f32.msk $0xffff, v46  }
0x1f8: {  	v4 =	vor.u32 v26, v4;
	v12 =	vadd.s32 v21, v17;
	v7 =	vadd.s32 v7, v13;
	v47 =	vld [tilespmem:$0x1FFE0]  }
0x1f9: {  	v15 =	vadd.s32 v22, v23;
	v8 =	vadd.s32 v8, v12;
	v7 =	vadd.s32 v35, v7;
	v48 =	vld [tilespmem:$0x1FFF0]  }
0x1fa: {  	v0 =	vadd.s32 v0, v14;
	v61 =	vadd.s32 v9, v15;
	v8 =	vadd.s32 v36, v8  }
0x1fb: {  	v1 =	vadd.s32 v2, v1;
	v0 =	vadd.s32 v10, v0;
	v2 =	vadd.s32 v44, v61  }
0x1fc: {  	v4 =	vadd.s32 v5, v4;
	v1 =	vadd.s32 v11, v1;
	v0 =	vadd.s32 v45, v0  }
0x1fd: {  	v10 =	vadd.s32 v18, v4;
	v1 =	vadd.s32 v47, v1  }
0x1fe: {  	[tilespmem:v7+s4+$0x0] =	vst.idx.add.f32.msk $0xffff, v46;
	v3 =	vadd.s32 v48, v10  }
0x1ff: {  	[tilespmem:v8+s4+$0x0] =	vst.idx.add.f32.msk $0xffff, v46  }
0x200: {  	[tilespmem:v2+s4+$0x0] =	vst.idx.add.f32.msk $0xffff, v46  }
0x201: {  	[tilespmem:v0+s4+$0x0] =	vst.idx.add.f32.msk $0xffff, v46  }
0x202: {  	[tilespmem:v1+s4+$0x0] =	vst.idx.add.f32.msk $0xffff, v46  }
0x203: {  	[tilespmem:v3+s4+$0x0] =	vst.idx.add.f32.msk $0xffff, v46  }
0x204: {  	v0 =	vld [tilespmem:$0x16808]  }
0x205: {  	v1 =	vld [tilespmem:$0x16908]  }
0x206: {  	v2 =	vld [tilespmem:$0x16888]  }
0x207: {  	v3 =	vld [tilespmem:$0x16818]  }
0x208: {  	v11 =	vld [tilespmem:$0x16918]  }
0x209: {  	v32 =	vld [tilespmem:$0x16988]  }
0x20a: {  	v6 =	vld [tilespmem:$0x16898]  }
0x20b: {  	v34 =	vld [tilespmem:$0x16828]  }
0x20c: {  	v49 =	vld [tilespmem:$0x16838]  }
0x20d: {  	v7 =	vld [tilespmem:$0x16998]  }
0x20e: {  	v43 =	vld [tilespmem:$0x169A8]  }
0x20f: {  	v0 =	vmul.f32 $5.000000070e-02, v0;
	v1 =	vsub.f32 v1, v56;
	v2 =	vmul.f32 $5.000000070e-02, v2  }
0x210: {  	v3 =	vmul.f32 $5.000000070e-02, v3;
	v4 =	vsub.f32 v11, v56;
	v6 =	vmul.f32 $5.000000070e-02, v6  }
0x211: {  	vm8 =	vgt.f32 v32, $0.0e+00;
	v41 =	vmul.f32 $5.000000070e-02, v34;
	v58 =	vmul.f32 $5.000000070e-02, v49  }
0x212: {  	vm11 =	vgt.f32 v7, $0.0e+00;
	v0 =	vtrunc.f32 v0;
	v1 =	vmul.f32 v1, v54  }
0x213: {  	vm15 =	vgt.f32 v43, $0.0e+00;
	v2 =	vtrunc.f32 v2;
	v3 =	vtrunc.f32 v3  }
0x214: {  	v5 =	vsel vm8, $0x0, v55;
	v4 =	vmul.f32 v4, v54;
	v33 =	vtrunc.f32 v6  }
0x215: {  	v42 =	vsel vm11, $0x0, v55;
	v0 =	vcvt.f32.s32 v0;
	v2 =	vcvt.f32.s32 v2  }
0x216: {  	v59 =	vsel vm15, $0x0, v55;
	v3 =	vcvt.f32.s32 v3;
	v37 =	vcvt.f32.s32 v33  }
0x217: {  	v1 =	vtrunc.f32 v1;
	v4 =	vtrunc.f32 v4;
	vm0 =	vgt.s32 v0, $0x0  }
0x218: {  	v38 =	vld [tilespmem:$0x16928];
	v1 =	vcvt.f32.s32 v1;
	vm6 =	vgt.s32 v2, $0x0;
	v4 =	vcvt.f32.s32 v4  }
0x219: {  	v8 =	vld [tilespmem:$0x16848];
	vm9 =	vgt.s32 v3, $0x0;
	vm10 =	vgt.s32 v37, $0x0;
	v0 =	vnsel vm0, $0x0, v0  }
0x21a: {  	v60 =	vld [tilespmem:$0x169B8];
	v2 =	vnsel vm6, $0x0, v2;
	v3 =	vnsel vm9, $0x0, v3;
	v0 =	vmin.u32 v0, $0x1F  }
0x21b: {  	vm7 =	vgt.s32 v1, $0x0;
	v2 =	vmin.u32 v2, $0x17;
	vm1 =	vgt.s32 v4, $0x0  }
0x21c: {  	v3 =	vmin.u32 v3, $0x1F;
	v1 =	vnsel vm7, $0x0, v1;
	v2 =	vshll.u32 v2, $0x5  }
0x21d: {  	v39 =	vld [tilespmem:$0x168A8];
	v0 =	vor.u32 v5, v0;
	v40 =	vnsel vm1, $0x0, v4;
	v5 =	vsub.f32 v38, v56  }
0x21e: {  	v51 =	vld [tilespmem:$0x16938];
	v4 =	vtrunc.f32 v41;
	v3 =	vor.u32 v42, v3;
	v38 =	vmul.f32 $5.000000070e-02, v8  }
0x21f: {  	v53 =	vld [tilespmem:$0x168B8];
	vm7 =	vgt.f32 v60, $0.0e+00;
	v1 =	vmin.u32 v1, $0x4;
	v0 =	vadd.s32 v2, v0  }
0x220: {  	v61 =	vld [tilespmem:$0x168C8];
	v2 =	vnsel vm10, $0x0, v37;
	v4 =	vcvt.f32.s32 v4;
	v1 =	vmul.u32 $0x300, v1  }
0x221: {  	v32 =	vld [tilespmem:$0x16948];
	v7 =	vsel vm7, $0x0, v55;
	v2 =	vmin.u32 v2, $0x17;
	v5 =	vmul.f32 v5, v54  }
0x222: {  	v41 =	vld [tilespmem:$0x169C8];
	v2 =	vshll.u32 v2, $0x5;
	vm12 =	vgt.s32 v4, $0x0;
	v0 =	vadd.s32 v1, v0  }
0x223: {  	v1 =	vmul.f32 $5.000000070e-02, v39;
	v2 =	vadd.s32 v2, v3;
	v50 =	vtrunc.f32 v5  }
0x224: {  	v57 =	vnsel vm12, $0x0, v4;
	v5 =	vsub.f32 v51, v56;
	v4 =	vtrunc.f32 v58  }
0x225: {  	v3 =	vmul.f32 $5.000000070e-02, v53;
	v39 =	vmul.f32 $5.000000070e-02, v61;
	v13 =	vadd.s32 v62, v0  }
0x226: {  	v0 =	vmin.u32 v40, $0x4;
	v52 =	vcvt.f32.s32 v50;
	v4 =	vcvt.f32.s32 v4  }
0x227: {  	v42 =	vld [tilespmem:$0x16858];
	v40 =	vsub.f32 v32, v56;
	vm11 =	vgt.f32 v41, $0.0e+00;
	v1 =	vtrunc.f32 v1  }
0x228: {  	v0 =	vmul.u32 $0x300, v0;
	v5 =	vmul.f32 v5, v54;
	v3 =	vtrunc.f32 v3  }
0x229: {  	v8 =	vsel vm11, $0x0, v55;
	v1 =	vcvt.f32.s32 v1;
	vm14 =	vgt.s32 v52, $0x0  }
0x22a: {  	v53 =	vld [tilespmem:$0x169D8];
	vm4 =	vgt.s32 v4, $0x0;
	v3 =	vcvt.f32.s32 v3;
	v6 =	vmul.f32 v40, v54  }
0x22b: {  	v0 =	vadd.s32 v0, v2;
	v2 =	vnsel vm14, $0x0, v52;
	v5 =	vtrunc.f32 v5  }
0x22c: {  	v50 =	vld [tilespmem:$0x168D8];
	v33 =	vnsel vm4, $0x0, v4;
	v52 =	vmul.f32 $5.000000070e-02, v42;
	v14 =	vadd.s32 v63, v0  }
0x22d: {  	vm13 =	vgt.s32 v1, $0x0;
	v0 =	vmin.u32 v57, $0x1F;
	v2 =	vmin.u32 v2, $0x4  }
0x22e: {  	v34 =	vcvt.f32.s32 v5;
	vm5 =	vgt.s32 v3, $0x0;
	v5 =	vtrunc.f32 v39  }
0x22f: {  	v40 =	vld [tilespmem:$0x169E8];
	v49 =	vtrunc.f32 v6;
	vm15 =	vgt.f32 v53, $0.0e+00;
	v1 =	vnsel vm13, $0x0, v1  }
0x230: {  	v2 =	vmul.u32 $0x300, v2;
	v37 =	vnsel vm5, $0x0, v3;
	v3 =	vtrunc.f32 v38  }
0x231: {  	v0 =	vor.u32 v59, v0;
	v5 =	vcvt.f32.s32 v5;
	v6 =	vmul.f32 $5.000000070e-02, v50  }
0x232: {  	v9 =	vsel vm15, $0x0, v55;
	v1 =	vmin.u32 v1, $0x17;
	vm6 =	vgt.s32 v34, $0x0  }
0x233: {  	v3 =	vcvt.f32.s32 v3;
	v1 =	vshll.u32 v1, $0x5;
	v4 =	vnsel vm6, $0x0, v34  }
0x234: {  	v43 =	vld [tilespmem:$0x16958];
	vm9 =	vgt.s32 v5, $0x0;
	v6 =	vtrunc.f32 v6;
	vm7 =	vgt.f32 v40, $0.0e+00  }
0x235: {  	v57 =	vld [tilespmem:$0x16868];
	v0 =	vadd.s32 v1, v0;
	v1 =	vmin.u32 v33, $0x1F;
	v4 =	vmin.u32 v4, $0x4  }
0x236: {  	vm8 =	vgt.s32 v3, $0x0;
	v51 =	vnsel vm9, $0x0, v5;
	v5 =	vtrunc.f32 v52  }
0x237: {  	v6 =	vcvt.f32.s32 v6;
	v42 =	vsel vm7, $0x0, v55;
	v0 =	vadd.s32 v2, v0  }
0x238: {  	v58 =	vld [tilespmem:$0x16968];
	v2 =	vmin.u32 v37, $0x17;
	v4 =	vmul.u32 $0x300, v4;
	v1 =	vor.u32 v7, v1  }
0x239: {  	v3 =	vnsel vm8, $0x0, v3;
	v7 =	vsub.f32 v43, v56;
	v5 =	vcvt.f32.s32 v5  }
0x23a: {  	v60 =	vld [tilespmem:$0x168E8];
	v32 =	vmul.f32 $5.000000070e-02, v57;
	v2 =	vshll.u32 v2, $0x5;
	v0 =	vadd.s32 v35, v0  }
0x23b: {  	v3 =	vmin.u32 v3, $0x1F;
	vm13 =	vgt.s32 v6, $0x0;
	v1 =	vadd.s32 v2, v1  }
0x23c: {  	v33 =	vld [tilespmem:$0x16878];
	v2 =	vcvt.f32.s32 v49;
	v7 =	vmul.f32 v7, v54;
	v3 =	vor.u32 v8, v3  }
0x23d: {  	vm12 =	vgt.s32 v5, $0x0;
	v61 =	vnsel vm13, $0x0, v6;
	v8 =	vsub.f32 v58, v56  }
0x23e: {  	v43 =	vld [tilespmem:$0x169F8];
	v1 =	vadd.s32 v4, v1;
	v4 =	vmin.u32 v51, $0x17;
	v59 =	vnsel vm12, $0x0, v5  }
0x23f: {  	v34 =	vld [tilespmem:$0x16978];
	v5 =	vmul.f32 $5.000000070e-02, v60;
	vm10 =	vgt.s32 v2, $0x0;
	v4 =	vshll.u32 v4, $0x5  }
0x240: {  	v39 =	vld [tilespmem:$0x168F8];
	v7 =	vtrunc.f32 v7;
	v1 =	vadd.s32 v36, v1;
	v8 =	vmul.f32 v8, v54  }
0x241: {  	v10 =	vmul.f32 $5.000000070e-02, v33;
	v2 =	vnsel vm10, $0x0, v2;
	v7 =	vcvt.f32.s32 v7  }
0x242: {  	v3 =	vadd.s32 v4, v3;
	v4 =	vmin.u32 v59, $0x1F;
	v5 =	vtrunc.f32 v5  }
0x243: {  	vm11 =	vgt.f32 v43, $0.0e+00;
	v2 =	vmin.u32 v2, $0x4;
	v4 =	vor.u32 v9, v4  }
0x244: {  	v37 =	vcvt.f32.s32 v5;
	v38 =	vtrunc.f32 v8;
	v9 =	vsub.f32 v34, v56  }
0x245: {  	v8 =	vmul.f32 $5.000000070e-02, v39;
	v41 =	vtrunc.f32 v10;
	v51 =	vsel vm11, $0x0, v55  }
0x246: {  	v2 =	vmul.u32 $0x300, v2;
	vm14 =	vgt.s32 v7, $0x0;
	v5 =	vcvt.f32.s32 v38  }
0x247: {  	v11 =	vnsel vm14, $0x0, v7;
	v7 =	vtrunc.f32 v32;
	vm5 =	vgt.s32 v37, $0x0  }
0x248: {  	v9 =	vmul.f32 v9, v54;
	v8 =	vtrunc.f32 v8;
	v2 =	vadd.s32 v2, v3  }
0x249: {  	v3 =	vmin.u32 v61, $0x17;
	v6 =	vmin.u32 v11, $0x4;
	v7 =	vcvt.f32.s32 v7  }
0x24a: {  	vm6 =	vgt.s32 v5, $0x0;
	v8 =	vcvt.f32.s32 v8;
	v2 =	vadd.s32 v44, v2  }
0x24b: {  	v6 =	vmul.u32 $0x300, v6;
	v3 =	vshll.u32 v3, $0x5;
	v5 =	vnsel vm6, $0x0, v5  }
0x24c: {  	v9 =	vtrunc.f32 v9;
	v3 =	vadd.s32 v3, v4;
	vm4 =	vgt.s32 v7, $0x0  }
0x24d: {  	v4 =	vnsel vm5, $0x0, v37;
	v5 =	vmin.u32 v5, $0x4;
	v9 =	vcvt.f32.s32 v9  }
0x24e: {  	vm9 =	vgt.s32 v8, $0x0;
	v3 =	vadd.s32 v6, v3;
	v7 =	vnsel vm4, $0x0, v7  }
0x24f: {  	v4 =	vmin.u32 v4, $0x17;
	v6 =	vcvt.f32.s32 v41;
	v5 =	vmul.u32 $0x300, v5  }
0x250: {  	v49 =	vnsel vm9, $0x0, v8;
	v7 =	vmin.u32 v7, $0x1F;
	v4 =	vshll.u32 v4, $0x5  }
0x251: {  	vm10 =	vgt.s32 v9, $0x0;
	vm8 =	vgt.s32 v6, $0x0;
	v7 =	vor.u32 v42, v7  }
0x252: {  	v50 =	vnsel vm10, $0x0, v9;
	v6 =	vnsel vm8, $0x0, v6;
	v4 =	vadd.s32 v4, v7  }
0x253: {  	v7 =	vmin.u32 v49, $0x17;
	v8 =	vmin.u32 v50, $0x4;
	v6 =	vmin.u32 v6, $0x1F  }
0x254: {  	[tilespmem:v13+s4+$0x0] =	vst.idx.add.f32.msk $0xffff, v46;
	v8 =	vmul.u32 $0x300, v8;
	v7 =	vshll.u32 v7, $0x5;
	v6 =	vor.u32 v51, v6  }
0x255: {  	v3 =	vadd.s32 v45, v3;
	v4 =	vadd.s32 v5, v4;
	v52 =	vadd.s32 v7, v6  }
0x256: {  	p0 =	seq.s32 s21, $0x7;
	[tilespmem:v14+s4+$0x0] =	vst.idx.add.f32.msk $0xffff, v46;
	v4 =	vadd.s32 v47, v4;
	v5 =	vadd.s32 v8, v52  }
0x257: {  	s22 =	smul.u32 @!p0 $0x7A, s21;
	[tilespmem:v0+s4+$0x0] =	vst.idx.add.f32.msk $0xffff, v46;
	v5 =	vadd.s32 v48, v5  }
0x258: {  	[tilespmem:v1+s4+$0x0] =	vst.idx.add.f32.msk $0xffff, v46  }
0x259: {  	s22 =	sadd.s32 @!p0 s22, s8;
	[tilespmem:v2+s4+$0x0] =	vst.idx.add.f32.msk $0xffff, v46  }
0x25a: {  	s22 =	sshll.u32 @!p0 s22, $0x6;
	[tilespmem:v3+s4+$0x0] =	vst.idx.add.f32.msk $0xffff, v46  }
0x25b: {  	s22 =	sand.u32 @!p0 $0x1FFFFFC0, s22;
	[tilespmem:v4+s4+$0x0] =	vst.idx.add.f32.msk $0xffff, v46  }
0x25c: {  	s23 =	simm.s32 @!p0 $0x0;
	s24 =	simm.s32 @!p0 $0xF008;
	s22 =	sadd.s32 @!p0 s1, s22;
	[tilespmem:v5+s4+$0x0] =	vst.idx.add.f32.msk $0xffff, v46  }
0x25d: {  	[tilespmem:s24], [sflag:$0x1] =	stream.linear.gather @!p0 [hbm4b:s22+s23], $0x7A00, $0x38;
	[tilespmem:$0x1E808] =	vst v63  }
0x25e: {  	_ =	swait.ge [sflag:s19], $0x7A00  }
0x25f: {  	[sflag:s19] =	ssyncset.done $0x0  }
0x260: {  	s31 =	simm.s32 $0x16C08;
	[sflag:s19] =	ssyncadd.s32 $0xFFFF8600  }
0x261: {  	v53 =	vld [tilespmem:s31+$0x0]  }
0x262: {  	v57 =	vld [tilespmem:s31+$0x80]  }
0x263: {  	v58 =	vld [tilespmem:s31+$0x10]  }
0x264: {  	v59 =	vld [tilespmem:s31+$0x90]  }
0x265: {  	v60 =	vld [tilespmem:s31+$0x20]  }
0x266: {  	v61 =	vld [tilespmem:s31+$0xA0]  }
0x267: {  	v32 =	vld [tilespmem:s31+$0x30]  }
0x268: {  	v33 =	vld [tilespmem:s31+$0xB0]  }
0x269: {  	v34 =	vld [tilespmem:s31+$0x40]  }
0x26a: {  	v37 =	vld [tilespmem:s31+$0xC0]  }
0x26b: {  	v38 =	vld [tilespmem:s31+$0x50]  }
0x26c: {  	v39 =	vld [tilespmem:s31+$0xD0]  }
0x26d: {  	v12 =	vld [tilespmem:s31+$0x60]  }
0x26e: {  	v13 =	vld [tilespmem:s31+$0xE0];
	v0 =	vmul.f32 $5.000000070e-02, v53;
	v1 =	vmul.f32 $5.000000070e-02, v57  }
0x26f: {  	v14 =	vld [tilespmem:s31+$0x70];
	v2 =	vmul.f32 $5.000000070e-02, v58;
	v3 =	vmul.f32 $5.000000070e-02, v59  }
0x270: {  	v15 =	vld [tilespmem:s31+$0xF0];
	v4 =	vmul.f32 $5.000000070e-02, v60;
	v5 =	vmul.f32 $5.000000070e-02, v61  }
0x271: {  	v16 =	vld [tilespmem:s31+$0x180];
	v6 =	vmul.f32 $5.000000070e-02, v32;
	v7 =	vmul.f32 $5.000000070e-02, v33  }
0x272: {  	v17 =	vld [tilespmem:s31+$0x190];
	v8 =	vmul.f32 $5.000000070e-02, v34;
	v9 =	vmul.f32 $5.000000070e-02, v37  }
0x273: {  	v18 =	vld [tilespmem:s31+$0x100];
	v10 =	vmul.f32 $5.000000070e-02, v38;
	v11 =	vmul.f32 $5.000000070e-02, v39  }
0x274: {  	v19 =	vld [tilespmem:s31+$0x110];
	v12 =	vmul.f32 $5.000000070e-02, v12;
	v20 =	vmul.f32 $5.000000070e-02, v13  }
0x275: {  	v21 =	vld [tilespmem:s31+$0x120];
	v14 =	vmul.f32 $5.000000070e-02, v14;
	v15 =	vmul.f32 $5.000000070e-02, v15  }
0x276: {  	v22 =	vld [tilespmem:s31+$0x140];
	vm12 =	vgt.f32 v16, $0.0e+00;
	v0 =	vtrunc.f32 v0;
	v1 =	vtrunc.f32 v1  }
0x277: {  	v23 =	vld [tilespmem:s31+$0x160];
	vm13 =	vgt.f32 v17, $0.0e+00;
	v2 =	vtrunc.f32 v2;
	v3 =	vtrunc.f32 v3  }
0x278: {  	v24 =	vld [tilespmem:s31+$0x170];
	v18 =	vsub.f32 v18, v56;
	v4 =	vtrunc.f32 v4;
	v5 =	vtrunc.f32 v5  }
0x279: {  	v25 =	vld [tilespmem:s31+$0x1A0];
	v19 =	vsub.f32 v19, v56;
	v6 =	vtrunc.f32 v6;
	v7 =	vtrunc.f32 v7  }
0x27a: {  	v26 =	vld [tilespmem:s31+$0x1B0];
	v21 =	vsub.f32 v21, v56;
	v8 =	vtrunc.f32 v8;
	v9 =	vtrunc.f32 v9  }
0x27b: {  	v27 =	vld [tilespmem:s31+$0x1C0];
	v22 =	vsub.f32 v22, v56;
	v10 =	vtrunc.f32 v10;
	v11 =	vtrunc.f32 v11  }
0x27c: {  	v28 =	vld [tilespmem:s31+$0x1D0];
	v23 =	vsub.f32 v23, v56;
	v12 =	vtrunc.f32 v12;
	v20 =	vtrunc.f32 v20  }
0x27d: {  	v30 =	vld [tilespmem:s31+$0x1E0];
	v24 =	vsub.f32 v24, v56;
	v14 =	vtrunc.f32 v14;
	v15 =	vtrunc.f32 v15  }
0x27e: {  	v31 =	vld [tilespmem:s31+$0x1F0];
	vm14 =	vgt.f32 v25, $0.0e+00;
	v18 =	vmul.f32 v18, v54;
	v19 =	vmul.f32 v19, v54  }
0x27f: {  	vm15 =	vgt.f32 v26, $0.0e+00;
	v21 =	vmul.f32 v21, v54;
	v22 =	vmul.f32 v22, v54  }
0x280: {  	vm4 =	vgt.f32 v27, $0.0e+00;
	v23 =	vmul.f32 v23, v54;
	v24 =	vmul.f32 v24, v54  }
0x281: {  	vm5 =	vgt.f32 v28, $0.0e+00;
	v0 =	vcvt.f32.s32 v0;
	v1 =	vcvt.f32.s32 v1  }
0x282: {  	vm6 =	vgt.f32 v30, $0.0e+00;
	v2 =	vcvt.f32.s32 v2;
	v3 =	vcvt.f32.s32 v3  }
0x283: {  	vm7 =	vgt.f32 v31, $0.0e+00;
	v4 =	vcvt.f32.s32 v4;
	v5 =	vcvt.f32.s32 v5  }
0x284: {  	v13 =	vsel vm12, $0x0, v55;
	v6 =	vcvt.f32.s32 v6;
	v7 =	vcvt.f32.s32 v7  }
0x285: {  	v29 =	vsel vm13, $0x0, v55;
	v8 =	vcvt.f32.s32 v8;
	v9 =	vcvt.f32.s32 v9  }
0x286: {  	v16 =	vld [tilespmem:s31+$0x130];
	v25 =	vsel vm14, $0x0, v55;
	v10 =	vcvt.f32.s32 v10;
	v11 =	vcvt.f32.s32 v11  }
0x287: {  	v17 =	vld [tilespmem:s31+$0x150];
	v26 =	vsel vm15, $0x0, v55;
	v12 =	vcvt.f32.s32 v12;
	v20 =	vcvt.f32.s32 v20  }
0x288: {  	v27 =	vsel vm4, $0x0, v55;
	v14 =	vcvt.f32.s32 v14;
	v15 =	vcvt.f32.s32 v15  }
0x289: {  	v28 =	vsel vm5, $0x0, v55;
	v18 =	vtrunc.f32 v18;
	v19 =	vtrunc.f32 v19  }
0x28a: {  	v30 =	vsel vm6, $0x0, v55;
	v21 =	vtrunc.f32 v21;
	v22 =	vtrunc.f32 v22  }
0x28b: {  	v31 =	vsel vm7, $0x0, v55;
	v23 =	vtrunc.f32 v23;
	v24 =	vtrunc.f32 v24  }
0x28c: {  	v16 =	vsub.f32 v16, v56;
	v17 =	vsub.f32 v17, v56;
	vm8 =	vgt.s32 v0, $0x0  }
0x28d: {  	vm9 =	vgt.s32 v1, $0x0;
	vm10 =	vgt.s32 v2, $0x0;
	vm11 =	vgt.s32 v3, $0x0  }
0x28e: {  	vm12 =	vgt.s32 v4, $0x0;
	vm13 =	vgt.s32 v5, $0x0;
	vm14 =	vgt.s32 v6, $0x0  }
0x28f: {  	vm15 =	vgt.s32 v7, $0x0;
	vm4 =	vgt.s32 v8, $0x0;
	vm5 =	vgt.s32 v9, $0x0  }
0x290: {  	vm6 =	vgt.s32 v10, $0x0;
	v18 =	vcvt.f32.s32 v18;
	v19 =	vcvt.f32.s32 v19  }
0x291: {  	vm7 =	vgt.s32 v11, $0x0;
	v21 =	vcvt.f32.s32 v21;
	v22 =	vcvt.f32.s32 v22  }
0x292: {  	v23 =	vcvt.f32.s32 v23;
	v24 =	vcvt.f32.s32 v24;
	v0 =	vnsel vm8, $0x0, v0  }
0x293: {  	v1 =	vnsel vm9, $0x0, v1;
	v2 =	vnsel vm10, $0x0, v2;
	v3 =	vnsel vm11, $0x0, v3  }
0x294: {  	v4 =	vnsel vm12, $0x0, v4;
	v5 =	vnsel vm13, $0x0, v5;
	v6 =	vnsel vm14, $0x0, v6  }
0x295: {  	v7 =	vnsel vm15, $0x0, v7;
	v8 =	vnsel vm4, $0x0, v8;
	v9 =	vnsel vm5, $0x0, v9  }
0x296: {  	v10 =	vnsel vm6, $0x0, v10;
	v11 =	vnsel vm7, $0x0, v11;
	vm8 =	vgt.s32 v12, $0x0  }
0x297: {  	vm9 =	vgt.s32 v20, $0x0;
	vm10 =	vgt.s32 v14, $0x0;
	vm11 =	vgt.s32 v15, $0x0  }
0x298: {  	v16 =	vmul.f32 v16, v54;
	v17 =	vmul.f32 v17, v54;
	v12 =	vnsel vm8, $0x0, v12  }
0x299: {  	v20 =	vnsel vm9, $0x0, v20;
	v14 =	vnsel vm10, $0x0, v14;
	v0 =	vmin.u32 v0, $0x1F  }
0x29a: {  	v1 =	vmin.u32 v1, $0x17;
	v15 =	vnsel vm11, $0x0, v15;
	v2 =	vmin.u32 v2, $0x1F  }
0x29b: {  	v3 =	vmin.u32 v3, $0x17;
	v4 =	vmin.u32 v4, $0x1F;
	v5 =	vmin.u32 v5, $0x17  }
0x29c: {  	v6 =	vmin.u32 v6, $0x1F;
	v7 =	vmin.u32 v7, $0x17;
	v8 =	vmin.u32 v8, $0x1F  }
0x29d: {  	v9 =	vmin.u32 v9, $0x17;
	vm12 =	vgt.s32 v18, $0x0;
	v10 =	vmin.u32 v10, $0x1F  }
0x29e: {  	vm13 =	vgt.s32 v19, $0x0;
	v11 =	vmin.u32 v11, $0x17;
	vm14 =	vgt.s32 v21, $0x0  }
0x29f: {  	vm4 =	vgt.s32 v22, $0x0;
	vm6 =	vgt.s32 v23, $0x0;
	vm7 =	vgt.s32 v24, $0x0  }
0x2a0: {  	v18 =	vnsel vm12, $0x0, v18;
	v19 =	vnsel vm13, $0x0, v19;
	v12 =	vmin.u32 v12, $0x1F  }
0x2a1: {  	v21 =	vnsel vm14, $0x0, v21;
	v20 =	vmin.u32 v20, $0x17;
	v14 =	vmin.u32 v14, $0x1F  }
0x2a2: {  	v33 =	vld [tilespmem:s31+$0xFFFFFF10];
	v22 =	vnsel vm4, $0x0, v22;
	v15 =	vmin.u32 v15, $0x17;
	v1 =	vshll.u32 v1, $0x5  }
0x2a3: {  	v0 =	vor.u32 v13, v0;
	v23 =	vnsel vm6, $0x0, v23;
	v3 =	vshll.u32 v3, $0x5  }
0x2a4: {  	v49 =	vld [tilespmem:s31+$0xFFFFFE10];
	v2 =	vor.u32 v29, v2;
	v5 =	vshll.u32 v5, $0x5;
	v4 =	vor.u32 v25, v4  }
0x2a5: {  	v51 =	vld [tilespmem:s31+$0xFFFFFE90];
	v7 =	vshll.u32 v7, $0x5;
	v6 =	vor.u32 v26, v6;
	v9 =	vshll.u32 v9, $0x5  }
0x2a6: {  	v34 =	vld [tilespmem:s31+$0xFFFFFF20];
	v8 =	vor.u32 v27, v8;
	v11 =	vshll.u32 v11, $0x5;
	v10 =	vor.u32 v28, v10  }
0x2a7: {  	v61 =	vld [tilespmem:s31+$0xFFFFFE30];
	v41 =	vnsel vm7, $0x0, v24;
	v24 =	vsub.f32 v33, v56;
	v16 =	vtrunc.f32 v16  }
0x2a8: {  	v57 =	vld [tilespmem:s31+$0xFFFFFEC0];
	v17 =	vtrunc.f32 v17;
	v13 =	vshll.u32 v20, $0x5;
	v12 =	vor.u32 v30, v12  }
0x2a9: {  	v15 =	vshll.u32 v15, $0x5;
	v14 =	vor.u32 v31, v14;
	v40 =	vadd.s32 v3, v2  }
0x2aa: {  	v4 =	vadd.s32 v5, v4;
	v42 =	vadd.s32 v7, v6;
	v43 =	vadd.s32 v9, v8  }
0x2ab: {  	v50 =	vadd.s32 v11, v10;
	v59 =	vmin.u32 v18, $0x4;
	v7 =	vmul.f32 $5.000000070e-02, v49  }
0x2ac: {  	v18 =	vmin.u32 v41, $0x4;
	v10 =	vmul.f32 $5.000000070e-02, v51;
	v2 =	vmul.f32 $5.000000070e-02, v61  }
0x2ad: {  	v32 =	vld [tilespmem:s31+$0xFFFFFF00];
	v31 =	vsub.f32 v34, v56;
	v5 =	vmul.f32 $5.000000070e-02, v57;
	v16 =	vcvt.f32.s32 v16  }
0x2ae: {  	v29 =	vld [tilespmem:s31+$0xFFFFFF30];
	v17 =	vcvt.f32.s32 v17;
	v9 =	vadd.s32 v13, v12;
	v13 =	vadd.s32 v15, v14  }
0x2af: {  	v25 =	vld [tilespmem:s31+$0xFFFFFF40];
	v12 =	vmin.u32 v19, $0x4;
	v14 =	vmin.u32 v21, $0x4;
	v11 =	vmul.u32 $0x300, v59  }
0x2b0: {  	v26 =	vld [tilespmem:s31+$0xFFFFFF50];
	v24 =	vmul.f32 v24, v54;
	v12 =	vmul.u32 $0x300, v12;
	v31 =	vmul.f32 v31, v54  }
0x2b1: {  	v20 =	vld [tilespmem:s31+$0xFFFFFF60];
	v60 =	vmul.u32 $0x300, v14;
	v7 =	vtrunc.f32 v7;
	v10 =	vtrunc.f32 v10  }
0x2b2: {  	v3 =	vld [tilespmem:s31+$0xFFFFFE80];
	v2 =	vtrunc.f32 v2;
	v5 =	vtrunc.f32 v5;
	vm15 =	vgt.s32 v16, $0x0  }
0x2b3: {  	v30 =	vld [tilespmem:s31+$0xFFFFFE60];
	vm5 =	vgt.s32 v17, $0x0;
	v7 =	vcvt.f32.s32 v7;
	v10 =	vcvt.f32.s32 v10  }
0x2b4: {  	v61 =	vld [tilespmem:s31+$0xFFFFFE70];
	v2 =	vcvt.f32.s32 v2;
	v5 =	vcvt.f32.s32 v5;
	v16 =	vnsel vm15, $0x0, v16  }
0x2b5: {  	v19 =	vld [tilespmem:s31+$0xFFFFFE20];
	v17 =	vnsel vm5, $0x0, v17;
	v37 =	vadd.s32 v12, v40;
	v39 =	vadd.s32 v60, v4  }
0x2b6: {  	v21 =	vld [tilespmem:s31+$0xFFFFFEA0];
	v25 =	vsub.f32 v25, v56;
	v26 =	vsub.f32 v26, v56;
	v31 =	vtrunc.f32 v31  }
0x2b7: {  	v59 =	vld [tilespmem:s31+$0xFFFFFE50];
	v15 =	vmin.u32 v16, $0x4;
	v16 =	vmin.u32 v22, $0x4;
	v17 =	vmin.u32 v17, $0x4  }
0x2b8: {  	v49 =	vld [tilespmem:s31+$0xFFFFFEF0];
	v22 =	vmin.u32 v23, $0x4;
	v3 =	vmul.f32 $5.000000070e-02, v3;
	v20 =	vsub.f32 v20, v56  }
0x2b9: {  	v30 =	vmul.f32 $5.000000070e-02, v30;
	v31 =	vcvt.f32.s32 v31;
	v38 =	vmul.u32 $0x300, v15  }
0x2ba: {  	v58 =	vmul.u32 $0x300, v22;
	v22 =	vsub.f32 v32, v56;
	v32 =	vmul.f32 $5.000000070e-02, v19  }
0x2bb: {  	v28 =	vld [tilespmem:s31+$0xFFFFFF70];
	v40 =	vmul.u32 $0x300, v16;
	v34 =	vmul.f32 $5.000000070e-02, v21;
	v25 =	vmul.f32 v25, v54  }
0x2bc: {  	v41 =	vld [tilespmem:s31+$0xFFFFFE40];
	v16 =	vadd.s32 v35, v39;
	v26 =	vmul.f32 v26, v54;
	v4 =	vmul.f32 $5.000000070e-02, v59  }
0x2bd: {  	v19 =	vsub.f32 v29, v56;
	v35 =	vmul.f32 $5.000000070e-02, v61;
	v59 =	vmul.f32 $5.000000070e-02, v49  }
0x2be: {  	v53 =	vmul.u32 $0x300, v17;
	v3 =	vtrunc.f32 v3;
	v30 =	vtrunc.f32 v30  }
0x2bf: {  	v57 =	vld [tilespmem:s31+$0xFFFFFFB0];
	v52 =	vadd.s32 v38, v42;
	v21 =	vmul.f32 v22, v54;
	v42 =	vmul.f32 v19, v54  }
0x2c0: {  	v12 =	vld [tilespmem:s31+$0xFFFFFEB0];
	v19 =	vsub.f32 v28, v56;
	v28 =	vadd.s32 v53, v50;
	v50 =	vmul.f32 v20, v54  }
0x2c1: {  	v0 =	vadd.s32 v1, v0;
	v60 =	vld [tilespmem:s31+$0xFFFFFEE0];
	v53 =	vmul.f32 $5.000000070e-02, v41;
	v61 =	vtrunc.f32 v25  }
0x2c2: {  	v0 =	vadd.s32 v11, v0;
	v49 =	vtrunc.f32 v26;
	v32 =	vtrunc.f32 v32  }
0x2c3: {  	v14 =	vadd.s32 v62, v0;
	v34 =	vtrunc.f32 v34;
	v4 =	vtrunc.f32 v4  }
0x2c4: {  	v23 =	vld [tilespmem:s31+$0xFFFFFE00];
	v15 =	vadd.s32 v63, v37;
	v35 =	vtrunc.f32 v35;
	v37 =	vtrunc.f32 v59  }
0x2c5: {  	vm11 =	vgt.f32 v57, $0.0e+00;
	v3 =	vcvt.f32.s32 v3;
	v57 =	vcvt.f32.s32 v30  }
0x2c6: {  	vm6 =	vgt.s32 v31, $0x0;
	v51 =	vmul.f32 $5.000000070e-02, v12;
	v33 =	vmul.f32 $5.000000070e-02, v60  }
0x2c7: {  	v27 =	vadd.s32 v40, v43;
	v40 =	vcvt.f32.s32 v61;
	v11 =	vcvt.f32.s32 v49  }
0x2c8: {  	v29 =	vadd.s32 v58, v9;
	v4 =	vcvt.f32.s32 v4;
	v59 =	vcvt.f32.s32 v37  }
0x2c9: {  	v17 =	vadd.s32 v36, v52;
	v6 =	vmul.f32 $5.000000070e-02, v23;
	v52 =	vmul.f32 v19, v54  }
0x2ca: {  	v22 =	vld [tilespmem:s31+$0xFFFFFF80];
	v44 =	vadd.s32 v44, v27;
	v60 =	vtrunc.f32 v21;
	v36 =	vtrunc.f32 v42  }
0x2cb: {  	[tilespmem:v14+s4+$0x0] =	vst.idx.add.f32.msk $0xffff, v46;
	v14 =	vadd.s32 v45, v28;
	v1 =	vtrunc.f32 v50;
	v9 =	vtrunc.f32 v53  }
0x2cc: {  	v43 =	vld [tilespmem:s31+$0xFFFFFF90];
	v50 =	vnsel vm6, $0x0, v31;
	v31 =	vcvt.f32.s32 v32;
	v8 =	vtrunc.f32 v51  }
0x2cd: {  	v25 =	vld [tilespmem:s31+$0xFFFFFFE0];
	v28 =	vadd.s32 v47, v29;
	v33 =	vtrunc.f32 v33;
	v38 =	vcvt.f32.s32 v60  }
0x2ce: {  	v26 =	vld [tilespmem:s31+$0xFFFFFFF0];
	vm6 =	vgt.s32 v2, $0x0;
	v36 =	vcvt.f32.s32 v36;
	v1 =	vcvt.f32.s32 v1  }
0x2cf: {  	v51 =	vcvt.f32.s32 v34;
	v9 =	vcvt.f32.s32 v9;
	v2 =	vnsel vm6, $0x0, v2  }
0x2d0: {  	v12 =	vld [tilespmem:s31+$0xFFFFFFA0];
	v60 =	vmul.u32 $0x300, v18;
	v0 =	vtrunc.f32 v52;
	v6 =	vtrunc.f32 v6  }
0x2d1: {  	v8 =	vcvt.f32.s32 v8;
	v33 =	vcvt.f32.s32 v33;
	vm8 =	vgt.f32 v22, $0.0e+00  }
0x2d2: {  	vm9 =	vgt.f32 v43, $0.0e+00;
	v22 =	vsel vm11, $0x0, v55;
	vm14 =	vgt.f32 v25, $0.0e+00  }
0x2d3: {  	vm15 =	vgt.f32 v26, $0.0e+00;
	vm4 =	vgt.s32 v38, $0x0;
	vm7 =	vgt.s32 v36, $0x0  }
0x2d4: {  	v6 =	vcvt.f32.s32 v6;
	v0 =	vcvt.f32.s32 v0;
	v13 =	vadd.s32 v60, v13  }
0x2d5: {  	v23 =	vld [tilespmem:s31+$0xFFFFFED0];
	v19 =	vsel vm8, $0x0, v55;
	v20 =	vsel vm9, $0x0, v55;
	vm10 =	vgt.f32 v12, $0.0e+00  }
0x2d6: {  	v12 =	vtrunc.f32 v24;
	v25 =	vsel vm14, $0x0, v55;
	v26 =	vsel vm15, $0x0, v55  }
0x2d7: {  	v38 =	vnsel vm4, $0x0, v38;
	v36 =	vnsel vm7, $0x0, v36;
	vm8 =	vgt.s32 v40, $0x0  }
0x2d8: {  	[tilespmem:v15+s4+$0x0] =	vst.idx.add.f32.msk $0xffff, v46;
	vm9 =	vgt.s32 v11, $0x0;
	vm14 =	vgt.s32 v7, $0x0;
	vm15 =	vgt.s32 v10, $0x0  }
0x2d9: {  	[tilespmem:v16+s4+$0x0] =	vst.idx.add.f32.msk $0xffff, v46;
	vm4 =	vgt.s32 v31, $0x0;
	vm7 =	vgt.s32 v8, $0x0;
	v61 =	vadd.s32 v48, v13  }
0x2da: {  	[tilespmem:v17+s4+$0x0] =	vst.idx.add.f32.msk $0xffff, v46;
	v17 =	vmin.u32 v2, $0x1F;
	v58 =	vmul.f32 $5.000000070e-02, v23;
	v21 =	vsel vm10, $0x0, v55  }
0x2db: {  	v12 =	vcvt.f32.s32 v12;
	v40 =	vnsel vm8, $0x0, v40;
	v11 =	vnsel vm9, $0x0, v11  }
0x2dc: {  	vm10 =	vgt.s32 v1, $0x0;
	vm11 =	vgt.s32 v6, $0x0;
	v7 =	vnsel vm14, $0x0, v7  }
0x2dd: {  	v10 =	vnsel vm15, $0x0, v10;
	v52 =	vnsel vm4, $0x0, v31;
	v8 =	vnsel vm7, $0x0, v8  }
0x2de: {  	vm8 =	vgt.s32 v9, $0x0;
	vm9 =	vgt.s32 v5, $0x0;
	vm15 =	vgt.s32 v59, $0x0  }
0x2df: {  	v34 =	vmin.u32 v36, $0x4;
	v1 =	vnsel vm10, $0x0, v1;
	v6 =	vnsel vm11, $0x0, v6  }
0x2e0: {  	v9 =	vnsel vm8, $0x0, v9;
	v5 =	vnsel vm9, $0x0, v5;
	vm10 =	vgt.s32 v4, $0x0  }
0x2e1: {  	v24 =	vld [tilespmem:s31+$0xFFFFFFD0];
	v32 =	vnsel vm15, $0x0, v59;
	v36 =	vmin.u32 v11, $0x4;
	v16 =	vmin.u32 v7, $0x1F  }
0x2e2: {  	v23 =	vld [tilespmem:s31+$0xFFFFFFC0];
	v41 =	vmin.u32 v10, $0x17;
	v13 =	vmin.u32 v52, $0x1F;
	v42 =	vmin.u32 v8, $0x17  }
0x2e3: {  	[tilespmem:v44+s4+$0x0] =	vst.idx.add.f32.msk $0xffff, v46;
	v39 =	vtrunc.f32 v58;
	vm5 =	vgt.s32 v12, $0x0;
	v4 =	vnsel vm10, $0x0, v4  }
0x2e4: {  	[tilespmem:v14+s4+$0x0] =	vst.idx.add.f32.msk $0xffff, v46;
	v58 =	vcvt.f32.s32 v35;
	v35 =	vmin.u32 v40, $0x4;
	v37 =	vmin.u32 v1, $0x4  }
0x2e5: {  	v15 =	vmin.u32 v6, $0x1F;
	[tilespmem:v28+s4+$0x0] =	vst.idx.add.f32.msk $0xffff, v46;
	v28 =	vmin.u32 v9, $0x1F;
	v43 =	vmin.u32 v5, $0x17  }
0x2e6: {  	v12 =	vnsel vm5, $0x0, v12;
	vm5 =	vgt.s32 v51, $0x0;
	v31 =	vcvt.f32.s32 v39  }
0x2e7: {  	v39 =	vmin.u32 v38, $0x4;
	v14 =	vmin.u32 v4, $0x1F;
	vm13 =	vgt.f32 v24, $0.0e+00  }
0x2e8: {  	v53 =	vnsel vm5, $0x0, v51;
	vm14 =	vgt.s32 v58, $0x0;
	v29 =	vmin.u32 v12, $0x4  }
0x2e9: {  	vm12 =	vgt.f32 v23, $0.0e+00;
	v24 =	vsel vm13, $0x0, v55;
	vm13 =	vgt.s32 v0, $0x0  }
0x2ea: {  	vm11 =	vgt.s32 v31, $0x0;
	v27 =	vnsel vm14, $0x0, v58;
	v44 =	vmin.u32 v53, $0x17  }
0x2eb: {  	v23 =	vsel vm12, $0x0, v55;
	vm12 =	vgt.s32 v3, $0x0;
	v0 =	vnsel vm13, $0x0, v0  }
0x2ec: {  	v30 =	vnsel vm11, $0x0, v31;
	vm13 =	vgt.s32 v33, $0x0;
	v3 =	vnsel vm12, $0x0, v3  }
0x2ed: {  	vm12 =	vgt.s32 v57, $0x0;
	v18 =	vnsel vm13, $0x0, v33;
	v33 =	vmin.u32 v50, $0x4  }
0x2ee: {  	s22 =	simm.s32 $0x0;
	s23 =	simm.s32 $0x17008;
	[tilespmem:v61+s4+$0x0] =	vst.idx.add.f32.msk $0xffff, v46;
	v38 =	vmin.u32 v0, $0x4;
	v31 =	vnsel vm12, $0x0, v57;
	v40 =	vmin.u32 v3, $0x17  }
.LBB2_7:
0x2ef: {  	v0 =	vld [tilespmem:s23+$0x0];
	v1 =	vmin.u32 v30, $0x17;
	v2 =	vmin.u32 v31, $0x1F;
	v3 =	vmin.u32 v18, $0x17  }
0x2f0: {  	v4 =	vld [tilespmem:s23+$0x80];
	v5 =	vmul.u32 $0x300, v39;
	v6 =	vmin.u32 v27, $0x1F;
	v7 =	vmin.u32 v32, $0x17  }
0x2f1: {  	v8 =	vld [tilespmem:s23+$0x10];
	v9 =	vmul.u32 $0x300, v29;
	v10 =	vmul.u32 $0x300, v33;
	v11 =	vmul.u32 $0x300, v34  }
0x2f2: {  	v12 =	vld [tilespmem:s23+$0x90];
	v27 =	vmul.u32 $0x300, v36;
	v29 =	vmul.u32 $0x300, v37;
	v31 =	vshll.u32 v40, $0x5  }
0x2f3: {  	v30 =	vld [tilespmem:s23+$0x20];
	v15 =	vor.u32 v19, v15;
	v19 =	vmul.u32 $0x300, v38;
	v40 =	vshll.u32 v41, $0x5  }
0x2f4: {  	v39 =	vld [tilespmem:s23+$0xA0];
	v16 =	vor.u32 v20, v16;
	v20 =	vshll.u32 v44, $0x5;
	v13 =	vor.u32 v21, v13  }
0x2f5: {  	v41 =	vld [tilespmem:s23+$0x30];
	v21 =	vshll.u32 v42, $0x5;
	v17 =	vor.u32 v22, v17;
	v42 =	vshll.u32 v43, $0x5  }
0x2f6: {  	v22 =	vld [tilespmem:s23+$0xB0];
	v23 =	vor.u32 v23, v28;
	v14 =	vor.u32 v24, v14;
	v1 =	vshll.u32 v1, $0x5  }
0x2f7: {  	v28 =	vld [tilespmem:s23+$0x40];
	v3 =	vshll.u32 v3, $0x5;
	v2 =	vor.u32 v25, v2;
	v15 =	vadd.s32 v31, v15  }
0x2f8: {  	v24 =	vld [tilespmem:s23+$0xC0];
	v7 =	vshll.u32 v7, $0x5;
	v6 =	vor.u32 v26, v6;
	v16 =	vadd.s32 v40, v16  }
0x2f9: {  	v43 =	vld [tilespmem:s23+$0x60];
	v13 =	vadd.s32 v20, v13;
	v17 =	vadd.s32 v21, v17;
	v21 =	vadd.s32 v42, v23  }
0x2fa: {  	v44 =	vld [tilespmem:s23+$0xE0];
	v1 =	vadd.s32 v1, v14;
	v2 =	vadd.s32 v3, v2;
	v5 =	vadd.s32 v5, v15  }
0x2fb: {  	v25 =	vld [tilespmem:s23+$0x50];
	v9 =	vadd.s32 v9, v16;
	v0 =	vmul.f32 $5.000000070e-02, v0;
	v4 =	vmul.f32 $5.000000070e-02, v4  }
0x2fc: {  	v20 =	vld [tilespmem:s23+$0xD0];
	v6 =	vadd.s32 v7, v6;
	v8 =	vmul.f32 $5.000000070e-02, v8;
	v45 =	vmul.f32 $5.000000070e-02, v12  }
0x2fd: {  	v26 =	vld [tilespmem:s23+$0xF0];
	v10 =	vadd.s32 v10, v13;
	v46 =	vmul.f32 $5.000000070e-02, v30;
	v23 =	vmul.f32 $5.000000070e-02, v39  }
0x2fe: {  	v11 =	vadd.s32 v11, v17;
	v31 =	vmul.f32 $5.000000070e-02, v41;
	v22 =	vmul.f32 $5.000000070e-02, v22  }
0x2ff: {  	v48 =	vld [tilespmem:s23+$0x100];
	v1 =	vadd.s32 v27, v1;
	v27 =	vmul.f32 $5.000000070e-02, v28;
	v24 =	vmul.f32 $5.000000070e-02, v24  }
0x300: {  	v49 =	vld [tilespmem:s23+$0x110];
	v2 =	vadd.s32 v29, v2;
	v3 =	vmul.f32 $5.000000070e-02, v43;
	v7 =	vmul.f32 $5.000000070e-02, v44  }
0x301: {  	v50 =	vld [tilespmem:s23+$0x120];
	v6 =	vadd.s32 v19, v6;
	v25 =	vmul.f32 $5.000000070e-02, v25;
	v20 =	vmul.f32 $5.000000070e-02, v20  }
0x302: {  	v51 =	vld [tilespmem:s23+$0x130];
	[tilespmem:$0x1FD30] =	vst v10;
	v29 =	vadd.s32 v62, v5;
	v19 =	vmul.f32 $5.000000070e-02, v26;
	v0 =	vtrunc.f32 v0  }
0x303: {  	v52 =	vld [tilespmem:s23+$0x140];
	[tilespmem:$0x1FD40] =	vst v11;
	v30 =	vadd.s32 v63, v9;
	v4 =	vtrunc.f32 v4;
	v8 =	vtrunc.f32 v8  }
0x304: {  	[tilespmem:$0x1FD70] =	vst v2;
	v2 =	vsub.f32 v48, v56;
	v10 =	vtrunc.f32 v45;
	v11 =	vtrunc.f32 v46  }
0x305: {  	[tilespmem:$0x1FD80] =	vst v6;
	v6 =	vsub.f32 v49, v56;
	v23 =	vtrunc.f32 v23;
	v26 =	vtrunc.f32 v31  }
0x306: {  	v5 =	vsub.f32 v50, v56;
	v28 =	vtrunc.f32 v22;
	v27 =	vtrunc.f32 v27  }
0x307: {  	v9 =	vsub.f32 v51, v56;
	v31 =	vtrunc.f32 v24;
	v3 =	vtrunc.f32 v3  }
0x308: {  	[tilespmem:$0x1FD60] =	vst v1;
	v1 =	vsub.f32 v52, v56;
	v7 =	vtrunc.f32 v7;
	v2 =	vmul.f32 v2, v54  }
0x309: {  	v6 =	vmul.f32 v6, v54;
	v5 =	vmul.f32 v5, v54  }
0x30a: {  	v47 =	vld [tilespmem:s23+$0x190];
	v9 =	vmul.f32 v9, v54;
	v1 =	vmul.f32 v1, v54  }
0x30b: {  	v53 =	vld [tilespmem:s23+$0x1A0];
	v33 =	vtrunc.f32 v25;
	v34 =	vtrunc.f32 v20  }
0x30c: {  	v18 =	vmul.u32 $0x300, v35;
	v57 =	vld [tilespmem:s23+$0x1C0];
	v58 =	vtrunc.f32 v19;
	v0 =	vcvt.f32.s32 v0  }
0x30d: {  	v59 =	vld [tilespmem:s23+$0x1D0];
	v4 =	vcvt.f32.s32 v4;
	v8 =	vcvt.f32.s32 v8  }
0x30e: {  	v60 =	vld [tilespmem:s23+$0x1E0];
	v13 =	vadd.s32 v18, v21;
	v10 =	vcvt.f32.s32 v10;
	v11 =	vcvt.f32.s32 v11  }
0x30f: {  	vm2 =	vgt.f32 v47, $0.0e+00;
	v44 =	vcvt.f32.s32 v23;
	v45 =	vcvt.f32.s32 v26  }
0x310: {  	v21 =	vld [tilespmem:s23+$0x180];
	vm3 =	vgt.f32 v53, $0.0e+00;
	v46 =	vcvt.f32.s32 v28;
	v47 =	vcvt.f32.s32 v27  }
0x311: {  	v12 =	vld [tilespmem:s23+$0x70];
	vm5 =	vgt.f32 v57, $0.0e+00;
	v48 =	vcvt.f32.s32 v31;
	v3 =	vcvt.f32.s32 v3  }
0x312: {  	vm6 =	vgt.f32 v59, $0.0e+00;
	v7 =	vcvt.f32.s32 v7;
	v49 =	vcvt.f32.s32 v33  }
0x313: {  	vm7 =	vgt.f32 v60, $0.0e+00;
	v50 =	vcvt.f32.s32 v34;
	v51 =	vcvt.f32.s32 v58  }
0x314: {  	v53 =	vsel vm2, $0x0, v55;
	v2 =	vtrunc.f32 v2;
	v6 =	vtrunc.f32 v6  }
0x315: {  	vm1 =	vgt.f32 v21, $0.0e+00;
	v5 =	vtrunc.f32 v5;
	v9 =	vtrunc.f32 v9  }
0x316: {  	v36 =	vld [tilespmem:s23+$0xFFFFFE80];
	v52 =	vsel vm1, $0x0, v55;
	v1 =	vtrunc.f32 v1;
	v12 =	vmul.f32 $5.000000070e-02, v12  }
0x317: {  	v21 =	vld [tilespmem:s23+$0x150];
	vm1 =	vgt.s32 v0, $0x0;
	vm2 =	vgt.s32 v4, $0x0;
	vm9 =	vgt.s32 v47, $0x0  }
0x318: {  	v22 =	vld [tilespmem:s23+$0x160];
	vm10 =	vgt.s32 v48, $0x0;
	v14 =	vcvt.f32.s32 v2;
	v17 =	vcvt.f32.s32 v6  }
0x319: {  	v24 =	vld [tilespmem:s23+$0x170];
	vm13 =	vgt.s32 v3, $0x0;
	v16 =	vcvt.f32.s32 v5;
	v15 =	vcvt.f32.s32 v9  }
0x31a: {  	v37 =	vld [tilespmem:s23+$0xFFFFFE90];
	vm14 =	vgt.s32 v7, $0x0;
	vm11 =	vgt.s32 v49, $0x0;
	vm12 =	vgt.s32 v50, $0x0  }
0x31b: {  	v38 =	vld [tilespmem:s23+$0xFFFFFE20];
	vm15 =	vgt.s32 v51, $0x0;
	v0 =	vnsel vm1, $0x0, v0;
	v4 =	vnsel vm2, $0x0, v4  }
0x31c: {  	v35 =	vld [tilespmem:s23+$0xFFFFFE30];
	v47 =	vnsel vm9, $0x0, v47;
	v48 =	vnsel vm10, $0x0, v48;
	v3 =	vnsel vm13, $0x0, v3  }
0x31d: {  	v18 =	vld [tilespmem:s23+$0xFFFFFFB0];
	v7 =	vnsel vm14, $0x0, v7;
	v20 =	vsub.f32 v21, v56;
	v12 =	vtrunc.f32 v12  }
0x31e: {  	v25 =	vld [tilespmem:s23+$0x1B0];
	v19 =	vsub.f32 v22, v56;
	v21 =	vsub.f32 v24, v56;
	v49 =	vnsel vm11, $0x0, v49  }
0x31f: {  	[tilespmem:$0x1FD50] =	vst v13;
	v13 =	vld [tilespmem:s23+$0xFFFFFF00];
	v50 =	vnsel vm12, $0x0, v50;
	v9 =	vmin.u32 v0, $0x1F;
	v4 =	vmin.u32 v4, $0x17  }
0x320: {  	v32 =	vld [tilespmem:s23+$0xFFFFFE50];
	v51 =	vnsel vm15, $0x0, v51;
	v47 =	vmin.u32 v47, $0x1F;
	v48 =	vmin.u32 v48, $0x17  }
0x321: {  	v28 =	vld [tilespmem:s23+$0xFFFFFE40];
	v3 =	vmin.u32 v3, $0x1F;
	v0 =	vmin.u32 v7, $0x17;
	vm1 =	vgt.s32 v17, $0x0  }
0x322: {  	v40 =	vld [tilespmem:s23+$0xFFFFFE60];
	vm2 =	vgt.s32 v16, $0x0;
	vm12 =	vgt.s32 v15, $0x0;
	v7 =	vimm.f32 $1.000000000e+00  }
0x323: {  	v39 =	vld [tilespmem:s23+$0xFFFFFEA0];
	vm11 =	vgt.f32 v18, $0.0e+00;
	vm4 =	vgt.f32 v25, $0.0e+00;
	v12 =	vcvt.f32.s32 v12  }
0x324: {  	[tilespmem:$0x1FD00] =	vst v13;
	v13 =	vld [tilespmem:s23+$0xFFFFFF10];
	v50 =	vmin.u32 v50, $0x17;
	v51 =	vmin.u32 v51, $0x17;
	v4 =	vshll.u32 v4, $0x5  }
0x325: {  	v41 =	vld [tilespmem:s23+$0xFFFFFEE0];
	v9 =	vor.u32 v52, v9;
	v0 =	vshll.u32 v0, $0x5;
	v17 =	vnsel vm1, $0x0, v17  }
0x326: {  	v23 =	vld [tilespmem:s23+$0xFFFFFF40];
	v16 =	vnsel vm2, $0x0, v16;
	v18 =	vmul.f32 $5.000000070e-02, v28;
	v28 =	vmul.f32 $5.000000070e-02, v32  }
0x327: {  	v24 =	vld [tilespmem:s23+$0x1F0];
	v15 =	vnsel vm12, $0x0, v15;
	v61 =	vmul.f32 v20, v54;
	v62 =	vmul.f32 v19, v54  }
0x328: {  	v22 =	vld [tilespmem:s23+$0xFFFFFFC0];
	v63 =	vmul.f32 v21, v54;
	v54 =	vsel vm3, $0x0, v55;
	vm3 =	vgt.s32 v8, $0x0  }
0x329: {  	[tilespmem:$0x1FD10] =	vst v13;
	v13 =	vld [tilespmem:s23+$0xFFFFFF20];
	v4 =	vadd.s32 v4, v9;
	v15 =	vmin.u32 v15, $0x4;
	vm0 =	vgt.s32 v12, $0x0  }
0x32a: {  	v26 =	vld [tilespmem:s23+$0xFFFFFF70];
	v8 =	vnsel vm3, $0x0, v8;
	v28 =	vtrunc.f32 v28;
	v42 =	vtrunc.f32 v61  }
0x32b: {  	v27 =	vld [tilespmem:s23+$0xFFFFFEB0];
	v43 =	vtrunc.f32 v62;
	v56 =	vtrunc.f32 v63;
	v5 =	vnsel vm0, $0x0, v12  }
0x32c: {  	v31 =	vld [tilespmem:s23+$0xFFFFFEC0];
	v8 =	vmin.u32 v8, $0x1F;
	vm8 =	vgt.f32 v24, $0.0e+00;
	v61 =	vcvt.f32.s32 v42  }
0x32d: {  	v34 =	vld [tilespmem:s23+$0xFFFFFE10];
	v62 =	vcvt.f32.s32 v43;
	v63 =	vcvt.f32.s32 v56;
	v5 =	vmin.u32 v5, $0x1F  }
0x32e: {  	v20 =	vld [tilespmem:s23+$0xFFFFFFA0];
	v8 =	vor.u32 v53, v8;
	vm12 =	vgt.f32 v22, $0.0e+00;
	[tilespmem:$0x1FD20] =	vst v13;
	v13 =	vimm.s32 $0xF00  }
0x32f: {  	v33 =	vld [tilespmem:s23+$0xFFFFFED0];
	v55 =	vsel vm4, $0x0, v13;
	v57 =	vsel vm5, $0x0, v13;
	v58 =	vsel vm6, $0x0, v13  }
0x330: {  	v25 =	vld [tilespmem:s23+$0xFFFFFF60];
	v59 =	vsel vm7, $0x0, v13;
	v60 =	vsel vm8, $0x0, v13;
	vm4 =	vgt.s32 v10, $0x0  }
0x331: {  	v21 =	vld [tilespmem:s23+$0xFFFFFF30];
	vm5 =	vgt.s32 v11, $0x0;
	vm6 =	vgt.s32 v44, $0x0;
	vm7 =	vgt.s32 v45, $0x0  }
0x332: {  	v19 =	vld [tilespmem:s23+$0xFFFFFFF0];
	vm8 =	vgt.s32 v46, $0x0;
	v13 =	vcvt.f32.s32 v1;
	vm14 =	vgt.s32 v61, $0x0  }
0x333: {  	v12 =	vld [tilespmem:s23+$0xFFFFFFD0];
	vm15 =	vgt.s32 v62, $0x0;
	vm0 =	vgt.s32 v63, $0x0;
	vm10 =	vgt.f32 v20, $0.0e+00  }
0x334: {  	v24 =	vld [tilespmem:s23+$0xFFFFFF50];
	v10 =	vnsel vm4, $0x0, v10;
	v11 =	vnsel vm5, $0x0, v11;
	v2 =	vnsel vm6, $0x0, v44  }
0x335: {  	v42 =	vld [tilespmem:s23+$0xFFFFFE70];
	v1 =	vnsel vm7, $0x0, v45;
	v46 =	vnsel vm8, $0x0, v46;
	vm4 =	vgt.s32 v14, $0x0  }
0x336: {  	v43 =	vld [tilespmem:s23+$0xFFFFFEF0];
	v3 =	vor.u32 v59, v3;
	v5 =	vor.u32 v60, v5;
	v59 =	vnsel vm0, $0x0, v63  }
0x337: {  	v56 =	vld [tilespmem:s23+$0xFFFFFE00];
	v10 =	vmin.u32 v10, $0x17;
	v11 =	vmin.u32 v11, $0x1F;
	v2 =	vmin.u32 v2, $0x17  }
0x338: {  	v44 =	vld [tilespmem:s23+$0xFFFFFF80];
	v6 =	vmin.u32 v1, $0x1F;
	v46 =	vmin.u32 v46, $0x17;
	v1 =	vmin.u32 v49, $0x1F  }
0x339: {  	v45 =	vld [tilespmem:s23+$0xFFFFFF90];
	vm13 =	vgt.s32 v13, $0x0;
	v14 =	vnsel vm4, $0x0, v14;
	v0 =	vadd.s32 v0, v3  }
0x33a: {  	v49 =	vld [tilespmem:s23+$0xFFFFFFE0];
	v9 =	vmin.u32 v59, $0x4;
	v10 =	vshll.u32 v10, $0x5;
	v2 =	vshll.u32 v2, $0x5  }
0x33b: {  	[tilespmem:v29+s4+$0x0] =	vst.idx.add.f32.msk $0xffff, v7;
	v11 =	vor.u32 v54, v11;
	v29 =	vshll.u32 v46, $0x5;
	v6 =	vor.u32 v55, v6  }
0x33c: {  	[tilespmem:v30+s4+$0x0] =	vst.idx.add.f32.msk $0xffff, v7;
	v55 =	vimm.s32 $0xF00;
	v30 =	vshll.u32 v48, $0x5;
	v46 =	vor.u32 v57, v47  }
0x33d: {  	v47 =	vshll.u32 v50, $0x5;
	v1 =	vor.u32 v58, v1;
	v48 =	vshll.u32 v51, $0x5  }
0x33e: {  	v13 =	vnsel vm13, $0x0, v13;
	v57 =	vnsel vm14, $0x0, v61;
	v58 =	vnsel vm15, $0x0, v62  }
0x33f: {  	v61 =	vmin.u32 v14, $0x4;
	v14 =	vmin.u32 v16, $0x4;
	v9 =	vmul.u32 $0x300, v9  }
0x340: {  	vm13 =	vgt.f32 v12, $0.0e+00;
	v12 =	vmul.f32 $5.000000070e-02, v40;
	vm15 =	vgt.f32 v19, $0.0e+00  }
0x341: {  	v8 =	vadd.s32 v10, v8;
	v2 =	vadd.s32 v2, v11;
	v6 =	vadd.s32 v29, v6  }
0x342: {  	v10 =	vadd.s32 v30, v46;
	v1 =	vadd.s32 v47, v1;
	v3 =	vadd.s32 v48, v5  }
0x343: {  	v46 =	vmin.u32 v17, $0x4;
	v5 =	vmul.u32 $0x300, v61;
	v13 =	vmin.u32 v13, $0x4  }
0x344: {  	v53 =	vld [tilespmem:$0x1FFF0];
	v16 =	vmin.u32 v57, $0x4;
	v17 =	vmin.u32 v58, $0x4;
	v57 =	vmul.u32 $0x300, v14  }
0x345: {  	v63 =	vld [tilespmem:$0x1FF90];
	v58 =	vmul.u32 $0x300, v15;
	v29 =	vmul.f32 $5.000000070e-02, v33;
	v30 =	vmul.f32 $5.000000070e-02, v41  }
0x346: {  	v62 =	vld [tilespmem:$0x1FF80];
	v22 =	vsel vm11, $0x0, v55;
	v11 =	vmul.u32 $0x300, v46;
	v59 =	vmul.u32 $0x300, v13  }
0x347: {  	v47 =	vld [tilespmem:$0x1FFA0];
	v60 =	vmul.u32 $0x300, v16;
	v61 =	vmul.u32 $0x300, v17;
	v3 =	vadd.s32 v9, v3  }
0x348: {  	v9 =	vmul.f32 $5.000000070e-02, v34;
	v13 =	vld [tilespmem:$0x1FD20];
	v12 =	vtrunc.f32 v12;
	v4 =	vadd.s32 v5, v4  }
0x349: {  	v2 =	vadd.s32 v57, v2;
	v8 =	vadd.s32 v11, v8;
	v11 =	vmul.f32 $5.000000070e-02, v56;
	v56 =	vld [tilespmem:$0x1FF30]  }
0x34a: {  	v48 =	vld [tilespmem:$0x1FFB0];
	v6 =	vadd.s32 v58, v6;
	v3 =	vadd.s32 v53, v3;
	v58 =	vmul.f32 $5.000000070e-02, v38  }
0x34b: {  	v54 =	vld [tilespmem:$0x1FF20];
	vm1 =	vgt.f32 v44, $0.0e+00;
	vm9 =	vgt.f32 v45, $0.0e+00;
	v29 =	vtrunc.f32 v29  }
0x34c: {  	v30 =	vtrunc.f32 v30;
	v12 =	vcvt.f32.s32 v12;
	v5 =	vadd.s32 v59, v10  }
0x34d: {  	v52 =	vld [tilespmem:$0x1FFE0];
	v59 =	vmul.f32 $5.000000070e-02, v39;
	v4 =	vadd.s32 v62, v4;
	v8 =	vadd.s32 v63, v8  }
0x34e: {  	v50 =	vld [tilespmem:$0x1FFC0];
	v2 =	vadd.s32 v47, v2;
	v13 =	vsub.f32 v13, v56;
	v14 =	vsub.f32 v21, v56  }
0x34f: {  	v57 =	vld [tilespmem:$0x1FD10];
	v6 =	vadd.s32 v48, v6;
	v15 =	vsub.f32 v23, v56;
	v16 =	vsub.f32 v24, v56  }
0x350: {  	v51 =	vld [tilespmem:$0x1FFD0];
	v17 =	vsub.f32 v25, v56;
	v44 =	vmul.f32 v13, v54;
	v45 =	vmul.f32 v14, v54  }
0x351: {  	v46 =	vld [tilespmem:$0x1FD00];
	v21 =	vsub.f32 v26, v56;
	v13 =	vmul.f32 v15, v54;
	v14 =	vmul.f32 v16, v54  }
0x352: {  	v1 =	vadd.s32 v60, v1;
	[tilespmem:v4+s4+$0x0] =	vst.idx.add.f32.msk $0xffff, v7;
	v15 =	vmul.f32 v17, v54;
	v16 =	vmul.f32 $5.000000070e-02, v27  }
0x353: {  	v5 =	vadd.s32 v50, v5;
	[tilespmem:v8+s4+$0x0] =	vst.idx.add.f32.msk $0xffff, v7;
	v17 =	vmul.f32 v21, v54;
	v27 =	vmul.f32 $5.000000070e-02, v31  }
0x354: {  	v10 =	vsub.f32 v57, v56;
	[tilespmem:v2+s4+$0x0] =	vst.idx.add.f32.msk $0xffff, v7;
	v57 =	vtrunc.f32 v13;
	v13 =	vtrunc.f32 v14  }
0x355: {  	v1 =	vadd.s32 v51, v1;
	[tilespmem:v6+s4+$0x0] =	vst.idx.add.f32.msk $0xffff, v7;
	v14 =	vtrunc.f32 v15;
	v15 =	vtrunc.f32 v17  }
0x356: {  	v0 =	vadd.s32 v61, v0;
	v17 =	vtrunc.f32 v18;
	v18 =	vtrunc.f32 v27;
	v27 =	vld [tilespmem:$0x1FD30]  }
0x357: {  	v61 =	vmul.f32 $5.000000070e-02, v35;
	v8 =	vsub.f32 v46, v56;
	v6 =	vtrunc.f32 v58;
	v58 =	vld [tilespmem:$0x1FD40]  }
0x358: {  	vm14 =	vgt.f32 v49, $0.0e+00;
	v0 =	vadd.s32 v52, v0;
	v11 =	vtrunc.f32 v11;
	[tilespmem:v5+s4+$0x0] =	vst.idx.add.f32.msk $0xffff, v7  }
0x359: {  	v20 =	vsel vm9, $0x0, v55;
	v60 =	vmul.f32 v8, v54;
	v5 =	vtrunc.f32 v59;
	v59 =	vld [tilespmem:$0x1FD50]  }
0x35a: {  	v11 =	vcvt.f32.s32 v11;
	v23 =	vsel vm12, $0x0, v55;
	v24 =	vsel vm13, $0x0, v55;
	[tilespmem:v1+s4+$0x0] =	vst.idx.add.f32.msk $0xffff, v7  }
0x35b: {  	v39 =	vmul.f32 v10, v54;
	v1 =	vtrunc.f32 v60;
	v60 =	vld [tilespmem:$0x1FD60];
	v27 =	vadd.s32 v47, v27  }
0x35c: {  	v25 =	vsel vm14, $0x0, v55;
	v8 =	vtrunc.f32 v61;
	v61 =	vld [tilespmem:$0x1FD70];
	v33 =	vadd.s32 v48, v58  }
0x35d: {  	v26 =	vsel vm15, $0x0, v55;
	v4 =	vmul.f32 $5.000000070e-02, v36;
	[tilespmem:v0+s4+$0x0] =	vst.idx.add.f32.msk $0xffff, v7;
	v0 =	vtrunc.f32 v39  }
0x35e: {  	v41 =	vld [tilespmem:$0x1FD80];
	v49 =	vtrunc.f32 v44;
	v0 =	vcvt.f32.s32 v0;
	v34 =	vadd.s32 v50, v59  }
0x35f: {  	vm15 =	vgt.s32 v11, $0x0;
	v31 =	vmul.f32 $5.000000070e-02, v42;
	v40 =	vcvt.f32.s32 v49;
	[tilespmem:v3+s4+$0x0] =	vst.idx.add.f32.msk $0xffff, v7  }
0x360: {  	vm8 =	vgt.s32 v0, $0x0;
	v35 =	vadd.s32 v51, v60;
	[tilespmem:v27+s4+$0x0] =	vst.idx.add.f32.msk $0xffff, v7;
	v27 =	vimm.s32 $0x0  }
0x361: {  	vm9 =	vgt.s32 v40, $0x0;
	v3 =	vtrunc.f32 v45;
	[tilespmem:v33+s4+$0x0] =	vst.idx.add.f32.msk $0xffff, v7;
	v27 =	vsel vm8, $0xFFFFFFFF, v27  }
0x362: {  	v36 =	vadd.s32 v52, v61;
	v3 =	vcvt.f32.s32 v3;
	[tilespmem:$0x1FD90] =	vst v27;
	v27 =	vimm.s32 $0x0  }
0x363: {  	v46 =	vmul.f32 $5.000000070e-02, v43;
	v21 =	vsel vm10, $0x0, v55;
	[tilespmem:v34+s4+$0x0] =	vst.idx.add.f32.msk $0xffff, v7;
	v27 =	vsel vm9, $0xFFFFFFFF, v27  }
0x364: {  	v10 =	vcvt.f32.s32 v57;
	vm10 =	vgt.s32 v3, $0x0;
	[tilespmem:$0x1FDA0] =	vst v27;
	v27 =	vimm.s32 $0x0  }
0x365: {  	v2 =	vmul.f32 $5.000000070e-02, v37;
	v37 =	vadd.s32 v53, v41;
	[tilespmem:v35+s4+$0x0] =	vst.idx.add.f32.msk $0xffff, v7;
	v27 =	vsel vm10, $0xFFFFFFFF, v27  }
0x366: {  	v32 =	vtrunc.f32 v46;
	vm11 =	vgt.s32 v10, $0x0;
	v46 =	vld [tilespmem:$0x1FD90];
	[tilespmem:$0x1FDB0] =	vst v27;
	v27 =	vimm.s32 $0x0  }
0x367: {  	v13 =	vcvt.f32.s32 v13;
	v14 =	vcvt.f32.s32 v14;
	[tilespmem:v36+s4+$0x0] =	vst.idx.add.f32.msk $0xffff, v7;
	v27 =	vsel vm11, $0xFFFFFFFF, v27  }
0x368: {  	v42 =	vimm.s32 $0x0;
	v15 =	vcvt.f32.s32 v15;
	v49 =	vld [tilespmem:$0x1FDA0];
	[tilespmem:$0x1FDC0] =	vst v27;
	v27 =	vcvt.f32.s32 v28  }
0x369: {  	vm12 =	vgt.s32 v13, $0x0;
	v28 =	vcvt.f32.s32 v29;
	v29 =	vcvt.f32.s32 v30;
	v30 =	vld [tilespmem:$0x1FDB0]  }
0x36a: {  	v43 =	vimm.s32 $0x0;
	vm13 =	vgt.s32 v14, $0x0;
	[tilespmem:v37+s4+$0x0] =	vst.idx.add.f32.msk $0xffff, v7;
	v7 =	vsel vm12, $0xFFFFFFFF, v42  }
0x36b: {  	v44 =	vimm.s32 $0x0;
	vm14 =	vgt.s32 v15, $0x0;
	[tilespmem:$0x1FDD0] =	vst v7;
	v7 =	vsel vm13, $0xFFFFFFFF, v43  }
0x36c: {  	v45 =	vimm.s32 $0x0;
	[tilespmem:$0x1FDE0] =	vst v7;
	v7 =	vsel vm14, $0xFFFFFFFF, v44;
	vm9 =	vnez.u8 v46  }
0x36d: {  	[tilespmem:$0x1FE00] =	vst v7;
	v7 =	vsel vm15, $0xFFFFFFFF, v45;
	v0 =	vnsel vm9, $0x0, v0;
	vm9 =	vnez.u8 v49  }
0x36e: {  	v9 =	vtrunc.f32 v9;
	[tilespmem:$0x1FDF0] =	vst v7;
	v7 =	vnsel vm9, $0x0, v40;
	vm9 =	vnez.u8 v30;
	v30 =	vld [tilespmem:$0x1FDC0]  }
0x36f: {  	v9 =	vcvt.f32.s32 v9;
	v4 =	vtrunc.f32 v4  }
0x370: {  	v16 =	vtrunc.f32 v16;
	v31 =	vtrunc.f32 v31  }
0x371: {  	v19 =	vsel vm1, $0x0, v55;
	v4 =	vcvt.f32.s32 v4;
	v2 =	vtrunc.f32 v2  }
0x372: {  	vm5 =	vgt.s32 v12, $0x0;
	v6 =	vcvt.f32.s32 v6;
	v8 =	vcvt.f32.s32 v8  }
0x373: {  	v16 =	vcvt.f32.s32 v16;
	v3 =	vnsel vm9, $0x0, v3;
	vm9 =	vnez.u8 v30;
	v30 =	vld [tilespmem:$0x1FDD0]  }
0x374: {  	vm0 =	vgt.s32 v9, $0x0;
	v17 =	vcvt.f32.s32 v17;
	v1 =	vcvt.f32.s32 v1  }
0x375: {  	v9 =	vnsel vm0, $0x0, v9;
	v18 =	vcvt.f32.s32 v18;
	v32 =	vcvt.f32.s32 v32  }
0x376: {  	v2 =	vcvt.f32.s32 v2;
	v5 =	vcvt.f32.s32 v5;
	vm7 =	vgt.s32 v1, $0x0  }
0x377: {  	vm1 =	vgt.s32 v17, $0x0;
	vm2 =	vgt.s32 v18, $0x0;
	v1 =	vnsel vm7, $0x0, v1  }
0x378: {  	v59 =	vnsel vm1, $0x0, v17;
	v10 =	vnsel vm9, $0x0, v10;
	vm9 =	vnez.u8 v30;
	v30 =	vld [tilespmem:$0x1FDE0]  }
0x379: {  	v60 =	vnsel vm2, $0x0, v18;
	v33 =	vcvt.f32.s32 v31;
	vm8 =	vgt.s32 v32, $0x0  }
0x37a: {  	v39 =	vmin.u32 v1, $0x4;
	v31 =	vnsel vm5, $0x0, v12;
	v32 =	vnsel vm8, $0x0, v32  }
0x37b: {  	vm7 =	vgt.s32 v33, $0x0;
	vm10 =	vgt.s32 v4, $0x0;
	vm12 =	vgt.s32 v6, $0x0  }
0x37c: {  	vm13 =	vgt.s32 v5, $0x0;
	v4 =	vnsel vm10, $0x0, v4;
	v6 =	vnsel vm12, $0x0, v6  }
0x37d: {  	v43 =	vmin.u32 v60, $0x17;
	v13 =	vnsel vm9, $0x0, v13;
	vm9 =	vnez.u8 v30;
	v30 =	vld [tilespmem:$0x1FDF0]  }
0x37e: {  	vm11 =	vgt.s32 v2, $0x0;
	vm14 =	vgt.s32 v8, $0x0;
	v5 =	vnsel vm13, $0x0, v5  }
0x37f: {  	vm15 =	vgt.s32 v16, $0x0;
	v2 =	vnsel vm11, $0x0, v2;
	v8 =	vnsel vm14, $0x0, v8  }
0x380: {  	v44 =	vmin.u32 v5, $0x17;
	v58 =	vnsel vm15, $0x0, v16;
	v16 =	vmin.u32 v9, $0x1F  }
0x381: {  	v41 =	vmin.u32 v2, $0x17;
	v17 =	vmin.u32 v8, $0x1F;
	vm3 =	vgt.s32 v27, $0x0  }
0x382: {  	vm4 =	vgt.s32 v28, $0x0;
	v14 =	vnsel vm9, $0x0, v14;
	vm9 =	vnez.u8 v30;
	v30 =	vld [tilespmem:$0x1FE00]  }
0x383: {  	s22 =	sadd.s32 $0x2, s22;
	vm6 =	vgt.s32 v29, $0x0;
	v42 =	vmin.u32 v58, $0x17;
	v61 =	vnsel vm3, $0x0, v27  }
0x384: {  	p1 =	slt.u32 s22, $0x3A;
	v18 =	vnsel vm6, $0x0, v29;
	v27 =	vnsel vm7, $0x0, v33;
	v29 =	vmin.u32 v0, $0x4  }
.Ltmp2:
0x385: {  	v40 =	vmin.u32 v4, $0x17;
	v33 =	vmin.u32 v7, $0x4;
	v34 =	vmin.u32 v3, $0x4;
	(pc) =	sbr.rel @p1 .LBB2_7-.Ltmp2, $4  }
0x386: {  	v35 =	vmin.u32 v10, $0x4;
	v36 =	vmin.u32 v13, $0x4;
	v13 =	vmin.u32 v6, $0x1F  }
0x387: {  	v37 =	vmin.u32 v14, $0x4;
	v11 =	vnsel vm9, $0x0, v11;
	vm9 =	vnez.u8 v30  }
0x388: {  	v14 =	vmin.u32 v61, $0x1F;
	v30 =	vnsel vm4, $0x0, v28;
	v57 =	vnsel vm9, $0x0, v15  }
0x389: {  	s23 =	sadd.s32 $0x400, s23;
	v28 =	vmin.u32 v59, $0x1F;
	v15 =	vmin.u32 v11, $0x1F;
	v38 =	vmin.u32 v57, $0x4  }
0x38a: {  	v0 =	vmin.u32 v30, $0x17  }
0x38b: {  	v1 =	vmin.u32 v31, $0x1F;
	v2 =	vmin.u32 v18, $0x17;
	v3 =	vmul.u32 $0x300, v39  }
0x38c: {  	v4 =	vmin.u32 v27, $0x1F;
	v5 =	vmin.u32 v32, $0x17;
	v6 =	vmul.u32 $0x300, v29  }
0x38d: {  	v7 =	vmul.u32 $0x300, v33;
	v8 =	vmul.u32 $0x300, v34;
	v9 =	vmul.u32 $0x300, v35  }
0x38e: {  	v10 =	vmul.u32 $0x300, v36;
	v11 =	vmul.u32 $0x300, v37;
	v12 =	vshll.u32 v40, $0x5  }
0x38f: {  	v15 =	vor.u32 v19, v15;
	v57 =	vmul.u32 $0x300, v38;
	v58 =	vshll.u32 v41, $0x5  }
0x390: {  	v16 =	vor.u32 v20, v16;
	v59 =	vshll.u32 v44, $0x5;
	v13 =	vor.u32 v21, v13  }
0x391: {  	v60 =	vshll.u32 v42, $0x5;
	v17 =	vor.u32 v22, v17;
	v61 =	vshll.u32 v43, $0x5  }
0x392: {  	v23 =	vor.u32 v23, v28;
	v14 =	vor.u32 v24, v14;
	v29 =	vimm.f32 $1.000000000e+00  }
0x393: {  	v0 =	vshll.u32 v0, $0x5;
	v2 =	vshll.u32 v2, $0x5;
	v1 =	vor.u32 v25, v1  }
0x394: {  	v12 =	vadd.s32 v12, v15;
	v5 =	vshll.u32 v5, $0x5;
	v4 =	vor.u32 v26, v4  }
0x395: {  	v25 =	vadd.s32 v58, v16;
	v13 =	vadd.s32 v59, v13;
	v3 =	vadd.s32 v3, v12  }
0x396: {  	v26 =	vadd.s32 v60, v17;
	v6 =	vadd.s32 v6, v25;
	v3 =	vadd.s32 v62, v3  }
0x397: {  	v27 =	vadd.s32 v61, v23;
	v7 =	vadd.s32 v7, v13;
	v6 =	vadd.s32 v63, v6  }
0x398: {  	v0 =	vadd.s32 v0, v14;
	v8 =	vadd.s32 v8, v26;
	v7 =	vadd.s32 v47, v7  }
0x399: {  	v1 =	vadd.s32 v2, v1;
	v28 =	vadd.s32 v9, v27;
	v8 =	vadd.s32 v48, v8  }
0x39a: {  	v4 =	vadd.s32 v5, v4;
	v0 =	vadd.s32 v10, v0;
	v2 =	vadd.s32 v50, v28  }
0x39b: {  	v1 =	vadd.s32 v11, v1;
	v0 =	vadd.s32 v51, v0;
	[tilespmem:v3+s4+$0x0] =	vst.idx.add.f32.msk $0xffff, v29  }
0x39c: {  	v1 =	vadd.s32 v52, v1;
	v3 =	vadd.s32 v57, v4;
	[tilespmem:v6+s4+$0x0] =	vst.idx.add.f32.msk $0xffff, v29  }
0x39d: {  	v3 =	vadd.s32 v53, v3;
	[tilespmem:v7+s4+$0x0] =	vst.idx.add.f32.msk $0xffff, v29  }
0x39e: {  	[tilespmem:v8+s4+$0x0] =	vst.idx.add.f32.msk $0xffff, v29  }
0x39f: {  	[tilespmem:v2+s4+$0x0] =	vst.idx.add.f32.msk $0xffff, v29  }
0x3a0: {  	[tilespmem:v0+s4+$0x0] =	vst.idx.add.f32.msk $0xffff, v29  }
0x3a1: {  	[tilespmem:v1+s4+$0x0] =	vst.idx.add.f32.msk $0xffff, v29  }
0x3a2: {  	[tilespmem:v3+s4+$0x0] =	vst.idx.add.f32.msk $0xffff, v29  }
0x3a3: {  	v0 =	vld [tilespmem:$0x1E208]  }
0x3a4: {  	v1 =	vld [tilespmem:$0x1E308]  }
0x3a5: {  	v2 =	vld [tilespmem:$0x1E288]  }
0x3a6: {  	v3 =	vld [tilespmem:$0x1E218]  }
0x3a7: {  	v6 =	vld [tilespmem:$0x1E298]  }
0x3a8: {  	v46 =	vld [tilespmem:$0x1E278]  }
0x3a9: {  	v4 =	vld [tilespmem:$0x1E318]  }
0x3aa: {  	v7 =	vld [tilespmem:$0x1E398]  }
0x3ab: {  	v5 =	vld [tilespmem:$0x1E388];
	v0 =	vmul.f32 $5.000000070e-02, v0  }
0x3ac: {  	v1 =	vsub.f32 v1, v56;
	v2 =	vmul.f32 $5.000000070e-02, v2;
	v3 =	vmul.f32 $5.000000070e-02, v3  }
0x3ad: {  	v6 =	vmul.f32 $5.000000070e-02, v6;
	v10 =	vmul.f32 $5.000000070e-02, v46  }
0x3ae: {  	v4 =	vsub.f32 v4, v56;
	v0 =	vtrunc.f32 v0;
	v1 =	vmul.f32 v1, v54  }
0x3af: {  	vm15 =	vgt.f32 v7, $0.0e+00;
	v7 =	vld [tilespmem:$0x1E3A8];
	v2 =	vtrunc.f32 v2;
	v3 =	vtrunc.f32 v3  }
0x3b0: {  	vm12 =	vgt.f32 v5, $0.0e+00;
	v4 =	vmul.f32 v4, v54;
	v0 =	vcvt.f32.s32 v0  }
0x3b1: {  	v5 =	vsel vm12, $0x0, v55;
	v2 =	vcvt.f32.s32 v2;
	v3 =	vcvt.f32.s32 v3  }
0x3b2: {  	v1 =	vtrunc.f32 v1;
	v4 =	vtrunc.f32 v4;
	vm0 =	vgt.s32 v0, $0x0  }
0x3b3: {  	v1 =	vcvt.f32.s32 v1;
	vm10 =	vgt.s32 v2, $0x0;
	v4 =	vcvt.f32.s32 v4  }
0x3b4: {  	vm13 =	vgt.s32 v3, $0x0;
	vm7 =	vgt.f32 v7, $0.0e+00;
	v0 =	vnsel vm0, $0x0, v0  }
0x3b5: {  	v7 =	vld [tilespmem:$0x1E3B8];
	v2 =	vnsel vm10, $0x0, v2;
	v3 =	vnsel vm13, $0x0, v3;
	v0 =	vmin.u32 v0, $0x1F  }
0x3b6: {  	vm11 =	vgt.s32 v1, $0x0;
	v2 =	vmin.u32 v2, $0x17;
	vm1 =	vgt.s32 v4, $0x0  }
0x3b7: {  	v31 =	vld [tilespmem:$0x1E2A8];
	v1 =	vnsel vm11, $0x0, v1;
	v0 =	vor.u32 v5, v0;
	v5 =	vtrunc.f32 v6  }
0x3b8: {  	v3 =	vmin.u32 v3, $0x1F;
	v6 =	vld [tilespmem:$0x1E228];
	v1 =	vmin.u32 v1, $0x4;
	v30 =	vcvt.f32.s32 v5  }
0x3b9: {  	v2 =	vshll.u32 v2, $0x5;
	v33 =	vnsel vm1, $0x0, v4;
	v5 =	vld [tilespmem:$0x1E328];
	v1 =	vmul.u32 $0x300, v1  }
0x3ba: {  	v0 =	vadd.s32 v2, v0;
	vm11 =	vgt.f32 v7, $0.0e+00;
	vm14 =	vgt.s32 v30, $0x0  }
0x3bb: {  	v7 =	vsel vm11, $0x0, v55;
	v0 =	vadd.s32 v1, v0;
	v2 =	vnsel vm14, $0x0, v30  }
0x3bc: {  	v40 =	vld [tilespmem:$0x1E3C8];
	v1 =	vmul.f32 $5.000000070e-02, v31;
	v32 =	vadd.s32 v62, v0;
	v2 =	vmin.u32 v2, $0x17  }
0x3bd: {  	v0 =	vmin.u32 v33, $0x4;
	v4 =	vmul.f32 $5.000000070e-02, v6;
	v6 =	vsel vm15, $0x0, v55  }
0x3be: {  	v5 =	vsub.f32 v5, v56;
	v0 =	vmul.u32 $0x300, v0;
	v2 =	vshll.u32 v2, $0x5  }
0x3bf: {  	v3 =	vor.u32 v6, v3;
	v1 =	vtrunc.f32 v1;
	v6 =	vld [tilespmem:$0x1E238];
	v4 =	vtrunc.f32 v4  }
0x3c0: {  	v43 =	vld [tilespmem:$0x1E3D8];
	v2 =	vadd.s32 v2, v3;
	v1 =	vcvt.f32.s32 v1;
	v5 =	vmul.f32 v5, v54  }
0x3c1: {  	vm15 =	vgt.f32 v40, $0.0e+00;
	v4 =	vcvt.f32.s32 v4;
	v0 =	vadd.s32 v0, v2  }
0x3c2: {  	v35 =	vadd.s32 v63, v0;
	vm5 =	vgt.s32 v1, $0x0;
	v3 =	vtrunc.f32 v5;
	v5 =	vld [tilespmem:$0x1E338]  }
0x3c3: {  	vm4 =	vgt.s32 v4, $0x0;
	v1 =	vnsel vm5, $0x0, v1;
	v34 =	vcvt.f32.s32 v3;
	v3 =	vld [tilespmem:$0x1E2B8]  }
0x3c4: {  	v36 =	vnsel vm4, $0x0, v4;
	v1 =	vmin.u32 v1, $0x17;
	v4 =	vmul.f32 $5.000000070e-02, v6  }
0x3c5: {  	v6 =	vsel vm7, $0x0, v55;
	vm7 =	vgt.f32 v43, $0.0e+00;
	v0 =	vmin.u32 v36, $0x1F  }
0x3c6: {  	v1 =	vshll.u32 v1, $0x5;
	vm6 =	vgt.s32 v34, $0x0;
	v4 =	vtrunc.f32 v4  }
0x3c7: {  	v0 =	vor.u32 v6, v0;
	v2 =	vnsel vm6, $0x0, v34;
	v4 =	vcvt.f32.s32 v4  }
0x3c8: {  	v6 =	vld [tilespmem:$0x1E2C8];
	v2 =	vmin.u32 v2, $0x4;
	v5 =	vsub.f32 v5, v56;
	v3 =	vmul.f32 $5.000000070e-02, v3  }
0x3c9: {  	v37 =	vld [tilespmem:$0x1E348];
	v9 =	vsel vm7, $0x0, v55;
	v2 =	vmul.u32 $0x300, v2;
	vm8 =	vgt.s32 v4, $0x0  }
0x3ca: {  	v8 =	vld [tilespmem:$0x1E248];
	v5 =	vmul.f32 v5, v54;
	v38 =	vnsel vm8, $0x0, v4;
	v3 =	vtrunc.f32 v3  }
0x3cb: {  	v59 =	vld [tilespmem:$0x1E3F8];
	v0 =	vadd.s32 v1, v0;
	v1 =	vmin.u32 v38, $0x1F;
	v3 =	vcvt.f32.s32 v3  }
0x3cc: {  	v0 =	vadd.s32 v2, v0;
	v5 =	vtrunc.f32 v5;
	v1 =	vor.u32 v7, v1  }
0x3cd: {  	v4 =	vcvt.f32.s32 v5;
	v5 =	vmul.f32 $5.000000070e-02, v6;
	vm9 =	vgt.s32 v3, $0x0  }
0x3ce: {  	v7 =	vld [tilespmem:$0x1E358];
	v0 =	vadd.s32 v47, v0;
	v6 =	vsub.f32 v37, v56;
	v39 =	vnsel vm9, $0x0, v3  }
0x3cf: {  	vm10 =	vgt.s32 v4, $0x0;
	v3 =	vmul.f32 $5.000000070e-02, v8;
	v5 =	vtrunc.f32 v5  }
0x3d0: {  	v6 =	vmul.f32 v6, v54;
	v8 =	vsel vm15, $0x0, v55;
	vm15 =	vgt.f32 v59, $0.0e+00  }
0x3d1: {  	v2 =	vmin.u32 v39, $0x17;
	v4 =	vnsel vm10, $0x0, v4;
	v5 =	vcvt.f32.s32 v5  }
0x3d2: {  	v41 =	vld [tilespmem:$0x1E258];
	v61 =	vsel vm15, $0x0, v55;
	v3 =	vtrunc.f32 v3;
	v4 =	vmin.u32 v4, $0x4  }
0x3d3: {  	v2 =	vshll.u32 v2, $0x5;
	v42 =	vtrunc.f32 v6;
	v7 =	vsub.f32 v7, v56  }
0x3d4: {  	v3 =	vcvt.f32.s32 v3;
	v4 =	vmul.u32 $0x300, v4;
	v1 =	vadd.s32 v2, v1  }
0x3d5: {  	v6 =	vld [tilespmem:$0x1E2D8];
	vm13 =	vgt.s32 v5, $0x0;
	v2 =	vcvt.f32.s32 v42;
	v7 =	vmul.f32 v7, v54  }
0x3d6: {  	vm12 =	vgt.s32 v3, $0x0;
	v1 =	vadd.s32 v4, v1;
	v4 =	vnsel vm13, $0x0, v5  }
0x3d7: {  	v45 =	vld [tilespmem:$0x1E368];
	vm14 =	vgt.s32 v2, $0x0;
	v5 =	vmul.f32 $5.000000070e-02, v41;
	v3 =	vnsel vm12, $0x0, v3  }
0x3d8: {  	v4 =	vmin.u32 v4, $0x17;
	v2 =	vnsel vm14, $0x0, v2;
	v7 =	vtrunc.f32 v7  }
0x3d9: {  	v1 =	vadd.s32 v48, v1;
	v3 =	vmin.u32 v3, $0x1F;
	v2 =	vmin.u32 v2, $0x4  }
0x3da: {  	v6 =	vmul.f32 $5.000000070e-02, v6;
	v5 =	vtrunc.f32 v5;
	v4 =	vshll.u32 v4, $0x5  }
0x3db: {  	v44 =	vld [tilespmem:$0x1E268];
	v7 =	vcvt.f32.s32 v7;
	v2 =	vmul.u32 $0x300, v2;
	v5 =	vcvt.f32.s32 v5  }
0x3dc: {  	v49 =	vld [tilespmem:$0x1E378];
	v3 =	vor.u32 v8, v3;
	v8 =	vsub.f32 v45, v56;
	v6 =	vtrunc.f32 v6  }
0x3dd: {  	v3 =	vadd.s32 v4, v3;
	v6 =	vcvt.f32.s32 v6;
	vm4 =	vgt.s32 v5, $0x0  }
0x3de: {  	vm6 =	vgt.s32 v7, $0x0;
	v2 =	vadd.s32 v2, v3;
	v4 =	vnsel vm4, $0x0, v5;
	v5 =	vld [tilespmem:$0x1E2E8]  }
0x3df: {  	v8 =	vmul.f32 v8, v54;
	vm5 =	vgt.s32 v6, $0x0;
	v4 =	vmin.u32 v4, $0x1F  }
0x3e0: {  	v3 =	vnsel vm5, $0x0, v6;
	v6 =	vnsel vm6, $0x0, v7;
	v7 =	vmul.f32 $5.000000070e-02, v44  }
0x3e1: {  	v4 =	vor.u32 v9, v4;
	v9 =	vsub.f32 v49, v56;
	v6 =	vmin.u32 v6, $0x4  }
0x3e2: {  	v57 =	vld [tilespmem:$0x1E2F8];
	v3 =	vmin.u32 v3, $0x17;
	v6 =	vmul.u32 $0x300, v6;
	v7 =	vtrunc.f32 v7  }
0x3e3: {  	v3 =	vshll.u32 v3, $0x5;
	v9 =	vmul.f32 v9, v54;
	v5 =	vmul.f32 $5.000000070e-02, v5  }
0x3e4: {  	v2 =	vadd.s32 v50, v2;
	v7 =	vcvt.f32.s32 v7;
	v3 =	vadd.s32 v3, v4  }
0x3e5: {  	v3 =	vadd.s32 v6, v3;
	v6 =	vld [tilespmem:$0x1E3E8];
	v9 =	vtrunc.f32 v9;
	v5 =	vtrunc.f32 v5  }
0x3e6: {  	vm8 =	vgt.s32 v7, $0x0;
	v9 =	vcvt.f32.s32 v9;
	v4 =	vcvt.f32.s32 v5  }
0x3e7: {  	v5 =	vtrunc.f32 v8;
	v7 =	vnsel vm8, $0x0, v7;
	v8 =	vmul.f32 $5.000000070e-02, v57  }
0x3e8: {  	v5 =	vcvt.f32.s32 v5;
	v7 =	vmin.u32 v7, $0x1F;
	vm14 =	vgt.s32 v9, $0x0  }
0x3e9: {  	vm9 =	vgt.s32 v4, $0x0;
	v8 =	vtrunc.f32 v8;
	v60 =	vnsel vm14, $0x0, v9  }
0x3ea: {  	v4 =	vnsel vm9, $0x0, v4;
	vm10 =	vgt.s32 v5, $0x0;
	vm11 =	vgt.f32 v6, $0.0e+00  }
0x3eb: {  	v6 =	vtrunc.f32 v10;
	v8 =	vcvt.f32.s32 v8;
	v5 =	vnsel vm10, $0x0, v5  }
0x3ec: {  	v4 =	vmin.u32 v4, $0x17;
	v58 =	vsel vm11, $0x0, v55;
	v6 =	vcvt.f32.s32 v6  }
0x3ed: {  	v5 =	vmin.u32 v5, $0x4;
	v4 =	vshll.u32 v4, $0x5;
	v7 =	vor.u32 v58, v7  }
0x3ee: {  	vm13 =	vgt.s32 v8, $0x0;
	v5 =	vmul.u32 $0x300, v5;
	vm12 =	vgt.s32 v6, $0x0  }
0x3ef: {  	v4 =	vadd.s32 v4, v7;
	v7 =	vnsel vm13, $0x0, v8;
	v6 =	vnsel vm12, $0x0, v6  }
0x3f0: {  	v8 =	vmin.u32 v60, $0x4;
	v7 =	vmin.u32 v7, $0x17;
	v6 =	vmin.u32 v6, $0x1F  }
0x3f1: {  	[tilespmem:v32+s4+$0x0] =	vst.idx.add.f32.msk $0xffff, v29;
	v8 =	vmul.u32 $0x300, v8;
	v7 =	vshll.u32 v7, $0x5;
	v6 =	vor.u32 v61, v6  }
0x3f2: {  	v3 =	vadd.s32 v51, v3;
	v4 =	vadd.s32 v5, v4;
	v5 =	vadd.s32 v7, v6  }
0x3f3: {  	[tilespmem:v35+s4+$0x0] =	vst.idx.add.f32.msk $0xffff, v29;
	v4 =	vadd.s32 v52, v4;
	v5 =	vadd.s32 v8, v5  }
0x3f4: {  	[tilespmem:v0+s4+$0x0] =	vst.idx.add.f32.msk $0xffff, v29;
	v5 =	vadd.s32 v53, v5  }
.Ltmp3:
0x3f5: {  	[tilespmem:v1+s4+$0x0] =	vst.idx.add.f32.msk $0xffff, v29;
	(pc) =	sbr.rel @p0 .LBB2_10-.Ltmp3, $4  }
0x3f6: {  	[tilespmem:v2+s4+$0x0] =	vst.idx.add.f32.msk $0xffff, v29  }
0x3f7: {  	[tilespmem:v3+s4+$0x0] =	vst.idx.add.f32.msk $0xffff, v29  }
0x3f8: {  	[tilespmem:v4+s4+$0x0] =	vst.idx.add.f32.msk $0xffff, v29  }
0x3f9: {  	v4 =	vimm.f32 $1.000000000e+00;
	[tilespmem:v5+s4+$0x0] =	vst.idx.add.f32.msk $0xffff, v29  }
0x3fa: {  	s22 =	smul.u32 $0x7A, s21;
	_ =	sdelay $0x1  }
.Ltmp4:
0x3fb: {  	s22 =	sadd.s32 s22, s9;
	(pc) =	sbr.rel .LBB2_4-.Ltmp4, $4  }
0x3fc: {  	s22 =	sshll.u32 s22, $0x6  }
0x3fd: {  	s22 =	sand.u32 $0x1FFFFFC0, s22  }
0x3fe: {  	s21 =	sadd.s32 $0x1, s21;
	s22 =	sadd.s32 s1, s22  }
0x3ff: {  	[tilespmem:s14], [sflag:$0x2] =	stream.linear.gather [hbm4b:s22+s4], $0x7A00, $0x38;
	[tilespmem:$0x1E808] =	vst v63  }
.LBB2_10:
0x400: {  	s21 =	simm.s32 $0x0  }
0x401: {  	[tilespmem:s13], [sflag:$0x3] =	stream.linear.gather [hbm4b:s10+s21], $0x200, $0x38;
	[tilespmem:$0x1E808] =	vst v63  }
0x402: {  	_ =	swait.ge [sflag:s16], $0x200  }
0x403: {  	[sflag:s16] =	ssyncset.done $0x0  }
0x404: {  	[sflag:s16] =	ssyncadd.s32 $0xFFFFFE00  }
0x405: {  	v0 =	vld [tilespmem:$0xF008]  }
0x406: {  	v1 =	vld [tilespmem:$0xF108]  }
0x407: {  	v2 =	vld [tilespmem:$0xF088];
	_ =	sdelay $0x3  }
0x408: {  	v3 =	vld [tilespmem:$0xF188];
	v1 =	vsub.f32 v1, v56  }
0x409: {  	v0 =	vmul.f32 $5.000000070e-02, v0;
	v2 =	vmul.f32 $5.000000070e-02, v2  }
0x40a: {  	v1 =	vmul.f32 v1, v54  }
0x40b: {  	v0 =	vtrunc.f32 v0;
	v2 =	vtrunc.f32 v2  }
0x40c: {  	v0 =	vcvt.f32.s32 v0;
	v1 =	vtrunc.f32 v1  }
0x40d: {  	vm11 =	vgt.f32 v3, $0.0e+00;
	v2 =	vcvt.f32.s32 v2;
	v1 =	vcvt.f32.s32 v1  }
0x40e: {  	v3 =	vsel vm11, $0x0, v55  }
0x40f: {  	v41 =	vld [tilespmem:$0x1FF70];
	vm0 =	vgt.s32 v0, $0x0;
	vm10 =	vgt.s32 v2, $0x0;
	vm1 =	vgt.s32 v1, $0x0  }
0x410: {  	v0 =	vnsel vm0, $0x0, v0;
	v2 =	vnsel vm10, $0x0, v2;
	v1 =	vnsel vm1, $0x0, v1  }
0x411: {  	v0 =	vmin.u32 v0, $0x1F;
	v2 =	vmin.u32 v2, $0x17;
	v1 =	vmin.u32 v1, $0x4  }
0x412: {  	v2 =	vshll.u32 v2, $0x5;
	v0 =	vor.u32 v3, v0;
	v1 =	vmul.u32 $0x300, v1  }
0x413: {  	v0 =	vadd.s32 v2, v0  }
0x414: {  	vm2 =	vnez.u8 v41;
	v0 =	vadd.s32 v1, v0  }
0x415: {  	v0 =	vadd.s32 v62, v0;
	_ =	sdelay $0x4  }
0x416: {  	[tilespmem:v0+s21+$0x0] =	vst.idx.add.f32.msk vm2, v4  }
0x417: {  	v0 =	vld [tilespmem:$0xF018]  }
0x418: {  	v42 =	vld [tilespmem:$0xF118]  }
0x419: {  	v43 =	vld [tilespmem:$0xF098];
	_ =	sdelay $0x3  }
0x41a: {  	v3 =	vld [tilespmem:$0xF198];
	v1 =	vsub.f32 v42, v56  }
0x41b: {  	v0 =	vmul.f32 $5.000000070e-02, v0;
	v2 =	vmul.f32 $5.000000070e-02, v43  }
0x41c: {  	v1 =	vmul.f32 v1, v54  }
0x41d: {  	v0 =	vtrunc.f32 v0;
	v2 =	vtrunc.f32 v2  }
0x41e: {  	v0 =	vcvt.f32.s32 v0;
	v1 =	vtrunc.f32 v1  }
0x41f: {  	vm15 =	vgt.f32 v3, $0.0e+00;
	v2 =	vcvt.f32.s32 v2;
	v1 =	vcvt.f32.s32 v1  }
0x420: {  	v3 =	vsel vm15, $0x0, v55  }
0x421: {  	vm12 =	vgt.s32 v0, $0x0;
	vm13 =	vgt.s32 v2, $0x0;
	vm14 =	vgt.s32 v1, $0x0  }
0x422: {  	v0 =	vnsel vm12, $0x0, v0;
	v2 =	vnsel vm13, $0x0, v2;
	v1 =	vnsel vm14, $0x0, v1  }
0x423: {  	v0 =	vmin.u32 v0, $0x1F;
	v2 =	vmin.u32 v2, $0x17;
	v1 =	vmin.u32 v1, $0x4  }
0x424: {  	v2 =	vshll.u32 v2, $0x5;
	v0 =	vor.u32 v3, v0;
	v1 =	vmul.u32 $0x300, v1  }
0x425: {  	v0 =	vadd.s32 v2, v0  }
0x426: {  	v0 =	vadd.s32 v1, v0  }
0x427: {  	v0 =	vadd.s32 v63, v0;
	_ =	sdelay $0x4  }
0x428: {  	[tilespmem:v0+s21+$0x0] =	vst.idx.add.f32.msk vm2, v4  }
0x429: {  	v0 =	vld [tilespmem:$0xF028]  }
0x42a: {  	v44 =	vld [tilespmem:$0xF128]  }
0x42b: {  	v45 =	vld [tilespmem:$0xF0A8];
	_ =	sdelay $0x3  }
0x42c: {  	v3 =	vld [tilespmem:$0xF1A8];
	v1 =	vsub.f32 v44, v56  }
0x42d: {  	v0 =	vmul.f32 $5.000000070e-02, v0;
	v2 =	vmul.f32 $5.000000070e-02, v45  }
0x42e: {  	v1 =	vmul.f32 v1, v54  }
0x42f: {  	v0 =	vtrunc.f32 v0;
	v2 =	vtrunc.f32 v2  }
0x430: {  	v0 =	vcvt.f32.s32 v0;
	v1 =	vtrunc.f32 v1  }
0x431: {  	vm7 =	vgt.f32 v3, $0.0e+00;
	v2 =	vcvt.f32.s32 v2;
	v1 =	vcvt.f32.s32 v1  }
0x432: {  	v3 =	vsel vm7, $0x0, v55  }
0x433: {  	vm4 =	vgt.s32 v0, $0x0;
	vm5 =	vgt.s32 v2, $0x0;
	vm6 =	vgt.s32 v1, $0x0  }
0x434: {  	v0 =	vnsel vm4, $0x0, v0;
	v2 =	vnsel vm5, $0x0, v2;
	v1 =	vnsel vm6, $0x0, v1  }
0x435: {  	v0 =	vmin.u32 v0, $0x1F;
	v2 =	vmin.u32 v2, $0x17;
	v1 =	vmin.u32 v1, $0x4  }
0x436: {  	v2 =	vshll.u32 v2, $0x5;
	v0 =	vor.u32 v3, v0;
	v1 =	vmul.u32 $0x300, v1  }
0x437: {  	v0 =	vadd.s32 v2, v0  }
0x438: {  	v0 =	vadd.s32 v1, v0  }
0x439: {  	v0 =	vadd.s32 v47, v0;
	_ =	sdelay $0x4  }
0x43a: {  	[tilespmem:v0+s21+$0x0] =	vst.idx.add.f32.msk vm2, v4  }
0x43b: {  	v0 =	vld [tilespmem:$0xF038]  }
0x43c: {  	v46 =	vld [tilespmem:$0xF138]  }
0x43d: {  	v47 =	vld [tilespmem:$0xF0B8];
	_ =	sdelay $0x3  }
0x43e: {  	v3 =	vld [tilespmem:$0xF1B8];
	v1 =	vsub.f32 v46, v56  }
0x43f: {  	v0 =	vmul.f32 $5.000000070e-02, v0;
	v2 =	vmul.f32 $5.000000070e-02, v47  }
0x440: {  	v1 =	vmul.f32 v1, v54  }
0x441: {  	v0 =	vtrunc.f32 v0;
	v2 =	vtrunc.f32 v2  }
0x442: {  	v0 =	vcvt.f32.s32 v0;
	v1 =	vtrunc.f32 v1  }
0x443: {  	vm11 =	vgt.f32 v3, $0.0e+00;
	v2 =	vcvt.f32.s32 v2;
	v1 =	vcvt.f32.s32 v1  }
0x444: {  	v3 =	vsel vm11, $0x0, v55  }
0x445: {  	vm8 =	vgt.s32 v0, $0x0;
	vm9 =	vgt.s32 v2, $0x0;
	vm10 =	vgt.s32 v1, $0x0  }
0x446: {  	v0 =	vnsel vm8, $0x0, v0;
	v2 =	vnsel vm9, $0x0, v2;
	v1 =	vnsel vm10, $0x0, v1  }
0x447: {  	v0 =	vmin.u32 v0, $0x1F;
	v2 =	vmin.u32 v2, $0x17;
	v1 =	vmin.u32 v1, $0x4  }
0x448: {  	v2 =	vshll.u32 v2, $0x5;
	v0 =	vor.u32 v3, v0;
	v1 =	vmul.u32 $0x300, v1  }
0x449: {  	v0 =	vadd.s32 v2, v0  }
0x44a: {  	v0 =	vadd.s32 v1, v0  }
0x44b: {  	v0 =	vadd.s32 v48, v0;
	_ =	sdelay $0x4  }
0x44c: {  	[tilespmem:v0+s21+$0x0] =	vst.idx.add.f32.msk vm2, v4  }
0x44d: {  	v0 =	vld [tilespmem:$0xF048]  }
0x44e: {  	v49 =	vld [tilespmem:$0xF148]  }
0x44f: {  	v57 =	vld [tilespmem:$0xF0C8];
	_ =	sdelay $0x3  }
0x450: {  	v3 =	vld [tilespmem:$0xF1C8];
	v1 =	vsub.f32 v49, v56  }
0x451: {  	v0 =	vmul.f32 $5.000000070e-02, v0;
	v2 =	vmul.f32 $5.000000070e-02, v57  }
0x452: {  	v1 =	vmul.f32 v1, v54  }
0x453: {  	v0 =	vtrunc.f32 v0;
	v2 =	vtrunc.f32 v2  }
0x454: {  	v0 =	vcvt.f32.s32 v0;
	v1 =	vtrunc.f32 v1  }
0x455: {  	vm15 =	vgt.f32 v3, $0.0e+00;
	v2 =	vcvt.f32.s32 v2;
	v1 =	vcvt.f32.s32 v1  }
0x456: {  	v3 =	vsel vm15, $0x0, v55  }
0x457: {  	vm12 =	vgt.s32 v0, $0x0;
	vm13 =	vgt.s32 v2, $0x0;
	vm14 =	vgt.s32 v1, $0x0  }
0x458: {  	v0 =	vnsel vm12, $0x0, v0;
	v2 =	vnsel vm13, $0x0, v2;
	v1 =	vnsel vm14, $0x0, v1  }
0x459: {  	v0 =	vmin.u32 v0, $0x1F;
	v2 =	vmin.u32 v2, $0x17;
	v1 =	vmin.u32 v1, $0x4  }
0x45a: {  	v2 =	vshll.u32 v2, $0x5;
	v0 =	vor.u32 v3, v0;
	v1 =	vmul.u32 $0x300, v1  }
0x45b: {  	v0 =	vadd.s32 v2, v0  }
0x45c: {  	v0 =	vadd.s32 v1, v0  }
0x45d: {  	v0 =	vadd.s32 v50, v0;
	_ =	sdelay $0x4  }
0x45e: {  	[tilespmem:v0+s21+$0x0] =	vst.idx.add.f32.msk vm2, v4  }
0x45f: {  	v0 =	vld [tilespmem:$0xF058]  }
0x460: {  	v58 =	vld [tilespmem:$0xF158]  }
0x461: {  	v59 =	vld [tilespmem:$0xF0D8];
	_ =	sdelay $0x3  }
0x462: {  	v3 =	vld [tilespmem:$0xF1D8];
	v1 =	vsub.f32 v58, v56  }
0x463: {  	v0 =	vmul.f32 $5.000000070e-02, v0;
	v2 =	vmul.f32 $5.000000070e-02, v59  }
0x464: {  	v1 =	vmul.f32 v1, v54  }
0x465: {  	v0 =	vtrunc.f32 v0;
	v2 =	vtrunc.f32 v2  }
0x466: {  	v0 =	vcvt.f32.s32 v0;
	v1 =	vtrunc.f32 v1  }
0x467: {  	vm7 =	vgt.f32 v3, $0.0e+00;
	v2 =	vcvt.f32.s32 v2;
	v1 =	vcvt.f32.s32 v1  }
0x468: {  	v3 =	vsel vm7, $0x0, v55  }
0x469: {  	vm4 =	vgt.s32 v0, $0x0;
	vm5 =	vgt.s32 v2, $0x0;
	vm6 =	vgt.s32 v1, $0x0  }
0x46a: {  	v0 =	vnsel vm4, $0x0, v0;
	v2 =	vnsel vm5, $0x0, v2;
	v1 =	vnsel vm6, $0x0, v1  }
0x46b: {  	v0 =	vmin.u32 v0, $0x1F;
	v2 =	vmin.u32 v2, $0x17;
	v1 =	vmin.u32 v1, $0x4  }
0x46c: {  	v2 =	vshll.u32 v2, $0x5;
	v0 =	vor.u32 v3, v0;
	v1 =	vmul.u32 $0x300, v1  }
0x46d: {  	v0 =	vadd.s32 v2, v0  }
0x46e: {  	v0 =	vadd.s32 v1, v0  }
0x46f: {  	v0 =	vadd.s32 v51, v0;
	_ =	sdelay $0x4  }
0x470: {  	[tilespmem:v0+s21+$0x0] =	vst.idx.add.f32.msk vm2, v4  }
0x471: {  	v0 =	vld [tilespmem:$0xF068]  }
0x472: {  	v60 =	vld [tilespmem:$0xF168]  }
0x473: {  	v61 =	vld [tilespmem:$0xF0E8];
	_ =	sdelay $0x3  }
0x474: {  	v3 =	vld [tilespmem:$0xF1E8];
	v1 =	vsub.f32 v60, v56  }
0x475: {  	v0 =	vmul.f32 $5.000000070e-02, v0;
	v2 =	vmul.f32 $5.000000070e-02, v61  }
0x476: {  	v1 =	vmul.f32 v1, v54  }
0x477: {  	v0 =	vtrunc.f32 v0;
	v2 =	vtrunc.f32 v2  }
0x478: {  	v0 =	vcvt.f32.s32 v0;
	v1 =	vtrunc.f32 v1  }
0x479: {  	vm11 =	vgt.f32 v3, $0.0e+00;
	v2 =	vcvt.f32.s32 v2;
	v1 =	vcvt.f32.s32 v1  }
0x47a: {  	v3 =	vsel vm11, $0x0, v55  }
0x47b: {  	vm8 =	vgt.s32 v0, $0x0;
	vm9 =	vgt.s32 v2, $0x0;
	vm10 =	vgt.s32 v1, $0x0  }
0x47c: {  	v0 =	vnsel vm8, $0x0, v0;
	v2 =	vnsel vm9, $0x0, v2;
	v1 =	vnsel vm10, $0x0, v1  }
0x47d: {  	v0 =	vmin.u32 v0, $0x1F;
	v2 =	vmin.u32 v2, $0x17;
	v1 =	vmin.u32 v1, $0x4  }
0x47e: {  	v2 =	vshll.u32 v2, $0x5;
	v0 =	vor.u32 v3, v0;
	v1 =	vmul.u32 $0x300, v1  }
0x47f: {  	v0 =	vadd.s32 v2, v0  }
0x480: {  	v0 =	vadd.s32 v1, v0  }
0x481: {  	v0 =	vadd.s32 v52, v0;
	_ =	sdelay $0x4  }
0x482: {  	[tilespmem:v0+s21+$0x0] =	vst.idx.add.f32.msk vm2, v4  }
0x483: {  	v0 =	vld [tilespmem:$0xF078]  }
0x484: {  	v62 =	vld [tilespmem:$0xF178]  }
0x485: {  	v63 =	vld [tilespmem:$0xF0F8];
	_ =	sdelay $0x3  }
0x486: {  	v3 =	vld [tilespmem:$0xF1F8];
	v1 =	vsub.f32 v62, v56  }
0x487: {  	v0 =	vmul.f32 $5.000000070e-02, v0;
	v2 =	vmul.f32 $5.000000070e-02, v63  }
0x488: {  	v1 =	vmul.f32 v1, v54  }
0x489: {  	v0 =	vtrunc.f32 v0;
	v2 =	vtrunc.f32 v2  }
0x48a: {  	v0 =	vcvt.f32.s32 v0;
	v1 =	vtrunc.f32 v1  }
0x48b: {  	vm15 =	vgt.f32 v3, $0.0e+00;
	v2 =	vcvt.f32.s32 v2;
	v1 =	vcvt.f32.s32 v1  }
0x48c: {  	v3 =	vsel vm15, $0x0, v55  }
0x48d: {  	vm12 =	vgt.s32 v0, $0x0;
	vm13 =	vgt.s32 v2, $0x0;
	vm14 =	vgt.s32 v1, $0x0  }
0x48e: {  	v0 =	vnsel vm12, $0x0, v0;
	v2 =	vnsel vm13, $0x0, v2;
	v1 =	vnsel vm14, $0x0, v1  }
0x48f: {  	v0 =	vmin.u32 v0, $0x1F;
	v2 =	vmin.u32 v2, $0x17;
	v1 =	vmin.u32 v1, $0x4  }
0x490: {  	v2 =	vshll.u32 v2, $0x5;
	v0 =	vor.u32 v3, v0;
	v1 =	vmul.u32 $0x300, v1  }
0x491: {  	v0 =	vadd.s32 v2, v0  }
0x492: {  	v0 =	vadd.s32 v1, v0  }
0x493: {  	v0 =	vadd.s32 v53, v0;
	_ =	sdelay $0x4  }
0x494: {  	[tilespmem:v0+s21+$0x0] =	vst.idx.add.f32.msk vm2, v4;
	s21 =	simm.s32 $0x0  }
0x495: {  	s22 =	simm.s32 $0x40;
	v11 =	vld [tilespmem:s21+$0x1E01]  }
.LBB2_11:
0x496: {  	p0 =	sne.s32 s22, $0x77C0;
	v0 =	vld [tilespmem:s21+$0x0];
	_ =	sdelay $0x1  }
0x497: {  	v1 =	vld [tilespmem:s21+$0x3C02];
	_ =	sdelay $0x1  }
0x498: {  	v2 =	vld [tilespmem:s21+$0x5A03]  }
0x499: {  	v0 =	vadd.f32 v11, v0  }
0x49a: {  	v3 =	vld [tilespmem:s21+$0x7804]  }
0x49b: {  	v0 =	vadd.f32 v1, v0  }
0x49c: {  	v1 =	vld [tilespmem:s21+$0x9605]  }
0x49d: {  	v0 =	vadd.f32 v2, v0  }
0x49e: {  	v2 =	vld [tilespmem:s21+$0xB406]  }
0x49f: {  	v0 =	vadd.f32 v3, v0  }
0x4a0: {  	v3 =	vld [tilespmem:s21+$0xD207]  }
0x4a1: {  	v0 =	vadd.f32 v1, v0;
	_ =	sdelay $0x1  }
.Ltmp5:
0x4a2: {  	v0 =	vadd.f32 v2, v0;
	(pc) =	sbr.rel @p0 .LBB2_11-.Ltmp5, $4  }
0x4a3: {  	_ = 	snop  }
0x4a4: {  	v0 =	vadd.f32 v3, v0  }
0x4a5: {  	s23 =	sshra.s32 s22, $0x2  }
0x4a6: {  	s22 =	sadd.s32 $0x40, s22;
	v11 =	vld [tilespmem:s23+$0x1E01];
	[tilespmem:s21+$0x0] =	vst v0;
	s21 =	smov.u32 s23  }
0x4a7: {  	v0 =	vld [tilespmem:s21+$0x0];
	_ =	sdelay $0x1  }
0x4a8: {  	v1 =	vld [tilespmem:s21+$0x3C02];
	_ =	sdelay $0x1  }
0x4a9: {  	v2 =	vld [tilespmem:s21+$0x5A03]  }
0x4aa: {  	v0 =	vadd.f32 v11, v0  }
0x4ab: {  	v3 =	vld [tilespmem:s21+$0x7804]  }
0x4ac: {  	v0 =	vadd.f32 v1, v0  }
0x4ad: {  	v1 =	vld [tilespmem:s21+$0x9605]  }
0x4ae: {  	v0 =	vadd.f32 v2, v0  }
0x4af: {  	v2 =	vld [tilespmem:s21+$0xB406]  }
0x4b0: {  	v0 =	vadd.f32 v3, v0  }
0x4b1: {  	v3 =	vld [tilespmem:s21+$0xD207]  }
0x4b2: {  	v0 =	vadd.f32 v1, v0;
	_ =	sdelay $0x1  }
0x4b3: {  	v0 =	vadd.f32 v2, v0;
	_ =	sdelay $0x1  }
0x4b4: {  	s20 =	sadd.s32 $0x1, s20;
	v0 =	vadd.f32 v3, v0  }
0x4b5: {  	p0 =	sne.s32 s20, s12  }
.Ltmp6:
0x4b6: {  	[tilespmem:s21+$0x0] =	vst v0;
	(pc) =	sbr.rel @p0 .LBB2_1-.Ltmp6, $4  }
0x4b7: {  	[hbm4b:s11+s4] =	stream.linear.scatter [tilespmem:s4], [sflag:$0x3], $0x1E00, $0x38;
	[tilespmem:$0x1E808] =	vst v63  }
0x4b8: {  	_ =	swait.ge [sflag:s16], $0x1E00  }
0x4b9: {  	[sflag:s16] =	ssyncset.done $0x0  }
0x4ba: {  	v0 =	vimm.f32 $0.0e+00;
	[sflag:s16] =	ssyncadd.s32 $0xFFFFE200  }
0x4bb: {  	_ =	sfence.sel $0x180000  }
0x4bc: {  	[bflag:$0x0] =	sbarrier.arrive $0xFFFF  }
0x4bd: {  	p0 =	sne.s32 s0, $0x0;
	_ =	strace $0x9000004A  }
0x4be: {  	s0 =	sadd.s32 @!p0 $0x100000, s3;
	[bflag:$0x2] =	sbarrier.arrive $0xFFFF  }
0x4bf: {  	[sflag:s0] =	ssyncadd.tile.s32 @!p0 $0x1;
	_ =	shalt  }
.Lfunc_end2:
_tile_overlayer_lowered:
.L_overlay_start_2:
0x4c0: {  	(tag) =	ssettag $0x2  }
0x4c1: {  	s0 =	rddreg [dreg:$0x0];
	s2 =	stileid.u32  }
0x4c2: {  	s1 =	rddreg [dreg:$0x1];
	p0 =	sne.s32 s2, $0x0  }
0x4c3: {  	s3 =	rddreg [dreg:$0x2];
	[bflag:$0x3] =	sbarrier.arrive $0xFFFF;
	s2 =	simm.s32 @!p0 $0x1C03  }
0x4c4: {  	[timem:s3], [sflag:s2] =	dma.local @!p0 [hbm:s0], s1  }
0x4c5: {  	s0 =	simm.s32 @!p0 $0x3  }
0x4c6: {  	_ =	swait.ge @!p0 [sflag:s0], s1  }
0x4c7: {  	s1 =	ssub.s32 @!p0 $0x0, s1;
	[sflag:s0] =	ssyncset.done @!p0 $0x0  }
0x4c8: {  	[sflag:s0] =	ssyncadd.s32 @!p0 s1  }
0x4c9: {  	[bflag:$0x3] =	sbarrier.arrive $0xFFFF  }
0x4ca: {  	_ =	shalt  }

</sc_bundles>
